<compile_context>
chip_gen: v7x
topology: tpu7x:2x2x1
jax: 0.10.2.dev20260603
libtpu: 0.0.44.dev20260713+nightly
codegen_flags: <defaults>
</compile_context>

<pallas_src>
import functools

import jax
import jax.numpy as jnp
from jax import lax
from jax.experimental import pallas as pl
from jax.experimental.pallas import tpu as pltpu
from jax.experimental.pallas import tpu_sc as plsc

B = 16
FD = 24
N = FD * FD * FD
TOPK = 60
KPAD = 64
NMS_TOPK = 20
THRESHOLD = 0.15
NMS_TH = 0.05
STRIDE = 4.0
REG = 36
NCH = 3 * REG
SCHUNKS = NCH * KPAD // 128
SPAD = 64
ROWS0 = 32
ROWS1 = SCHUNKS - ROWS0


def _topk_tc(cls_ref, sv_ref, si_ref, gs_ref, go_ref):
    x = cls_ref[...]
    s = jax.nn.sigmoid(x)
    lane_n = lax.broadcasted_iota(jnp.int32, (B, N), 1)
    vals, idxs = [], []
    for _ in range(TOPK):
        m = jnp.max(s, axis=1, keepdims=True)
        i = jnp.min(jnp.where(s == m, lane_n, jnp.int32(N)),
                    axis=1, keepdims=True)
        vals.append(m)
        idxs.append(i)
        s = jnp.where(lane_n == i, -jnp.inf, s)
    sv = jnp.concatenate(vals + [jnp.zeros((B, KPAD - TOPK), jnp.float32)], axis=1)
    si = jnp.concatenate(idxs + [jnp.zeros((B, KPAD - TOPK), jnp.int32)], axis=1)
    sv_ref[...] = sv
    si_ref[...] = si

    n2 = jnp.concatenate([si, si], axis=1)
    n3 = jnp.broadcast_to(n2[:, None, :], (B, SPAD, 128))
    b3 = lax.broadcasted_iota(jnp.int32, (B, SPAD, 128), 0)
    j3 = lax.broadcasted_iota(jnp.int32, (B, SPAD, 128), 1)
    t3 = lax.broadcasted_iota(jnp.int32, (B, SPAD, 128), 2)
    c3 = j3 * 2 + (t3 >= KPAD).astype(jnp.int32)
    gs_ref[...] = jnp.where(c3 < NCH, (b3 * NCH + c3) * N + n3, 0)

    no = jnp.broadcast_to(n2[:, None, :], (B, 8, 128))
    bo = lax.broadcasted_iota(jnp.int32, (B, 8, 128), 0)
    jo = lax.broadcasted_iota(jnp.int32, (B, 8, 128), 1)
    to = lax.broadcasted_iota(jnp.int32, (B, 8, 128), 2)
    co = jo * 2 + (to >= KPAD).astype(jnp.int32)
    go_ref[...] = jnp.where(co < 3, (bo * 3 + jnp.minimum(co, 2)) * N + no, 0)


@functools.cache
def _make_gather_sc():
    @functools.partial(
        pl.kernel,
        mesh=plsc.VectorSubcoreMesh(core_axis_name="c", subcore_axis_name="s"),
        out_type=[jax.ShapeDtypeStruct((B, NCH * KPAD), jnp.float32),
                  jax.ShapeDtypeStruct((B, 256), jnp.float32)],
        scratch_types=[pltpu.VMEM((ROWS0, 128), jnp.int32),
                       pltpu.VMEM((8, 128), jnp.int32),
                       pltpu.VMEM((ROWS0 * 128,), jnp.float32),
                       pltpu.VMEM((256,), jnp.float32),
                       pltpu.SemaphoreType.DMA],
    )
    def gather_sc(gs_hbm, go_hbm, shp_hbm, off_hbm, dist_out, offs_out,
                  idx_v, idxo_v, buf_v, bufo_v, sem):
        wid = lax.axis_index("s") * 2 + lax.axis_index("c")
        b = wid // 2
        h = wid % 2
        pltpu.sync_copy(gs_hbm.at[b, pl.ds(h * ROWS0, ROWS0), :], idx_v)

        @pl.when(h == 0)
        def _():
            cps = [pltpu.async_copy(shp_hbm.at[idx_v.at[j]],
                                    buf_v.at[pl.ds(j * 128, 128)], sem)
                   for j in range(ROWS0)]
            for cp in cps:
                cp.wait()
            pltpu.sync_copy(buf_v, dist_out.at[b, pl.ds(0, ROWS0 * 128)])

        @pl.when(h == 1)
        def _():
            cps = [pltpu.async_copy(shp_hbm.at[idx_v.at[j]],
                                    buf_v.at[pl.ds(j * 128, 128)], sem)
                   for j in range(ROWS1)]
            for cp in cps:
                cp.wait()
            pltpu.sync_copy(buf_v.at[pl.ds(0, ROWS1 * 128)],
                            dist_out.at[b, pl.ds(ROWS0 * 128, ROWS1 * 128)])
            pltpu.sync_copy(go_hbm.at[b], idxo_v)
            c0 = pltpu.async_copy(off_hbm.at[idxo_v.at[0]],
                                  bufo_v.at[pl.ds(0, 128)], sem)
            c1 = pltpu.async_copy(off_hbm.at[idxo_v.at[1]],
                                  bufo_v.at[pl.ds(128, 128)], sem)
            c0.wait()
            c1.wait()
            pltpu.sync_copy(bufo_v, offs_out.at[b])

    return gather_sc


def _gather_sc(gs, go, shp_flat, off_flat):
    return _make_gather_sc()(gs, go, shp_flat, off_flat)


def _post_tc(sv_ref, si_ref, dist_ref, offs_ref, out_ref):
    out_ref[...] = jnp.full((B, TOPK, 8), -1.0, jnp.float32)
    dist = dist_ref[...]
    wreg = lax.broadcasted_iota(jnp.int32, (B, REG, KPAD), 1).astype(jnp.float32)
    shp = []
    for a in range(3):
        v = dist[:, a * REG:(a + 1) * REG, :]
        m = jnp.max(v, axis=1, keepdims=True)
        e = jnp.exp(v - m)
        shp.append(jnp.sum(e * wreg, axis=1) / jnp.sum(e, axis=1))

    n = si_ref[...]
    zf = (n // (FD * FD)).astype(jnp.float32)
    yf = ((n // FD) % FD).astype(jnp.float32)
    xf = (n % FD).astype(jnp.float32)
    offs = offs_ref[...]
    cz = (zf + offs[:, 0, :]) * STRIDE
    cy = (yf + offs[:, 1, :]) * STRIDE
    cx = (xf + offs[:, 2, :]) * STRIDE
    dz = shp[0] * STRIDE
    dy = shp[1] * STRIDE
    dx = shp[2] * STRIDE

    lane = lax.broadcasted_iota(jnp.int32, (B, KPAD), 1)
    sval = sv_ref[...]
    s = jnp.where((lane < TOPK) & (sval > THRESHOLD), sval, -jnp.inf)

    loz, hiz = cz - dz * 0.5, cz + dz * 0.5
    loy, hiy = cy - dy * 0.5, cy + dy * 0.5
    lox, hix = cx - dx * 0.5, cx + dx * 0.5
    vol = dz * dy * dx

    def sel(a, one):
        return jnp.sum(jnp.where(one, a, 0.0), axis=1, keepdims=True)

    for k in range(NMS_TOPK):
        m = jnp.max(s, axis=1, keepdims=True)
        ok = m > -jnp.inf
        i = jnp.min(jnp.where(s == m, lane, jnp.int32(KPAD)),
                    axis=1, keepdims=True)
        one = lane == i
        bz, by, bx = sel(cz, one), sel(cy, one), sel(cx, one)
        bd, bh, bw = sel(dz, one), sel(dy, one), sel(dx, one)
        iz = jnp.maximum(jnp.minimum(hiz, bz + bd * 0.5)
                         - jnp.maximum(loz, bz - bd * 0.5), 0.0)
        iy = jnp.maximum(jnp.minimum(hiy, by + bh * 0.5)
                         - jnp.maximum(loy, by - bh * 0.5), 0.0)
        ix = jnp.maximum(jnp.minimum(hix, bx + bw * 0.5)
                         - jnp.maximum(lox, bx - bw * 0.5), 0.0)
        inter = iz * iy * ix
        iou = inter / (bd * bh * bw + vol - inter + 1e-8)
        s = jnp.where(ok & ((iou > NMS_TH) | one), -jnp.inf, s)
        neg = jnp.full_like(m, -1.0)
        row = jnp.concatenate(
            [jnp.where(ok, 1.0, neg), jnp.where(ok, m, neg),
             jnp.where(ok, bz, neg), jnp.where(ok, by, neg),
             jnp.where(ok, bx, neg), jnp.where(ok, bd, neg),
             jnp.where(ok, bh, neg), jnp.where(ok, bw, neg)], axis=1)
        out_ref[:, k, :] = row


def kernel(Cls, Shape, Offset):
    cls2 = Cls.reshape(B, N)
    sv, si, gs, go = pl.pallas_call(
        _topk_tc,
        out_shape=[jax.ShapeDtypeStruct((B, KPAD), jnp.float32),
                   jax.ShapeDtypeStruct((B, KPAD), jnp.int32),
                   jax.ShapeDtypeStruct((B, SPAD, 128), jnp.int32),
                   jax.ShapeDtypeStruct((B, 8, 128), jnp.int32)],
    )(cls2)
    dist_flat, offs_flat = _gather_sc(gs, go, Shape.reshape(-1), Offset.reshape(-1))
    return pl.pallas_call(
        _post_tc,
        out_shape=jax.ShapeDtypeStruct((B, TOPK, 8), jnp.float32),
    )(sv, si, dist_flat.reshape(B, NCH, KPAD), offs_flat.reshape(B, 4, KPAD))

# --- scband reference (transcript-rebuilt; emitter-appended) ---
"""Pipeline reference for scband-detection-postprocess-6700148982189 (READ-ONLY COPY).

The authoritative reference and input builder live on the scoring server;
editing this copy changes nothing except your own understanding.
"""

import jax, jax.numpy as jnp
import numpy as np

TOPK = 60
THRESHOLD = 0.15
NMS_TH = 0.05
NMS_TOPK = 20
CROP = [96, 96, 96]
MAX_REG = 35


def make_anchors(feat_shape, crop_size, offset=0.0):
    _, _, d, h, w = feat_shape
    sz = jnp.arange(d, dtype=jnp.float32) + offset
    sy = jnp.arange(h, dtype=jnp.float32) + offset
    sx = jnp.arange(w, dtype=jnp.float32) + offset
    zz, yy, xx = jnp.meshgrid(sz, sy, sx, indexing='ij')
    anchor_points = jnp.stack([zz, yy, xx], axis=-1).reshape(-1, 3)
    stride = float(crop_size[0]) / d
    stride_tensor = jnp.full((d * h * w, 1), stride, dtype=jnp.float32)
    return anchor_points, stride_tensor


def project(dist):
    b, n, c = dist.shape
    reg_max = c // 3 - 1
    x = jax.nn.softmax(dist.reshape(b, n, 3, reg_max + 1), axis=-1)
    proj = jnp.arange(reg_max + 1, dtype=jnp.float32)
    return (x * proj).sum(-1)


def bbox_decode(anchor_points, pred_offsets, pred_shapes, stride_tensor):
    centers = (anchor_points[None] + pred_offsets) * stride_tensor[None]
    sizes = pred_shapes * stride_tensor[None]
    return jnp.concatenate([centers, sizes], axis=-1)


def iou3d(box, boxes):
    lo1 = box[:3] - box[3:] / 2.0
    hi1 = box[:3] + box[3:] / 2.0
    lo2 = boxes[:, :3] - boxes[:, 3:] / 2.0
    hi2 = boxes[:, :3] + boxes[:, 3:] / 2.0
    inter = np.prod(np.clip(np.minimum(hi1, hi2) - np.maximum(lo1, lo2), 0.0, None), axis=1)
    v1 = np.prod(box[3:])
    v2 = np.prod(boxes[:, 3:], axis=1)
    return inter / (v1 + v2 - inter + 1e-8)


def nms_3D(dets, overlap, top_k):
    # dets: numpy [n, 7] = (score, z, y, x, d, h, w)
    order = np.argsort(-dets[:, 0])
    keep = []
    while order.size > 0 and len(keep) < top_k:
        i = int(order[0])
        keep.append(i)
        if order.size == 1:
            break
        rest = order[1:]
        ious = iou3d(dets[i, 1:], dets[rest, 1:])
        order = rest[ious <= overlap]
    return np.array(keep, dtype=np.int64)


def iou3d_jnp(box, boxes):
    lo1 = box[:3] - box[3:] / 2.0
    hi1 = box[:3] + box[3:] / 2.0
    lo2 = boxes[:, :3] - boxes[:, 3:] / 2.0
    hi2 = boxes[:, :3] + boxes[:, 3:] / 2.0
    inter = jnp.prod(jnp.clip(jnp.minimum(hi1, hi2) - jnp.maximum(lo1, lo2), 0.0, None), axis=1)
    v1 = jnp.prod(box[3:])
    v2 = jnp.prod(boxes[:, 3:], axis=1)
    return inter / (v1 + v2 - inter + 1e-8)


def setup_inputs(seed: int = 0) -> dict:
    key = jax.random.key(seed)
    k1, k2, k3 = jax.random.split(key, 3)
    B, fd = 16, 24
    Cls = jax.random.normal(k1, (B, 1, fd, fd, fd), dtype=jnp.float32)
    Shape = jax.random.normal(k2, (B, 3 * (MAX_REG + 1), fd, fd, fd), dtype=jnp.float32)
    Offset = jax.random.normal(k3, (B, 3, fd, fd, fd), dtype=jnp.float32)
    return {"Cls": Cls, "Shape": Shape, "Offset": Offset}


def reference(Cls, Shape, Offset):
    B = Cls.shape[0]
    anchor_points, stride_tensor = make_anchors(Cls.shape, CROP, 0.0)
    pred_scores = jax.nn.sigmoid(Cls.reshape(B, 1, -1).transpose(0, 2, 1))  # [B, N, 1]
    dist = Shape.reshape(B, 3 * (MAX_REG + 1), -1).transpose(0, 2, 1)        # [B, N, 108]
    pred_shapes = project(dist)                                              # [B, N, 3]
    pred_offsets = Offset.reshape(B, 3, -1).transpose(0, 2, 1)               # [B, N, 3]
    pred_bboxes = bbox_decode(anchor_points, pred_offsets, pred_shapes, stride_tensor)  # [B, N, 6]
    topk_scores, topk_indices = jax.lax.top_k(pred_scores[..., 0], TOPK)

    def _per_sample(ts_j, ti_j, bb_j):
        boxes = bb_j[ti_j]                                   # [TOPK, 6]
        valid = ts_j > THRESHOLD
        s0 = jnp.where(valid, ts_j, -jnp.inf)
        keep_idx0 = jnp.zeros((NMS_TOPK,), dtype=jnp.int32)
        keep_ok0 = jnp.zeros((NMS_TOPK,), dtype=bool)

        def body(k, carry):
            s_cur, keep_idx, keep_ok = carry
            i = jnp.argmax(s_cur).astype(jnp.int32)
            ok = s_cur[i] > -jnp.inf
            ious = iou3d_jnp(boxes[i], boxes)
            s_sup = jnp.where(ious > NMS_TH, -jnp.inf, s_cur).at[i].set(-jnp.inf)
            s_next = jnp.where(ok, s_sup, s_cur)
            keep_idx = keep_idx.at[k].set(i)
            keep_ok = keep_ok.at[k].set(ok)
            return (s_next, keep_idx, keep_ok)

        _, keep_idx, keep_ok = jax.lax.fori_loop(0, NMS_TOPK, body, (s0, keep_idx0, keep_ok0))
        rows = jnp.concatenate(
            [jnp.ones((NMS_TOPK, 1), dtype=jnp.float32), ts_j[keep_idx][:, None], boxes[keep_idx]],
            axis=1,
        )
        rows = jnp.where(keep_ok[:, None], rows, jnp.float32(-1.0))
        out = jnp.full((TOPK, 8), -1.0, dtype=jnp.float32)
        return out.at[:NMS_TOPK].set(rows)

    dets = jax.vmap(_per_sample)(topk_scores, topk_indices, pred_bboxes)
    return dets

if __name__ == "__main__":
    import jax
    _d = setup_inputs()
    print(jax.jit(kernel)(*tuple(_d.values())))

</pallas_src>

<mosaic_0001>
#map = affine_map<(d0, d1) -> (0, 0, 0)>
#map1 = affine_map<(d0, d1) -> (0)>
#map2 = affine_map<(d0, d1) -> (0, 0)>
module attributes {stable_mosaic.version = 14 : i64} {
  func.func @gather_sc(%arg0: i32, %arg1: i32, %arg2: memref<16x64x128xi32, #tpu.memory_space<hbm>>, %arg3: memref<16x8x128xi32, #tpu.memory_space<hbm>>, %arg4: memref<23887872xf32, #tpu.memory_space<hbm>>, %arg5: memref<663552xf32, #tpu.memory_space<hbm>>, %arg6: memref<16x6912xf32, #tpu.memory_space<hbm>>, %arg7: memref<16x256xf32, #tpu.memory_space<hbm>>, %arg8: memref<32x128xi32, #tpu.memory_space<vmem>>, %arg9: memref<8x128xi32, #tpu.memory_space<vmem>>, %arg10: memref<4096xf32, #tpu.memory_space<vmem>>, %arg11: memref<256xf32, #tpu.memory_space<vmem>>, %arg12: memref<!tpu.dma_semaphore, #tpu.memory_space<semaphore_mem>>) attributes {dimension_semantics = [#tpu.dimension_semantics<core_parallel>, #tpu.dimension_semantics<subcore_parallel>], iteration_bounds = array<i64: 2, 16>, scalar_prefetch = 0 : i64, scratch_operands = 5 : i64, tpu.core_type = #tpu.core_type<sc_vector_subcore>, window_params = [{transform_indices = #map}, {transform_indices = #map}, {transform_indices = #map1}, {transform_indices = #map1}, {transform_indices = #map2}, {transform_indices = #map2}]} {
    %mul3A = arith.constant 2 : i32
    %mul3A_0 = arith.muli %arg1, %mul3A : i32
    %add3A = arith.addi %mul3A_0, %arg0 : i32
    %jit3A = arith.constant 2 : i32
    %div3A = arith.divsi %add3A, %jit3A : i32
    %sign3A = arith.constant 0 : i32
    %sign3A_1 = arith.cmpi sgt, %add3A, %sign3A : i32
    %sign3A_2 = arith.extui %sign3A_1 : i1 to i32
    %sign3A_3 = arith.constant 0 : i32
    %sign3A_4 = arith.cmpi slt, %add3A, %sign3A_3 : i32
    %sign3A_5 = arith.extui %sign3A_4 : i1 to i32
    %sign3A_6 = arith.subi %sign3A_2, %sign3A_5 : i32
    %sign3A_7 = arith.constant 0 : i32
    %sign3A_8 = arith.cmpi sgt, %jit3A, %sign3A_7 : i32
    %sign3A_9 = arith.extui %sign3A_8 : i1 to i32
    %sign3A_10 = arith.constant 0 : i32
    %sign3A_11 = arith.cmpi slt, %jit3A, %sign3A_10 : i32
    %sign3A_12 = arith.extui %sign3A_11 : i1 to i32
    %sign3A_13 = arith.subi %sign3A_9, %sign3A_12 : i32
    %ne3A = arith.cmpi ne, %sign3A_6, %sign3A_13 : i32
    %rem3A = arith.remsi %add3A, %jit3A : i32
    %ne3A_14 = arith.constant 0 : i32
    %ne3A_15 = arith.cmpi ne, %rem3A, %ne3A_14 : i32
    %and3A = arith.andi %ne3A, %ne3A_15 : i1
    %sub3A = arith.constant 1 : i32
    %sub3A_16 = arith.subi %div3A, %sub3A : i32
    %select_n3A = arith.select %and3A, %sub3A_16, %div3A : i32
    %jit3A_17 = arith.constant 2 : i32
    %eq3A = arith.constant 0 : i32
    %eq3A_18 = arith.cmpi eq, %jit3A_17, %eq3A : i32
    %jit3A_19 = arith.constant 1 : i32
    %select_n3A_20 = arith.select %eq3A_18, %jit3A_19, %jit3A_17 : i32
    %rem3A_21 = arith.remsi %add3A, %select_n3A_20 : i32
    %ne3A_22 = arith.constant 0 : i32
    %ne3A_23 = arith.cmpi ne, %rem3A_21, %ne3A_22 : i32
    %lt3A = arith.constant 0 : i32
    %lt3A_24 = arith.cmpi slt, %rem3A_21, %lt3A : i32
    %lt3A_25 = arith.constant 0 : i32
    %lt3A_26 = arith.cmpi slt, %select_n3A_20, %lt3A_25 : i32
    %ne3A_27 = arith.xori %lt3A_24, %lt3A_26 : i1
    %and3A_28 = arith.andi %ne3A_27, %ne3A_23 : i1
    %add3A_29 = arith.addi %rem3A_21, %select_n3A_20 : i32
    %select_n3A_30 = arith.select %and3A_28, %add3A_29, %rem3A_21 : i32
    %mul3A_31 = arith.constant 32 : i32
    %mul3A_32 = arith.muli %select_n3A_30, %mul3A_31 : i32
    "tpu.region"() ({
      %run_scoped3A = tpu.sem_alloc : memref<!tpu.dma_semaphore, #tpu.memory_space<semaphore_mem>>
      %dma_start3A = arith.constant 0 : i32
      %dma_start3A_41 = tpu.memref_slice %arg2[%select_n3A, %mul3A_32, %dma_start3A] : memref<16x64x128xi32, #tpu.memory_space<hbm>> -> memref<1x32x128xi32, #tpu.memory_space<hbm>>
      %dma_start3A_42 = tpu.memref_squeeze %dma_start3A_41 : memref<1x32x128xi32, #tpu.memory_space<hbm>> -> memref<32x128xi32, #tpu.memory_space<hbm>>
      %dma_start3A_43 = arith.constant 0 : i32
      %dma_start3A_44 = tpu.memref_slice %arg2[%select_n3A, %mul3A_32, %dma_start3A_43] : memref<16x64x128xi32, #tpu.memory_space<hbm>> -> memref<1x32x128xi32, #tpu.memory_space<hbm>>
      %dma_start3A_45 = tpu.memref_squeeze %dma_start3A_44 : memref<1x32x128xi32, #tpu.memory_space<hbm>> -> memref<32x128xi32, #tpu.memory_space<hbm>>
      tpu.enqueue_dma source(%dma_start3A_45 : memref<32x128xi32, #tpu.memory_space<hbm>>) target(%arg8 : memref<32x128xi32, #tpu.memory_space<vmem>>) target_semaphore(%run_scoped3A : memref<!tpu.dma_semaphore, #tpu.memory_space<semaphore_mem>>)
      %dma_wait3A = arith.constant 0 : i32
      %dma_wait3A_46 = tpu.memref_slice %arg2[%select_n3A, %mul3A_32, %dma_wait3A] : memref<16x64x128xi32, #tpu.memory_space<hbm>> -> memref<1x32x128xi32, #tpu.memory_space<hbm>>
      %dma_wait3A_47 = tpu.memref_squeeze %dma_wait3A_46 : memref<1x32x128xi32, #tpu.memory_space<hbm>> -> memref<32x128xi32, #tpu.memory_space<hbm>>
      %dma_wait3A_48 = arith.constant 0 : i32
      %dma_wait3A_49 = tpu.memref_slice %arg2[%select_n3A, %mul3A_32, %dma_wait3A_48] : memref<16x64x128xi32, #tpu.memory_space<hbm>> -> memref<1x32x128xi32, #tpu.memory_space<hbm>>
      %dma_wait3A_50 = tpu.memref_squeeze %dma_wait3A_49 : memref<1x32x128xi32, #tpu.memory_space<hbm>> -> memref<32x128xi32, #tpu.memory_space<hbm>>
      tpu.wait_dma2 semaphore(%run_scoped3A : memref<!tpu.dma_semaphore, #tpu.memory_space<semaphore_mem>>) src(%dma_wait3A_50 : memref<32x128xi32, #tpu.memory_space<hbm>>) dst(%arg8 : memref<32x128xi32, #tpu.memory_space<vmem>>)
      tpu.yield
    }) : () -> ()
    %eq3A_33 = arith.constant 0 : i32
    %eq3A_34 = arith.cmpi eq, %select_n3A_30, %eq3A_33 : i32
    %convert_element_type3A = arith.extui %eq3A_34 : i1 to i32
    %cond3A = arith.constant 0 : i32
    %cond3A_35 = arith.cmpi ne, %convert_element_type3A, %cond3A : i32
    scf.if %cond3A_35 {
      %dma_start3A = arith.constant 0 : i32
      %dma_start3A_41 = arith.constant 0 : i32
      %dma_start3A_42 = tpu.memref_slice %arg10[%dma_start3A_41] : memref<4096xf32, #tpu.memory_space<vmem>> -> memref<128xf32, #tpu.memory_space<vmem>>
      %dma_start3A_43 = arith.constant 0 : i32
      %dma_start3A_44 = tpu.memref_slice %arg8[%dma_start3A, %dma_start3A_43] : memref<32x128xi32, #tpu.memory_space<vmem>> -> memref<1x128xi32, #tpu.memory_space<vmem>>
      %dma_start3A_45 = tpu.memref_squeeze %dma_start3A_44 : memref<1x128xi32, #tpu.memory_space<vmem>> -> memref<128xi32, #tpu.memory_space<vmem>>
      %dma_start3A_46 = arith.constant 0 : i32
      %dma_start3A_47 = tpu.memref_slice %arg4[%dma_start3A_46] : memref<23887872xf32, #tpu.memory_space<hbm>> -> memref<23887872xf32, #tpu.memory_space<hbm>>
      tpu.enqueue_indirect_dma source(%dma_start3A_47 : memref<23887872xf32, #tpu.memory_space<hbm>>) target(%dma_start3A_42 : memref<128xf32, #tpu.memory_space<vmem>>) offsets(%dma_start3A_45 : memref<128xi32, #tpu.memory_space<vmem>>) semaphore(%arg12 : memref<!tpu.dma_semaphore, #tpu.memory_space<semaphore_mem>>)
      %dma_start3A_48 = arith.constant 1 : i32
      %dma_start3A_49 = arith.constant 128 : i32
      %dma_start3A_50 = tpu.memref_slice %arg10[%dma_start3A_49] : memref<4096xf32, #tpu.memory_space<vmem>> -> memref<128xf32, #tpu.memory_space<vmem>>
      %dma_start3A_51 = arith.constant 0 : i32
      %dma_start3A_52 = tpu.memref_slice %arg8[%dma_start3A_48, %dma_start3A_51] : memref<32x128xi32, #tpu.memory_space<vmem>> -> memref<1x128xi32, #tpu.memory_space<vmem>>
      %dma_start3A_53 = tpu.memref_squeeze %dma_start3A_52 : memref<1x128xi32, #tpu.memory_space<vmem>> -> memref<128xi32, #tpu.memory_space<vmem>>
      %dma_start3A_54 = arith.constant 0 : i32
      %dma_start3A_55 = tpu.memref_slice %arg4[%dma_start3A_54] : memref<23887872xf32, #tpu.memory_space<hbm>> -> memref<23887872xf32, #tpu.memory_space<hbm>>
      tpu.enqueue_indirect_dma source(%dma_start3A_55 : memref<23887872xf32, #tpu.memory_space<hbm>>) target(%dma_start3A_50 : memref<128xf32, #tpu.memory_space<vmem>>) offsets(%dma_start3A_53 : memref<128xi32, #tpu.memory_space<vmem>>) semaphore(%arg12 : memref<!tpu.dma_semaphore, #tpu.memory_space<semaphore_mem>>)
      %dma_start3A_56 = arith.constant 2 : i32
      %dma_start3A_57 = arith.constant 256 : i32
      %dma_start3A_58 = tpu.memref_slice %arg10[%dma_start3A_57] : memref<4096xf32, #tpu.memory_space<vmem>> -> memref<128xf32, #tpu.memory_space<vmem>>
      %dma_start3A_59 = arith.constant 0 : i32
      %dma_start3A_60 = tpu.memref_slice %arg8[%dma_start3A_56, %dma_start3A_59] : memref<32x128xi32, #tpu.memory_space<vmem>> -> memref<1x128xi32, #tpu.memory_space<vmem>>
      %dma_start3A_61 = tpu.memref_squeeze %dma_start3A_60 : memref<1x128xi32, #tpu.memory_space<vmem>> -> memref<128xi32, #tpu.memory_space<vmem>>
      %dma_start3A_62 = arith.constant 0 : i32
      %dma_start3A_63 = tpu.memref_slice %arg4[%dma_start3A_62] : memref<23887872xf32, #tpu.memory_space<hbm>> -> memref<23887872xf32, #tpu.memory_space<hbm>>
      tpu.enqueue_indirect_dma source(%dma_start3A_63 : memref<23887872xf32, #tpu.memory_space<hbm>>) target(%dma_start3A_58 : memref<128xf32, #tpu.memory_space<vmem>>) offsets(%dma_start3A_61 : memref<128xi32, #tpu.memory_space<vmem>>) semaphore(%arg12 : memref<!tpu.dma_semaphore, #tpu.memory_space<semaphore_mem>>)
      %dma_start3A_64 = arith.constant 3 : i32
      %dma_start3A_65 = arith.constant 384 : i32
      %dma_start3A_66 = tpu.memref_slice %arg10[%dma_start3A_65] : memref<4096xf32, #tpu.memory_space<vmem>> -> memref<128xf32, #tpu.memory_space<vmem>>
      %dma_start3A_67 = arith.constant 0 : i32
      %dma_start3A_68 = tpu.memref_slice %arg8[%dma_start3A_64, %dma_start3A_67] : memref<32x128xi32, #tpu.memory_space<vmem>> -> memref<1x128xi32, #tpu.memory_space<vmem>>
      %dma_start3A_69 = tpu.memref_squeeze %dma_start3A_68 : memref<1x128xi32, #tpu.memory_space<vmem>> -> memref<128xi32, #tpu.memory_space<vmem>>
      %dma_start3A_70 = arith.constant 0 : i32
      %dma_start3A_71 = tpu.memref_slice %arg4[%dma_start3A_70] : memref<23887872xf32, #tpu.memory_space<hbm>> -> memref<23887872xf32, #tpu.memory_space<hbm>>
      tpu.enqueue_indirect_dma source(%dma_start3A_71 : memref<23887872xf32, #tpu.memory_space<hbm>>) target(%dma_start3A_66 : memref<128xf32, #tpu.memory_space<vmem>>) offsets(%dma_start3A_69 : memref<128xi32, #tpu.memory_space<vmem>>) semaphore(%arg12 : memref<!tpu.dma_semaphore, #tpu.memory_space<semaphore_mem>>)
      %dma_start3A_72 = arith.constant 4 : i32
      %dma_start3A_73 = arith.constant 512 : i32
      %dma_start3A_74 = tpu.memref_slice %arg10[%dma_start3A_73] : memref<4096xf32, #tpu.memory_space<vmem>> -> memref<128xf32, #tpu.memory_space<vmem>>
      %dma_start3A_75 = arith.constant 0 : i32
      %dma_start3A_76 = tpu.memref_slice %arg8[%dma_start3A_72, %dma_start3A_75] : memref<32x128xi32, #tpu.memory_space<vmem>> -> memref<1x128xi32, #tpu.memory_space<vmem>>
      %dma_start3A_77 = tpu.memref_squeeze %dma_start3A_76 : memref<1x128xi32, #tpu.memory_space<vmem>> -> memref<128xi32, #tpu.memory_space<vmem>>
      %dma_start3A_78 = arith.constant 0 : i32
      %dma_start3A_79 = tpu.memref_slice %arg4[%dma_start3A_78] : memref<23887872xf32, #tpu.memory_space<hbm>> -> memref<23887872xf32, #tpu.memory_space<hbm>>
      tpu.enqueue_indirect_dma source(%dma_start3A_79 : memref<23887872xf32, #tpu.memory_space<hbm>>) target(%dma_start3A_74 : memref<128xf32, #tpu.memory_space<vmem>>) offsets(%dma_start3A_77 : memref<128xi32, #tpu.memory_space<vmem>>) semaphore(%arg12 : memref<!tpu.dma_semaphore, #tpu.memory_space<semaphore_mem>>)
      %dma_start3A_80 = arith.constant 5 : i32
      %dma_start3A_81 = arith.constant 640 : i32
      %dma_start3A_82 = tpu.memref_slice %arg10[%dma_start3A_81] : memref<4096xf32, #tpu.memory_space<vmem>> -> memref<128xf32, #tpu.memory_space<vmem>>
      %dma_start3A_83 = arith.constant 0 : i32
      %dma_start3A_84 = tpu.memref_slice %arg8[%dma_start3A_80, %dma_start3A_83] : memref<32x128xi32, #tpu.memory_space<vmem>> -> memref<1x128xi32, #tpu.memory_space<vmem>>
      %dma_start3A_85 = tpu.memref_squeeze %dma_start3A_84 : memref<1x128xi32, #tpu.memory_space<vmem>> -> memref<128xi32, #tpu.memory_space<vmem>>
      %dma_start3A_86 = arith.constant 0 : i32
      %dma_start3A_87 = tpu.memref_slice %arg4[%dma_start3A_86] : memref<23887872xf32, #tpu.memory_space<hbm>> -> memref<23887872xf32, #tpu.memory_space<hbm>>
      tpu.enqueue_indirect_dma source(%dma_start3A_87 : memref<23887872xf32, #tpu.memory_space<hbm>>) target(%dma_start3A_82 : memref<128xf32, #tpu.memory_space<vmem>>) offsets(%dma_start3A_85 : memref<128xi32, #tpu.memory_space<vmem>>) semaphore(%arg12 : memref<!tpu.dma_semaphore, #tpu.memory_space<semaphore_mem>>)
      %dma_start3A_88 = arith.constant 6 : i32
      %dma_start3A_89 = arith.constant 768 : i32
      %dma_start3A_90 = tpu.memref_slice %arg10[%dma_start3A_89] : memref<4096xf32, #tpu.memory_space<vmem>> -> memref<128xf32, #tpu.memory_space<vmem>>
      %dma_start3A_91 = arith.constant 0 : i32
      %dma_start3A_92 = tpu.memref_slice %arg8[%dma_start3A_88, %dma_start3A_91] : memref<32x128xi32, #tpu.memory_space<vmem>> -> memref<1x128xi32, #tpu.memory_space<vmem>>
      %dma_start3A_93 = tpu.memref_squeeze %dma_start3A_92 : memref<1x128xi32, #tpu.memory_space<vmem>> -> memref<128xi32, #tpu.memory_space<vmem>>
      %dma_start3A_94 = arith.constant 0 : i32
      %dma_start3A_95 = tpu.memref_slice %arg4[%dma_start3A_94] : memref<23887872xf32, #tpu.memory_space<hbm>> -> memref<23887872xf32, #tpu.memory_space<hbm>>
      tpu.enqueue_indirect_dma source(%dma_start3A_95 : memref<23887872xf32, #tpu.memory_space<hbm>>) target(%dma_start3A_90 : memref<128xf32, #tpu.memory_space<vmem>>) offsets(%dma_start3A_93 : memref<128xi32, #tpu.memory_space<vmem>>) semaphore(%arg12 : memref<!tpu.dma_semaphore, #tpu.memory_space<semaphore_mem>>)
      %dma_start3A_96 = arith.constant 7 : i32
      %dma_start3A_97 = arith.constant 896 : i32
      %dma_start3A_98 = tpu.memref_slice %arg10[%dma_start3A_97] : memref<4096xf32, #tpu.memory_space<vmem>> -> memref<128xf32, #tpu.memory_space<vmem>>
      %dma_start3A_99 = arith.constant 0 : i32
      %dma_start3A_100 = tpu.memref_slice %arg8[%dma_start3A_96, %dma_start3A_99] : memref<32x128xi32, #tpu.memory_space<vmem>> -> memref<1x128xi32, #tpu.memory_space<vmem>>
      %dma_start3A_101 = tpu.memref_squeeze %dma_start3A_100 : memref<1x128xi32, #tpu.memory_space<vmem>> -> memref<128xi32, #tpu.memory_space<vmem>>
      %dma_start3A_102 = arith.constant 0 : i32
      %dma_start3A_103 = tpu.memref_slice %arg4[%dma_start3A_102] : memref<23887872xf32, #tpu.memory_space<hbm>> -> memref<23887872xf32, #tpu.memory_space<hbm>>
      tpu.enqueue_indirect_dma source(%dma_start3A_103 : memref<23887872xf32, #tpu.memory_space<hbm>>) target(%dma_start3A_98 : memref<128xf32, #tpu.memory_space<vmem>>) offsets(%dma_start3A_101 : memref<128xi32, #tpu.memory_space<vmem>>) semaphore(%arg12 : memref<!tpu.dma_semaphore, #tpu.memory_space<semaphore_mem>>)
      %dma_start3A_104 = arith.constant 8 : i32
      %dma_start3A_105 = arith.constant 1024 : i32
      %dma_start3A_106 = tpu.memref_slice %arg10[%dma_start3A_105] : memref<4096xf32, #tpu.memory_space<vmem>> -> memref<128xf32, #tpu.memory_space<vmem>>
      %dma_start3A_107 = arith.constant 0 : i32
      %dma_start3A_108 = tpu.memref_slice %arg8[%dma_start3A_104, %dma_start3A_107] : memref<32x128xi32, #tpu.memory_space<vmem>> -> memref<1x128xi32, #tpu.memory_space<vmem>>
      %dma_start3A_109 = tpu.memref_squeeze %dma_start3A_108 : memref<1x128xi32, #tpu.memory_space<vmem>> -> memref<128xi32, #tpu.memory_space<vmem>>
      %dma_start3A_110 = arith.constant 0 : i32
      %dma_start3A_111 = tpu.memref_slice %arg4[%dma_start3A_110] : memref<23887872xf32, #tpu.memory_space<hbm>> -> memref<23887872xf32, #tpu.memory_space<hbm>>
      tpu.enqueue_indirect_dma source(%dma_start3A_111 : memref<23887872xf32, #tpu.memory_space<hbm>>) target(%dma_start3A_106 : memref<128xf32, #tpu.memory_space<vmem>>) offsets(%dma_start3A_109 : memref<128xi32, #tpu.memory_space<vmem>>) semaphore(%arg12 : memref<!tpu.dma_semaphore, #tpu.memory_space<semaphore_mem>>)
      %dma_start3A_112 = arith.constant 9 : i32
      %dma_start3A_113 = arith.constant 1152 : i32
      %dma_start3A_114 = tpu.memref_slice %arg10[%dma_start3A_113] : memref<4096xf32, #tpu.memory_space<vmem>> -> memref<128xf32, #tpu.memory_space<vmem>>
      %dma_start3A_115 = arith.constant 0 : i32
      %dma_start3A_116 = tpu.memref_slice %arg8[%dma_start3A_112, %dma_start3A_115] : memref<32x128xi32, #tpu.memory_space<vmem>> -> memref<1x128xi32, #tpu.memory_space<vmem>>
      %dma_start3A_117 = tpu.memref_squeeze %dma_start3A_116 : memref<1x128xi32, #tpu.memory_space<vmem>> -> memref<128xi32, #tpu.memory_space<vmem>>
      %dma_start3A_118 = arith.constant 0 : i32
      %dma_start3A_119 = tpu.memref_slice %arg4[%dma_start3A_118] : memref<23887872xf32, #tpu.memory_space<hbm>> -> memref<23887872xf32, #tpu.memory_space<hbm>>
      tpu.enqueue_indirect_dma source(%dma_start3A_119 : memref<23887872xf32, #tpu.memory_space<hbm>>) target(%dma_start3A_114 : memref<128xf32, #tpu.memory_space<vmem>>) offsets(%dma_start3A_117 : memref<128xi32, #tpu.memory_space<vmem>>) semaphore(%arg12 : memref<!tpu.dma_semaphore, #tpu.memory_space<semaphore_mem>>)
      %dma_start3A_120 = arith.constant 10 : i32
      %dma_start3A_121 = arith.constant 1280 : i32
      %dma_start3A_122 = tpu.memref_slice %arg10[%dma_start3A_121] : memref<4096xf32, #tpu.memory_space<vmem>> -> memref<128xf32, #tpu.memory_space<vmem>>
      %dma_start3A_123 = arith.constant 0 : i32
      %dma_start3A_124 = tpu.memref_slice %arg8[%dma_start3A_120, %dma_start3A_123] : memref<32x128xi32, #tpu.memory_space<vmem>> -> memref<1x128xi32, #tpu.memory_space<vmem>>
      %dma_start3A_125 = tpu.memref_squeeze %dma_start3A_124 : memref<1x128xi32, #tpu.memory_space<vmem>> -> memref<128xi32, #tpu.memory_space<vmem>>
      %dma_start3A_126 = arith.constant 0 : i32
      %dma_start3A_127 = tpu.memref_slice %arg4[%dma_start3A_126] : memref<23887872xf32, #tpu.memory_space<hbm>> -> memref<23887872xf32, #tpu.memory_space<hbm>>
      tpu.enqueue_indirect_dma source(%dma_start3A_127 : memref<23887872xf32, #tpu.memory_space<hbm>>) target(%dma_start3A_122 : memref<128xf32, #tpu.memory_space<vmem>>) offsets(%dma_start3A_125 : memref<128xi32, #tpu.memory_space<vmem>>) semaphore(%arg12 : memref<!tpu.dma_semaphore, #tpu.memory_space<semaphore_mem>>)
      %dma_start3A_128 = arith.constant 11 : i32
      %dma_start3A_129 = arith.constant 1408 : i32
      %dma_start3A_130 = tpu.memref_slice %arg10[%dma_start3A_129] : memref<4096xf32, #tpu.memory_space<vmem>> -> memref<128xf32, #tpu.memory_space<vmem>>
      %dma_start3A_131 = arith.constant 0 : i32
      %dma_start3A_132 = tpu.memref_slice %arg8[%dma_start3A_128, %dma_start3A_131] : memref<32x128xi32, #tpu.memory_space<vmem>> -> memref<1x128xi32, #tpu.memory_space<vmem>>
      %dma_start3A_133 = tpu.memref_squeeze %dma_start3A_132 : memref<1x128xi32, #tpu.memory_space<vmem>> -> memref<128xi32, #tpu.memory_space<vmem>>
      %dma_start3A_134 = arith.constant 0 : i32
      %dma_start3A_135 = tpu.memref_slice %arg4[%dma_start3A_134] : memref<23887872xf32, #tpu.memory_space<hbm>> -> memref<23887872xf32, #tpu.memory_space<hbm>>
      tpu.enqueue_indirect_dma source(%dma_start3A_135 : memref<23887872xf32, #tpu.memory_space<hbm>>) target(%dma_start3A_130 : memref<128xf32, #tpu.memory_space<vmem>>) offsets(%dma_start3A_133 : memref<128xi32, #tpu.memory_space<vmem>>) semaphore(%arg12 : memref<!tpu.dma_semaphore, #tpu.memory_space<semaphore_mem>>)
      %dma_start3A_136 = arith.constant 12 : i32
      %dma_start3A_137 = arith.constant 1536 : i32
      %dma_start3A_138 = tpu.memref_slice %arg10[%dma_start3A_137] : memref<4096xf32, #tpu.memory_space<vmem>> -> memref<128xf32, #tpu.memory_space<vmem>>
      %dma_start3A_139 = arith.constant 0 : i32
      %dma_start3A_140 = tpu.memref_slice %arg8[%dma_start3A_136, %dma_start3A_139] : memref<32x128xi32, #tpu.memory_space<vmem>> -> memref<1x128xi32, #tpu.memory_space<vmem>>
      %dma_start3A_141 = tpu.memref_squeeze %dma_start3A_140 : memref<1x128xi32, #tpu.memory_space<vmem>> -> memref<128xi32, #tpu.memory_space<vmem>>
      %dma_start3A_142 = arith.constant 0 : i32
      %dma_start3A_143 = tpu.memref_slice %arg4[%dma_start3A_142] : memref<23887872xf32, #tpu.memory_space<hbm>> -> memref<23887872xf32, #tpu.memory_space<hbm>>
      tpu.enqueue_indirect_dma source(%dma_start3A_143 : memref<23887872xf32, #tpu.memory_space<hbm>>) target(%dma_start3A_138 : memref<128xf32, #tpu.memory_space<vmem>>) offsets(%dma_start3A_141 : memref<128xi32, #tpu.memory_space<vmem>>) semaphore(%arg12 : memref<!tpu.dma_semaphore, #tpu.memory_space<semaphore_mem>>)
      %dma_start3A_144 = arith.constant 13 : i32
      %dma_start3A_145 = arith.constant 1664 : i32
      %dma_start3A_146 = tpu.memref_slice %arg10[%dma_start3A_145] : memref<4096xf32, #tpu.memory_space<vmem>> -> memref<128xf32, #tpu.memory_space<vmem>>
      %dma_start3A_147 = arith.constant 0 : i32
      %dma_start3A_148 = tpu.memref_slice %arg8[%dma_start3A_144, %dma_start3A_147] : memref<32x128xi32, #tpu.memory_space<vmem>> -> memref<1x128xi32, #tpu.memory_space<vmem>>
      %dma_start3A_149 = tpu.memref_squeeze %dma_start3A_148 : memref<1x128xi32, #tpu.memory_space<vmem>> -> memref<128xi32, #tpu.memory_space<vmem>>
      %dma_start3A_150 = arith.constant 0 : i32
      %dma_start3A_151 = tpu.memref_slice %arg4[%dma_start3A_150] : memref<23887872xf32, #tpu.memory_space<hbm>> -> memref<23887872xf32, #tpu.memory_space<hbm>>
      tpu.enqueue_indirect_dma source(%dma_start3A_151 : memref<23887872xf32, #tpu.memory_space<hbm>>) target(%dma_start3A_146 : memref<128xf32, #tpu.memory_space<vmem>>) offsets(%dma_start3A_149 : memref<128xi32, #tpu.memory_space<vmem>>) semaphore(%arg12 : memref<!tpu.dma_semaphore, #tpu.memory_space<semaphore_mem>>)
      %dma_start3A_152 = arith.constant 14 : i32
      %dma_start3A_153 = arith.constant 1792 : i32
      %dma_start3A_154 = tpu.memref_slice %arg10[%dma_start3A_153] : memref<4096xf32, #tpu.memory_space<vmem>> -> memref<128xf32, #tpu.memory_space<vmem>>
      %dma_start3A_155 = arith.constant 0 : i32
      %dma_start3A_156 = tpu.memref_slice %arg8[%dma_start3A_152, %dma_start3A_155] : memref<32x128xi32, #tpu.memory_space<vmem>> -> memref<1x128xi32, #tpu.memory_space<vmem>>
      %dma_start3A_157 = tpu.memref_squeeze %dma_start3A_156 : memref<1x128xi32, #tpu.memory_space<vmem>> -> memref<128xi32, #tpu.memory_space<vmem>>
      %dma_start3A_158 = arith.constant 0 : i32
      %dma_start3A_159 = tpu.memref_slice %arg4[%dma_start3A_158] : memref<23887872xf32, #tpu.memory_space<hbm>> -> memref<23887872xf32, #tpu.memory_space<hbm>>
      tpu.enqueue_indirect_dma source(%dma_start3A_159 : memref<23887872xf32, #tpu.memory_space<hbm>>) target(%dma_start3A_154 : memref<128xf32, #tpu.memory_space<vmem>>) offsets(%dma_start3A_157 : memref<128xi32, #tpu.memory_space<vmem>>) semaphore(%arg12 : memref<!tpu.dma_semaphore, #tpu.memory_space<semaphore_mem>>)
      %dma_start3A_160 = arith.constant 15 : i32
      %dma_start3A_161 = arith.constant 1920 : i32
      %dma_start3A_162 = tpu.memref_slice %arg10[%dma_start3A_161] : memref<4096xf32, #tpu.memory_space<vmem>> -> memref<128xf32, #tpu.memory_space<vmem>>
      %dma_start3A_163 = arith.constant 0 : i32
      %dma_start3A_164 = tpu.memref_slice %arg8[%dma_start3A_160, %dma_start3A_163] : memref<32x128xi32, #tpu.memory_space<vmem>> -> memref<1x128xi32, #tpu.memory_space<vmem>>
      %dma_start3A_165 = tpu.memref_squeeze %dma_start3A_164 : memref<1x128xi32, #tpu.memory_space<vmem>> -> memref<128xi32, #tpu.memory_space<vmem>>
      %dma_start3A_166 = arith.constant 0 : i32
      %dma_start3A_167 = tpu.memref_slice %arg4[%dma_start3A_166] : memref<23887872xf32, #tpu.memory_space<hbm>> -> memref<23887872xf32, #tpu.memory_space<hbm>>
      tpu.enqueue_indirect_dma source(%dma_start3A_167 : memref<23887872xf32, #tpu.memory_space<hbm>>) target(%dma_start3A_162 : memref<128xf32, #tpu.memory_space<vmem>>) offsets(%dma_start3A_165 : memref<128xi32, #tpu.memory_space<vmem>>) semaphore(%arg12 : memref<!tpu.dma_semaphore, #tpu.memory_space<semaphore_mem>>)
      %dma_start3A_168 = arith.constant 16 : i32
      %dma_start3A_169 = arith.constant 2048 : i32
      %dma_start3A_170 = tpu.memref_slice %arg10[%dma_start3A_169] : memref<4096xf32, #tpu.memory_space<vmem>> -> memref<128xf32, #tpu.memory_space<vmem>>
      %dma_start3A_171 = arith.constant 0 : i32
      %dma_start3A_172 = tpu.memref_slice %arg8[%dma_start3A_168, %dma_start3A_171] : memref<32x128xi32, #tpu.memory_space<vmem>> -> memref<1x128xi32, #tpu.memory_space<vmem>>
      %dma_start3A_173 = tpu.memref_squeeze %dma_start3A_172 : memref<1x128xi32, #tpu.memory_space<vmem>> -> memref<128xi32, #tpu.memory_space<vmem>>
      %dma_start3A_174 = arith.constant 0 : i32
      %dma_start3A_175 = tpu.memref_slice %arg4[%dma_start3A_174] : memref<23887872xf32, #tpu.memory_space<hbm>> -> memref<23887872xf32, #tpu.memory_space<hbm>>
      tpu.enqueue_indirect_dma source(%dma_start3A_175 : memref<23887872xf32, #tpu.memory_space<hbm>>) target(%dma_start3A_170 : memref<128xf32, #tpu.memory_space<vmem>>) offsets(%dma_start3A_173 : memref<128xi32, #tpu.memory_space<vmem>>) semaphore(%arg12 : memref<!tpu.dma_semaphore, #tpu.memory_space<semaphore_mem>>)
      %dma_start3A_176 = arith.constant 17 : i32
      %dma_start3A_177 = arith.constant 2176 : i32
      %dma_start3A_178 = tpu.memref_slice %arg10[%dma_start3A_177] : memref<4096xf32, #tpu.memory_space<vmem>> -> memref<128xf32, #tpu.memory_space<vmem>>
      %dma_start3A_179 = arith.constant 0 : i32
      %dma_start3A_180 = tpu.memref_slice %arg8[%dma_start3A_176, %dma_start3A_179] : memref<32x128xi32, #tpu.memory_space<vmem>> -> memref<1x128xi32, #tpu.memory_space<vmem>>
      %dma_start3A_181 = tpu.memref_squeeze %dma_start3A_180 : memref<1x128xi32, #tpu.memory_space<vmem>> -> memref<128xi32, #tpu.memory_space<vmem>>
      %dma_start3A_182 = arith.constant 0 : i32
      %dma_start3A_183 = tpu.memref_slice %arg4[%dma_start3A_182] : memref<23887872xf32, #tpu.memory_space<hbm>> -> memref<23887872xf32, #tpu.memory_space<hbm>>
      tpu.enqueue_indirect_dma source(%dma_start3A_183 : memref<23887872xf32, #tpu.memory_space<hbm>>) target(%dma_start3A_178 : memref<128xf32, #tpu.memory_space<vmem>>) offsets(%dma_start3A_181 : memref<128xi32, #tpu.memory_space<vmem>>) semaphore(%arg12 : memref<!tpu.dma_semaphore, #tpu.memory_space<semaphore_mem>>)
      %dma_start3A_184 = arith.constant 18 : i32
      %dma_start3A_185 = arith.constant 2304 : i32
      %dma_start3A_186 = tpu.memref_slice %arg10[%dma_start3A_185] : memref<4096xf32, #tpu.memory_space<vmem>> -> memref<128xf32, #tpu.memory_space<vmem>>
      %dma_start3A_187 = arith.constant 0 : i32
      %dma_start3A_188 = tpu.memref_slice %arg8[%dma_start3A_184, %dma_start3A_187] : memref<32x128xi32, #tpu.memory_space<vmem>> -> memref<1x128xi32, #tpu.memory_space<vmem>>
      %dma_start3A_189 = tpu.memref_squeeze %dma_start3A_188 : memref<1x128xi32, #tpu.memory_space<vmem>> -> memref<128xi32, #tpu.memory_space<vmem>>
      %dma_start3A_190 = arith.constant 0 : i32
      %dma_start3A_191 = tpu.memref_slice %arg4[%dma_start3A_190] : memref<23887872xf32, #tpu.memory_space<hbm>> -> memref<23887872xf32, #tpu.memory_space<hbm>>
      tpu.enqueue_indirect_dma source(%dma_start3A_191 : memref<23887872xf32, #tpu.memory_space<hbm>>) target(%dma_start3A_186 : memref<128xf32, #tpu.memory_space<vmem>>) offsets(%dma_start3A_189 : memref<128xi32, #tpu.memory_space<vmem>>) semaphore(%arg12 : memref<!tpu.dma_semaphore, #tpu.memory_space<semaphore_mem>>)
      %dma_start3A_192 = arith.constant 19 : i32
      %dma_start3A_193 = arith.constant 2432 : i32
      %dma_start3A_194 = tpu.memref_slice %arg10[%dma_start3A_193] : memref<4096xf32, #tpu.memory_space<vmem>> -> memref<128xf32, #tpu.memory_space<vmem>>
      %dma_start3A_195 = arith.constant 0 : i32
      %dma_start3A_196 = tpu.memref_slice %arg8[%dma_start3A_192, %dma_start3A_195] : memref<32x128xi32, #tpu.memory_space<vmem>> -> memref<1x128xi32, #tpu.memory_space<vmem>>
      %dma_start3A_197 = tpu.memref_squeeze %dma_start3A_196 : memref<1x128xi32, #tpu.memory_space<vmem>> -> memref<128xi32, #tpu.memory_space<vmem>>
      %dma_start3A_198 = arith.constant 0 : i32
      %dma_start3A_199 = tpu.memref_slice %arg4[%dma_start3A_198] : memref<23887872xf32, #tpu.memory_space<hbm>> -> memref<23887872xf32, #tpu.memory_space<hbm>>
      tpu.enqueue_indirect_dma source(%dma_start3A_199 : memref<23887872xf32, #tpu.memory_space<hbm>>) target(%dma_start3A_194 : memref<128xf32, #tpu.memory_space<vmem>>) offsets(%dma_start3A_197 : memref<128xi32, #tpu.memory_space<vmem>>) semaphore(%arg12 : memref<!tpu.dma_semaphore, #tpu.memory_space<semaphore_mem>>)
      %dma_start3A_200 = arith.constant 20 : i32
      %dma_start3A_201 = arith.constant 2560 : i32
      %dma_start3A_202 = tpu.memref_slice %arg10[%dma_start3A_201] : memref<4096xf32, #tpu.memory_space<vmem>> -> memref<128xf32, #tpu.memory_space<vmem>>
      %dma_start3A_203 = arith.constant 0 : i32
      %dma_start3A_204 = tpu.memref_slice %arg8[%dma_start3A_200, %dma_start3A_203] : memref<32x128xi32, #tpu.memory_space<vmem>> -> memref<1x128xi32, #tpu.memory_space<vmem>>
      %dma_start3A_205 = tpu.memref_squeeze %dma_start3A_204 : memref<1x128xi32, #tpu.memory_space<vmem>> -> memref<128xi32, #tpu.memory_space<vmem>>
      %dma_start3A_206 = arith.constant 0 : i32
      %dma_start3A_207 = tpu.memref_slice %arg4[%dma_start3A_206] : memref<23887872xf32, #tpu.memory_space<hbm>> -> memref<23887872xf32, #tpu.memory_space<hbm>>
      tpu.enqueue_indirect_dma source(%dma_start3A_207 : memref<23887872xf32, #tpu.memory_space<hbm>>) target(%dma_start3A_202 : memref<128xf32, #tpu.memory_space<vmem>>) offsets(%dma_start3A_205 : memref<128xi32, #tpu.memory_space<vmem>>) semaphore(%arg12 : memref<!tpu.dma_semaphore, #tpu.memory_space<semaphore_mem>>)
      %dma_start3A_208 = arith.constant 21 : i32
      %dma_start3A_209 = arith.constant 2688 : i32
      %dma_start3A_210 = tpu.memref_slice %arg10[%dma_start3A_209] : memref<4096xf32, #tpu.memory_space<vmem>> -> memref<128xf32, #tpu.memory_space<vmem>>
      %dma_start3A_211 = arith.constant 0 : i32
      %dma_start3A_212 = tpu.memref_slice %arg8[%dma_start3A_208, %dma_start3A_211] : memref<32x128xi32, #tpu.memory_space<vmem>> -> memref<1x128xi32, #tpu.memory_space<vmem>>
      %dma_start3A_213 = tpu.memref_squeeze %dma_start3A_212 : memref<1x128xi32, #tpu.memory_space<vmem>> -> memref<128xi32, #tpu.memory_space<vmem>>
      %dma_start3A_214 = arith.constant 0 : i32
      %dma_start3A_215 = tpu.memref_slice %arg4[%dma_start3A_214] : memref<23887872xf32, #tpu.memory_space<hbm>> -> memref<23887872xf32, #tpu.memory_space<hbm>>
      tpu.enqueue_indirect_dma source(%dma_start3A_215 : memref<23887872xf32, #tpu.memory_space<hbm>>) target(%dma_start3A_210 : memref<128xf32, #tpu.memory_space<vmem>>) offsets(%dma_start3A_213 : memref<128xi32, #tpu.memory_space<vmem>>) semaphore(%arg12 : memref<!tpu.dma_semaphore, #tpu.memory_space<semaphore_mem>>)
      %dma_start3A_216 = arith.constant 22 : i32
      %dma_start3A_217 = arith.constant 2816 : i32
      %dma_start3A_218 = tpu.memref_slice %arg10[%dma_start3A_217] : memref<4096xf32, #tpu.memory_space<vmem>> -> memref<128xf32, #tpu.memory_space<vmem>>
      %dma_start3A_219 = arith.constant 0 : i32
      %dma_start3A_220 = tpu.memref_slice %arg8[%dma_start3A_216, %dma_start3A_219] : memref<32x128xi32, #tpu.memory_space<vmem>> -> memref<1x128xi32, #tpu.memory_space<vmem>>
      %dma_start3A_221 = tpu.memref_squeeze %dma_start3A_220 : memref<1x128xi32, #tpu.memory_space<vmem>> -> memref<128xi32, #tpu.memory_space<vmem>>
      %dma_start3A_222 = arith.constant 0 : i32
      %dma_start3A_223 = tpu.memref_slice %arg4[%dma_start3A_222] : memref<23887872xf32, #tpu.memory_space<hbm>> -> memref<23887872xf32, #tpu.memory_space<hbm>>
      tpu.enqueue_indirect_dma source(%dma_start3A_223 : memref<23887872xf32, #tpu.memory_space<hbm>>) target(%dma_start3A_218 : memref<128xf32, #tpu.memory_space<vmem>>) offsets(%dma_start3A_221 : memref<128xi32, #tpu.memory_space<vmem>>) semaphore(%arg12 : memref<!tpu.dma_semaphore, #tpu.memory_space<semaphore_mem>>)
      %dma_start3A_224 = arith.constant 23 : i32
      %dma_start3A_225 = arith.constant 2944 : i32
      %dma_start3A_226 = tpu.memref_slice %arg10[%dma_start3A_225] : memref<4096xf32, #tpu.memory_space<vmem>> -> memref<128xf32, #tpu.memory_space<vmem>>
      %dma_start3A_227 = arith.constant 0 : i32
      %dma_start3A_228 = tpu.memref_slice %arg8[%dma_start3A_224, %dma_start3A_227] : memref<32x128xi32, #tpu.memory_space<vmem>> -> memref<1x128xi32, #tpu.memory_space<vmem>>
      %dma_start3A_229 = tpu.memref_squeeze %dma_start3A_228 : memref<1x128xi32, #tpu.memory_space<vmem>> -> memref<128xi32, #tpu.memory_space<vmem>>
      %dma_start3A_230 = arith.constant 0 : i32
      %dma_start3A_231 = tpu.memref_slice %arg4[%dma_start3A_230] : memref<23887872xf32, #tpu.memory_space<hbm>> -> memref<23887872xf32, #tpu.memory_space<hbm>>
      tpu.enqueue_indirect_dma source(%dma_start3A_231 : memref<23887872xf32, #tpu.memory_space<hbm>>) target(%dma_start3A_226 : memref<128xf32, #tpu.memory_space<vmem>>) offsets(%dma_start3A_229 : memref<128xi32, #tpu.memory_space<vmem>>) semaphore(%arg12 : memref<!tpu.dma_semaphore, #tpu.memory_space<semaphore_mem>>)
      %dma_start3A_232 = arith.constant 24 : i32
      %dma_start3A_233 = arith.constant 3072 : i32
      %dma_start3A_234 = tpu.memref_slice %arg10[%dma_start3A_233] : memref<4096xf32, #tpu.memory_space<vmem>> -> memref<128xf32, #tpu.memory_space<vmem>>
      %dma_start3A_235 = arith.constant 0 : i32
      %dma_start3A_236 = tpu.memref_slice %arg8[%dma_start3A_232, %dma_start3A_235] : memref<32x128xi32, #tpu.memory_space<vmem>> -> memref<1x128xi32, #tpu.memory_space<vmem>>
      %dma_start3A_237 = tpu.memref_squeeze %dma_start3A_236 : memref<1x128xi32, #tpu.memory_space<vmem>> -> memref<128xi32, #tpu.memory_space<vmem>>
      %dma_start3A_238 = arith.constant 0 : i32
      %dma_start3A_239 = tpu.memref_slice %arg4[%dma_start3A_238] : memref<23887872xf32, #tpu.memory_space<hbm>> -> memref<23887872xf32, #tpu.memory_space<hbm>>
      tpu.enqueue_indirect_dma source(%dma_start3A_239 : memref<23887872xf32, #tpu.memory_space<hbm>>) target(%dma_start3A_234 : memref<128xf32, #tpu.memory_space<vmem>>) offsets(%dma_start3A_237 : memref<128xi32, #tpu.memory_space<vmem>>) semaphore(%arg12 : memref<!tpu.dma_semaphore, #tpu.memory_space<semaphore_mem>>)
      %dma_start3A_240 = arith.constant 25 : i32
      %dma_start3A_241 = arith.constant 3200 : i32
      %dma_start3A_242 = tpu.memref_slice %arg10[%dma_start3A_241] : memref<4096xf32, #tpu.memory_space<vmem>> -> memref<128xf32, #tpu.memory_space<vmem>>
      %dma_start3A_243 = arith.constant 0 : i32
      %dma_start3A_244 = tpu.memref_slice %arg8[%dma_start3A_240, %dma_start3A_243] : memref<32x128xi32, #tpu.memory_space<vmem>> -> memref<1x128xi32, #tpu.memory_space<vmem>>
      %dma_start3A_245 = tpu.memref_squeeze %dma_start3A_244 : memref<1x128xi32, #tpu.memory_space<vmem>> -> memref<128xi32, #tpu.memory_space<vmem>>
      %dma_start3A_246 = arith.constant 0 : i32
      %dma_start3A_247 = tpu.memref_slice %arg4[%dma_start3A_246] : memref<23887872xf32, #tpu.memory_space<hbm>> -> memref<23887872xf32, #tpu.memory_space<hbm>>
      tpu.enqueue_indirect_dma source(%dma_start3A_247 : memref<23887872xf32, #tpu.memory_space<hbm>>) target(%dma_start3A_242 : memref<128xf32, #tpu.memory_space<vmem>>) offsets(%dma_start3A_245 : memref<128xi32, #tpu.memory_space<vmem>>) semaphore(%arg12 : memref<!tpu.dma_semaphore, #tpu.memory_space<semaphore_mem>>)
      %dma_start3A_248 = arith.constant 26 : i32
      %dma_start3A_249 = arith.constant 3328 : i32
      %dma_start3A_250 = tpu.memref_slice %arg10[%dma_start3A_249] : memref<4096xf32, #tpu.memory_space<vmem>> -> memref<128xf32, #tpu.memory_space<vmem>>
      %dma_start3A_251 = arith.constant 0 : i32
      %dma_start3A_252 = tpu.memref_slice %arg8[%dma_start3A_248, %dma_start3A_251] : memref<32x128xi32, #tpu.memory_space<vmem>> -> memref<1x128xi32, #tpu.memory_space<vmem>>
      %dma_start3A_253 = tpu.memref_squeeze %dma_start3A_252 : memref<1x128xi32, #tpu.memory_space<vmem>> -> memref<128xi32, #tpu.memory_space<vmem>>
      %dma_start3A_254 = arith.constant 0 : i32
      %dma_start3A_255 = tpu.memref_slice %arg4[%dma_start3A_254] : memref<23887872xf32, #tpu.memory_space<hbm>> -> memref<23887872xf32, #tpu.memory_space<hbm>>
      tpu.enqueue_indirect_dma source(%dma_start3A_255 : memref<23887872xf32, #tpu.memory_space<hbm>>) target(%dma_start3A_250 : memref<128xf32, #tpu.memory_space<vmem>>) offsets(%dma_start3A_253 : memref<128xi32, #tpu.memory_space<vmem>>) semaphore(%arg12 : memref<!tpu.dma_semaphore, #tpu.memory_space<semaphore_mem>>)
      %dma_start3A_256 = arith.constant 27 : i32
      %dma_start3A_257 = arith.constant 3456 : i32
      %dma_start3A_258 = tpu.memref_slice %arg10[%dma_start3A_257] : memref<4096xf32, #tpu.memory_space<vmem>> -> memref<128xf32, #tpu.memory_space<vmem>>
      %dma_start3A_259 = arith.constant 0 : i32
      %dma_start3A_260 = tpu.memref_slice %arg8[%dma_start3A_256, %dma_start3A_259] : memref<32x128xi32, #tpu.memory_space<vmem>> -> memref<1x128xi32, #tpu.memory_space<vmem>>
      %dma_start3A_261 = tpu.memref_squeeze %dma_start3A_260 : memref<1x128xi32, #tpu.memory_space<vmem>> -> memref<128xi32, #tpu.memory_space<vmem>>
      %dma_start3A_262 = arith.constant 0 : i32
      %dma_start3A_263 = tpu.memref_slice %arg4[%dma_start3A_262] : memref<23887872xf32, #tpu.memory_space<hbm>> -> memref<23887872xf32, #tpu.memory_space<hbm>>
      tpu.enqueue_indirect_dma source(%dma_start3A_263 : memref<23887872xf32, #tpu.memory_space<hbm>>) target(%dma_start3A_258 : memref<128xf32, #tpu.memory_space<vmem>>) offsets(%dma_start3A_261 : memref<128xi32, #tpu.memory_space<vmem>>) semaphore(%arg12 : memref<!tpu.dma_semaphore, #tpu.memory_space<semaphore_mem>>)
      %dma_start3A_264 = arith.constant 28 : i32
      %dma_start3A_265 = arith.constant 3584 : i32
      %dma_start3A_266 = tpu.memref_slice %arg10[%dma_start3A_265] : memref<4096xf32, #tpu.memory_space<vmem>> -> memref<128xf32, #tpu.memory_space<vmem>>
      %dma_start3A_267 = arith.constant 0 : i32
      %dma_start3A_268 = tpu.memref_slice %arg8[%dma_start3A_264, %dma_start3A_267] : memref<32x128xi32, #tpu.memory_space<vmem>> -> memref<1x128xi32, #tpu.memory_space<vmem>>
      %dma_start3A_269 = tpu.memref_squeeze %dma_start3A_268 : memref<1x128xi32, #tpu.memory_space<vmem>> -> memref<128xi32, #tpu.memory_space<vmem>>
      %dma_start3A_270 = arith.constant 0 : i32
      %dma_start3A_271 = tpu.memref_slice %arg4[%dma_start3A_270] : memref<23887872xf32, #tpu.memory_space<hbm>> -> memref<23887872xf32, #tpu.memory_space<hbm>>
      tpu.enqueue_indirect_dma source(%dma_start3A_271 : memref<23887872xf32, #tpu.memory_space<hbm>>) target(%dma_start3A_266 : memref<128xf32, #tpu.memory_space<vmem>>) offsets(%dma_start3A_269 : memref<128xi32, #tpu.memory_space<vmem>>) semaphore(%arg12 : memref<!tpu.dma_semaphore, #tpu.memory_space<semaphore_mem>>)
      %dma_start3A_272 = arith.constant 29 : i32
      %dma_start3A_273 = arith.constant 3712 : i32
      %dma_start3A_274 = tpu.memref_slice %arg10[%dma_start3A_273] : memref<4096xf32, #tpu.memory_space<vmem>> -> memref<128xf32, #tpu.memory_space<vmem>>
      %dma_start3A_275 = arith.constant 0 : i32
      %dma_start3A_276 = tpu.memref_slice %arg8[%dma_start3A_272, %dma_start3A_275] : memref<32x128xi32, #tpu.memory_space<vmem>> -> memref<1x128xi32, #tpu.memory_space<vmem>>
      %dma_start3A_277 = tpu.memref_squeeze %dma_start3A_276 : memref<1x128xi32, #tpu.memory_space<vmem>> -> memref<128xi32, #tpu.memory_space<vmem>>
      %dma_start3A_278 = arith.constant 0 : i32
      %dma_start3A_279 = tpu.memref_slice %arg4[%dma_start3A_278] : memref<23887872xf32, #tpu.memory_space<hbm>> -> memref<23887872xf32, #tpu.memory_space<hbm>>
      tpu.enqueue_indirect_dma source(%dma_start3A_279 : memref<23887872xf32, #tpu.memory_space<hbm>>) target(%dma_start3A_274 : memref<128xf32, #tpu.memory_space<vmem>>) offsets(%dma_start3A_277 : memref<128xi32, #tpu.memory_space<vmem>>) semaphore(%arg12 : memref<!tpu.dma_semaphore, #tpu.memory_space<semaphore_mem>>)
      %dma_start3A_280 = arith.constant 30 : i32
      %dma_start3A_281 = arith.constant 3840 : i32
      %dma_start3A_282 = tpu.memref_slice %arg10[%dma_start3A_281] : memref<4096xf32, #tpu.memory_space<vmem>> -> memref<128xf32, #tpu.memory_space<vmem>>
      %dma_start3A_283 = arith.constant 0 : i32
      %dma_start3A_284 = tpu.memref_slice %arg8[%dma_start3A_280, %dma_start3A_283] : memref<32x128xi32, #tpu.memory_space<vmem>> -> memref<1x128xi32, #tpu.memory_space<vmem>>
      %dma_start3A_285 = tpu.memref_squeeze %dma_start3A_284 : memref<1x128xi32, #tpu.memory_space<vmem>> -> memref<128xi32, #tpu.memory_space<vmem>>
      %dma_start3A_286 = arith.constant 0 : i32
      %dma_start3A_287 = tpu.memref_slice %arg4[%dma_start3A_286] : memref<23887872xf32, #tpu.memory_space<hbm>> -> memref<23887872xf32, #tpu.memory_space<hbm>>
      tpu.enqueue_indirect_dma source(%dma_start3A_287 : memref<23887872xf32, #tpu.memory_space<hbm>>) target(%dma_start3A_282 : memref<128xf32, #tpu.memory_space<vmem>>) offsets(%dma_start3A_285 : memref<128xi32, #tpu.memory_space<vmem>>) semaphore(%arg12 : memref<!tpu.dma_semaphore, #tpu.memory_space<semaphore_mem>>)
      %dma_start3A_288 = arith.constant 31 : i32
      %dma_start3A_289 = arith.constant 3968 : i32
      %dma_start3A_290 = tpu.memref_slice %arg10[%dma_start3A_289] : memref<4096xf32, #tpu.memory_space<vmem>> -> memref<128xf32, #tpu.memory_space<vmem>>
      %dma_start3A_291 = arith.constant 0 : i32
      %dma_start3A_292 = tpu.memref_slice %arg8[%dma_start3A_288, %dma_start3A_291] : memref<32x128xi32, #tpu.memory_space<vmem>> -> memref<1x128xi32, #tpu.memory_space<vmem>>
      %dma_start3A_293 = tpu.memref_squeeze %dma_start3A_292 : memref<1x128xi32, #tpu.memory_space<vmem>> -> memref<128xi32, #tpu.memory_space<vmem>>
      %dma_start3A_294 = arith.constant 0 : i32
      %dma_start3A_295 = tpu.memref_slice %arg4[%dma_start3A_294] : memref<23887872xf32, #tpu.memory_space<hbm>> -> memref<23887872xf32, #tpu.memory_space<hbm>>
      tpu.enqueue_indirect_dma source(%dma_start3A_295 : memref<23887872xf32, #tpu.memory_space<hbm>>) target(%dma_start3A_290 : memref<128xf32, #tpu.memory_space<vmem>>) offsets(%dma_start3A_293 : memref<128xi32, #tpu.memory_space<vmem>>) semaphore(%arg12 : memref<!tpu.dma_semaphore, #tpu.memory_space<semaphore_mem>>)
      %dma_wait3A = arith.constant 0 : i32
      %dma_wait3A_296 = arith.constant 0 : i32
      %dma_wait3A_297 = tpu.memref_slice %arg10[%dma_wait3A_296] : memref<4096xf32, #tpu.memory_space<vmem>> -> memref<128xf32, #tpu.memory_space<vmem>>
      %dma_wait3A_298 = arith.constant 0 : i32
      %dma_wait3A_299 = tpu.memref_slice %arg8[%dma_wait3A, %dma_wait3A_298] : memref<32x128xi32, #tpu.memory_space<vmem>> -> memref<1x128xi32, #tpu.memory_space<vmem>>
      %dma_wait3A_300 = tpu.memref_squeeze %dma_wait3A_299 : memref<1x128xi32, #tpu.memory_space<vmem>> -> memref<128xi32, #tpu.memory_space<vmem>>
      %dma_wait3A_301 = arith.constant 0 : i32
      %dma_wait3A_302 = tpu.memref_slice %arg4[%dma_wait3A_301] : memref<23887872xf32, #tpu.memory_space<hbm>> -> memref<23887872xf32, #tpu.memory_space<hbm>>
      tpu.wait_indirect_dma semaphore(%arg12 : memref<!tpu.dma_semaphore, #tpu.memory_space<semaphore_mem>>) src(%dma_wait3A_302 : memref<23887872xf32, #tpu.memory_space<hbm>>) dst(%dma_wait3A_297 : memref<128xf32, #tpu.memory_space<vmem>>)
      %dma_wait3A_303 = arith.constant 1 : i32
      %dma_wait3A_304 = arith.constant 128 : i32
      %dma_wait3A_305 = tpu.memref_slice %arg10[%dma_wait3A_304] : memref<4096xf32, #tpu.memory_space<vmem>> -> memref<128xf32, #tpu.memory_space<vmem>>
      %dma_wait3A_306 = arith.constant 0 : i32
      %dma_wait3A_307 = tpu.memref_slice %arg8[%dma_wait3A_303, %dma_wait3A_306] : memref<32x128xi32, #tpu.memory_space<vmem>> -> memref<1x128xi32, #tpu.memory_space<vmem>>
      %dma_wait3A_308 = tpu.memref_squeeze %dma_wait3A_307 : memref<1x128xi32, #tpu.memory_space<vmem>> -> memref<128xi32, #tpu.memory_space<vmem>>
      %dma_wait3A_309 = arith.constant 0 : i32
      %dma_wait3A_310 = tpu.memref_slice %arg4[%dma_wait3A_309] : memref<23887872xf32, #tpu.memory_space<hbm>> -> memref<23887872xf32, #tpu.memory_space<hbm>>
      tpu.wait_indirect_dma semaphore(%arg12 : memref<!tpu.dma_semaphore, #tpu.memory_space<semaphore_mem>>) src(%dma_wait3A_310 : memref<23887872xf32, #tpu.memory_space<hbm>>) dst(%dma_wait3A_305 : memref<128xf32, #tpu.memory_space<vmem>>)
      %dma_wait3A_311 = arith.constant 2 : i32
      %dma_wait3A_312 = arith.constant 256 : i32
      %dma_wait3A_313 = tpu.memref_slice %arg10[%dma_wait3A_312] : memref<4096xf32, #tpu.memory_space<vmem>> -> memref<128xf32, #tpu.memory_space<vmem>>
      %dma_wait3A_314 = arith.constant 0 : i32
      %dma_wait3A_315 = tpu.memref_slice %arg8[%dma_wait3A_311, %dma_wait3A_314] : memref<32x128xi32, #tpu.memory_space<vmem>> -> memref<1x128xi32, #tpu.memory_space<vmem>>
      %dma_wait3A_316 = tpu.memref_squeeze %dma_wait3A_315 : memref<1x128xi32, #tpu.memory_space<vmem>> -> memref<128xi32, #tpu.memory_space<vmem>>
      %dma_wait3A_317 = arith.constant 0 : i32
      %dma_wait3A_318 = tpu.memref_slice %arg4[%dma_wait3A_317] : memref<23887872xf32, #tpu.memory_space<hbm>> -> memref<23887872xf32, #tpu.memory_space<hbm>>
      tpu.wait_indirect_dma semaphore(%arg12 : memref<!tpu.dma_semaphore, #tpu.memory_space<semaphore_mem>>) src(%dma_wait3A_318 : memref<23887872xf32, #tpu.memory_space<hbm>>) dst(%dma_wait3A_313 : memref<128xf32, #tpu.memory_space<vmem>>)
      %dma_wait3A_319 = arith.constant 3 : i32
      %dma_wait3A_320 = arith.constant 384 : i32
      %dma_wait3A_321 = tpu.memref_slice %arg10[%dma_wait3A_320] : memref<4096xf32, #tpu.memory_space<vmem>> -> memref<128xf32, #tpu.memory_space<vmem>>
      %dma_wait3A_322 = arith.constant 0 : i32
      %dma_wait3A_323 = tpu.memref_slice %arg8[%dma_wait3A_319, %dma_wait3A_322] : memref<32x128xi32, #tpu.memory_space<vmem>> -> memref<1x128xi32, #tpu.memory_space<vmem>>
      %dma_wait3A_324 = tpu.memref_squeeze %dma_wait3A_323 : memref<1x128xi32, #tpu.memory_space<vmem>> -> memref<128xi32, #tpu.memory_space<vmem>>
      %dma_wait3A_325 = arith.constant 0 : i32
      %dma_wait3A_326 = tpu.memref_slice %arg4[%dma_wait3A_325] : memref<23887872xf32, #tpu.memory_space<hbm>> -> memref<23887872xf32, #tpu.memory_space<hbm>>
      tpu.wait_indirect_dma semaphore(%arg12 : memref<!tpu.dma_semaphore, #tpu.memory_space<semaphore_mem>>) src(%dma_wait3A_326 : memref<23887872xf32, #tpu.memory_space<hbm>>) dst(%dma_wait3A_321 : memref<128xf32, #tpu.memory_space<vmem>>)
      %dma_wait3A_327 = arith.constant 4 : i32
      %dma_wait3A_328 = arith.constant 512 : i32
      %dma_wait3A_329 = tpu.memref_slice %arg10[%dma_wait3A_328] : memref<4096xf32, #tpu.memory_space<vmem>> -> memref<128xf32, #tpu.memory_space<vmem>>
      %dma_wait3A_330 = arith.constant 0 : i32
      %dma_wait3A_331 = tpu.memref_slice %arg8[%dma_wait3A_327, %dma_wait3A_330] : memref<32x128xi32, #tpu.memory_space<vmem>> -> memref<1x128xi32, #tpu.memory_space<vmem>>
      %dma_wait3A_332 = tpu.memref_squeeze %dma_wait3A_331 : memref<1x128xi32, #tpu.memory_space<vmem>> -> memref<128xi32, #tpu.memory_space<vmem>>
      %dma_wait3A_333 = arith.constant 0 : i32
      %dma_wait3A_334 = tpu.memref_slice %arg4[%dma_wait3A_333] : memref<23887872xf32, #tpu.memory_space<hbm>> -> memref<23887872xf32, #tpu.memory_space<hbm>>
      tpu.wait_indirect_dma semaphore(%arg12 : memref<!tpu.dma_semaphore, #tpu.memory_space<semaphore_mem>>) src(%dma_wait3A_334 : memref<23887872xf32, #tpu.memory_space<hbm>>) dst(%dma_wait3A_329 : memref<128xf32, #tpu.memory_space<vmem>>)
      %dma_wait3A_335 = arith.constant 5 : i32
      %dma_wait3A_336 = arith.constant 640 : i32
      %dma_wait3A_337 = tpu.memref_slice %arg10[%dma_wait3A_336] : memref<4096xf32, #tpu.memory_space<vmem>> -> memref<128xf32, #tpu.memory_space<vmem>>
      %dma_wait3A_338 = arith.constant 0 : i32
      %dma_wait3A_339 = tpu.memref_slice %arg8[%dma_wait3A_335, %dma_wait3A_338] : memref<32x128xi32, #tpu.memory_space<vmem>> -> memref<1x128xi32, #tpu.memory_space<vmem>>
      %dma_wait3A_340 = tpu.memref_squeeze %dma_wait3A_339 : memref<1x128xi32, #tpu.memory_space<vmem>> -> memref<128xi32, #tpu.memory_space<vmem>>
      %dma_wait3A_341 = arith.constant 0 : i32
      %dma_wait3A_342 = tpu.memref_slice %arg4[%dma_wait3A_341] : memref<23887872xf32, #tpu.memory_space<hbm>> -> memref<23887872xf32, #tpu.memory_space<hbm>>
      tpu.wait_indirect_dma semaphore(%arg12 : memref<!tpu.dma_semaphore, #tpu.memory_space<semaphore_mem>>) src(%dma_wait3A_342 : memref<23887872xf32, #tpu.memory_space<hbm>>) dst(%dma_wait3A_337 : memref<128xf32, #tpu.memory_space<vmem>>)
      %dma_wait3A_343 = arith.constant 6 : i32
      %dma_wait3A_344 = arith.constant 768 : i32
      %dma_wait3A_345 = tpu.memref_slice %arg10[%dma_wait3A_344] : memref<4096xf32, #tpu.memory_space<vmem>> -> memref<128xf32, #tpu.memory_space<vmem>>
      %dma_wait3A_346 = arith.constant 0 : i32
      %dma_wait3A_347 = tpu.memref_slice %arg8[%dma_wait3A_343, %dma_wait3A_346] : memref<32x128xi32, #tpu.memory_space<vmem>> -> memref<1x128xi32, #tpu.memory_space<vmem>>
      %dma_wait3A_348 = tpu.memref_squeeze %dma_wait3A_347 : memref<1x128xi32, #tpu.memory_space<vmem>> -> memref<128xi32, #tpu.memory_space<vmem>>
      %dma_wait3A_349 = arith.constant 0 : i32
      %dma_wait3A_350 = tpu.memref_slice %arg4[%dma_wait3A_349] : memref<23887872xf32, #tpu.memory_space<hbm>> -> memref<23887872xf32, #tpu.memory_space<hbm>>
      tpu.wait_indirect_dma semaphore(%arg12 : memref<!tpu.dma_semaphore, #tpu.memory_space<semaphore_mem>>) src(%dma_wait3A_350 : memref<23887872xf32, #tpu.memory_space<hbm>>) dst(%dma_wait3A_345 : memref<128xf32, #tpu.memory_space<vmem>>)
      %dma_wait3A_351 = arith.constant 7 : i32
      %dma_wait3A_352 = arith.constant 896 : i32
      %dma_wait3A_353 = tpu.memref_slice %arg10[%dma_wait3A_352] : memref<4096xf32, #tpu.memory_space<vmem>> -> memref<128xf32, #tpu.memory_space<vmem>>
      %dma_wait3A_354 = arith.constant 0 : i32
      %dma_wait3A_355 = tpu.memref_slice %arg8[%dma_wait3A_351, %dma_wait3A_354] : memref<32x128xi32, #tpu.memory_space<vmem>> -> memref<1x128xi32, #tpu.memory_space<vmem>>
      %dma_wait3A_356 = tpu.memref_squeeze %dma_wait3A_355 : memref<1x128xi32, #tpu.memory_space<vmem>> -> memref<128xi32, #tpu.memory_space<vmem>>
      %dma_wait3A_357 = arith.constant 0 : i32
      %dma_wait3A_358 = tpu.memref_slice %arg4[%dma_wait3A_357] : memref<23887872xf32, #tpu.memory_space<hbm>> -> memref<23887872xf32, #tpu.memory_space<hbm>>
      tpu.wait_indirect_dma semaphore(%arg12 : memref<!tpu.dma_semaphore, #tpu.memory_space<semaphore_mem>>) src(%dma_wait3A_358 : memref<23887872xf32, #tpu.memory_space<hbm>>) dst(%dma_wait3A_353 : memref<128xf32, #tpu.memory_space<vmem>>)
      %dma_wait3A_359 = arith.constant 8 : i32
      %dma_wait3A_360 = arith.constant 1024 : i32
      %dma_wait3A_361 = tpu.memref_slice %arg10[%dma_wait3A_360] : memref<4096xf32, #tpu.memory_space<vmem>> -> memref<128xf32, #tpu.memory_space<vmem>>
      %dma_wait3A_362 = arith.constant 0 : i32
      %dma_wait3A_363 = tpu.memref_slice %arg8[%dma_wait3A_359, %dma_wait3A_362] : memref<32x128xi32, #tpu.memory_space<vmem>> -> memref<1x128xi32, #tpu.memory_space<vmem>>
      %dma_wait3A_364 = tpu.memref_squeeze %dma_wait3A_363 : memref<1x128xi32, #tpu.memory_space<vmem>> -> memref<128xi32, #tpu.memory_space<vmem>>
      %dma_wait3A_365 = arith.constant 0 : i32
      %dma_wait3A_366 = tpu.memref_slice %arg4[%dma_wait3A_365] : memref<23887872xf32, #tpu.memory_space<hbm>> -> memref<23887872xf32, #tpu.memory_space<hbm>>
      tpu.wait_indirect_dma semaphore(%arg12 : memref<!tpu.dma_semaphore, #tpu.memory_space<semaphore_mem>>) src(%dma_wait3A_366 : memref<23887872xf32, #tpu.memory_space<hbm>>) dst(%dma_wait3A_361 : memref<128xf32, #tpu.memory_space<vmem>>)
      %dma_wait3A_367 = arith.constant 9 : i32
      %dma_wait3A_368 = arith.constant 1152 : i32
      %dma_wait3A_369 = tpu.memref_slice %arg10[%dma_wait3A_368] : memref<4096xf32, #tpu.memory_space<vmem>> -> memref<128xf32, #tpu.memory_space<vmem>>
      %dma_wait3A_370 = arith.constant 0 : i32
      %dma_wait3A_371 = tpu.memref_slice %arg8[%dma_wait3A_367, %dma_wait3A_370] : memref<32x128xi32, #tpu.memory_space<vmem>> -> memref<1x128xi32, #tpu.memory_space<vmem>>
      %dma_wait3A_372 = tpu.memref_squeeze %dma_wait3A_371 : memref<1x128xi32, #tpu.memory_space<vmem>> -> memref<128xi32, #tpu.memory_space<vmem>>
      %dma_wait3A_373 = arith.constant 0 : i32
      %dma_wait3A_374 = tpu.memref_slice %arg4[%dma_wait3A_373] : memref<23887872xf32, #tpu.memory_space<hbm>> -> memref<23887872xf32, #tpu.memory_space<hbm>>
      tpu.wait_indirect_dma semaphore(%arg12 : memref<!tpu.dma_semaphore, #tpu.memory_space<semaphore_mem>>) src(%dma_wait3A_374 : memref<23887872xf32, #tpu.memory_space<hbm>>) dst(%dma_wait3A_369 : memref<128xf32, #tpu.memory_space<vmem>>)
      %dma_wait3A_375 = arith.constant 10 : i32
      %dma_wait3A_376 = arith.constant 1280 : i32
      %dma_wait3A_377 = tpu.memref_slice %arg10[%dma_wait3A_376] : memref<4096xf32, #tpu.memory_space<vmem>> -> memref<128xf32, #tpu.memory_space<vmem>>
      %dma_wait3A_378 = arith.constant 0 : i32
      %dma_wait3A_379 = tpu.memref_slice %arg8[%dma_wait3A_375, %dma_wait3A_378] : memref<32x128xi32, #tpu.memory_space<vmem>> -> memref<1x128xi32, #tpu.memory_space<vmem>>
      %dma_wait3A_380 = tpu.memref_squeeze %dma_wait3A_379 : memref<1x128xi32, #tpu.memory_space<vmem>> -> memref<128xi32, #tpu.memory_space<vmem>>
      %dma_wait3A_381 = arith.constant 0 : i32
      %dma_wait3A_382 = tpu.memref_slice %arg4[%dma_wait3A_381] : memref<23887872xf32, #tpu.memory_space<hbm>> -> memref<23887872xf32, #tpu.memory_space<hbm>>
      tpu.wait_indirect_dma semaphore(%arg12 : memref<!tpu.dma_semaphore, #tpu.memory_space<semaphore_mem>>) src(%dma_wait3A_382 : memref<23887872xf32, #tpu.memory_space<hbm>>) dst(%dma_wait3A_377 : memref<128xf32, #tpu.memory_space<vmem>>)
      %dma_wait3A_383 = arith.constant 11 : i32
      %dma_wait3A_384 = arith.constant 1408 : i32
      %dma_wait3A_385 = tpu.memref_slice %arg10[%dma_wait3A_384] : memref<4096xf32, #tpu.memory_space<vmem>> -> memref<128xf32, #tpu.memory_space<vmem>>
      %dma_wait3A_386 = arith.constant 0 : i32
      %dma_wait3A_387 = tpu.memref_slice %arg8[%dma_wait3A_383, %dma_wait3A_386] : memref<32x128xi32, #tpu.memory_space<vmem>> -> memref<1x128xi32, #tpu.memory_space<vmem>>
      %dma_wait3A_388 = tpu.memref_squeeze %dma_wait3A_387 : memref<1x128xi32, #tpu.memory_space<vmem>> -> memref<128xi32, #tpu.memory_space<vmem>>
      %dma_wait3A_389 = arith.constant 0 : i32
      %dma_wait3A_390 = tpu.memref_slice %arg4[%dma_wait3A_389] : memref<23887872xf32, #tpu.memory_space<hbm>> -> memref<23887872xf32, #tpu.memory_space<hbm>>
      tpu.wait_indirect_dma semaphore(%arg12 : memref<!tpu.dma_semaphore, #tpu.memory_space<semaphore_mem>>) src(%dma_wait3A_390 : memref<23887872xf32, #tpu.memory_space<hbm>>) dst(%dma_wait3A_385 : memref<128xf32, #tpu.memory_space<vmem>>)
      %dma_wait3A_391 = arith.constant 12 : i32
      %dma_wait3A_392 = arith.constant 1536 : i32
      %dma_wait3A_393 = tpu.memref_slice %arg10[%dma_wait3A_392] : memref<4096xf32, #tpu.memory_space<vmem>> -> memref<128xf32, #tpu.memory_space<vmem>>
      %dma_wait3A_394 = arith.constant 0 : i32
      %dma_wait3A_395 = tpu.memref_slice %arg8[%dma_wait3A_391, %dma_wait3A_394] : memref<32x128xi32, #tpu.memory_space<vmem>> -> memref<1x128xi32, #tpu.memory_space<vmem>>
      %dma_wait3A_396 = tpu.memref_squeeze %dma_wait3A_395 : memref<1x128xi32, #tpu.memory_space<vmem>> -> memref<128xi32, #tpu.memory_space<vmem>>
      %dma_wait3A_397 = arith.constant 0 : i32
      %dma_wait3A_398 = tpu.memref_slice %arg4[%dma_wait3A_397] : memref<23887872xf32, #tpu.memory_space<hbm>> -> memref<23887872xf32, #tpu.memory_space<hbm>>
      tpu.wait_indirect_dma semaphore(%arg12 : memref<!tpu.dma_semaphore, #tpu.memory_space<semaphore_mem>>) src(%dma_wait3A_398 : memref<23887872xf32, #tpu.memory_space<hbm>>) dst(%dma_wait3A_393 : memref<128xf32, #tpu.memory_space<vmem>>)
      %dma_wait3A_399 = arith.constant 13 : i32
      %dma_wait3A_400 = arith.constant 1664 : i32
      %dma_wait3A_401 = tpu.memref_slice %arg10[%dma_wait3A_400] : memref<4096xf32, #tpu.memory_space<vmem>> -> memref<128xf32, #tpu.memory_space<vmem>>
      %dma_wait3A_402 = arith.constant 0 : i32
      %dma_wait3A_403 = tpu.memref_slice %arg8[%dma_wait3A_399, %dma_wait3A_402] : memref<32x128xi32, #tpu.memory_space<vmem>> -> memref<1x128xi32, #tpu.memory_space<vmem>>
      %dma_wait3A_404 = tpu.memref_squeeze %dma_wait3A_403 : memref<1x128xi32, #tpu.memory_space<vmem>> -> memref<128xi32, #tpu.memory_space<vmem>>
      %dma_wait3A_405 = arith.constant 0 : i32
      %dma_wait3A_406 = tpu.memref_slice %arg4[%dma_wait3A_405] : memref<23887872xf32, #tpu.memory_space<hbm>> -> memref<23887872xf32, #tpu.memory_space<hbm>>
      tpu.wait_indirect_dma semaphore(%arg12 : memref<!tpu.dma_semaphore, #tpu.memory_space<semaphore_mem>>) src(%dma_wait3A_406 : memref<23887872xf32, #tpu.memory_space<hbm>>) dst(%dma_wait3A_401 : memref<128xf32, #tpu.memory_space<vmem>>)
      %dma_wait3A_407 = arith.constant 14 : i32
      %dma_wait3A_408 = arith.constant 1792 : i32
      %dma_wait3A_409 = tpu.memref_slice %arg10[%dma_wait3A_408] : memref<4096xf32, #tpu.memory_space<vmem>> -> memref<128xf32, #tpu.memory_space<vmem>>
      %dma_wait3A_410 = arith.constant 0 : i32
      %dma_wait3A_411 = tpu.memref_slice %arg8[%dma_wait3A_407, %dma_wait3A_410] : memref<32x128xi32, #tpu.memory_space<vmem>> -> memref<1x128xi32, #tpu.memory_space<vmem>>
      %dma_wait3A_412 = tpu.memref_squeeze %dma_wait3A_411 : memref<1x128xi32, #tpu.memory_space<vmem>> -> memref<128xi32, #tpu.memory_space<vmem>>
      %dma_wait3A_413 = arith.constant 0 : i32
      %dma_wait3A_414 = tpu.memref_slice %arg4[%dma_wait3A_413] : memref<23887872xf32, #tpu.memory_space<hbm>> -> memref<23887872xf32, #tpu.memory_space<hbm>>
      tpu.wait_indirect_dma semaphore(%arg12 : memref<!tpu.dma_semaphore, #tpu.memory_space<semaphore_mem>>) src(%dma_wait3A_414 : memref<23887872xf32, #tpu.memory_space<hbm>>) dst(%dma_wait3A_409 : memref<128xf32, #tpu.memory_space<vmem>>)
      %dma_wait3A_415 = arith.constant 15 : i32
      %dma_wait3A_416 = arith.constant 1920 : i32
      %dma_wait3A_417 = tpu.memref_slice %arg10[%dma_wait3A_416] : memref<4096xf32, #tpu.memory_space<vmem>> -> memref<128xf32, #tpu.memory_space<vmem>>
      %dma_wait3A_418 = arith.constant 0 : i32
      %dma_wait3A_419 = tpu.memref_slice %arg8[%dma_wait3A_415, %dma_wait3A_418] : memref<32x128xi32, #tpu.memory_space<vmem>> -> memref<1x128xi32, #tpu.memory_space<vmem>>
      %dma_wait3A_420 = tpu.memref_squeeze %dma_wait3A_419 : memref<1x128xi32, #tpu.memory_space<vmem>> -> memref<128xi32, #tpu.memory_space<vmem>>
      %dma_wait3A_421 = arith.constant 0 : i32
      %dma_wait3A_422 = tpu.memref_slice %arg4[%dma_wait3A_421] : memref<23887872xf32, #tpu.memory_space<hbm>> -> memref<23887872xf32, #tpu.memory_space<hbm>>
      tpu.wait_indirect_dma semaphore(%arg12 : memref<!tpu.dma_semaphore, #tpu.memory_space<semaphore_mem>>) src(%dma_wait3A_422 : memref<23887872xf32, #tpu.memory_space<hbm>>) dst(%dma_wait3A_417 : memref<128xf32, #tpu.memory_space<vmem>>)
      %dma_wait3A_423 = arith.constant 16 : i32
      %dma_wait3A_424 = arith.constant 2048 : i32
      %dma_wait3A_425 = tpu.memref_slice %arg10[%dma_wait3A_424] : memref<4096xf32, #tpu.memory_space<vmem>> -> memref<128xf32, #tpu.memory_space<vmem>>
      %dma_wait3A_426 = arith.constant 0 : i32
      %dma_wait3A_427 = tpu.memref_slice %arg8[%dma_wait3A_423, %dma_wait3A_426] : memref<32x128xi32, #tpu.memory_space<vmem>> -> memref<1x128xi32, #tpu.memory_space<vmem>>
      %dma_wait3A_428 = tpu.memref_squeeze %dma_wait3A_427 : memref<1x128xi32, #tpu.memory_space<vmem>> -> memref<128xi32, #tpu.memory_space<vmem>>
      %dma_wait3A_429 = arith.constant 0 : i32
      %dma_wait3A_430 = tpu.memref_slice %arg4[%dma_wait3A_429] : memref<23887872xf32, #tpu.memory_space<hbm>> -> memref<23887872xf32, #tpu.memory_space<hbm>>
      tpu.wait_indirect_dma semaphore(%arg12 : memref<!tpu.dma_semaphore, #tpu.memory_space<semaphore_mem>>) src(%dma_wait3A_430 : memref<23887872xf32, #tpu.memory_space<hbm>>) dst(%dma_wait3A_425 : memref<128xf32, #tpu.memory_space<vmem>>)
      %dma_wait3A_431 = arith.constant 17 : i32
      %dma_wait3A_432 = arith.constant 2176 : i32
      %dma_wait3A_433 = tpu.memref_slice %arg10[%dma_wait3A_432] : memref<4096xf32, #tpu.memory_space<vmem>> -> memref<128xf32, #tpu.memory_space<vmem>>
      %dma_wait3A_434 = arith.constant 0 : i32
      %dma_wait3A_435 = tpu.memref_slice %arg8[%dma_wait3A_431, %dma_wait3A_434] : memref<32x128xi32, #tpu.memory_space<vmem>> -> memref<1x128xi32, #tpu.memory_space<vmem>>
      %dma_wait3A_436 = tpu.memref_squeeze %dma_wait3A_435 : memref<1x128xi32, #tpu.memory_space<vmem>> -> memref<128xi32, #tpu.memory_space<vmem>>
      %dma_wait3A_437 = arith.constant 0 : i32
      %dma_wait3A_438 = tpu.memref_slice %arg4[%dma_wait3A_437] : memref<23887872xf32, #tpu.memory_space<hbm>> -> memref<23887872xf32, #tpu.memory_space<hbm>>
      tpu.wait_indirect_dma semaphore(%arg12 : memref<!tpu.dma_semaphore, #tpu.memory_space<semaphore_mem>>) src(%dma_wait3A_438 : memref<23887872xf32, #tpu.memory_space<hbm>>) dst(%dma_wait3A_433 : memref<128xf32, #tpu.memory_space<vmem>>)
      %dma_wait3A_439 = arith.constant 18 : i32
      %dma_wait3A_440 = arith.constant 2304 : i32
      %dma_wait3A_441 = tpu.memref_slice %arg10[%dma_wait3A_440] : memref<4096xf32, #tpu.memory_space<vmem>> -> memref<128xf32, #tpu.memory_space<vmem>>
      %dma_wait3A_442 = arith.constant 0 : i32
      %dma_wait3A_443 = tpu.memref_slice %arg8[%dma_wait3A_439, %dma_wait3A_442] : memref<32x128xi32, #tpu.memory_space<vmem>> -> memref<1x128xi32, #tpu.memory_space<vmem>>
      %dma_wait3A_444 = tpu.memref_squeeze %dma_wait3A_443 : memref<1x128xi32, #tpu.memory_space<vmem>> -> memref<128xi32, #tpu.memory_space<vmem>>
      %dma_wait3A_445 = arith.constant 0 : i32
      %dma_wait3A_446 = tpu.memref_slice %arg4[%dma_wait3A_445] : memref<23887872xf32, #tpu.memory_space<hbm>> -> memref<23887872xf32, #tpu.memory_space<hbm>>
      tpu.wait_indirect_dma semaphore(%arg12 : memref<!tpu.dma_semaphore, #tpu.memory_space<semaphore_mem>>) src(%dma_wait3A_446 : memref<23887872xf32, #tpu.memory_space<hbm>>) dst(%dma_wait3A_441 : memref<128xf32, #tpu.memory_space<vmem>>)
      %dma_wait3A_447 = arith.constant 19 : i32
      %dma_wait3A_448 = arith.constant 2432 : i32
      %dma_wait3A_449 = tpu.memref_slice %arg10[%dma_wait3A_448] : memref<4096xf32, #tpu.memory_space<vmem>> -> memref<128xf32, #tpu.memory_space<vmem>>
      %dma_wait3A_450 = arith.constant 0 : i32
      %dma_wait3A_451 = tpu.memref_slice %arg8[%dma_wait3A_447, %dma_wait3A_450] : memref<32x128xi32, #tpu.memory_space<vmem>> -> memref<1x128xi32, #tpu.memory_space<vmem>>
      %dma_wait3A_452 = tpu.memref_squeeze %dma_wait3A_451 : memref<1x128xi32, #tpu.memory_space<vmem>> -> memref<128xi32, #tpu.memory_space<vmem>>
      %dma_wait3A_453 = arith.constant 0 : i32
      %dma_wait3A_454 = tpu.memref_slice %arg4[%dma_wait3A_453] : memref<23887872xf32, #tpu.memory_space<hbm>> -> memref<23887872xf32, #tpu.memory_space<hbm>>
      tpu.wait_indirect_dma semaphore(%arg12 : memref<!tpu.dma_semaphore, #tpu.memory_space<semaphore_mem>>) src(%dma_wait3A_454 : memref<23887872xf32, #tpu.memory_space<hbm>>) dst(%dma_wait3A_449 : memref<128xf32, #tpu.memory_space<vmem>>)
      %dma_wait3A_455 = arith.constant 20 : i32
      %dma_wait3A_456 = arith.constant 2560 : i32
      %dma_wait3A_457 = tpu.memref_slice %arg10[%dma_wait3A_456] : memref<4096xf32, #tpu.memory_space<vmem>> -> memref<128xf32, #tpu.memory_space<vmem>>
      %dma_wait3A_458 = arith.constant 0 : i32
      %dma_wait3A_459 = tpu.memref_slice %arg8[%dma_wait3A_455, %dma_wait3A_458] : memref<32x128xi32, #tpu.memory_space<vmem>> -> memref<1x128xi32, #tpu.memory_space<vmem>>
      %dma_wait3A_460 = tpu.memref_squeeze %dma_wait3A_459 : memref<1x128xi32, #tpu.memory_space<vmem>> -> memref<128xi32, #tpu.memory_space<vmem>>
      %dma_wait3A_461 = arith.constant 0 : i32
      %dma_wait3A_462 = tpu.memref_slice %arg4[%dma_wait3A_461] : memref<23887872xf32, #tpu.memory_space<hbm>> -> memref<23887872xf32, #tpu.memory_space<hbm>>
      tpu.wait_indirect_dma semaphore(%arg12 : memref<!tpu.dma_semaphore, #tpu.memory_space<semaphore_mem>>) src(%dma_wait3A_462 : memref<23887872xf32, #tpu.memory_space<hbm>>) dst(%dma_wait3A_457 : memref<128xf32, #tpu.memory_space<vmem>>)
      %dma_wait3A_463 = arith.constant 21 : i32
      %dma_wait3A_464 = arith.constant 2688 : i32
      %dma_wait3A_465 = tpu.memref_slice %arg10[%dma_wait3A_464] : memref<4096xf32, #tpu.memory_space<vmem>> -> memref<128xf32, #tpu.memory_space<vmem>>
      %dma_wait3A_466 = arith.constant 0 : i32
      %dma_wait3A_467 = tpu.memref_slice %arg8[%dma_wait3A_463, %dma_wait3A_466] : memref<32x128xi32, #tpu.memory_space<vmem>> -> memref<1x128xi32, #tpu.memory_space<vmem>>
      %dma_wait3A_468 = tpu.memref_squeeze %dma_wait3A_467 : memref<1x128xi32, #tpu.memory_space<vmem>> -> memref<128xi32, #tpu.memory_space<vmem>>
      %dma_wait3A_469 = arith.constant 0 : i32
      %dma_wait3A_470 = tpu.memref_slice %arg4[%dma_wait3A_469] : memref<23887872xf32, #tpu.memory_space<hbm>> -> memref<23887872xf32, #tpu.memory_space<hbm>>
      tpu.wait_indirect_dma semaphore(%arg12 : memref<!tpu.dma_semaphore, #tpu.memory_space<semaphore_mem>>) src(%dma_wait3A_470 : memref<23887872xf32, #tpu.memory_space<hbm>>) dst(%dma_wait3A_465 : memref<128xf32, #tpu.memory_space<vmem>>)
      %dma_wait3A_471 = arith.constant 22 : i32
      %dma_wait3A_472 = arith.constant 2816 : i32
      %dma_wait3A_473 = tpu.memref_slice %arg10[%dma_wait3A_472] : memref<4096xf32, #tpu.memory_space<vmem>> -> memref<128xf32, #tpu.memory_space<vmem>>
      %dma_wait3A_474 = arith.constant 0 : i32
      %dma_wait3A_475 = tpu.memref_slice %arg8[%dma_wait3A_471, %dma_wait3A_474] : memref<32x128xi32, #tpu.memory_space<vmem>> -> memref<1x128xi32, #tpu.memory_space<vmem>>
      %dma_wait3A_476 = tpu.memref_squeeze %dma_wait3A_475 : memref<1x128xi32, #tpu.memory_space<vmem>> -> memref<128xi32, #tpu.memory_space<vmem>>
      %dma_wait3A_477 = arith.constant 0 : i32
      %dma_wait3A_478 = tpu.memref_slice %arg4[%dma_wait3A_477] : memref<23887872xf32, #tpu.memory_space<hbm>> -> memref<23887872xf32, #tpu.memory_space<hbm>>
      tpu.wait_indirect_dma semaphore(%arg12 : memref<!tpu.dma_semaphore, #tpu.memory_space<semaphore_mem>>) src(%dma_wait3A_478 : memref<23887872xf32, #tpu.memory_space<hbm>>) dst(%dma_wait3A_473 : memref<128xf32, #tpu.memory_space<vmem>>)
      %dma_wait3A_479 = arith.constant 23 : i32
      %dma_wait3A_480 = arith.constant 2944 : i32
      %dma_wait3A_481 = tpu.memref_slice %arg10[%dma_wait3A_480] : memref<4096xf32, #tpu.memory_space<vmem>> -> memref<128xf32, #tpu.memory_space<vmem>>
      %dma_wait3A_482 = arith.constant 0 : i32
      %dma_wait3A_483 = tpu.memref_slice %arg8[%dma_wait3A_479, %dma_wait3A_482] : memref<32x128xi32, #tpu.memory_space<vmem>> -> memref<1x128xi32, #tpu.memory_space<vmem>>
      %dma_wait3A_484 = tpu.memref_squeeze %dma_wait3A_483 : memref<1x128xi32, #tpu.memory_space<vmem>> -> memref<128xi32, #tpu.memory_space<vmem>>
      %dma_wait3A_485 = arith.constant 0 : i32
      %dma_wait3A_486 = tpu.memref_slice %arg4[%dma_wait3A_485] : memref<23887872xf32, #tpu.memory_space<hbm>> -> memref<23887872xf32, #tpu.memory_space<hbm>>
      tpu.wait_indirect_dma semaphore(%arg12 : memref<!tpu.dma_semaphore, #tpu.memory_space<semaphore_mem>>) src(%dma_wait3A_486 : memref<23887872xf32, #tpu.memory_space<hbm>>) dst(%dma_wait3A_481 : memref<128xf32, #tpu.memory_space<vmem>>)
      %dma_wait3A_487 = arith.constant 24 : i32
      %dma_wait3A_488 = arith.constant 3072 : i32
      %dma_wait3A_489 = tpu.memref_slice %arg10[%dma_wait3A_488] : memref<4096xf32, #tpu.memory_space<vmem>> -> memref<128xf32, #tpu.memory_space<vmem>>
      %dma_wait3A_490 = arith.constant 0 : i32
      %dma_wait3A_491 = tpu.memref_slice %arg8[%dma_wait3A_487, %dma_wait3A_490] : memref<32x128xi32, #tpu.memory_space<vmem>> -> memref<1x128xi32, #tpu.memory_space<vmem>>
      %dma_wait3A_492 = tpu.memref_squeeze %dma_wait3A_491 : memref<1x128xi32, #tpu.memory_space<vmem>> -> memref<128xi32, #tpu.memory_space<vmem>>
      %dma_wait3A_493 = arith.constant 0 : i32
      %dma_wait3A_494 = tpu.memref_slice %arg4[%dma_wait3A_493] : memref<23887872xf32, #tpu.memory_space<hbm>> -> memref<23887872xf32, #tpu.memory_space<hbm>>
      tpu.wait_indirect_dma semaphore(%arg12 : memref<!tpu.dma_semaphore, #tpu.memory_space<semaphore_mem>>) src(%dma_wait3A_494 : memref<23887872xf32, #tpu.memory_space<hbm>>) dst(%dma_wait3A_489 : memref<128xf32, #tpu.memory_space<vmem>>)
      %dma_wait3A_495 = arith.constant 25 : i32
      %dma_wait3A_496 = arith.constant 3200 : i32
      %dma_wait3A_497 = tpu.memref_slice %arg10[%dma_wait3A_496] : memref<4096xf32, #tpu.memory_space<vmem>> -> memref<128xf32, #tpu.memory_space<vmem>>
      %dma_wait3A_498 = arith.constant 0 : i32
      %dma_wait3A_499 = tpu.memref_slice %arg8[%dma_wait3A_495, %dma_wait3A_498] : memref<32x128xi32, #tpu.memory_space<vmem>> -> memref<1x128xi32, #tpu.memory_space<vmem>>
      %dma_wait3A_500 = tpu.memref_squeeze %dma_wait3A_499 : memref<1x128xi32, #tpu.memory_space<vmem>> -> memref<128xi32, #tpu.memory_space<vmem>>
      %dma_wait3A_501 = arith.constant 0 : i32
      %dma_wait3A_502 = tpu.memref_slice %arg4[%dma_wait3A_501] : memref<23887872xf32, #tpu.memory_space<hbm>> -> memref<23887872xf32, #tpu.memory_space<hbm>>
      tpu.wait_indirect_dma semaphore(%arg12 : memref<!tpu.dma_semaphore, #tpu.memory_space<semaphore_mem>>) src(%dma_wait3A_502 : memref<23887872xf32, #tpu.memory_space<hbm>>) dst(%dma_wait3A_497 : memref<128xf32, #tpu.memory_space<vmem>>)
      %dma_wait3A_503 = arith.constant 26 : i32
      %dma_wait3A_504 = arith.constant 3328 : i32
      %dma_wait3A_505 = tpu.memref_slice %arg10[%dma_wait3A_504] : memref<4096xf32, #tpu.memory_space<vmem>> -> memref<128xf32, #tpu.memory_space<vmem>>
      %dma_wait3A_506 = arith.constant 0 : i32
      %dma_wait3A_507 = tpu.memref_slice %arg8[%dma_wait3A_503, %dma_wait3A_506] : memref<32x128xi32, #tpu.memory_space<vmem>> -> memref<1x128xi32, #tpu.memory_space<vmem>>
      %dma_wait3A_508 = tpu.memref_squeeze %dma_wait3A_507 : memref<1x128xi32, #tpu.memory_space<vmem>> -> memref<128xi32, #tpu.memory_space<vmem>>
      %dma_wait3A_509 = arith.constant 0 : i32
      %dma_wait3A_510 = tpu.memref_slice %arg4[%dma_wait3A_509] : memref<23887872xf32, #tpu.memory_space<hbm>> -> memref<23887872xf32, #tpu.memory_space<hbm>>
      tpu.wait_indirect_dma semaphore(%arg12 : memref<!tpu.dma_semaphore, #tpu.memory_space<semaphore_mem>>) src(%dma_wait3A_510 : memref<23887872xf32, #tpu.memory_space<hbm>>) dst(%dma_wait3A_505 : memref<128xf32, #tpu.memory_space<vmem>>)
      %dma_wait3A_511 = arith.constant 27 : i32
      %dma_wait3A_512 = arith.constant 3456 : i32
      %dma_wait3A_513 = tpu.memref_slice %arg10[%dma_wait3A_512] : memref<4096xf32, #tpu.memory_space<vmem>> -> memref<128xf32, #tpu.memory_space<vmem>>
      %dma_wait3A_514 = arith.constant 0 : i32
      %dma_wait3A_515 = tpu.memref_slice %arg8[%dma_wait3A_511, %dma_wait3A_514] : memref<32x128xi32, #tpu.memory_space<vmem>> -> memref<1x128xi32, #tpu.memory_space<vmem>>
      %dma_wait3A_516 = tpu.memref_squeeze %dma_wait3A_515 : memref<1x128xi32, #tpu.memory_space<vmem>> -> memref<128xi32, #tpu.memory_space<vmem>>
      %dma_wait3A_517 = arith.constant 0 : i32
      %dma_wait3A_518 = tpu.memref_slice %arg4[%dma_wait3A_517] : memref<23887872xf32, #tpu.memory_space<hbm>> -> memref<23887872xf32, #tpu.memory_space<hbm>>
      tpu.wait_indirect_dma semaphore(%arg12 : memref<!tpu.dma_semaphore, #tpu.memory_space<semaphore_mem>>) src(%dma_wait3A_518 : memref<23887872xf32, #tpu.memory_space<hbm>>) dst(%dma_wait3A_513 : memref<128xf32, #tpu.memory_space<vmem>>)
      %dma_wait3A_519 = arith.constant 28 : i32
      %dma_wait3A_520 = arith.constant 3584 : i32
      %dma_wait3A_521 = tpu.memref_slice %arg10[%dma_wait3A_520] : memref<4096xf32, #tpu.memory_space<vmem>> -> memref<128xf32, #tpu.memory_space<vmem>>
      %dma_wait3A_522 = arith.constant 0 : i32
      %dma_wait3A_523 = tpu.memref_slice %arg8[%dma_wait3A_519, %dma_wait3A_522] : memref<32x128xi32, #tpu.memory_space<vmem>> -> memref<1x128xi32, #tpu.memory_space<vmem>>
      %dma_wait3A_524 = tpu.memref_squeeze %dma_wait3A_523 : memref<1x128xi32, #tpu.memory_space<vmem>> -> memref<128xi32, #tpu.memory_space<vmem>>
      %dma_wait3A_525 = arith.constant 0 : i32
      %dma_wait3A_526 = tpu.memref_slice %arg4[%dma_wait3A_525] : memref<23887872xf32, #tpu.memory_space<hbm>> -> memref<23887872xf32, #tpu.memory_space<hbm>>
      tpu.wait_indirect_dma semaphore(%arg12 : memref<!tpu.dma_semaphore, #tpu.memory_space<semaphore_mem>>) src(%dma_wait3A_526 : memref<23887872xf32, #tpu.memory_space<hbm>>) dst(%dma_wait3A_521 : memref<128xf32, #tpu.memory_space<vmem>>)
      %dma_wait3A_527 = arith.constant 29 : i32
      %dma_wait3A_528 = arith.constant 3712 : i32
      %dma_wait3A_529 = tpu.memref_slice %arg10[%dma_wait3A_528] : memref<4096xf32, #tpu.memory_space<vmem>> -> memref<128xf32, #tpu.memory_space<vmem>>
      %dma_wait3A_530 = arith.constant 0 : i32
      %dma_wait3A_531 = tpu.memref_slice %arg8[%dma_wait3A_527, %dma_wait3A_530] : memref<32x128xi32, #tpu.memory_space<vmem>> -> memref<1x128xi32, #tpu.memory_space<vmem>>
      %dma_wait3A_532 = tpu.memref_squeeze %dma_wait3A_531 : memref<1x128xi32, #tpu.memory_space<vmem>> -> memref<128xi32, #tpu.memory_space<vmem>>
      %dma_wait3A_533 = arith.constant 0 : i32
      %dma_wait3A_534 = tpu.memref_slice %arg4[%dma_wait3A_533] : memref<23887872xf32, #tpu.memory_space<hbm>> -> memref<23887872xf32, #tpu.memory_space<hbm>>
      tpu.wait_indirect_dma semaphore(%arg12 : memref<!tpu.dma_semaphore, #tpu.memory_space<semaphore_mem>>) src(%dma_wait3A_534 : memref<23887872xf32, #tpu.memory_space<hbm>>) dst(%dma_wait3A_529 : memref<128xf32, #tpu.memory_space<vmem>>)
      %dma_wait3A_535 = arith.constant 30 : i32
      %dma_wait3A_536 = arith.constant 3840 : i32
      %dma_wait3A_537 = tpu.memref_slice %arg10[%dma_wait3A_536] : memref<4096xf32, #tpu.memory_space<vmem>> -> memref<128xf32, #tpu.memory_space<vmem>>
      %dma_wait3A_538 = arith.constant 0 : i32
      %dma_wait3A_539 = tpu.memref_slice %arg8[%dma_wait3A_535, %dma_wait3A_538] : memref<32x128xi32, #tpu.memory_space<vmem>> -> memref<1x128xi32, #tpu.memory_space<vmem>>
      %dma_wait3A_540 = tpu.memref_squeeze %dma_wait3A_539 : memref<1x128xi32, #tpu.memory_space<vmem>> -> memref<128xi32, #tpu.memory_space<vmem>>
      %dma_wait3A_541 = arith.constant 0 : i32
      %dma_wait3A_542 = tpu.memref_slice %arg4[%dma_wait3A_541] : memref<23887872xf32, #tpu.memory_space<hbm>> -> memref<23887872xf32, #tpu.memory_space<hbm>>
      tpu.wait_indirect_dma semaphore(%arg12 : memref<!tpu.dma_semaphore, #tpu.memory_space<semaphore_mem>>) src(%dma_wait3A_542 : memref<23887872xf32, #tpu.memory_space<hbm>>) dst(%dma_wait3A_537 : memref<128xf32, #tpu.memory_space<vmem>>)
      %dma_wait3A_543 = arith.constant 31 : i32
      %dma_wait3A_544 = arith.constant 3968 : i32
      %dma_wait3A_545 = tpu.memref_slice %arg10[%dma_wait3A_544] : memref<4096xf32, #tpu.memory_space<vmem>> -> memref<128xf32, #tpu.memory_space<vmem>>
      %dma_wait3A_546 = arith.constant 0 : i32
      %dma_wait3A_547 = tpu.memref_slice %arg8[%dma_wait3A_543, %dma_wait3A_546] : memref<32x128xi32, #tpu.memory_space<vmem>> -> memref<1x128xi32, #tpu.memory_space<vmem>>
      %dma_wait3A_548 = tpu.memref_squeeze %dma_wait3A_547 : memref<1x128xi32, #tpu.memory_space<vmem>> -> memref<128xi32, #tpu.memory_space<vmem>>
      %dma_wait3A_549 = arith.constant 0 : i32
      %dma_wait3A_550 = tpu.memref_slice %arg4[%dma_wait3A_549] : memref<23887872xf32, #tpu.memory_space<hbm>> -> memref<23887872xf32, #tpu.memory_space<hbm>>
      tpu.wait_indirect_dma semaphore(%arg12 : memref<!tpu.dma_semaphore, #tpu.memory_space<semaphore_mem>>) src(%dma_wait3A_550 : memref<23887872xf32, #tpu.memory_space<hbm>>) dst(%dma_wait3A_545 : memref<128xf32, #tpu.memory_space<vmem>>)
      "tpu.region"() ({
        %run_scoped3A = tpu.sem_alloc : memref<!tpu.dma_semaphore, #tpu.memory_space<semaphore_mem>>
        %dma_start3A_551 = arith.constant 0 : i32
        %dma_start3A_552 = tpu.memref_slice %arg6[%select_n3A, %dma_start3A_551] : memref<16x6912xf32, #tpu.memory_space<hbm>> -> memref<1x4096xf32, #tpu.memory_space<hbm>>
        %dma_start3A_553 = tpu.memref_squeeze %dma_start3A_552 : memref<1x4096xf32, #tpu.memory_space<hbm>> -> memref<4096xf32, #tpu.memory_space<hbm>>
        %dma_start3A_554 = arith.constant 0 : i32
        %dma_start3A_555 = tpu.memref_slice %arg6[%select_n3A, %dma_start3A_554] : memref<16x6912xf32, #tpu.memory_space<hbm>> -> memref<1x4096xf32, #tpu.memory_space<hbm>>
        %dma_start3A_556 = tpu.memref_squeeze %dma_start3A_555 : memref<1x4096xf32, #tpu.memory_space<hbm>> -> memref<4096xf32, #tpu.memory_space<hbm>>
        tpu.enqueue_dma source(%arg10 : memref<4096xf32, #tpu.memory_space<vmem>>) target(%dma_start3A_556 : memref<4096xf32, #tpu.memory_space<hbm>>) target_semaphore(%run_scoped3A : memref<!tpu.dma_semaphore, #tpu.memory_space<semaphore_mem>>)
        %dma_wait3A_557 = arith.constant 0 : i32
        %dma_wait3A_558 = tpu.memref_slice %arg6[%select_n3A, %dma_wait3A_557] : memref<16x6912xf32, #tpu.memory_space<hbm>> -> memref<1x4096xf32, #tpu.memory_space<hbm>>
        %dma_wait3A_559 = tpu.memref_squeeze %dma_wait3A_558 : memref<1x4096xf32, #tpu.memory_space<hbm>> -> memref<4096xf32, #tpu.memory_space<hbm>>
        %dma_wait3A_560 = arith.constant 0 : i32
        %dma_wait3A_561 = tpu.memref_slice %arg6[%select_n3A, %dma_wait3A_560] : memref<16x6912xf32, #tpu.memory_space<hbm>> -> memref<1x4096xf32, #tpu.memory_space<hbm>>
        %dma_wait3A_562 = tpu.memref_squeeze %dma_wait3A_561 : memref<1x4096xf32, #tpu.memory_space<hbm>> -> memref<4096xf32, #tpu.memory_space<hbm>>
        tpu.wait_dma2 semaphore(%run_scoped3A : memref<!tpu.dma_semaphore, #tpu.memory_space<semaphore_mem>>) src(%arg10 : memref<4096xf32, #tpu.memory_space<vmem>>) dst(%dma_wait3A_562 : memref<4096xf32, #tpu.memory_space<hbm>>)
        tpu.yield
      }) : () -> ()
    } else {
    }
    %eq3A_36 = arith.constant 1 : i32
    %eq3A_37 = arith.cmpi eq, %select_n3A_30, %eq3A_36 : i32
    %convert_element_type3A_38 = arith.extui %eq3A_37 : i1 to i32
    %cond3A_39 = arith.constant 0 : i32
    %cond3A_40 = arith.cmpi ne, %convert_element_type3A_38, %cond3A_39 : i32
    scf.if %cond3A_40 {
      %dma_start3A = arith.constant 0 : i32
      %dma_start3A_41 = arith.constant 0 : i32
      %dma_start3A_42 = tpu.memref_slice %arg10[%dma_start3A_41] : memref<4096xf32, #tpu.memory_space<vmem>> -> memref<128xf32, #tpu.memory_space<vmem>>
      %dma_start3A_43 = arith.constant 0 : i32
      %dma_start3A_44 = tpu.memref_slice %arg8[%dma_start3A, %dma_start3A_43] : memref<32x128xi32, #tpu.memory_space<vmem>> -> memref<1x128xi32, #tpu.memory_space<vmem>>
      %dma_start3A_45 = tpu.memref_squeeze %dma_start3A_44 : memref<1x128xi32, #tpu.memory_space<vmem>> -> memref<128xi32, #tpu.memory_space<vmem>>
      %dma_start3A_46 = arith.constant 0 : i32
      %dma_start3A_47 = tpu.memref_slice %arg4[%dma_start3A_46] : memref<23887872xf32, #tpu.memory_space<hbm>> -> memref<23887872xf32, #tpu.memory_space<hbm>>
      tpu.enqueue_indirect_dma source(%dma_start3A_47 : memref<23887872xf32, #tpu.memory_space<hbm>>) target(%dma_start3A_42 : memref<128xf32, #tpu.memory_space<vmem>>) offsets(%dma_start3A_45 : memref<128xi32, #tpu.memory_space<vmem>>) semaphore(%arg12 : memref<!tpu.dma_semaphore, #tpu.memory_space<semaphore_mem>>)
      %dma_start3A_48 = arith.constant 1 : i32
      %dma_start3A_49 = arith.constant 128 : i32
      %dma_start3A_50 = tpu.memref_slice %arg10[%dma_start3A_49] : memref<4096xf32, #tpu.memory_space<vmem>> -> memref<128xf32, #tpu.memory_space<vmem>>
      %dma_start3A_51 = arith.constant 0 : i32
      %dma_start3A_52 = tpu.memref_slice %arg8[%dma_start3A_48, %dma_start3A_51] : memref<32x128xi32, #tpu.memory_space<vmem>> -> memref<1x128xi32, #tpu.memory_space<vmem>>
      %dma_start3A_53 = tpu.memref_squeeze %dma_start3A_52 : memref<1x128xi32, #tpu.memory_space<vmem>> -> memref<128xi32, #tpu.memory_space<vmem>>
      %dma_start3A_54 = arith.constant 0 : i32
      %dma_start3A_55 = tpu.memref_slice %arg4[%dma_start3A_54] : memref<23887872xf32, #tpu.memory_space<hbm>> -> memref<23887872xf32, #tpu.memory_space<hbm>>
      tpu.enqueue_indirect_dma source(%dma_start3A_55 : memref<23887872xf32, #tpu.memory_space<hbm>>) target(%dma_start3A_50 : memref<128xf32, #tpu.memory_space<vmem>>) offsets(%dma_start3A_53 : memref<128xi32, #tpu.memory_space<vmem>>) semaphore(%arg12 : memref<!tpu.dma_semaphore, #tpu.memory_space<semaphore_mem>>)
      %dma_start3A_56 = arith.constant 2 : i32
      %dma_start3A_57 = arith.constant 256 : i32
      %dma_start3A_58 = tpu.memref_slice %arg10[%dma_start3A_57] : memref<4096xf32, #tpu.memory_space<vmem>> -> memref<128xf32, #tpu.memory_space<vmem>>
      %dma_start3A_59 = arith.constant 0 : i32
      %dma_start3A_60 = tpu.memref_slice %arg8[%dma_start3A_56, %dma_start3A_59] : memref<32x128xi32, #tpu.memory_space<vmem>> -> memref<1x128xi32, #tpu.memory_space<vmem>>
      %dma_start3A_61 = tpu.memref_squeeze %dma_start3A_60 : memref<1x128xi32, #tpu.memory_space<vmem>> -> memref<128xi32, #tpu.memory_space<vmem>>
      %dma_start3A_62 = arith.constant 0 : i32
      %dma_start3A_63 = tpu.memref_slice %arg4[%dma_start3A_62] : memref<23887872xf32, #tpu.memory_space<hbm>> -> memref<23887872xf32, #tpu.memory_space<hbm>>
      tpu.enqueue_indirect_dma source(%dma_start3A_63 : memref<23887872xf32, #tpu.memory_space<hbm>>) target(%dma_start3A_58 : memref<128xf32, #tpu.memory_space<vmem>>) offsets(%dma_start3A_61 : memref<128xi32, #tpu.memory_space<vmem>>) semaphore(%arg12 : memref<!tpu.dma_semaphore, #tpu.memory_space<semaphore_mem>>)
      %dma_start3A_64 = arith.constant 3 : i32
      %dma_start3A_65 = arith.constant 384 : i32
      %dma_start3A_66 = tpu.memref_slice %arg10[%dma_start3A_65] : memref<4096xf32, #tpu.memory_space<vmem>> -> memref<128xf32, #tpu.memory_space<vmem>>
      %dma_start3A_67 = arith.constant 0 : i32
      %dma_start3A_68 = tpu.memref_slice %arg8[%dma_start3A_64, %dma_start3A_67] : memref<32x128xi32, #tpu.memory_space<vmem>> -> memref<1x128xi32, #tpu.memory_space<vmem>>
      %dma_start3A_69 = tpu.memref_squeeze %dma_start3A_68 : memref<1x128xi32, #tpu.memory_space<vmem>> -> memref<128xi32, #tpu.memory_space<vmem>>
      %dma_start3A_70 = arith.constant 0 : i32
      %dma_start3A_71 = tpu.memref_slice %arg4[%dma_start3A_70] : memref<23887872xf32, #tpu.memory_space<hbm>> -> memref<23887872xf32, #tpu.memory_space<hbm>>
      tpu.enqueue_indirect_dma source(%dma_start3A_71 : memref<23887872xf32, #tpu.memory_space<hbm>>) target(%dma_start3A_66 : memref<128xf32, #tpu.memory_space<vmem>>) offsets(%dma_start3A_69 : memref<128xi32, #tpu.memory_space<vmem>>) semaphore(%arg12 : memref<!tpu.dma_semaphore, #tpu.memory_space<semaphore_mem>>)
      %dma_start3A_72 = arith.constant 4 : i32
      %dma_start3A_73 = arith.constant 512 : i32
      %dma_start3A_74 = tpu.memref_slice %arg10[%dma_start3A_73] : memref<4096xf32, #tpu.memory_space<vmem>> -> memref<128xf32, #tpu.memory_space<vmem>>
      %dma_start3A_75 = arith.constant 0 : i32
      %dma_start3A_76 = tpu.memref_slice %arg8[%dma_start3A_72, %dma_start3A_75] : memref<32x128xi32, #tpu.memory_space<vmem>> -> memref<1x128xi32, #tpu.memory_space<vmem>>
      %dma_start3A_77 = tpu.memref_squeeze %dma_start3A_76 : memref<1x128xi32, #tpu.memory_space<vmem>> -> memref<128xi32, #tpu.memory_space<vmem>>
      %dma_start3A_78 = arith.constant 0 : i32
      %dma_start3A_79 = tpu.memref_slice %arg4[%dma_start3A_78] : memref<23887872xf32, #tpu.memory_space<hbm>> -> memref<23887872xf32, #tpu.memory_space<hbm>>
      tpu.enqueue_indirect_dma source(%dma_start3A_79 : memref<23887872xf32, #tpu.memory_space<hbm>>) target(%dma_start3A_74 : memref<128xf32, #tpu.memory_space<vmem>>) offsets(%dma_start3A_77 : memref<128xi32, #tpu.memory_space<vmem>>) semaphore(%arg12 : memref<!tpu.dma_semaphore, #tpu.memory_space<semaphore_mem>>)
      %dma_start3A_80 = arith.constant 5 : i32
      %dma_start3A_81 = arith.constant 640 : i32
      %dma_start3A_82 = tpu.memref_slice %arg10[%dma_start3A_81] : memref<4096xf32, #tpu.memory_space<vmem>> -> memref<128xf32, #tpu.memory_space<vmem>>
      %dma_start3A_83 = arith.constant 0 : i32
      %dma_start3A_84 = tpu.memref_slice %arg8[%dma_start3A_80, %dma_start3A_83] : memref<32x128xi32, #tpu.memory_space<vmem>> -> memref<1x128xi32, #tpu.memory_space<vmem>>
      %dma_start3A_85 = tpu.memref_squeeze %dma_start3A_84 : memref<1x128xi32, #tpu.memory_space<vmem>> -> memref<128xi32, #tpu.memory_space<vmem>>
      %dma_start3A_86 = arith.constant 0 : i32
      %dma_start3A_87 = tpu.memref_slice %arg4[%dma_start3A_86] : memref<23887872xf32, #tpu.memory_space<hbm>> -> memref<23887872xf32, #tpu.memory_space<hbm>>
      tpu.enqueue_indirect_dma source(%dma_start3A_87 : memref<23887872xf32, #tpu.memory_space<hbm>>) target(%dma_start3A_82 : memref<128xf32, #tpu.memory_space<vmem>>) offsets(%dma_start3A_85 : memref<128xi32, #tpu.memory_space<vmem>>) semaphore(%arg12 : memref<!tpu.dma_semaphore, #tpu.memory_space<semaphore_mem>>)
      %dma_start3A_88 = arith.constant 6 : i32
      %dma_start3A_89 = arith.constant 768 : i32
      %dma_start3A_90 = tpu.memref_slice %arg10[%dma_start3A_89] : memref<4096xf32, #tpu.memory_space<vmem>> -> memref<128xf32, #tpu.memory_space<vmem>>
      %dma_start3A_91 = arith.constant 0 : i32
      %dma_start3A_92 = tpu.memref_slice %arg8[%dma_start3A_88, %dma_start3A_91] : memref<32x128xi32, #tpu.memory_space<vmem>> -> memref<1x128xi32, #tpu.memory_space<vmem>>
      %dma_start3A_93 = tpu.memref_squeeze %dma_start3A_92 : memref<1x128xi32, #tpu.memory_space<vmem>> -> memref<128xi32, #tpu.memory_space<vmem>>
      %dma_start3A_94 = arith.constant 0 : i32
      %dma_start3A_95 = tpu.memref_slice %arg4[%dma_start3A_94] : memref<23887872xf32, #tpu.memory_space<hbm>> -> memref<23887872xf32, #tpu.memory_space<hbm>>
      tpu.enqueue_indirect_dma source(%dma_start3A_95 : memref<23887872xf32, #tpu.memory_space<hbm>>) target(%dma_start3A_90 : memref<128xf32, #tpu.memory_space<vmem>>) offsets(%dma_start3A_93 : memref<128xi32, #tpu.memory_space<vmem>>) semaphore(%arg12 : memref<!tpu.dma_semaphore, #tpu.memory_space<semaphore_mem>>)
      %dma_start3A_96 = arith.constant 7 : i32
      %dma_start3A_97 = arith.constant 896 : i32
      %dma_start3A_98 = tpu.memref_slice %arg10[%dma_start3A_97] : memref<4096xf32, #tpu.memory_space<vmem>> -> memref<128xf32, #tpu.memory_space<vmem>>
      %dma_start3A_99 = arith.constant 0 : i32
      %dma_start3A_100 = tpu.memref_slice %arg8[%dma_start3A_96, %dma_start3A_99] : memref<32x128xi32, #tpu.memory_space<vmem>> -> memref<1x128xi32, #tpu.memory_space<vmem>>
      %dma_start3A_101 = tpu.memref_squeeze %dma_start3A_100 : memref<1x128xi32, #tpu.memory_space<vmem>> -> memref<128xi32, #tpu.memory_space<vmem>>
      %dma_start3A_102 = arith.constant 0 : i32
      %dma_start3A_103 = tpu.memref_slice %arg4[%dma_start3A_102] : memref<23887872xf32, #tpu.memory_space<hbm>> -> memref<23887872xf32, #tpu.memory_space<hbm>>
      tpu.enqueue_indirect_dma source(%dma_start3A_103 : memref<23887872xf32, #tpu.memory_space<hbm>>) target(%dma_start3A_98 : memref<128xf32, #tpu.memory_space<vmem>>) offsets(%dma_start3A_101 : memref<128xi32, #tpu.memory_space<vmem>>) semaphore(%arg12 : memref<!tpu.dma_semaphore, #tpu.memory_space<semaphore_mem>>)
      %dma_start3A_104 = arith.constant 8 : i32
      %dma_start3A_105 = arith.constant 1024 : i32
      %dma_start3A_106 = tpu.memref_slice %arg10[%dma_start3A_105] : memref<4096xf32, #tpu.memory_space<vmem>> -> memref<128xf32, #tpu.memory_space<vmem>>
      %dma_start3A_107 = arith.constant 0 : i32
      %dma_start3A_108 = tpu.memref_slice %arg8[%dma_start3A_104, %dma_start3A_107] : memref<32x128xi32, #tpu.memory_space<vmem>> -> memref<1x128xi32, #tpu.memory_space<vmem>>
      %dma_start3A_109 = tpu.memref_squeeze %dma_start3A_108 : memref<1x128xi32, #tpu.memory_space<vmem>> -> memref<128xi32, #tpu.memory_space<vmem>>
      %dma_start3A_110 = arith.constant 0 : i32
      %dma_start3A_111 = tpu.memref_slice %arg4[%dma_start3A_110] : memref<23887872xf32, #tpu.memory_space<hbm>> -> memref<23887872xf32, #tpu.memory_space<hbm>>
      tpu.enqueue_indirect_dma source(%dma_start3A_111 : memref<23887872xf32, #tpu.memory_space<hbm>>) target(%dma_start3A_106 : memref<128xf32, #tpu.memory_space<vmem>>) offsets(%dma_start3A_109 : memref<128xi32, #tpu.memory_space<vmem>>) semaphore(%arg12 : memref<!tpu.dma_semaphore, #tpu.memory_space<semaphore_mem>>)
      %dma_start3A_112 = arith.constant 9 : i32
      %dma_start3A_113 = arith.constant 1152 : i32
      %dma_start3A_114 = tpu.memref_slice %arg10[%dma_start3A_113] : memref<4096xf32, #tpu.memory_space<vmem>> -> memref<128xf32, #tpu.memory_space<vmem>>
      %dma_start3A_115 = arith.constant 0 : i32
      %dma_start3A_116 = tpu.memref_slice %arg8[%dma_start3A_112, %dma_start3A_115] : memref<32x128xi32, #tpu.memory_space<vmem>> -> memref<1x128xi32, #tpu.memory_space<vmem>>
      %dma_start3A_117 = tpu.memref_squeeze %dma_start3A_116 : memref<1x128xi32, #tpu.memory_space<vmem>> -> memref<128xi32, #tpu.memory_space<vmem>>
      %dma_start3A_118 = arith.constant 0 : i32
      %dma_start3A_119 = tpu.memref_slice %arg4[%dma_start3A_118] : memref<23887872xf32, #tpu.memory_space<hbm>> -> memref<23887872xf32, #tpu.memory_space<hbm>>
      tpu.enqueue_indirect_dma source(%dma_start3A_119 : memref<23887872xf32, #tpu.memory_space<hbm>>) target(%dma_start3A_114 : memref<128xf32, #tpu.memory_space<vmem>>) offsets(%dma_start3A_117 : memref<128xi32, #tpu.memory_space<vmem>>) semaphore(%arg12 : memref<!tpu.dma_semaphore, #tpu.memory_space<semaphore_mem>>)
      %dma_start3A_120 = arith.constant 10 : i32
      %dma_start3A_121 = arith.constant 1280 : i32
      %dma_start3A_122 = tpu.memref_slice %arg10[%dma_start3A_121] : memref<4096xf32, #tpu.memory_space<vmem>> -> memref<128xf32, #tpu.memory_space<vmem>>
      %dma_start3A_123 = arith.constant 0 : i32
      %dma_start3A_124 = tpu.memref_slice %arg8[%dma_start3A_120, %dma_start3A_123] : memref<32x128xi32, #tpu.memory_space<vmem>> -> memref<1x128xi32, #tpu.memory_space<vmem>>
      %dma_start3A_125 = tpu.memref_squeeze %dma_start3A_124 : memref<1x128xi32, #tpu.memory_space<vmem>> -> memref<128xi32, #tpu.memory_space<vmem>>
      %dma_start3A_126 = arith.constant 0 : i32
      %dma_start3A_127 = tpu.memref_slice %arg4[%dma_start3A_126] : memref<23887872xf32, #tpu.memory_space<hbm>> -> memref<23887872xf32, #tpu.memory_space<hbm>>
      tpu.enqueue_indirect_dma source(%dma_start3A_127 : memref<23887872xf32, #tpu.memory_space<hbm>>) target(%dma_start3A_122 : memref<128xf32, #tpu.memory_space<vmem>>) offsets(%dma_start3A_125 : memref<128xi32, #tpu.memory_space<vmem>>) semaphore(%arg12 : memref<!tpu.dma_semaphore, #tpu.memory_space<semaphore_mem>>)
      %dma_start3A_128 = arith.constant 11 : i32
      %dma_start3A_129 = arith.constant 1408 : i32
      %dma_start3A_130 = tpu.memref_slice %arg10[%dma_start3A_129] : memref<4096xf32, #tpu.memory_space<vmem>> -> memref<128xf32, #tpu.memory_space<vmem>>
      %dma_start3A_131 = arith.constant 0 : i32
      %dma_start3A_132 = tpu.memref_slice %arg8[%dma_start3A_128, %dma_start3A_131] : memref<32x128xi32, #tpu.memory_space<vmem>> -> memref<1x128xi32, #tpu.memory_space<vmem>>
      %dma_start3A_133 = tpu.memref_squeeze %dma_start3A_132 : memref<1x128xi32, #tpu.memory_space<vmem>> -> memref<128xi32, #tpu.memory_space<vmem>>
      %dma_start3A_134 = arith.constant 0 : i32
      %dma_start3A_135 = tpu.memref_slice %arg4[%dma_start3A_134] : memref<23887872xf32, #tpu.memory_space<hbm>> -> memref<23887872xf32, #tpu.memory_space<hbm>>
      tpu.enqueue_indirect_dma source(%dma_start3A_135 : memref<23887872xf32, #tpu.memory_space<hbm>>) target(%dma_start3A_130 : memref<128xf32, #tpu.memory_space<vmem>>) offsets(%dma_start3A_133 : memref<128xi32, #tpu.memory_space<vmem>>) semaphore(%arg12 : memref<!tpu.dma_semaphore, #tpu.memory_space<semaphore_mem>>)
      %dma_start3A_136 = arith.constant 12 : i32
      %dma_start3A_137 = arith.constant 1536 : i32
      %dma_start3A_138 = tpu.memref_slice %arg10[%dma_start3A_137] : memref<4096xf32, #tpu.memory_space<vmem>> -> memref<128xf32, #tpu.memory_space<vmem>>
      %dma_start3A_139 = arith.constant 0 : i32
      %dma_start3A_140 = tpu.memref_slice %arg8[%dma_start3A_136, %dma_start3A_139] : memref<32x128xi32, #tpu.memory_space<vmem>> -> memref<1x128xi32, #tpu.memory_space<vmem>>
      %dma_start3A_141 = tpu.memref_squeeze %dma_start3A_140 : memref<1x128xi32, #tpu.memory_space<vmem>> -> memref<128xi32, #tpu.memory_space<vmem>>
      %dma_start3A_142 = arith.constant 0 : i32
      %dma_start3A_143 = tpu.memref_slice %arg4[%dma_start3A_142] : memref<23887872xf32, #tpu.memory_space<hbm>> -> memref<23887872xf32, #tpu.memory_space<hbm>>
      tpu.enqueue_indirect_dma source(%dma_start3A_143 : memref<23887872xf32, #tpu.memory_space<hbm>>) target(%dma_start3A_138 : memref<128xf32, #tpu.memory_space<vmem>>) offsets(%dma_start3A_141 : memref<128xi32, #tpu.memory_space<vmem>>) semaphore(%arg12 : memref<!tpu.dma_semaphore, #tpu.memory_space<semaphore_mem>>)
      %dma_start3A_144 = arith.constant 13 : i32
      %dma_start3A_145 = arith.constant 1664 : i32
      %dma_start3A_146 = tpu.memref_slice %arg10[%dma_start3A_145] : memref<4096xf32, #tpu.memory_space<vmem>> -> memref<128xf32, #tpu.memory_space<vmem>>
      %dma_start3A_147 = arith.constant 0 : i32
      %dma_start3A_148 = tpu.memref_slice %arg8[%dma_start3A_144, %dma_start3A_147] : memref<32x128xi32, #tpu.memory_space<vmem>> -> memref<1x128xi32, #tpu.memory_space<vmem>>
      %dma_start3A_149 = tpu.memref_squeeze %dma_start3A_148 : memref<1x128xi32, #tpu.memory_space<vmem>> -> memref<128xi32, #tpu.memory_space<vmem>>
      %dma_start3A_150 = arith.constant 0 : i32
      %dma_start3A_151 = tpu.memref_slice %arg4[%dma_start3A_150] : memref<23887872xf32, #tpu.memory_space<hbm>> -> memref<23887872xf32, #tpu.memory_space<hbm>>
      tpu.enqueue_indirect_dma source(%dma_start3A_151 : memref<23887872xf32, #tpu.memory_space<hbm>>) target(%dma_start3A_146 : memref<128xf32, #tpu.memory_space<vmem>>) offsets(%dma_start3A_149 : memref<128xi32, #tpu.memory_space<vmem>>) semaphore(%arg12 : memref<!tpu.dma_semaphore, #tpu.memory_space<semaphore_mem>>)
      %dma_start3A_152 = arith.constant 14 : i32
      %dma_start3A_153 = arith.constant 1792 : i32
      %dma_start3A_154 = tpu.memref_slice %arg10[%dma_start3A_153] : memref<4096xf32, #tpu.memory_space<vmem>> -> memref<128xf32, #tpu.memory_space<vmem>>
      %dma_start3A_155 = arith.constant 0 : i32
      %dma_start3A_156 = tpu.memref_slice %arg8[%dma_start3A_152, %dma_start3A_155] : memref<32x128xi32, #tpu.memory_space<vmem>> -> memref<1x128xi32, #tpu.memory_space<vmem>>
      %dma_start3A_157 = tpu.memref_squeeze %dma_start3A_156 : memref<1x128xi32, #tpu.memory_space<vmem>> -> memref<128xi32, #tpu.memory_space<vmem>>
      %dma_start3A_158 = arith.constant 0 : i32
      %dma_start3A_159 = tpu.memref_slice %arg4[%dma_start3A_158] : memref<23887872xf32, #tpu.memory_space<hbm>> -> memref<23887872xf32, #tpu.memory_space<hbm>>
      tpu.enqueue_indirect_dma source(%dma_start3A_159 : memref<23887872xf32, #tpu.memory_space<hbm>>) target(%dma_start3A_154 : memref<128xf32, #tpu.memory_space<vmem>>) offsets(%dma_start3A_157 : memref<128xi32, #tpu.memory_space<vmem>>) semaphore(%arg12 : memref<!tpu.dma_semaphore, #tpu.memory_space<semaphore_mem>>)
      %dma_start3A_160 = arith.constant 15 : i32
      %dma_start3A_161 = arith.constant 1920 : i32
      %dma_start3A_162 = tpu.memref_slice %arg10[%dma_start3A_161] : memref<4096xf32, #tpu.memory_space<vmem>> -> memref<128xf32, #tpu.memory_space<vmem>>
      %dma_start3A_163 = arith.constant 0 : i32
      %dma_start3A_164 = tpu.memref_slice %arg8[%dma_start3A_160, %dma_start3A_163] : memref<32x128xi32, #tpu.memory_space<vmem>> -> memref<1x128xi32, #tpu.memory_space<vmem>>
      %dma_start3A_165 = tpu.memref_squeeze %dma_start3A_164 : memref<1x128xi32, #tpu.memory_space<vmem>> -> memref<128xi32, #tpu.memory_space<vmem>>
      %dma_start3A_166 = arith.constant 0 : i32
      %dma_start3A_167 = tpu.memref_slice %arg4[%dma_start3A_166] : memref<23887872xf32, #tpu.memory_space<hbm>> -> memref<23887872xf32, #tpu.memory_space<hbm>>
      tpu.enqueue_indirect_dma source(%dma_start3A_167 : memref<23887872xf32, #tpu.memory_space<hbm>>) target(%dma_start3A_162 : memref<128xf32, #tpu.memory_space<vmem>>) offsets(%dma_start3A_165 : memref<128xi32, #tpu.memory_space<vmem>>) semaphore(%arg12 : memref<!tpu.dma_semaphore, #tpu.memory_space<semaphore_mem>>)
      %dma_start3A_168 = arith.constant 16 : i32
      %dma_start3A_169 = arith.constant 2048 : i32
      %dma_start3A_170 = tpu.memref_slice %arg10[%dma_start3A_169] : memref<4096xf32, #tpu.memory_space<vmem>> -> memref<128xf32, #tpu.memory_space<vmem>>
      %dma_start3A_171 = arith.constant 0 : i32
      %dma_start3A_172 = tpu.memref_slice %arg8[%dma_start3A_168, %dma_start3A_171] : memref<32x128xi32, #tpu.memory_space<vmem>> -> memref<1x128xi32, #tpu.memory_space<vmem>>
      %dma_start3A_173 = tpu.memref_squeeze %dma_start3A_172 : memref<1x128xi32, #tpu.memory_space<vmem>> -> memref<128xi32, #tpu.memory_space<vmem>>
      %dma_start3A_174 = arith.constant 0 : i32
      %dma_start3A_175 = tpu.memref_slice %arg4[%dma_start3A_174] : memref<23887872xf32, #tpu.memory_space<hbm>> -> memref<23887872xf32, #tpu.memory_space<hbm>>
      tpu.enqueue_indirect_dma source(%dma_start3A_175 : memref<23887872xf32, #tpu.memory_space<hbm>>) target(%dma_start3A_170 : memref<128xf32, #tpu.memory_space<vmem>>) offsets(%dma_start3A_173 : memref<128xi32, #tpu.memory_space<vmem>>) semaphore(%arg12 : memref<!tpu.dma_semaphore, #tpu.memory_space<semaphore_mem>>)
      %dma_start3A_176 = arith.constant 17 : i32
      %dma_start3A_177 = arith.constant 2176 : i32
      %dma_start3A_178 = tpu.memref_slice %arg10[%dma_start3A_177] : memref<4096xf32, #tpu.memory_space<vmem>> -> memref<128xf32, #tpu.memory_space<vmem>>
      %dma_start3A_179 = arith.constant 0 : i32
      %dma_start3A_180 = tpu.memref_slice %arg8[%dma_start3A_176, %dma_start3A_179] : memref<32x128xi32, #tpu.memory_space<vmem>> -> memref<1x128xi32, #tpu.memory_space<vmem>>
      %dma_start3A_181 = tpu.memref_squeeze %dma_start3A_180 : memref<1x128xi32, #tpu.memory_space<vmem>> -> memref<128xi32, #tpu.memory_space<vmem>>
      %dma_start3A_182 = arith.constant 0 : i32
      %dma_start3A_183 = tpu.memref_slice %arg4[%dma_start3A_182] : memref<23887872xf32, #tpu.memory_space<hbm>> -> memref<23887872xf32, #tpu.memory_space<hbm>>
      tpu.enqueue_indirect_dma source(%dma_start3A_183 : memref<23887872xf32, #tpu.memory_space<hbm>>) target(%dma_start3A_178 : memref<128xf32, #tpu.memory_space<vmem>>) offsets(%dma_start3A_181 : memref<128xi32, #tpu.memory_space<vmem>>) semaphore(%arg12 : memref<!tpu.dma_semaphore, #tpu.memory_space<semaphore_mem>>)
      %dma_start3A_184 = arith.constant 18 : i32
      %dma_start3A_185 = arith.constant 2304 : i32
      %dma_start3A_186 = tpu.memref_slice %arg10[%dma_start3A_185] : memref<4096xf32, #tpu.memory_space<vmem>> -> memref<128xf32, #tpu.memory_space<vmem>>
      %dma_start3A_187 = arith.constant 0 : i32
      %dma_start3A_188 = tpu.memref_slice %arg8[%dma_start3A_184, %dma_start3A_187] : memref<32x128xi32, #tpu.memory_space<vmem>> -> memref<1x128xi32, #tpu.memory_space<vmem>>
      %dma_start3A_189 = tpu.memref_squeeze %dma_start3A_188 : memref<1x128xi32, #tpu.memory_space<vmem>> -> memref<128xi32, #tpu.memory_space<vmem>>
      %dma_start3A_190 = arith.constant 0 : i32
      %dma_start3A_191 = tpu.memref_slice %arg4[%dma_start3A_190] : memref<23887872xf32, #tpu.memory_space<hbm>> -> memref<23887872xf32, #tpu.memory_space<hbm>>
      tpu.enqueue_indirect_dma source(%dma_start3A_191 : memref<23887872xf32, #tpu.memory_space<hbm>>) target(%dma_start3A_186 : memref<128xf32, #tpu.memory_space<vmem>>) offsets(%dma_start3A_189 : memref<128xi32, #tpu.memory_space<vmem>>) semaphore(%arg12 : memref<!tpu.dma_semaphore, #tpu.memory_space<semaphore_mem>>)
      %dma_start3A_192 = arith.constant 19 : i32
      %dma_start3A_193 = arith.constant 2432 : i32
      %dma_start3A_194 = tpu.memref_slice %arg10[%dma_start3A_193] : memref<4096xf32, #tpu.memory_space<vmem>> -> memref<128xf32, #tpu.memory_space<vmem>>
      %dma_start3A_195 = arith.constant 0 : i32
      %dma_start3A_196 = tpu.memref_slice %arg8[%dma_start3A_192, %dma_start3A_195] : memref<32x128xi32, #tpu.memory_space<vmem>> -> memref<1x128xi32, #tpu.memory_space<vmem>>
      %dma_start3A_197 = tpu.memref_squeeze %dma_start3A_196 : memref<1x128xi32, #tpu.memory_space<vmem>> -> memref<128xi32, #tpu.memory_space<vmem>>
      %dma_start3A_198 = arith.constant 0 : i32
      %dma_start3A_199 = tpu.memref_slice %arg4[%dma_start3A_198] : memref<23887872xf32, #tpu.memory_space<hbm>> -> memref<23887872xf32, #tpu.memory_space<hbm>>
      tpu.enqueue_indirect_dma source(%dma_start3A_199 : memref<23887872xf32, #tpu.memory_space<hbm>>) target(%dma_start3A_194 : memref<128xf32, #tpu.memory_space<vmem>>) offsets(%dma_start3A_197 : memref<128xi32, #tpu.memory_space<vmem>>) semaphore(%arg12 : memref<!tpu.dma_semaphore, #tpu.memory_space<semaphore_mem>>)
      %dma_start3A_200 = arith.constant 20 : i32
      %dma_start3A_201 = arith.constant 2560 : i32
      %dma_start3A_202 = tpu.memref_slice %arg10[%dma_start3A_201] : memref<4096xf32, #tpu.memory_space<vmem>> -> memref<128xf32, #tpu.memory_space<vmem>>
      %dma_start3A_203 = arith.constant 0 : i32
      %dma_start3A_204 = tpu.memref_slice %arg8[%dma_start3A_200, %dma_start3A_203] : memref<32x128xi32, #tpu.memory_space<vmem>> -> memref<1x128xi32, #tpu.memory_space<vmem>>
      %dma_start3A_205 = tpu.memref_squeeze %dma_start3A_204 : memref<1x128xi32, #tpu.memory_space<vmem>> -> memref<128xi32, #tpu.memory_space<vmem>>
      %dma_start3A_206 = arith.constant 0 : i32
      %dma_start3A_207 = tpu.memref_slice %arg4[%dma_start3A_206] : memref<23887872xf32, #tpu.memory_space<hbm>> -> memref<23887872xf32, #tpu.memory_space<hbm>>
      tpu.enqueue_indirect_dma source(%dma_start3A_207 : memref<23887872xf32, #tpu.memory_space<hbm>>) target(%dma_start3A_202 : memref<128xf32, #tpu.memory_space<vmem>>) offsets(%dma_start3A_205 : memref<128xi32, #tpu.memory_space<vmem>>) semaphore(%arg12 : memref<!tpu.dma_semaphore, #tpu.memory_space<semaphore_mem>>)
      %dma_start3A_208 = arith.constant 21 : i32
      %dma_start3A_209 = arith.constant 2688 : i32
      %dma_start3A_210 = tpu.memref_slice %arg10[%dma_start3A_209] : memref<4096xf32, #tpu.memory_space<vmem>> -> memref<128xf32, #tpu.memory_space<vmem>>
      %dma_start3A_211 = arith.constant 0 : i32
      %dma_start3A_212 = tpu.memref_slice %arg8[%dma_start3A_208, %dma_start3A_211] : memref<32x128xi32, #tpu.memory_space<vmem>> -> memref<1x128xi32, #tpu.memory_space<vmem>>
      %dma_start3A_213 = tpu.memref_squeeze %dma_start3A_212 : memref<1x128xi32, #tpu.memory_space<vmem>> -> memref<128xi32, #tpu.memory_space<vmem>>
      %dma_start3A_214 = arith.constant 0 : i32
      %dma_start3A_215 = tpu.memref_slice %arg4[%dma_start3A_214] : memref<23887872xf32, #tpu.memory_space<hbm>> -> memref<23887872xf32, #tpu.memory_space<hbm>>
      tpu.enqueue_indirect_dma source(%dma_start3A_215 : memref<23887872xf32, #tpu.memory_space<hbm>>) target(%dma_start3A_210 : memref<128xf32, #tpu.memory_space<vmem>>) offsets(%dma_start3A_213 : memref<128xi32, #tpu.memory_space<vmem>>) semaphore(%arg12 : memref<!tpu.dma_semaphore, #tpu.memory_space<semaphore_mem>>)
      %dma_wait3A = arith.constant 0 : i32
      %dma_wait3A_216 = arith.constant 0 : i32
      %dma_wait3A_217 = tpu.memref_slice %arg10[%dma_wait3A_216] : memref<4096xf32, #tpu.memory_space<vmem>> -> memref<128xf32, #tpu.memory_space<vmem>>
      %dma_wait3A_218 = arith.constant 0 : i32
      %dma_wait3A_219 = tpu.memref_slice %arg8[%dma_wait3A, %dma_wait3A_218] : memref<32x128xi32, #tpu.memory_space<vmem>> -> memref<1x128xi32, #tpu.memory_space<vmem>>
      %dma_wait3A_220 = tpu.memref_squeeze %dma_wait3A_219 : memref<1x128xi32, #tpu.memory_space<vmem>> -> memref<128xi32, #tpu.memory_space<vmem>>
      %dma_wait3A_221 = arith.constant 0 : i32
      %dma_wait3A_222 = tpu.memref_slice %arg4[%dma_wait3A_221] : memref<23887872xf32, #tpu.memory_space<hbm>> -> memref<23887872xf32, #tpu.memory_space<hbm>>
      tpu.wait_indirect_dma semaphore(%arg12 : memref<!tpu.dma_semaphore, #tpu.memory_space<semaphore_mem>>) src(%dma_wait3A_222 : memref<23887872xf32, #tpu.memory_space<hbm>>) dst(%dma_wait3A_217 : memref<128xf32, #tpu.memory_space<vmem>>)
      %dma_wait3A_223 = arith.constant 1 : i32
      %dma_wait3A_224 = arith.constant 128 : i32
      %dma_wait3A_225 = tpu.memref_slice %arg10[%dma_wait3A_224] : memref<4096xf32, #tpu.memory_space<vmem>> -> memref<128xf32, #tpu.memory_space<vmem>>
      %dma_wait3A_226 = arith.constant 0 : i32
      %dma_wait3A_227 = tpu.memref_slice %arg8[%dma_wait3A_223, %dma_wait3A_226] : memref<32x128xi32, #tpu.memory_space<vmem>> -> memref<1x128xi32, #tpu.memory_space<vmem>>
      %dma_wait3A_228 = tpu.memref_squeeze %dma_wait3A_227 : memref<1x128xi32, #tpu.memory_space<vmem>> -> memref<128xi32, #tpu.memory_space<vmem>>
      %dma_wait3A_229 = arith.constant 0 : i32
      %dma_wait3A_230 = tpu.memref_slice %arg4[%dma_wait3A_229] : memref<23887872xf32, #tpu.memory_space<hbm>> -> memref<23887872xf32, #tpu.memory_space<hbm>>
      tpu.wait_indirect_dma semaphore(%arg12 : memref<!tpu.dma_semaphore, #tpu.memory_space<semaphore_mem>>) src(%dma_wait3A_230 : memref<23887872xf32, #tpu.memory_space<hbm>>) dst(%dma_wait3A_225 : memref<128xf32, #tpu.memory_space<vmem>>)
      %dma_wait3A_231 = arith.constant 2 : i32
      %dma_wait3A_232 = arith.constant 256 : i32
      %dma_wait3A_233 = tpu.memref_slice %arg10[%dma_wait3A_232] : memref<4096xf32, #tpu.memory_space<vmem>> -> memref<128xf32, #tpu.memory_space<vmem>>
      %dma_wait3A_234 = arith.constant 0 : i32
      %dma_wait3A_235 = tpu.memref_slice %arg8[%dma_wait3A_231, %dma_wait3A_234] : memref<32x128xi32, #tpu.memory_space<vmem>> -> memref<1x128xi32, #tpu.memory_space<vmem>>
      %dma_wait3A_236 = tpu.memref_squeeze %dma_wait3A_235 : memref<1x128xi32, #tpu.memory_space<vmem>> -> memref<128xi32, #tpu.memory_space<vmem>>
      %dma_wait3A_237 = arith.constant 0 : i32
      %dma_wait3A_238 = tpu.memref_slice %arg4[%dma_wait3A_237] : memref<23887872xf32, #tpu.memory_space<hbm>> -> memref<23887872xf32, #tpu.memory_space<hbm>>
      tpu.wait_indirect_dma semaphore(%arg12 : memref<!tpu.dma_semaphore, #tpu.memory_space<semaphore_mem>>) src(%dma_wait3A_238 : memref<23887872xf32, #tpu.memory_space<hbm>>) dst(%dma_wait3A_233 : memref<128xf32, #tpu.memory_space<vmem>>)
      %dma_wait3A_239 = arith.constant 3 : i32
      %dma_wait3A_240 = arith.constant 384 : i32
      %dma_wait3A_241 = tpu.memref_slice %arg10[%dma_wait3A_240] : memref<4096xf32, #tpu.memory_space<vmem>> -> memref<128xf32, #tpu.memory_space<vmem>>
      %dma_wait3A_242 = arith.constant 0 : i32
      %dma_wait3A_243 = tpu.memref_slice %arg8[%dma_wait3A_239, %dma_wait3A_242] : memref<32x128xi32, #tpu.memory_space<vmem>> -> memref<1x128xi32, #tpu.memory_space<vmem>>
      %dma_wait3A_244 = tpu.memref_squeeze %dma_wait3A_243 : memref<1x128xi32, #tpu.memory_space<vmem>> -> memref<128xi32, #tpu.memory_space<vmem>>
      %dma_wait3A_245 = arith.constant 0 : i32
      %dma_wait3A_246 = tpu.memref_slice %arg4[%dma_wait3A_245] : memref<23887872xf32, #tpu.memory_space<hbm>> -> memref<23887872xf32, #tpu.memory_space<hbm>>
      tpu.wait_indirect_dma semaphore(%arg12 : memref<!tpu.dma_semaphore, #tpu.memory_space<semaphore_mem>>) src(%dma_wait3A_246 : memref<23887872xf32, #tpu.memory_space<hbm>>) dst(%dma_wait3A_241 : memref<128xf32, #tpu.memory_space<vmem>>)
      %dma_wait3A_247 = arith.constant 4 : i32
      %dma_wait3A_248 = arith.constant 512 : i32
      %dma_wait3A_249 = tpu.memref_slice %arg10[%dma_wait3A_248] : memref<4096xf32, #tpu.memory_space<vmem>> -> memref<128xf32, #tpu.memory_space<vmem>>
      %dma_wait3A_250 = arith.constant 0 : i32
      %dma_wait3A_251 = tpu.memref_slice %arg8[%dma_wait3A_247, %dma_wait3A_250] : memref<32x128xi32, #tpu.memory_space<vmem>> -> memref<1x128xi32, #tpu.memory_space<vmem>>
      %dma_wait3A_252 = tpu.memref_squeeze %dma_wait3A_251 : memref<1x128xi32, #tpu.memory_space<vmem>> -> memref<128xi32, #tpu.memory_space<vmem>>
      %dma_wait3A_253 = arith.constant 0 : i32
      %dma_wait3A_254 = tpu.memref_slice %arg4[%dma_wait3A_253] : memref<23887872xf32, #tpu.memory_space<hbm>> -> memref<23887872xf32, #tpu.memory_space<hbm>>
      tpu.wait_indirect_dma semaphore(%arg12 : memref<!tpu.dma_semaphore, #tpu.memory_space<semaphore_mem>>) src(%dma_wait3A_254 : memref<23887872xf32, #tpu.memory_space<hbm>>) dst(%dma_wait3A_249 : memref<128xf32, #tpu.memory_space<vmem>>)
      %dma_wait3A_255 = arith.constant 5 : i32
      %dma_wait3A_256 = arith.constant 640 : i32
      %dma_wait3A_257 = tpu.memref_slice %arg10[%dma_wait3A_256] : memref<4096xf32, #tpu.memory_space<vmem>> -> memref<128xf32, #tpu.memory_space<vmem>>
      %dma_wait3A_258 = arith.constant 0 : i32
      %dma_wait3A_259 = tpu.memref_slice %arg8[%dma_wait3A_255, %dma_wait3A_258] : memref<32x128xi32, #tpu.memory_space<vmem>> -> memref<1x128xi32, #tpu.memory_space<vmem>>
      %dma_wait3A_260 = tpu.memref_squeeze %dma_wait3A_259 : memref<1x128xi32, #tpu.memory_space<vmem>> -> memref<128xi32, #tpu.memory_space<vmem>>
      %dma_wait3A_261 = arith.constant 0 : i32
      %dma_wait3A_262 = tpu.memref_slice %arg4[%dma_wait3A_261] : memref<23887872xf32, #tpu.memory_space<hbm>> -> memref<23887872xf32, #tpu.memory_space<hbm>>
      tpu.wait_indirect_dma semaphore(%arg12 : memref<!tpu.dma_semaphore, #tpu.memory_space<semaphore_mem>>) src(%dma_wait3A_262 : memref<23887872xf32, #tpu.memory_space<hbm>>) dst(%dma_wait3A_257 : memref<128xf32, #tpu.memory_space<vmem>>)
      %dma_wait3A_263 = arith.constant 6 : i32
      %dma_wait3A_264 = arith.constant 768 : i32
      %dma_wait3A_265 = tpu.memref_slice %arg10[%dma_wait3A_264] : memref<4096xf32, #tpu.memory_space<vmem>> -> memref<128xf32, #tpu.memory_space<vmem>>
      %dma_wait3A_266 = arith.constant 0 : i32
      %dma_wait3A_267 = tpu.memref_slice %arg8[%dma_wait3A_263, %dma_wait3A_266] : memref<32x128xi32, #tpu.memory_space<vmem>> -> memref<1x128xi32, #tpu.memory_space<vmem>>
      %dma_wait3A_268 = tpu.memref_squeeze %dma_wait3A_267 : memref<1x128xi32, #tpu.memory_space<vmem>> -> memref<128xi32, #tpu.memory_space<vmem>>
      %dma_wait3A_269 = arith.constant 0 : i32
      %dma_wait3A_270 = tpu.memref_slice %arg4[%dma_wait3A_269] : memref<23887872xf32, #tpu.memory_space<hbm>> -> memref<23887872xf32, #tpu.memory_space<hbm>>
      tpu.wait_indirect_dma semaphore(%arg12 : memref<!tpu.dma_semaphore, #tpu.memory_space<semaphore_mem>>) src(%dma_wait3A_270 : memref<23887872xf32, #tpu.memory_space<hbm>>) dst(%dma_wait3A_265 : memref<128xf32, #tpu.memory_space<vmem>>)
      %dma_wait3A_271 = arith.constant 7 : i32
      %dma_wait3A_272 = arith.constant 896 : i32
      %dma_wait3A_273 = tpu.memref_slice %arg10[%dma_wait3A_272] : memref<4096xf32, #tpu.memory_space<vmem>> -> memref<128xf32, #tpu.memory_space<vmem>>
      %dma_wait3A_274 = arith.constant 0 : i32
      %dma_wait3A_275 = tpu.memref_slice %arg8[%dma_wait3A_271, %dma_wait3A_274] : memref<32x128xi32, #tpu.memory_space<vmem>> -> memref<1x128xi32, #tpu.memory_space<vmem>>
      %dma_wait3A_276 = tpu.memref_squeeze %dma_wait3A_275 : memref<1x128xi32, #tpu.memory_space<vmem>> -> memref<128xi32, #tpu.memory_space<vmem>>
      %dma_wait3A_277 = arith.constant 0 : i32
      %dma_wait3A_278 = tpu.memref_slice %arg4[%dma_wait3A_277] : memref<23887872xf32, #tpu.memory_space<hbm>> -> memref<23887872xf32, #tpu.memory_space<hbm>>
      tpu.wait_indirect_dma semaphore(%arg12 : memref<!tpu.dma_semaphore, #tpu.memory_space<semaphore_mem>>) src(%dma_wait3A_278 : memref<23887872xf32, #tpu.memory_space<hbm>>) dst(%dma_wait3A_273 : memref<128xf32, #tpu.memory_space<vmem>>)
      %dma_wait3A_279 = arith.constant 8 : i32
      %dma_wait3A_280 = arith.constant 1024 : i32
      %dma_wait3A_281 = tpu.memref_slice %arg10[%dma_wait3A_280] : memref<4096xf32, #tpu.memory_space<vmem>> -> memref<128xf32, #tpu.memory_space<vmem>>
      %dma_wait3A_282 = arith.constant 0 : i32
      %dma_wait3A_283 = tpu.memref_slice %arg8[%dma_wait3A_279, %dma_wait3A_282] : memref<32x128xi32, #tpu.memory_space<vmem>> -> memref<1x128xi32, #tpu.memory_space<vmem>>
      %dma_wait3A_284 = tpu.memref_squeeze %dma_wait3A_283 : memref<1x128xi32, #tpu.memory_space<vmem>> -> memref<128xi32, #tpu.memory_space<vmem>>
      %dma_wait3A_285 = arith.constant 0 : i32
      %dma_wait3A_286 = tpu.memref_slice %arg4[%dma_wait3A_285] : memref<23887872xf32, #tpu.memory_space<hbm>> -> memref<23887872xf32, #tpu.memory_space<hbm>>
      tpu.wait_indirect_dma semaphore(%arg12 : memref<!tpu.dma_semaphore, #tpu.memory_space<semaphore_mem>>) src(%dma_wait3A_286 : memref<23887872xf32, #tpu.memory_space<hbm>>) dst(%dma_wait3A_281 : memref<128xf32, #tpu.memory_space<vmem>>)
      %dma_wait3A_287 = arith.constant 9 : i32
      %dma_wait3A_288 = arith.constant 1152 : i32
      %dma_wait3A_289 = tpu.memref_slice %arg10[%dma_wait3A_288] : memref<4096xf32, #tpu.memory_space<vmem>> -> memref<128xf32, #tpu.memory_space<vmem>>
      %dma_wait3A_290 = arith.constant 0 : i32
      %dma_wait3A_291 = tpu.memref_slice %arg8[%dma_wait3A_287, %dma_wait3A_290] : memref<32x128xi32, #tpu.memory_space<vmem>> -> memref<1x128xi32, #tpu.memory_space<vmem>>
      %dma_wait3A_292 = tpu.memref_squeeze %dma_wait3A_291 : memref<1x128xi32, #tpu.memory_space<vmem>> -> memref<128xi32, #tpu.memory_space<vmem>>
      %dma_wait3A_293 = arith.constant 0 : i32
      %dma_wait3A_294 = tpu.memref_slice %arg4[%dma_wait3A_293] : memref<23887872xf32, #tpu.memory_space<hbm>> -> memref<23887872xf32, #tpu.memory_space<hbm>>
      tpu.wait_indirect_dma semaphore(%arg12 : memref<!tpu.dma_semaphore, #tpu.memory_space<semaphore_mem>>) src(%dma_wait3A_294 : memref<23887872xf32, #tpu.memory_space<hbm>>) dst(%dma_wait3A_289 : memref<128xf32, #tpu.memory_space<vmem>>)
      %dma_wait3A_295 = arith.constant 10 : i32
      %dma_wait3A_296 = arith.constant 1280 : i32
      %dma_wait3A_297 = tpu.memref_slice %arg10[%dma_wait3A_296] : memref<4096xf32, #tpu.memory_space<vmem>> -> memref<128xf32, #tpu.memory_space<vmem>>
      %dma_wait3A_298 = arith.constant 0 : i32
      %dma_wait3A_299 = tpu.memref_slice %arg8[%dma_wait3A_295, %dma_wait3A_298] : memref<32x128xi32, #tpu.memory_space<vmem>> -> memref<1x128xi32, #tpu.memory_space<vmem>>
      %dma_wait3A_300 = tpu.memref_squeeze %dma_wait3A_299 : memref<1x128xi32, #tpu.memory_space<vmem>> -> memref<128xi32, #tpu.memory_space<vmem>>
      %dma_wait3A_301 = arith.constant 0 : i32
      %dma_wait3A_302 = tpu.memref_slice %arg4[%dma_wait3A_301] : memref<23887872xf32, #tpu.memory_space<hbm>> -> memref<23887872xf32, #tpu.memory_space<hbm>>
      tpu.wait_indirect_dma semaphore(%arg12 : memref<!tpu.dma_semaphore, #tpu.memory_space<semaphore_mem>>) src(%dma_wait3A_302 : memref<23887872xf32, #tpu.memory_space<hbm>>) dst(%dma_wait3A_297 : memref<128xf32, #tpu.memory_space<vmem>>)
      %dma_wait3A_303 = arith.constant 11 : i32
      %dma_wait3A_304 = arith.constant 1408 : i32
      %dma_wait3A_305 = tpu.memref_slice %arg10[%dma_wait3A_304] : memref<4096xf32, #tpu.memory_space<vmem>> -> memref<128xf32, #tpu.memory_space<vmem>>
      %dma_wait3A_306 = arith.constant 0 : i32
      %dma_wait3A_307 = tpu.memref_slice %arg8[%dma_wait3A_303, %dma_wait3A_306] : memref<32x128xi32, #tpu.memory_space<vmem>> -> memref<1x128xi32, #tpu.memory_space<vmem>>
      %dma_wait3A_308 = tpu.memref_squeeze %dma_wait3A_307 : memref<1x128xi32, #tpu.memory_space<vmem>> -> memref<128xi32, #tpu.memory_space<vmem>>
      %dma_wait3A_309 = arith.constant 0 : i32
      %dma_wait3A_310 = tpu.memref_slice %arg4[%dma_wait3A_309] : memref<23887872xf32, #tpu.memory_space<hbm>> -> memref<23887872xf32, #tpu.memory_space<hbm>>
      tpu.wait_indirect_dma semaphore(%arg12 : memref<!tpu.dma_semaphore, #tpu.memory_space<semaphore_mem>>) src(%dma_wait3A_310 : memref<23887872xf32, #tpu.memory_space<hbm>>) dst(%dma_wait3A_305 : memref<128xf32, #tpu.memory_space<vmem>>)
      %dma_wait3A_311 = arith.constant 12 : i32
      %dma_wait3A_312 = arith.constant 1536 : i32
      %dma_wait3A_313 = tpu.memref_slice %arg10[%dma_wait3A_312] : memref<4096xf32, #tpu.memory_space<vmem>> -> memref<128xf32, #tpu.memory_space<vmem>>
      %dma_wait3A_314 = arith.constant 0 : i32
      %dma_wait3A_315 = tpu.memref_slice %arg8[%dma_wait3A_311, %dma_wait3A_314] : memref<32x128xi32, #tpu.memory_space<vmem>> -> memref<1x128xi32, #tpu.memory_space<vmem>>
      %dma_wait3A_316 = tpu.memref_squeeze %dma_wait3A_315 : memref<1x128xi32, #tpu.memory_space<vmem>> -> memref<128xi32, #tpu.memory_space<vmem>>
      %dma_wait3A_317 = arith.constant 0 : i32
      %dma_wait3A_318 = tpu.memref_slice %arg4[%dma_wait3A_317] : memref<23887872xf32, #tpu.memory_space<hbm>> -> memref<23887872xf32, #tpu.memory_space<hbm>>
      tpu.wait_indirect_dma semaphore(%arg12 : memref<!tpu.dma_semaphore, #tpu.memory_space<semaphore_mem>>) src(%dma_wait3A_318 : memref<23887872xf32, #tpu.memory_space<hbm>>) dst(%dma_wait3A_313 : memref<128xf32, #tpu.memory_space<vmem>>)
      %dma_wait3A_319 = arith.constant 13 : i32
      %dma_wait3A_320 = arith.constant 1664 : i32
      %dma_wait3A_321 = tpu.memref_slice %arg10[%dma_wait3A_320] : memref<4096xf32, #tpu.memory_space<vmem>> -> memref<128xf32, #tpu.memory_space<vmem>>
      %dma_wait3A_322 = arith.constant 0 : i32
      %dma_wait3A_323 = tpu.memref_slice %arg8[%dma_wait3A_319, %dma_wait3A_322] : memref<32x128xi32, #tpu.memory_space<vmem>> -> memref<1x128xi32, #tpu.memory_space<vmem>>
      %dma_wait3A_324 = tpu.memref_squeeze %dma_wait3A_323 : memref<1x128xi32, #tpu.memory_space<vmem>> -> memref<128xi32, #tpu.memory_space<vmem>>
      %dma_wait3A_325 = arith.constant 0 : i32
      %dma_wait3A_326 = tpu.memref_slice %arg4[%dma_wait3A_325] : memref<23887872xf32, #tpu.memory_space<hbm>> -> memref<23887872xf32, #tpu.memory_space<hbm>>
      tpu.wait_indirect_dma semaphore(%arg12 : memref<!tpu.dma_semaphore, #tpu.memory_space<semaphore_mem>>) src(%dma_wait3A_326 : memref<23887872xf32, #tpu.memory_space<hbm>>) dst(%dma_wait3A_321 : memref<128xf32, #tpu.memory_space<vmem>>)
      %dma_wait3A_327 = arith.constant 14 : i32
      %dma_wait3A_328 = arith.constant 1792 : i32
      %dma_wait3A_329 = tpu.memref_slice %arg10[%dma_wait3A_328] : memref<4096xf32, #tpu.memory_space<vmem>> -> memref<128xf32, #tpu.memory_space<vmem>>
      %dma_wait3A_330 = arith.constant 0 : i32
      %dma_wait3A_331 = tpu.memref_slice %arg8[%dma_wait3A_327, %dma_wait3A_330] : memref<32x128xi32, #tpu.memory_space<vmem>> -> memref<1x128xi32, #tpu.memory_space<vmem>>
      %dma_wait3A_332 = tpu.memref_squeeze %dma_wait3A_331 : memref<1x128xi32, #tpu.memory_space<vmem>> -> memref<128xi32, #tpu.memory_space<vmem>>
      %dma_wait3A_333 = arith.constant 0 : i32
      %dma_wait3A_334 = tpu.memref_slice %arg4[%dma_wait3A_333] : memref<23887872xf32, #tpu.memory_space<hbm>> -> memref<23887872xf32, #tpu.memory_space<hbm>>
      tpu.wait_indirect_dma semaphore(%arg12 : memref<!tpu.dma_semaphore, #tpu.memory_space<semaphore_mem>>) src(%dma_wait3A_334 : memref<23887872xf32, #tpu.memory_space<hbm>>) dst(%dma_wait3A_329 : memref<128xf32, #tpu.memory_space<vmem>>)
      %dma_wait3A_335 = arith.constant 15 : i32
      %dma_wait3A_336 = arith.constant 1920 : i32
      %dma_wait3A_337 = tpu.memref_slice %arg10[%dma_wait3A_336] : memref<4096xf32, #tpu.memory_space<vmem>> -> memref<128xf32, #tpu.memory_space<vmem>>
      %dma_wait3A_338 = arith.constant 0 : i32
      %dma_wait3A_339 = tpu.memref_slice %arg8[%dma_wait3A_335, %dma_wait3A_338] : memref<32x128xi32, #tpu.memory_space<vmem>> -> memref<1x128xi32, #tpu.memory_space<vmem>>
      %dma_wait3A_340 = tpu.memref_squeeze %dma_wait3A_339 : memref<1x128xi32, #tpu.memory_space<vmem>> -> memref<128xi32, #tpu.memory_space<vmem>>
      %dma_wait3A_341 = arith.constant 0 : i32
      %dma_wait3A_342 = tpu.memref_slice %arg4[%dma_wait3A_341] : memref<23887872xf32, #tpu.memory_space<hbm>> -> memref<23887872xf32, #tpu.memory_space<hbm>>
      tpu.wait_indirect_dma semaphore(%arg12 : memref<!tpu.dma_semaphore, #tpu.memory_space<semaphore_mem>>) src(%dma_wait3A_342 : memref<23887872xf32, #tpu.memory_space<hbm>>) dst(%dma_wait3A_337 : memref<128xf32, #tpu.memory_space<vmem>>)
      %dma_wait3A_343 = arith.constant 16 : i32
      %dma_wait3A_344 = arith.constant 2048 : i32
      %dma_wait3A_345 = tpu.memref_slice %arg10[%dma_wait3A_344] : memref<4096xf32, #tpu.memory_space<vmem>> -> memref<128xf32, #tpu.memory_space<vmem>>
      %dma_wait3A_346 = arith.constant 0 : i32
      %dma_wait3A_347 = tpu.memref_slice %arg8[%dma_wait3A_343, %dma_wait3A_346] : memref<32x128xi32, #tpu.memory_space<vmem>> -> memref<1x128xi32, #tpu.memory_space<vmem>>
      %dma_wait3A_348 = tpu.memref_squeeze %dma_wait3A_347 : memref<1x128xi32, #tpu.memory_space<vmem>> -> memref<128xi32, #tpu.memory_space<vmem>>
      %dma_wait3A_349 = arith.constant 0 : i32
      %dma_wait3A_350 = tpu.memref_slice %arg4[%dma_wait3A_349] : memref<23887872xf32, #tpu.memory_space<hbm>> -> memref<23887872xf32, #tpu.memory_space<hbm>>
      tpu.wait_indirect_dma semaphore(%arg12 : memref<!tpu.dma_semaphore, #tpu.memory_space<semaphore_mem>>) src(%dma_wait3A_350 : memref<23887872xf32, #tpu.memory_space<hbm>>) dst(%dma_wait3A_345 : memref<128xf32, #tpu.memory_space<vmem>>)
      %dma_wait3A_351 = arith.constant 17 : i32
      %dma_wait3A_352 = arith.constant 2176 : i32
      %dma_wait3A_353 = tpu.memref_slice %arg10[%dma_wait3A_352] : memref<4096xf32, #tpu.memory_space<vmem>> -> memref<128xf32, #tpu.memory_space<vmem>>
      %dma_wait3A_354 = arith.constant 0 : i32
      %dma_wait3A_355 = tpu.memref_slice %arg8[%dma_wait3A_351, %dma_wait3A_354] : memref<32x128xi32, #tpu.memory_space<vmem>> -> memref<1x128xi32, #tpu.memory_space<vmem>>
      %dma_wait3A_356 = tpu.memref_squeeze %dma_wait3A_355 : memref<1x128xi32, #tpu.memory_space<vmem>> -> memref<128xi32, #tpu.memory_space<vmem>>
      %dma_wait3A_357 = arith.constant 0 : i32
      %dma_wait3A_358 = tpu.memref_slice %arg4[%dma_wait3A_357] : memref<23887872xf32, #tpu.memory_space<hbm>> -> memref<23887872xf32, #tpu.memory_space<hbm>>
      tpu.wait_indirect_dma semaphore(%arg12 : memref<!tpu.dma_semaphore, #tpu.memory_space<semaphore_mem>>) src(%dma_wait3A_358 : memref<23887872xf32, #tpu.memory_space<hbm>>) dst(%dma_wait3A_353 : memref<128xf32, #tpu.memory_space<vmem>>)
      %dma_wait3A_359 = arith.constant 18 : i32
      %dma_wait3A_360 = arith.constant 2304 : i32
      %dma_wait3A_361 = tpu.memref_slice %arg10[%dma_wait3A_360] : memref<4096xf32, #tpu.memory_space<vmem>> -> memref<128xf32, #tpu.memory_space<vmem>>
      %dma_wait3A_362 = arith.constant 0 : i32
      %dma_wait3A_363 = tpu.memref_slice %arg8[%dma_wait3A_359, %dma_wait3A_362] : memref<32x128xi32, #tpu.memory_space<vmem>> -> memref<1x128xi32, #tpu.memory_space<vmem>>
      %dma_wait3A_364 = tpu.memref_squeeze %dma_wait3A_363 : memref<1x128xi32, #tpu.memory_space<vmem>> -> memref<128xi32, #tpu.memory_space<vmem>>
      %dma_wait3A_365 = arith.constant 0 : i32
      %dma_wait3A_366 = tpu.memref_slice %arg4[%dma_wait3A_365] : memref<23887872xf32, #tpu.memory_space<hbm>> -> memref<23887872xf32, #tpu.memory_space<hbm>>
      tpu.wait_indirect_dma semaphore(%arg12 : memref<!tpu.dma_semaphore, #tpu.memory_space<semaphore_mem>>) src(%dma_wait3A_366 : memref<23887872xf32, #tpu.memory_space<hbm>>) dst(%dma_wait3A_361 : memref<128xf32, #tpu.memory_space<vmem>>)
      %dma_wait3A_367 = arith.constant 19 : i32
      %dma_wait3A_368 = arith.constant 2432 : i32
      %dma_wait3A_369 = tpu.memref_slice %arg10[%dma_wait3A_368] : memref<4096xf32, #tpu.memory_space<vmem>> -> memref<128xf32, #tpu.memory_space<vmem>>
      %dma_wait3A_370 = arith.constant 0 : i32
      %dma_wait3A_371 = tpu.memref_slice %arg8[%dma_wait3A_367, %dma_wait3A_370] : memref<32x128xi32, #tpu.memory_space<vmem>> -> memref<1x128xi32, #tpu.memory_space<vmem>>
      %dma_wait3A_372 = tpu.memref_squeeze %dma_wait3A_371 : memref<1x128xi32, #tpu.memory_space<vmem>> -> memref<128xi32, #tpu.memory_space<vmem>>
      %dma_wait3A_373 = arith.constant 0 : i32
      %dma_wait3A_374 = tpu.memref_slice %arg4[%dma_wait3A_373] : memref<23887872xf32, #tpu.memory_space<hbm>> -> memref<23887872xf32, #tpu.memory_space<hbm>>
      tpu.wait_indirect_dma semaphore(%arg12 : memref<!tpu.dma_semaphore, #tpu.memory_space<semaphore_mem>>) src(%dma_wait3A_374 : memref<23887872xf32, #tpu.memory_space<hbm>>) dst(%dma_wait3A_369 : memref<128xf32, #tpu.memory_space<vmem>>)
      %dma_wait3A_375 = arith.constant 20 : i32
      %dma_wait3A_376 = arith.constant 2560 : i32
      %dma_wait3A_377 = tpu.memref_slice %arg10[%dma_wait3A_376] : memref<4096xf32, #tpu.memory_space<vmem>> -> memref<128xf32, #tpu.memory_space<vmem>>
      %dma_wait3A_378 = arith.constant 0 : i32
      %dma_wait3A_379 = tpu.memref_slice %arg8[%dma_wait3A_375, %dma_wait3A_378] : memref<32x128xi32, #tpu.memory_space<vmem>> -> memref<1x128xi32, #tpu.memory_space<vmem>>
      %dma_wait3A_380 = tpu.memref_squeeze %dma_wait3A_379 : memref<1x128xi32, #tpu.memory_space<vmem>> -> memref<128xi32, #tpu.memory_space<vmem>>
      %dma_wait3A_381 = arith.constant 0 : i32
      %dma_wait3A_382 = tpu.memref_slice %arg4[%dma_wait3A_381] : memref<23887872xf32, #tpu.memory_space<hbm>> -> memref<23887872xf32, #tpu.memory_space<hbm>>
      tpu.wait_indirect_dma semaphore(%arg12 : memref<!tpu.dma_semaphore, #tpu.memory_space<semaphore_mem>>) src(%dma_wait3A_382 : memref<23887872xf32, #tpu.memory_space<hbm>>) dst(%dma_wait3A_377 : memref<128xf32, #tpu.memory_space<vmem>>)
      %dma_wait3A_383 = arith.constant 21 : i32
      %dma_wait3A_384 = arith.constant 2688 : i32
      %dma_wait3A_385 = tpu.memref_slice %arg10[%dma_wait3A_384] : memref<4096xf32, #tpu.memory_space<vmem>> -> memref<128xf32, #tpu.memory_space<vmem>>
      %dma_wait3A_386 = arith.constant 0 : i32
      %dma_wait3A_387 = tpu.memref_slice %arg8[%dma_wait3A_383, %dma_wait3A_386] : memref<32x128xi32, #tpu.memory_space<vmem>> -> memref<1x128xi32, #tpu.memory_space<vmem>>
      %dma_wait3A_388 = tpu.memref_squeeze %dma_wait3A_387 : memref<1x128xi32, #tpu.memory_space<vmem>> -> memref<128xi32, #tpu.memory_space<vmem>>
      %dma_wait3A_389 = arith.constant 0 : i32
      %dma_wait3A_390 = tpu.memref_slice %arg4[%dma_wait3A_389] : memref<23887872xf32, #tpu.memory_space<hbm>> -> memref<23887872xf32, #tpu.memory_space<hbm>>
      tpu.wait_indirect_dma semaphore(%arg12 : memref<!tpu.dma_semaphore, #tpu.memory_space<semaphore_mem>>) src(%dma_wait3A_390 : memref<23887872xf32, #tpu.memory_space<hbm>>) dst(%dma_wait3A_385 : memref<128xf32, #tpu.memory_space<vmem>>)
      "tpu.region"() ({
        %run_scoped3A = tpu.sem_alloc : memref<!tpu.dma_semaphore, #tpu.memory_space<semaphore_mem>>
        %dma_start3A_423 = arith.constant 0 : i32
        %dma_start3A_424 = tpu.memref_slice %arg10[%dma_start3A_423] : memref<4096xf32, #tpu.memory_space<vmem>> -> memref<2816xf32, #tpu.memory_space<vmem>>
        %dma_start3A_425 = arith.constant 4096 : i32
        %dma_start3A_426 = tpu.memref_slice %arg6[%select_n3A, %dma_start3A_425] : memref<16x6912xf32, #tpu.memory_space<hbm>> -> memref<1x2816xf32, #tpu.memory_space<hbm>>
        %dma_start3A_427 = tpu.memref_squeeze %dma_start3A_426 : memref<1x2816xf32, #tpu.memory_space<hbm>> -> memref<2816xf32, #tpu.memory_space<hbm>>
        %dma_start3A_428 = arith.constant 4096 : i32
        %dma_start3A_429 = tpu.memref_slice %arg6[%select_n3A, %dma_start3A_428] : memref<16x6912xf32, #tpu.memory_space<hbm>> -> memref<1x2816xf32, #tpu.memory_space<hbm>>
        %dma_start3A_430 = tpu.memref_squeeze %dma_start3A_429 : memref<1x2816xf32, #tpu.memory_space<hbm>> -> memref<2816xf32, #tpu.memory_space<hbm>>
        %dma_start3A_431 = arith.constant 0 : i32
        %dma_start3A_432 = tpu.memref_slice %arg10[%dma_start3A_431] : memref<4096xf32, #tpu.memory_space<vmem>> -> memref<2816xf32, #tpu.memory_space<vmem>>
        tpu.enqueue_dma source(%dma_start3A_432 : memref<2816xf32, #tpu.memory_space<vmem>>) target(%dma_start3A_430 : memref<2816xf32, #tpu.memory_space<hbm>>) target_semaphore(%run_scoped3A : memref<!tpu.dma_semaphore, #tpu.memory_space<semaphore_mem>>)
        %dma_wait3A_433 = arith.constant 0 : i32
        %dma_wait3A_434 = tpu.memref_slice %arg10[%dma_wait3A_433] : memref<4096xf32, #tpu.memory_space<vmem>> -> memref<2816xf32, #tpu.memory_space<vmem>>
        %dma_wait3A_435 = arith.constant 4096 : i32
        %dma_wait3A_436 = tpu.memref_slice %arg6[%select_n3A, %dma_wait3A_435] : memref<16x6912xf32, #tpu.memory_space<hbm>> -> memref<1x2816xf32, #tpu.memory_space<hbm>>
        %dma_wait3A_437 = tpu.memref_squeeze %dma_wait3A_436 : memref<1x2816xf32, #tpu.memory_space<hbm>> -> memref<2816xf32, #tpu.memory_space<hbm>>
        %dma_wait3A_438 = arith.constant 4096 : i32
        %dma_wait3A_439 = tpu.memref_slice %arg6[%select_n3A, %dma_wait3A_438] : memref<16x6912xf32, #tpu.memory_space<hbm>> -> memref<1x2816xf32, #tpu.memory_space<hbm>>
        %dma_wait3A_440 = tpu.memref_squeeze %dma_wait3A_439 : memref<1x2816xf32, #tpu.memory_space<hbm>> -> memref<2816xf32, #tpu.memory_space<hbm>>
        %dma_wait3A_441 = arith.constant 0 : i32
        %dma_wait3A_442 = tpu.memref_slice %arg10[%dma_wait3A_441] : memref<4096xf32, #tpu.memory_space<vmem>> -> memref<2816xf32, #tpu.memory_space<vmem>>
        tpu.wait_dma2 semaphore(%run_scoped3A : memref<!tpu.dma_semaphore, #tpu.memory_space<semaphore_mem>>) src(%dma_wait3A_442 : memref<2816xf32, #tpu.memory_space<vmem>>) dst(%dma_wait3A_440 : memref<2816xf32, #tpu.memory_space<hbm>>)
        tpu.yield
      }) : () -> ()
      "tpu.region"() ({
        %run_scoped3A = tpu.sem_alloc : memref<!tpu.dma_semaphore, #tpu.memory_space<semaphore_mem>>
        %dma_start3A_423 = arith.constant 0 : i32
        %dma_start3A_424 = arith.constant 0 : i32
        %dma_start3A_425 = tpu.memref_slice %arg3[%select_n3A, %dma_start3A_423, %dma_start3A_424] : memref<16x8x128xi32, #tpu.memory_space<hbm>> -> memref<1x8x128xi32, #tpu.memory_space<hbm>>
        %dma_start3A_426 = tpu.memref_squeeze %dma_start3A_425 : memref<1x8x128xi32, #tpu.memory_space<hbm>> -> memref<8x128xi32, #tpu.memory_space<hbm>>
        %dma_start3A_427 = arith.constant 0 : i32
        %dma_start3A_428 = arith.constant 0 : i32
        %dma_start3A_429 = tpu.memref_slice %arg3[%select_n3A, %dma_start3A_427, %dma_start3A_428] : memref<16x8x128xi32, #tpu.memory_space<hbm>> -> memref<1x8x128xi32, #tpu.memory_space<hbm>>
        %dma_start3A_430 = tpu.memref_squeeze %dma_start3A_429 : memref<1x8x128xi32, #tpu.memory_space<hbm>> -> memref<8x128xi32, #tpu.memory_space<hbm>>
        tpu.enqueue_dma source(%dma_start3A_430 : memref<8x128xi32, #tpu.memory_space<hbm>>) target(%arg9 : memref<8x128xi32, #tpu.memory_space<vmem>>) target_semaphore(%run_scoped3A : memref<!tpu.dma_semaphore, #tpu.memory_space<semaphore_mem>>)
        %dma_wait3A_431 = arith.constant 0 : i32
        %dma_wait3A_432 = arith.constant 0 : i32
        %dma_wait3A_433 = tpu.memref_slice %arg3[%select_n3A, %dma_wait3A_431, %dma_wait3A_432] : memref<16x8x128xi32, #tpu.memory_space<hbm>> -> memref<1x8x128xi32, #tpu.memory_space<hbm>>
        %dma_wait3A_434 = tpu.memref_squeeze %dma_wait3A_433 : memref<1x8x128xi32, #tpu.memory_space<hbm>> -> memref<8x128xi32, #tpu.memory_space<hbm>>
        %dma_wait3A_435 = arith.constant 0 : i32
        %dma_wait3A_436 = arith.constant 0 : i32
        %dma_wait3A_437 = tpu.memref_slice %arg3[%select_n3A, %dma_wait3A_435, %dma_wait3A_436] : memref<16x8x128xi32, #tpu.memory_space<hbm>> -> memref<1x8x128xi32, #tpu.memory_space<hbm>>
        %dma_wait3A_438 = tpu.memref_squeeze %dma_wait3A_437 : memref<1x8x128xi32, #tpu.memory_space<hbm>> -> memref<8x128xi32, #tpu.memory_space<hbm>>
        tpu.wait_dma2 semaphore(%run_scoped3A : memref<!tpu.dma_semaphore, #tpu.memory_space<semaphore_mem>>) src(%dma_wait3A_438 : memref<8x128xi32, #tpu.memory_space<hbm>>) dst(%arg9 : memref<8x128xi32, #tpu.memory_space<vmem>>)
        tpu.yield
      }) : () -> ()
      %dma_start3A_391 = arith.constant 0 : i32
      %dma_start3A_392 = arith.constant 0 : i32
      %dma_start3A_393 = tpu.memref_slice %arg11[%dma_start3A_392] : memref<256xf32, #tpu.memory_space<vmem>> -> memref<128xf32, #tpu.memory_space<vmem>>
      %dma_start3A_394 = arith.constant 0 : i32
      %dma_start3A_395 = tpu.memref_slice %arg9[%dma_start3A_391, %dma_start3A_394] : memref<8x128xi32, #tpu.memory_space<vmem>> -> memref<1x128xi32, #tpu.memory_space<vmem>>
      %dma_start3A_396 = tpu.memref_squeeze %dma_start3A_395 : memref<1x128xi32, #tpu.memory_space<vmem>> -> memref<128xi32, #tpu.memory_space<vmem>>
      %dma_start3A_397 = arith.constant 0 : i32
      %dma_start3A_398 = tpu.memref_slice %arg5[%dma_start3A_397] : memref<663552xf32, #tpu.memory_space<hbm>> -> memref<663552xf32, #tpu.memory_space<hbm>>
      tpu.enqueue_indirect_dma source(%dma_start3A_398 : memref<663552xf32, #tpu.memory_space<hbm>>) target(%dma_start3A_393 : memref<128xf32, #tpu.memory_space<vmem>>) offsets(%dma_start3A_396 : memref<128xi32, #tpu.memory_space<vmem>>) semaphore(%arg12 : memref<!tpu.dma_semaphore, #tpu.memory_space<semaphore_mem>>)
      %dma_start3A_399 = arith.constant 1 : i32
      %dma_start3A_400 = arith.constant 128 : i32
      %dma_start3A_401 = tpu.memref_slice %arg11[%dma_start3A_400] : memref<256xf32, #tpu.memory_space<vmem>> -> memref<128xf32, #tpu.memory_space<vmem>>
      %dma_start3A_402 = arith.constant 0 : i32
      %dma_start3A_403 = tpu.memref_slice %arg9[%dma_start3A_399, %dma_start3A_402] : memref<8x128xi32, #tpu.memory_space<vmem>> -> memref<1x128xi32, #tpu.memory_space<vmem>>
      %dma_start3A_404 = tpu.memref_squeeze %dma_start3A_403 : memref<1x128xi32, #tpu.memory_space<vmem>> -> memref<128xi32, #tpu.memory_space<vmem>>
      %dma_start3A_405 = arith.constant 0 : i32
      %dma_start3A_406 = tpu.memref_slice %arg5[%dma_start3A_405] : memref<663552xf32, #tpu.memory_space<hbm>> -> memref<663552xf32, #tpu.memory_space<hbm>>
      tpu.enqueue_indirect_dma source(%dma_start3A_406 : memref<663552xf32, #tpu.memory_space<hbm>>) target(%dma_start3A_401 : memref<128xf32, #tpu.memory_space<vmem>>) offsets(%dma_start3A_404 : memref<128xi32, #tpu.memory_space<vmem>>) semaphore(%arg12 : memref<!tpu.dma_semaphore, #tpu.memory_space<semaphore_mem>>)
      %dma_wait3A_407 = arith.constant 0 : i32
      %dma_wait3A_408 = arith.constant 0 : i32
      %dma_wait3A_409 = tpu.memref_slice %arg11[%dma_wait3A_408] : memref<256xf32, #tpu.memory_space<vmem>> -> memref<128xf32, #tpu.memory_space<vmem>>
      %dma_wait3A_410 = arith.constant 0 : i32
      %dma_wait3A_411 = tpu.memref_slice %arg9[%dma_wait3A_407, %dma_wait3A_410] : memref<8x128xi32, #tpu.memory_space<vmem>> -> memref<1x128xi32, #tpu.memory_space<vmem>>
      %dma_wait3A_412 = tpu.memref_squeeze %dma_wait3A_411 : memref<1x128xi32, #tpu.memory_space<vmem>> -> memref<128xi32, #tpu.memory_space<vmem>>
      %dma_wait3A_413 = arith.constant 0 : i32
      %dma_wait3A_414 = tpu.memref_slice %arg5[%dma_wait3A_413] : memref<663552xf32, #tpu.memory_space<hbm>> -> memref<663552xf32, #tpu.memory_space<hbm>>
      tpu.wait_indirect_dma semaphore(%arg12 : memref<!tpu.dma_semaphore, #tpu.memory_space<semaphore_mem>>) src(%dma_wait3A_414 : memref<663552xf32, #tpu.memory_space<hbm>>) dst(%dma_wait3A_409 : memref<128xf32, #tpu.memory_space<vmem>>)
      %dma_wait3A_415 = arith.constant 1 : i32
      %dma_wait3A_416 = arith.constant 128 : i32
      %dma_wait3A_417 = tpu.memref_slice %arg11[%dma_wait3A_416] : memref<256xf32, #tpu.memory_space<vmem>> -> memref<128xf32, #tpu.memory_space<vmem>>
      %dma_wait3A_418 = arith.constant 0 : i32
      %dma_wait3A_419 = tpu.memref_slice %arg9[%dma_wait3A_415, %dma_wait3A_418] : memref<8x128xi32, #tpu.memory_space<vmem>> -> memref<1x128xi32, #tpu.memory_space<vmem>>
      %dma_wait3A_420 = tpu.memref_squeeze %dma_wait3A_419 : memref<1x128xi32, #tpu.memory_space<vmem>> -> memref<128xi32, #tpu.memory_space<vmem>>
      %dma_wait3A_421 = arith.constant 0 : i32
      %dma_wait3A_422 = tpu.memref_slice %arg5[%dma_wait3A_421] : memref<663552xf32, #tpu.memory_space<hbm>> -> memref<663552xf32, #tpu.memory_space<hbm>>
      tpu.wait_indirect_dma semaphore(%arg12 : memref<!tpu.dma_semaphore, #tpu.memory_space<semaphore_mem>>) src(%dma_wait3A_422 : memref<663552xf32, #tpu.memory_space<hbm>>) dst(%dma_wait3A_417 : memref<128xf32, #tpu.memory_space<vmem>>)
      "tpu.region"() ({
        %run_scoped3A = tpu.sem_alloc : memref<!tpu.dma_semaphore, #tpu.memory_space<semaphore_mem>>
        %dma_start3A_423 = arith.constant 0 : i32
        %dma_start3A_424 = tpu.memref_slice %arg7[%select_n3A, %dma_start3A_423] : memref<16x256xf32, #tpu.memory_space<hbm>> -> memref<1x256xf32, #tpu.memory_space<hbm>>
        %dma_start3A_425 = tpu.memref_squeeze %dma_start3A_424 : memref<1x256xf32, #tpu.memory_space<hbm>> -> memref<256xf32, #tpu.memory_space<hbm>>
        %dma_start3A_426 = arith.constant 0 : i32
        %dma_start3A_427 = tpu.memref_slice %arg7[%select_n3A, %dma_start3A_426] : memref<16x256xf32, #tpu.memory_space<hbm>> -> memref<1x256xf32, #tpu.memory_space<hbm>>
        %dma_start3A_428 = tpu.memref_squeeze %dma_start3A_427 : memref<1x256xf32, #tpu.memory_space<hbm>> -> memref<256xf32, #tpu.memory_space<hbm>>
        tpu.enqueue_dma source(%arg11 : memref<256xf32, #tpu.memory_space<vmem>>) target(%dma_start3A_428 : memref<256xf32, #tpu.memory_space<hbm>>) target_semaphore(%run_scoped3A : memref<!tpu.dma_semaphore, #tpu.memory_space<semaphore_mem>>)
        %dma_wait3A_429 = arith.constant 0 : i32
        %dma_wait3A_430 = tpu.memref_slice %arg7[%select_n3A, %dma_wait3A_429] : memref<16x256xf32, #tpu.memory_space<hbm>> -> memref<1x256xf32, #tpu.memory_space<hbm>>
        %dma_wait3A_431 = tpu.memref_squeeze %dma_wait3A_430 : memref<1x256xf32, #tpu.memory_space<hbm>> -> memref<256xf32, #tpu.memory_space<hbm>>
        %dma_wait3A_432 = arith.constant 0 : i32
        %dma_wait3A_433 = tpu.memref_slice %arg7[%select_n3A, %dma_wait3A_432] : memref<16x256xf32, #tpu.memory_space<hbm>> -> memref<1x256xf32, #tpu.memory_space<hbm>>
        %dma_wait3A_434 = tpu.memref_squeeze %dma_wait3A_433 : memref<1x256xf32, #tpu.memory_space<hbm>> -> memref<256xf32, #tpu.memory_space<hbm>>
        tpu.wait_dma2 semaphore(%run_scoped3A : memref<!tpu.dma_semaphore, #tpu.memory_space<semaphore_mem>>) src(%arg11 : memref<256xf32, #tpu.memory_space<vmem>>) dst(%dma_wait3A_434 : memref<256xf32, #tpu.memory_space<hbm>>)
        tpu.yield
      }) : () -> ()
    } else {
    }
    return
  }
}

module attributes {stable_mosaic.version = 14 : i64} {
  func.func @_topk_tc(%arg0: memref<16x13824xf32, #tpu.memory_space<vmem>>, %arg1: memref<16x64xf32, #tpu.memory_space<vmem>>, %arg2: memref<16x64xi32, #tpu.memory_space<vmem>>, %arg3: memref<16x64x128xi32, #tpu.memory_space<vmem>>, %arg4: memref<16x8x128xi32, #tpu.memory_space<vmem>>) attributes {dimension_semantics = [], scalar_prefetch = 0 : i64, scratch_operands = 0 : i64, tpu.core_type = #tpu.core_type<tc>} {
    %get3A = arith.constant 0 : index
    %get3A_0 = arith.constant 0 : index
    %get3A_1 = vector.load %arg0[%get3A, %get3A_0] : memref<16x13824xf32, #tpu.memory_space<vmem>>, vector<16x13824xf32>
    %logistic3A = arith.negf %get3A_1 : vector<16x13824xf32>
    %logistic3A_2 = math.exp %logistic3A : vector<16x13824xf32>
    %logistic3A_3 = arith.constant 1.000000e+00 : f32
    %logistic3A_4 = vector.broadcast %logistic3A_3 : f32 to vector<16x13824xf32>
    %logistic3A_5 = arith.addf %logistic3A_4, %logistic3A_2 : vector<16x13824xf32>
    %logistic3A_6 = arith.divf %logistic3A_4, %logistic3A_5 : vector<16x13824xf32>
    %iota3A = tpu.iota {dimensions = array<i32: 1>} : vector<16x13824xi32>
    %reduce_max3A = arith.constant dense<0xFF800000> : vector<16xf32>
    %reduce_max3A_7 = vector.multi_reduction <maximumf>, %logistic3A_6, %reduce_max3A [1] : vector<16x13824xf32> to vector<16xf32>
    %broadcast_in_dim3A = vector.shape_cast %reduce_max3A_7 : vector<16xf32> to vector<16x1xf32>
    %eq3A = vector.broadcast %broadcast_in_dim3A : vector<16x1xf32> to vector<16x13824xf32>
    %eq3A_8 = arith.cmpf oeq, %logistic3A_6, %eq3A : vector<16x13824xf32>
    %jit3A = arith.constant 13824 : i32
    %broadcast_in_dim3A_9 = vector.broadcast %jit3A : i32 to vector<16x13824xi32>
    %select_n3A = arith.select %eq3A_8, %iota3A, %broadcast_in_dim3A_9 : vector<16x13824xi1>, vector<16x13824xi32>
    %reduce_min3A = arith.constant dense<2147483647> : vector<16xi32>
    %reduce_min3A_10 = vector.multi_reduction <minsi>, %select_n3A, %reduce_min3A [1] : vector<16x13824xi32> to vector<16xi32>
    %broadcast_in_dim3A_11 = vector.shape_cast %reduce_min3A_10 : vector<16xi32> to vector<16x1xi32>
    %eq3A_12 = vector.broadcast %broadcast_in_dim3A_11 : vector<16x1xi32> to vector<16x13824xi32>
    %eq3A_13 = arith.cmpi eq, %iota3A, %eq3A_12 : vector<16x13824xi32>
    %jit3A_14 = arith.constant 0xFF800000 : f32
    %broadcast_in_dim3A_15 = vector.broadcast %jit3A_14 : f32 to vector<16x13824xf32>
    %select_n3A_16 = arith.select %eq3A_13, %broadcast_in_dim3A_15, %logistic3A_6 : vector<16x13824xi1>, vector<16x13824xf32>
    %reduce_max3A_17 = arith.constant dense<0xFF800000> : vector<16xf32>
    %reduce_max3A_18 = vector.multi_reduction <maximumf>, %select_n3A_16, %reduce_max3A_17 [1] : vector<16x13824xf32> to vector<16xf32>
    %broadcast_in_dim3A_19 = vector.shape_cast %reduce_max3A_18 : vector<16xf32> to vector<16x1xf32>
    %eq3A_20 = vector.broadcast %broadcast_in_dim3A_19 : vector<16x1xf32> to vector<16x13824xf32>
    %eq3A_21 = arith.cmpf oeq, %select_n3A_16, %eq3A_20 : vector<16x13824xf32>
    %jit3A_22 = arith.constant 13824 : i32
    %broadcast_in_dim3A_23 = vector.broadcast %jit3A_22 : i32 to vector<16x13824xi32>
    %select_n3A_24 = arith.select %eq3A_21, %iota3A, %broadcast_in_dim3A_23 : vector<16x13824xi1>, vector<16x13824xi32>
    %reduce_min3A_25 = arith.constant dense<2147483647> : vector<16xi32>
    %reduce_min3A_26 = vector.multi_reduction <minsi>, %select_n3A_24, %reduce_min3A_25 [1] : vector<16x13824xi32> to vector<16xi32>
    %broadcast_in_dim3A_27 = vector.shape_cast %reduce_min3A_26 : vector<16xi32> to vector<16x1xi32>
    %eq3A_28 = vector.broadcast %broadcast_in_dim3A_27 : vector<16x1xi32> to vector<16x13824xi32>
    %eq3A_29 = arith.cmpi eq, %iota3A, %eq3A_28 : vector<16x13824xi32>
    %jit3A_30 = arith.constant 0xFF800000 : f32
    %broadcast_in_dim3A_31 = vector.broadcast %jit3A_30 : f32 to vector<16x13824xf32>
    %select_n3A_32 = arith.select %eq3A_29, %broadcast_in_dim3A_31, %select_n3A_16 : vector<16x13824xi1>, vector<16x13824xf32>
    %reduce_max3A_33 = arith.constant dense<0xFF800000> : vector<16xf32>
    %reduce_max3A_34 = vector.multi_reduction <maximumf>, %select_n3A_32, %reduce_max3A_33 [1] : vector<16x13824xf32> to vector<16xf32>
    %broadcast_in_dim3A_35 = vector.shape_cast %reduce_max3A_34 : vector<16xf32> to vector<16x1xf32>
    %eq3A_36 = vector.broadcast %broadcast_in_dim3A_35 : vector<16x1xf32> to vector<16x13824xf32>
    %eq3A_37 = arith.cmpf oeq, %select_n3A_32, %eq3A_36 : vector<16x13824xf32>
    %jit3A_38 = arith.constant 13824 : i32
    %broadcast_in_dim3A_39 = vector.broadcast %jit3A_38 : i32 to vector<16x13824xi32>
    %select_n3A_40 = arith.select %eq3A_37, %iota3A, %broadcast_in_dim3A_39 : vector<16x13824xi1>, vector<16x13824xi32>
    %reduce_min3A_41 = arith.constant dense<2147483647> : vector<16xi32>
    %reduce_min3A_42 = vector.multi_reduction <minsi>, %select_n3A_40, %reduce_min3A_41 [1] : vector<16x13824xi32> to vector<16xi32>
    %broadcast_in_dim3A_43 = vector.shape_cast %reduce_min3A_42 : vector<16xi32> to vector<16x1xi32>
    %eq3A_44 = vector.broadcast %broadcast_in_dim3A_43 : vector<16x1xi32> to vector<16x13824xi32>
    %eq3A_45 = arith.cmpi eq, %iota3A, %eq3A_44 : vector<16x13824xi32>
    %jit3A_46 = arith.constant 0xFF800000 : f32
    %broadcast_in_dim3A_47 = vector.broadcast %jit3A_46 : f32 to vector<16x13824xf32>
    %select_n3A_48 = arith.select %eq3A_45, %broadcast_in_dim3A_47, %select_n3A_32 : vector<16x13824xi1>, vector<16x13824xf32>
    %reduce_max3A_49 = arith.constant dense<0xFF800000> : vector<16xf32>
    %reduce_max3A_50 = vector.multi_reduction <maximumf>, %select_n3A_48, %reduce_max3A_49 [1] : vector<16x13824xf32> to vector<16xf32>
    %broadcast_in_dim3A_51 = vector.shape_cast %reduce_max3A_50 : vector<16xf32> to vector<16x1xf32>
    %eq3A_52 = vector.broadcast %broadcast_in_dim3A_51 : vector<16x1xf32> to vector<16x13824xf32>
    %eq3A_53 = arith.cmpf oeq, %select_n3A_48, %eq3A_52 : vector<16x13824xf32>
    %jit3A_54 = arith.constant 13824 : i32
    %broadcast_in_dim3A_55 = vector.broadcast %jit3A_54 : i32 to vector<16x13824xi32>
    %select_n3A_56 = arith.select %eq3A_53, %iota3A, %broadcast_in_dim3A_55 : vector<16x13824xi1>, vector<16x13824xi32>
    %reduce_min3A_57 = arith.constant dense<2147483647> : vector<16xi32>
    %reduce_min3A_58 = vector.multi_reduction <minsi>, %select_n3A_56, %reduce_min3A_57 [1] : vector<16x13824xi32> to vector<16xi32>
    %broadcast_in_dim3A_59 = vector.shape_cast %reduce_min3A_58 : vector<16xi32> to vector<16x1xi32>
    %eq3A_60 = vector.broadcast %broadcast_in_dim3A_59 : vector<16x1xi32> to vector<16x13824xi32>
    %eq3A_61 = arith.cmpi eq, %iota3A, %eq3A_60 : vector<16x13824xi32>
    %jit3A_62 = arith.constant 0xFF800000 : f32
    %broadcast_in_dim3A_63 = vector.broadcast %jit3A_62 : f32 to vector<16x13824xf32>
    %select_n3A_64 = arith.select %eq3A_61, %broadcast_in_dim3A_63, %select_n3A_48 : vector<16x13824xi1>, vector<16x13824xf32>
    %reduce_max3A_65 = arith.constant dense<0xFF800000> : vector<16xf32>
    %reduce_max3A_66 = vector.multi_reduction <maximumf>, %select_n3A_64, %reduce_max3A_65 [1] : vector<16x13824xf32> to vector<16xf32>
    %broadcast_in_dim3A_67 = vector.shape_cast %reduce_max3A_66 : vector<16xf32> to vector<16x1xf32>
    %eq3A_68 = vector.broadcast %broadcast_in_dim3A_67 : vector<16x1xf32> to vector<16x13824xf32>
    %eq3A_69 = arith.cmpf oeq, %select_n3A_64, %eq3A_68 : vector<16x13824xf32>
    %jit3A_70 = arith.constant 13824 : i32
    %broadcast_in_dim3A_71 = vector.broadcast %jit3A_70 : i32 to vector<16x13824xi32>
    %select_n3A_72 = arith.select %eq3A_69, %iota3A, %broadcast_in_dim3A_71 : vector<16x13824xi1>, vector<16x13824xi32>
    %reduce_min3A_73 = arith.constant dense<2147483647> : vector<16xi32>
    %reduce_min3A_74 = vector.multi_reduction <minsi>, %select_n3A_72, %reduce_min3A_73 [1] : vector<16x13824xi32> to vector<16xi32>
    %broadcast_in_dim3A_75 = vector.shape_cast %reduce_min3A_74 : vector<16xi32> to vector<16x1xi32>
    %eq3A_76 = vector.broadcast %broadcast_in_dim3A_75 : vector<16x1xi32> to vector<16x13824xi32>
    %eq3A_77 = arith.cmpi eq, %iota3A, %eq3A_76 : vector<16x13824xi32>
    %jit3A_78 = arith.constant 0xFF800000 : f32
    %broadcast_in_dim3A_79 = vector.broadcast %jit3A_78 : f32 to vector<16x13824xf32>
    %select_n3A_80 = arith.select %eq3A_77, %broadcast_in_dim3A_79, %select_n3A_64 : vector<16x13824xi1>, vector<16x13824xf32>
    %reduce_max3A_81 = arith.constant dense<0xFF800000> : vector<16xf32>
    %reduce_max3A_82 = vector.multi_reduction <maximumf>, %select_n3A_80, %reduce_max3A_81 [1] : vector<16x13824xf32> to vector<16xf32>
    %broadcast_in_dim3A_83 = vector.shape_cast %reduce_max3A_82 : vector<16xf32> to vector<16x1xf32>
    %eq3A_84 = vector.broadcast %broadcast_in_dim3A_83 : vector<16x1xf32> to vector<16x13824xf32>
    %eq3A_85 = arith.cmpf oeq, %select_n3A_80, %eq3A_84 : vector<16x13824xf32>
    %jit3A_86 = arith.constant 13824 : i32
    %broadcast_in_dim3A_87 = vector.broadcast %jit3A_86 : i32 to vector<16x13824xi32>
    %select_n3A_88 = arith.select %eq3A_85, %iota3A, %broadcast_in_dim3A_87 : vector<16x13824xi1>, vector<16x13824xi32>
    %reduce_min3A_89 = arith.constant dense<2147483647> : vector<16xi32>
    %reduce_min3A_90 = vector.multi_reduction <minsi>, %select_n3A_88, %reduce_min3A_89 [1] : vector<16x13824xi32> to vector<16xi32>
    %broadcast_in_dim3A_91 = vector.shape_cast %reduce_min3A_90 : vector<16xi32> to vector<16x1xi32>
    %eq3A_92 = vector.broadcast %broadcast_in_dim3A_91 : vector<16x1xi32> to vector<16x13824xi32>
    %eq3A_93 = arith.cmpi eq, %iota3A, %eq3A_92 : vector<16x13824xi32>
    %jit3A_94 = arith.constant 0xFF800000 : f32
    %broadcast_in_dim3A_95 = vector.broadcast %jit3A_94 : f32 to vector<16x13824xf32>
    %select_n3A_96 = arith.select %eq3A_93, %broadcast_in_dim3A_95, %select_n3A_80 : vector<16x13824xi1>, vector<16x13824xf32>
    %reduce_max3A_97 = arith.constant dense<0xFF800000> : vector<16xf32>
    %reduce_max3A_98 = vector.multi_reduction <maximumf>, %select_n3A_96, %reduce_max3A_97 [1] : vector<16x13824xf32> to vector<16xf32>
    %broadcast_in_dim3A_99 = vector.shape_cast %reduce_max3A_98 : vector<16xf32> to vector<16x1xf32>
    %eq3A_100 = vector.broadcast %broadcast_in_dim3A_99 : vector<16x1xf32> to vector<16x13824xf32>
    %eq3A_101 = arith.cmpf oeq, %select_n3A_96, %eq3A_100 : vector<16x13824xf32>
    %jit3A_102 = arith.constant 13824 : i32
    %broadcast_in_dim3A_103 = vector.broadcast %jit3A_102 : i32 to vector<16x13824xi32>
    %select_n3A_104 = arith.select %eq3A_101, %iota3A, %broadcast_in_dim3A_103 : vector<16x13824xi1>, vector<16x13824xi32>
    %reduce_min3A_105 = arith.constant dense<2147483647> : vector<16xi32>
    %reduce_min3A_106 = vector.multi_reduction <minsi>, %select_n3A_104, %reduce_min3A_105 [1] : vector<16x13824xi32> to vector<16xi32>
    %broadcast_in_dim3A_107 = vector.shape_cast %reduce_min3A_106 : vector<16xi32> to vector<16x1xi32>
    %eq3A_108 = vector.broadcast %broadcast_in_dim3A_107 : vector<16x1xi32> to vector<16x13824xi32>
    %eq3A_109 = arith.cmpi eq, %iota3A, %eq3A_108 : vector<16x13824xi32>
    %jit3A_110 = arith.constant 0xFF800000 : f32
    %broadcast_in_dim3A_111 = vector.broadcast %jit3A_110 : f32 to vector<16x13824xf32>
    %select_n3A_112 = arith.select %eq3A_109, %broadcast_in_dim3A_111, %select_n3A_96 : vector<16x13824xi1>, vector<16x13824xf32>
    %reduce_max3A_113 = arith.constant dense<0xFF800000> : vector<16xf32>
    %reduce_max3A_114 = vector.multi_reduction <maximumf>, %select_n3A_112, %reduce_max3A_113 [1] : vector<16x13824xf32> to vector<16xf32>
    %broadcast_in_dim3A_115 = vector.shape_cast %reduce_max3A_114 : vector<16xf32> to vector<16x1xf32>
    %eq3A_116 = vector.broadcast %broadcast_in_dim3A_115 : vector<16x1xf32> to vector<16x13824xf32>
    %eq3A_117 = arith.cmpf oeq, %select_n3A_112, %eq3A_116 : vector<16x13824xf32>
    %jit3A_118 = arith.constant 13824 : i32
    %broadcast_in_dim3A_119 = vector.broadcast %jit3A_118 : i32 to vector<16x13824xi32>
    %select_n3A_120 = arith.select %eq3A_117, %iota3A, %broadcast_in_dim3A_119 : vector<16x13824xi1>, vector<16x13824xi32>
    %reduce_min3A_121 = arith.constant dense<2147483647> : vector<16xi32>
    %reduce_min3A_122 = vector.multi_reduction <minsi>, %select_n3A_120, %reduce_min3A_121 [1] : vector<16x13824xi32> to vector<16xi32>
    %broadcast_in_dim3A_123 = vector.shape_cast %reduce_min3A_122 : vector<16xi32> to vector<16x1xi32>
    %eq3A_124 = vector.broadcast %broadcast_in_dim3A_123 : vector<16x1xi32> to vector<16x13824xi32>
    %eq3A_125 = arith.cmpi eq, %iota3A, %eq3A_124 : vector<16x13824xi32>
    %jit3A_126 = arith.constant 0xFF800000 : f32
    %broadcast_in_dim3A_127 = vector.broadcast %jit3A_126 : f32 to vector<16x13824xf32>
    %select_n3A_128 = arith.select %eq3A_125, %broadcast_in_dim3A_127, %select_n3A_112 : vector<16x13824xi1>, vector<16x13824xf32>
    %reduce_max3A_129 = arith.constant dense<0xFF800000> : vector<16xf32>
    %reduce_max3A_130 = vector.multi_reduction <maximumf>, %select_n3A_128, %reduce_max3A_129 [1] : vector<16x13824xf32> to vector<16xf32>
    %broadcast_in_dim3A_131 = vector.shape_cast %reduce_max3A_130 : vector<16xf32> to vector<16x1xf32>
    %eq3A_132 = vector.broadcast %broadcast_in_dim3A_131 : vector<16x1xf32> to vector<16x13824xf32>
    %eq3A_133 = arith.cmpf oeq, %select_n3A_128, %eq3A_132 : vector<16x13824xf32>
    %jit3A_134 = arith.constant 13824 : i32
    %broadcast_in_dim3A_135 = vector.broadcast %jit3A_134 : i32 to vector<16x13824xi32>
    %select_n3A_136 = arith.select %eq3A_133, %iota3A, %broadcast_in_dim3A_135 : vector<16x13824xi1>, vector<16x13824xi32>
    %reduce_min3A_137 = arith.constant dense<2147483647> : vector<16xi32>
    %reduce_min3A_138 = vector.multi_reduction <minsi>, %select_n3A_136, %reduce_min3A_137 [1] : vector<16x13824xi32> to vector<16xi32>
    %broadcast_in_dim3A_139 = vector.shape_cast %reduce_min3A_138 : vector<16xi32> to vector<16x1xi32>
    %eq3A_140 = vector.broadcast %broadcast_in_dim3A_139 : vector<16x1xi32> to vector<16x13824xi32>
    %eq3A_141 = arith.cmpi eq, %iota3A, %eq3A_140 : vector<16x13824xi32>
    %jit3A_142 = arith.constant 0xFF800000 : f32
    %broadcast_in_dim3A_143 = vector.broadcast %jit3A_142 : f32 to vector<16x13824xf32>
    %select_n3A_144 = arith.select %eq3A_141, %broadcast_in_dim3A_143, %select_n3A_128 : vector<16x13824xi1>, vector<16x13824xf32>
    %reduce_max3A_145 = arith.constant dense<0xFF800000> : vector<16xf32>
    %reduce_max3A_146 = vector.multi_reduction <maximumf>, %select_n3A_144, %reduce_max3A_145 [1] : vector<16x13824xf32> to vector<16xf32>
    %broadcast_in_dim3A_147 = vector.shape_cast %reduce_max3A_146 : vector<16xf32> to vector<16x1xf32>
    %eq3A_148 = vector.broadcast %broadcast_in_dim3A_147 : vector<16x1xf32> to vector<16x13824xf32>
    %eq3A_149 = arith.cmpf oeq, %select_n3A_144, %eq3A_148 : vector<16x13824xf32>
    %jit3A_150 = arith.constant 13824 : i32
    %broadcast_in_dim3A_151 = vector.broadcast %jit3A_150 : i32 to vector<16x13824xi32>
    %select_n3A_152 = arith.select %eq3A_149, %iota3A, %broadcast_in_dim3A_151 : vector<16x13824xi1>, vector<16x13824xi32>
    %reduce_min3A_153 = arith.constant dense<2147483647> : vector<16xi32>
    %reduce_min3A_154 = vector.multi_reduction <minsi>, %select_n3A_152, %reduce_min3A_153 [1] : vector<16x13824xi32> to vector<16xi32>
    %broadcast_in_dim3A_155 = vector.shape_cast %reduce_min3A_154 : vector<16xi32> to vector<16x1xi32>
    %eq3A_156 = vector.broadcast %broadcast_in_dim3A_155 : vector<16x1xi32> to vector<16x13824xi32>
    %eq3A_157 = arith.cmpi eq, %iota3A, %eq3A_156 : vector<16x13824xi32>
    %jit3A_158 = arith.constant 0xFF800000 : f32
    %broadcast_in_dim3A_159 = vector.broadcast %jit3A_158 : f32 to vector<16x13824xf32>
    %select_n3A_160 = arith.select %eq3A_157, %broadcast_in_dim3A_159, %select_n3A_144 : vector<16x13824xi1>, vector<16x13824xf32>
    %reduce_max3A_161 = arith.constant dense<0xFF800000> : vector<16xf32>
    %reduce_max3A_162 = vector.multi_reduction <maximumf>, %select_n3A_160, %reduce_max3A_161 [1] : vector<16x13824xf32> to vector<16xf32>
    %broadcast_in_dim3A_163 = vector.shape_cast %reduce_max3A_162 : vector<16xf32> to vector<16x1xf32>
    %eq3A_164 = vector.broadcast %broadcast_in_dim3A_163 : vector<16x1xf32> to vector<16x13824xf32>
    %eq3A_165 = arith.cmpf oeq, %select_n3A_160, %eq3A_164 : vector<16x13824xf32>
    %jit3A_166 = arith.constant 13824 : i32
    %broadcast_in_dim3A_167 = vector.broadcast %jit3A_166 : i32 to vector<16x13824xi32>
    %select_n3A_168 = arith.select %eq3A_165, %iota3A, %broadcast_in_dim3A_167 : vector<16x13824xi1>, vector<16x13824xi32>
    %reduce_min3A_169 = arith.constant dense<2147483647> : vector<16xi32>
    %reduce_min3A_170 = vector.multi_reduction <minsi>, %select_n3A_168, %reduce_min3A_169 [1] : vector<16x13824xi32> to vector<16xi32>
    %broadcast_in_dim3A_171 = vector.shape_cast %reduce_min3A_170 : vector<16xi32> to vector<16x1xi32>
    %eq3A_172 = vector.broadcast %broadcast_in_dim3A_171 : vector<16x1xi32> to vector<16x13824xi32>
    %eq3A_173 = arith.cmpi eq, %iota3A, %eq3A_172 : vector<16x13824xi32>
    %jit3A_174 = arith.constant 0xFF800000 : f32
    %broadcast_in_dim3A_175 = vector.broadcast %jit3A_174 : f32 to vector<16x13824xf32>
    %select_n3A_176 = arith.select %eq3A_173, %broadcast_in_dim3A_175, %select_n3A_160 : vector<16x13824xi1>, vector<16x13824xf32>
    %reduce_max3A_177 = arith.constant dense<0xFF800000> : vector<16xf32>
    %reduce_max3A_178 = vector.multi_reduction <maximumf>, %select_n3A_176, %reduce_max3A_177 [1] : vector<16x13824xf32> to vector<16xf32>
    %broadcast_in_dim3A_179 = vector.shape_cast %reduce_max3A_178 : vector<16xf32> to vector<16x1xf32>
    %eq3A_180 = vector.broadcast %broadcast_in_dim3A_179 : vector<16x1xf32> to vector<16x13824xf32>
    %eq3A_181 = arith.cmpf oeq, %select_n3A_176, %eq3A_180 : vector<16x13824xf32>
    %jit3A_182 = arith.constant 13824 : i32
    %broadcast_in_dim3A_183 = vector.broadcast %jit3A_182 : i32 to vector<16x13824xi32>
    %select_n3A_184 = arith.select %eq3A_181, %iota3A, %broadcast_in_dim3A_183 : vector<16x13824xi1>, vector<16x13824xi32>
    %reduce_min3A_185 = arith.constant dense<2147483647> : vector<16xi32>
    %reduce_min3A_186 = vector.multi_reduction <minsi>, %select_n3A_184, %reduce_min3A_185 [1] : vector<16x13824xi32> to vector<16xi32>
    %broadcast_in_dim3A_187 = vector.shape_cast %reduce_min3A_186 : vector<16xi32> to vector<16x1xi32>
    %eq3A_188 = vector.broadcast %broadcast_in_dim3A_187 : vector<16x1xi32> to vector<16x13824xi32>
    %eq3A_189 = arith.cmpi eq, %iota3A, %eq3A_188 : vector<16x13824xi32>
    %jit3A_190 = arith.constant 0xFF800000 : f32
    %broadcast_in_dim3A_191 = vector.broadcast %jit3A_190 : f32 to vector<16x13824xf32>
    %select_n3A_192 = arith.select %eq3A_189, %broadcast_in_dim3A_191, %select_n3A_176 : vector<16x13824xi1>, vector<16x13824xf32>
    %reduce_max3A_193 = arith.constant dense<0xFF800000> : vector<16xf32>
    %reduce_max3A_194 = vector.multi_reduction <maximumf>, %select_n3A_192, %reduce_max3A_193 [1] : vector<16x13824xf32> to vector<16xf32>
    %broadcast_in_dim3A_195 = vector.shape_cast %reduce_max3A_194 : vector<16xf32> to vector<16x1xf32>
    %eq3A_196 = vector.broadcast %broadcast_in_dim3A_195 : vector<16x1xf32> to vector<16x13824xf32>
    %eq3A_197 = arith.cmpf oeq, %select_n3A_192, %eq3A_196 : vector<16x13824xf32>
    %jit3A_198 = arith.constant 13824 : i32
    %broadcast_in_dim3A_199 = vector.broadcast %jit3A_198 : i32 to vector<16x13824xi32>
    %select_n3A_200 = arith.select %eq3A_197, %iota3A, %broadcast_in_dim3A_199 : vector<16x13824xi1>, vector<16x13824xi32>
    %reduce_min3A_201 = arith.constant dense<2147483647> : vector<16xi32>
    %reduce_min3A_202 = vector.multi_reduction <minsi>, %select_n3A_200, %reduce_min3A_201 [1] : vector<16x13824xi32> to vector<16xi32>
    %broadcast_in_dim3A_203 = vector.shape_cast %reduce_min3A_202 : vector<16xi32> to vector<16x1xi32>
    %eq3A_204 = vector.broadcast %broadcast_in_dim3A_203 : vector<16x1xi32> to vector<16x13824xi32>
    %eq3A_205 = arith.cmpi eq, %iota3A, %eq3A_204 : vector<16x13824xi32>
    %jit3A_206 = arith.constant 0xFF800000 : f32
    %broadcast_in_dim3A_207 = vector.broadcast %jit3A_206 : f32 to vector<16x13824xf32>
    %select_n3A_208 = arith.select %eq3A_205, %broadcast_in_dim3A_207, %select_n3A_192 : vector<16x13824xi1>, vector<16x13824xf32>
    %reduce_max3A_209 = arith.constant dense<0xFF800000> : vector<16xf32>
    %reduce_max3A_210 = vector.multi_reduction <maximumf>, %select_n3A_208, %reduce_max3A_209 [1] : vector<16x13824xf32> to vector<16xf32>
    %broadcast_in_dim3A_211 = vector.shape_cast %reduce_max3A_210 : vector<16xf32> to vector<16x1xf32>
    %eq3A_212 = vector.broadcast %broadcast_in_dim3A_211 : vector<16x1xf32> to vector<16x13824xf32>
    %eq3A_213 = arith.cmpf oeq, %select_n3A_208, %eq3A_212 : vector<16x13824xf32>
    %jit3A_214 = arith.constant 13824 : i32
    %broadcast_in_dim3A_215 = vector.broadcast %jit3A_214 : i32 to vector<16x13824xi32>
    %select_n3A_216 = arith.select %eq3A_213, %iota3A, %broadcast_in_dim3A_215 : vector<16x13824xi1>, vector<16x13824xi32>
    %reduce_min3A_217 = arith.constant dense<2147483647> : vector<16xi32>
    %reduce_min3A_218 = vector.multi_reduction <minsi>, %select_n3A_216, %reduce_min3A_217 [1] : vector<16x13824xi32> to vector<16xi32>
    %broadcast_in_dim3A_219 = vector.shape_cast %reduce_min3A_218 : vector<16xi32> to vector<16x1xi32>
    %eq3A_220 = vector.broadcast %broadcast_in_dim3A_219 : vector<16x1xi32> to vector<16x13824xi32>
    %eq3A_221 = arith.cmpi eq, %iota3A, %eq3A_220 : vector<16x13824xi32>
    %jit3A_222 = arith.constant 0xFF800000 : f32
    %broadcast_in_dim3A_223 = vector.broadcast %jit3A_222 : f32 to vector<16x13824xf32>
    %select_n3A_224 = arith.select %eq3A_221, %broadcast_in_dim3A_223, %select_n3A_208 : vector<16x13824xi1>, vector<16x13824xf32>
    %reduce_max3A_225 = arith.constant dense<0xFF800000> : vector<16xf32>
    %reduce_max3A_226 = vector.multi_reduction <maximumf>, %select_n3A_224, %reduce_max3A_225 [1] : vector<16x13824xf32> to vector<16xf32>
    %broadcast_in_dim3A_227 = vector.shape_cast %reduce_max3A_226 : vector<16xf32> to vector<16x1xf32>
    %eq3A_228 = vector.broadcast %broadcast_in_dim3A_227 : vector<16x1xf32> to vector<16x13824xf32>
    %eq3A_229 = arith.cmpf oeq, %select_n3A_224, %eq3A_228 : vector<16x13824xf32>
    %jit3A_230 = arith.constant 13824 : i32
    %broadcast_in_dim3A_231 = vector.broadcast %jit3A_230 : i32 to vector<16x13824xi32>
    %select_n3A_232 = arith.select %eq3A_229, %iota3A, %broadcast_in_dim3A_231 : vector<16x13824xi1>, vector<16x13824xi32>
    %reduce_min3A_233 = arith.constant dense<2147483647> : vector<16xi32>
    %reduce_min3A_234 = vector.multi_reduction <minsi>, %select_n3A_232, %reduce_min3A_233 [1] : vector<16x13824xi32> to vector<16xi32>
    %broadcast_in_dim3A_235 = vector.shape_cast %reduce_min3A_234 : vector<16xi32> to vector<16x1xi32>
    %eq3A_236 = vector.broadcast %broadcast_in_dim3A_235 : vector<16x1xi32> to vector<16x13824xi32>
    %eq3A_237 = arith.cmpi eq, %iota3A, %eq3A_236 : vector<16x13824xi32>
    %jit3A_238 = arith.constant 0xFF800000 : f32
    %broadcast_in_dim3A_239 = vector.broadcast %jit3A_238 : f32 to vector<16x13824xf32>
    %select_n3A_240 = arith.select %eq3A_237, %broadcast_in_dim3A_239, %select_n3A_224 : vector<16x13824xi1>, vector<16x13824xf32>
    %reduce_max3A_241 = arith.constant dense<0xFF800000> : vector<16xf32>
    %reduce_max3A_242 = vector.multi_reduction <maximumf>, %select_n3A_240, %reduce_max3A_241 [1] : vector<16x13824xf32> to vector<16xf32>
    %broadcast_in_dim3A_243 = vector.shape_cast %reduce_max3A_242 : vector<16xf32> to vector<16x1xf32>
    %eq3A_244 = vector.broadcast %broadcast_in_dim3A_243 : vector<16x1xf32> to vector<16x13824xf32>
    %eq3A_245 = arith.cmpf oeq, %select_n3A_240, %eq3A_244 : vector<16x13824xf32>
    %jit3A_246 = arith.constant 13824 : i32
    %broadcast_in_dim3A_247 = vector.broadcast %jit3A_246 : i32 to vector<16x13824xi32>
    %select_n3A_248 = arith.select %eq3A_245, %iota3A, %broadcast_in_dim3A_247 : vector<16x13824xi1>, vector<16x13824xi32>
    %reduce_min3A_249 = arith.constant dense<2147483647> : vector<16xi32>
    %reduce_min3A_250 = vector.multi_reduction <minsi>, %select_n3A_248, %reduce_min3A_249 [1] : vector<16x13824xi32> to vector<16xi32>
    %broadcast_in_dim3A_251 = vector.shape_cast %reduce_min3A_250 : vector<16xi32> to vector<16x1xi32>
    %eq3A_252 = vector.broadcast %broadcast_in_dim3A_251 : vector<16x1xi32> to vector<16x13824xi32>
    %eq3A_253 = arith.cmpi eq, %iota3A, %eq3A_252 : vector<16x13824xi32>
    %jit3A_254 = arith.constant 0xFF800000 : f32
    %broadcast_in_dim3A_255 = vector.broadcast %jit3A_254 : f32 to vector<16x13824xf32>
    %select_n3A_256 = arith.select %eq3A_253, %broadcast_in_dim3A_255, %select_n3A_240 : vector<16x13824xi1>, vector<16x13824xf32>
    %reduce_max3A_257 = arith.constant dense<0xFF800000> : vector<16xf32>
    %reduce_max3A_258 = vector.multi_reduction <maximumf>, %select_n3A_256, %reduce_max3A_257 [1] : vector<16x13824xf32> to vector<16xf32>
    %broadcast_in_dim3A_259 = vector.shape_cast %reduce_max3A_258 : vector<16xf32> to vector<16x1xf32>
    %eq3A_260 = vector.broadcast %broadcast_in_dim3A_259 : vector<16x1xf32> to vector<16x13824xf32>
    %eq3A_261 = arith.cmpf oeq, %select_n3A_256, %eq3A_260 : vector<16x13824xf32>
    %jit3A_262 = arith.constant 13824 : i32
    %broadcast_in_dim3A_263 = vector.broadcast %jit3A_262 : i32 to vector<16x13824xi32>
    %select_n3A_264 = arith.select %eq3A_261, %iota3A, %broadcast_in_dim3A_263 : vector<16x13824xi1>, vector<16x13824xi32>
    %reduce_min3A_265 = arith.constant dense<2147483647> : vector<16xi32>
    %reduce_min3A_266 = vector.multi_reduction <minsi>, %select_n3A_264, %reduce_min3A_265 [1] : vector<16x13824xi32> to vector<16xi32>
    %broadcast_in_dim3A_267 = vector.shape_cast %reduce_min3A_266 : vector<16xi32> to vector<16x1xi32>
    %eq3A_268 = vector.broadcast %broadcast_in_dim3A_267 : vector<16x1xi32> to vector<16x13824xi32>
    %eq3A_269 = arith.cmpi eq, %iota3A, %eq3A_268 : vector<16x13824xi32>
    %jit3A_270 = arith.constant 0xFF800000 : f32
    %broadcast_in_dim3A_271 = vector.broadcast %jit3A_270 : f32 to vector<16x13824xf32>
    %select_n3A_272 = arith.select %eq3A_269, %broadcast_in_dim3A_271, %select_n3A_256 : vector<16x13824xi1>, vector<16x13824xf32>
    %reduce_max3A_273 = arith.constant dense<0xFF800000> : vector<16xf32>
    %reduce_max3A_274 = vector.multi_reduction <maximumf>, %select_n3A_272, %reduce_max3A_273 [1] : vector<16x13824xf32> to vector<16xf32>
    %broadcast_in_dim3A_275 = vector.shape_cast %reduce_max3A_274 : vector<16xf32> to vector<16x1xf32>
    %eq3A_276 = vector.broadcast %broadcast_in_dim3A_275 : vector<16x1xf32> to vector<16x13824xf32>
    %eq3A_277 = arith.cmpf oeq, %select_n3A_272, %eq3A_276 : vector<16x13824xf32>
    %jit3A_278 = arith.constant 13824 : i32
    %broadcast_in_dim3A_279 = vector.broadcast %jit3A_278 : i32 to vector<16x13824xi32>
    %select_n3A_280 = arith.select %eq3A_277, %iota3A, %broadcast_in_dim3A_279 : vector<16x13824xi1>, vector<16x13824xi32>
    %reduce_min3A_281 = arith.constant dense<2147483647> : vector<16xi32>
    %reduce_min3A_282 = vector.multi_reduction <minsi>, %select_n3A_280, %reduce_min3A_281 [1] : vector<16x13824xi32> to vector<16xi32>
    %broadcast_in_dim3A_283 = vector.shape_cast %reduce_min3A_282 : vector<16xi32> to vector<16x1xi32>
    %eq3A_284 = vector.broadcast %broadcast_in_dim3A_283 : vector<16x1xi32> to vector<16x13824xi32>
    %eq3A_285 = arith.cmpi eq, %iota3A, %eq3A_284 : vector<16x13824xi32>
    %jit3A_286 = arith.constant 0xFF800000 : f32
    %broadcast_in_dim3A_287 = vector.broadcast %jit3A_286 : f32 to vector<16x13824xf32>
    %select_n3A_288 = arith.select %eq3A_285, %broadcast_in_dim3A_287, %select_n3A_272 : vector<16x13824xi1>, vector<16x13824xf32>
    %reduce_max3A_289 = arith.constant dense<0xFF800000> : vector<16xf32>
    %reduce_max3A_290 = vector.multi_reduction <maximumf>, %select_n3A_288, %reduce_max3A_289 [1] : vector<16x13824xf32> to vector<16xf32>
    %broadcast_in_dim3A_291 = vector.shape_cast %reduce_max3A_290 : vector<16xf32> to vector<16x1xf32>
    %eq3A_292 = vector.broadcast %broadcast_in_dim3A_291 : vector<16x1xf32> to vector<16x13824xf32>
    %eq3A_293 = arith.cmpf oeq, %select_n3A_288, %eq3A_292 : vector<16x13824xf32>
    %jit3A_294 = arith.constant 13824 : i32
    %broadcast_in_dim3A_295 = vector.broadcast %jit3A_294 : i32 to vector<16x13824xi32>
    %select_n3A_296 = arith.select %eq3A_293, %iota3A, %broadcast_in_dim3A_295 : vector<16x13824xi1>, vector<16x13824xi32>
    %reduce_min3A_297 = arith.constant dense<2147483647> : vector<16xi32>
    %reduce_min3A_298 = vector.multi_reduction <minsi>, %select_n3A_296, %reduce_min3A_297 [1] : vector<16x13824xi32> to vector<16xi32>
    %broadcast_in_dim3A_299 = vector.shape_cast %reduce_min3A_298 : vector<16xi32> to vector<16x1xi32>
    %eq3A_300 = vector.broadcast %broadcast_in_dim3A_299 : vector<16x1xi32> to vector<16x13824xi32>
    %eq3A_301 = arith.cmpi eq, %iota3A, %eq3A_300 : vector<16x13824xi32>
    %jit3A_302 = arith.constant 0xFF800000 : f32
    %broadcast_in_dim3A_303 = vector.broadcast %jit3A_302 : f32 to vector<16x13824xf32>
    %select_n3A_304 = arith.select %eq3A_301, %broadcast_in_dim3A_303, %select_n3A_288 : vector<16x13824xi1>, vector<16x13824xf32>
    %reduce_max3A_305 = arith.constant dense<0xFF800000> : vector<16xf32>
    %reduce_max3A_306 = vector.multi_reduction <maximumf>, %select_n3A_304, %reduce_max3A_305 [1] : vector<16x13824xf32> to vector<16xf32>
    %broadcast_in_dim3A_307 = vector.shape_cast %reduce_max3A_306 : vector<16xf32> to vector<16x1xf32>
    %eq3A_308 = vector.broadcast %broadcast_in_dim3A_307 : vector<16x1xf32> to vector<16x13824xf32>
    %eq3A_309 = arith.cmpf oeq, %select_n3A_304, %eq3A_308 : vector<16x13824xf32>
    %jit3A_310 = arith.constant 13824 : i32
    %broadcast_in_dim3A_311 = vector.broadcast %jit3A_310 : i32 to vector<16x13824xi32>
    %select_n3A_312 = arith.select %eq3A_309, %iota3A, %broadcast_in_dim3A_311 : vector<16x13824xi1>, vector<16x13824xi32>
    %reduce_min3A_313 = arith.constant dense<2147483647> : vector<16xi32>
    %reduce_min3A_314 = vector.multi_reduction <minsi>, %select_n3A_312, %reduce_min3A_313 [1] : vector<16x13824xi32> to vector<16xi32>
    %broadcast_in_dim3A_315 = vector.shape_cast %reduce_min3A_314 : vector<16xi32> to vector<16x1xi32>
    %eq3A_316 = vector.broadcast %broadcast_in_dim3A_315 : vector<16x1xi32> to vector<16x13824xi32>
    %eq3A_317 = arith.cmpi eq, %iota3A, %eq3A_316 : vector<16x13824xi32>
    %jit3A_318 = arith.constant 0xFF800000 : f32
    %broadcast_in_dim3A_319 = vector.broadcast %jit3A_318 : f32 to vector<16x13824xf32>
    %select_n3A_320 = arith.select %eq3A_317, %broadcast_in_dim3A_319, %select_n3A_304 : vector<16x13824xi1>, vector<16x13824xf32>
    %reduce_max3A_321 = arith.constant dense<0xFF800000> : vector<16xf32>
    %reduce_max3A_322 = vector.multi_reduction <maximumf>, %select_n3A_320, %reduce_max3A_321 [1] : vector<16x13824xf32> to vector<16xf32>
    %broadcast_in_dim3A_323 = vector.shape_cast %reduce_max3A_322 : vector<16xf32> to vector<16x1xf32>
    %eq3A_324 = vector.broadcast %broadcast_in_dim3A_323 : vector<16x1xf32> to vector<16x13824xf32>
    %eq3A_325 = arith.cmpf oeq, %select_n3A_320, %eq3A_324 : vector<16x13824xf32>
    %jit3A_326 = arith.constant 13824 : i32
    %broadcast_in_dim3A_327 = vector.broadcast %jit3A_326 : i32 to vector<16x13824xi32>
    %select_n3A_328 = arith.select %eq3A_325, %iota3A, %broadcast_in_dim3A_327 : vector<16x13824xi1>, vector<16x13824xi32>
    %reduce_min3A_329 = arith.constant dense<2147483647> : vector<16xi32>
    %reduce_min3A_330 = vector.multi_reduction <minsi>, %select_n3A_328, %reduce_min3A_329 [1] : vector<16x13824xi32> to vector<16xi32>
    %broadcast_in_dim3A_331 = vector.shape_cast %reduce_min3A_330 : vector<16xi32> to vector<16x1xi32>
    %eq3A_332 = vector.broadcast %broadcast_in_dim3A_331 : vector<16x1xi32> to vector<16x13824xi32>
    %eq3A_333 = arith.cmpi eq, %iota3A, %eq3A_332 : vector<16x13824xi32>
    %jit3A_334 = arith.constant 0xFF800000 : f32
    %broadcast_in_dim3A_335 = vector.broadcast %jit3A_334 : f32 to vector<16x13824xf32>
    %select_n3A_336 = arith.select %eq3A_333, %broadcast_in_dim3A_335, %select_n3A_320 : vector<16x13824xi1>, vector<16x13824xf32>
    %reduce_max3A_337 = arith.constant dense<0xFF800000> : vector<16xf32>
    %reduce_max3A_338 = vector.multi_reduction <maximumf>, %select_n3A_336, %reduce_max3A_337 [1] : vector<16x13824xf32> to vector<16xf32>
    %broadcast_in_dim3A_339 = vector.shape_cast %reduce_max3A_338 : vector<16xf32> to vector<16x1xf32>
    %eq3A_340 = vector.broadcast %broadcast_in_dim3A_339 : vector<16x1xf32> to vector<16x13824xf32>
    %eq3A_341 = arith.cmpf oeq, %select_n3A_336, %eq3A_340 : vector<16x13824xf32>
    %jit3A_342 = arith.constant 13824 : i32
    %broadcast_in_dim3A_343 = vector.broadcast %jit3A_342 : i32 to vector<16x13824xi32>
    %select_n3A_344 = arith.select %eq3A_341, %iota3A, %broadcast_in_dim3A_343 : vector<16x13824xi1>, vector<16x13824xi32>
    %reduce_min3A_345 = arith.constant dense<2147483647> : vector<16xi32>
    %reduce_min3A_346 = vector.multi_reduction <minsi>, %select_n3A_344, %reduce_min3A_345 [1] : vector<16x13824xi32> to vector<16xi32>
    %broadcast_in_dim3A_347 = vector.shape_cast %reduce_min3A_346 : vector<16xi32> to vector<16x1xi32>
    %eq3A_348 = vector.broadcast %broadcast_in_dim3A_347 : vector<16x1xi32> to vector<16x13824xi32>
    %eq3A_349 = arith.cmpi eq, %iota3A, %eq3A_348 : vector<16x13824xi32>
    %jit3A_350 = arith.constant 0xFF800000 : f32
    %broadcast_in_dim3A_351 = vector.broadcast %jit3A_350 : f32 to vector<16x13824xf32>
    %select_n3A_352 = arith.select %eq3A_349, %broadcast_in_dim3A_351, %select_n3A_336 : vector<16x13824xi1>, vector<16x13824xf32>
    %reduce_max3A_353 = arith.constant dense<0xFF800000> : vector<16xf32>
    %reduce_max3A_354 = vector.multi_reduction <maximumf>, %select_n3A_352, %reduce_max3A_353 [1] : vector<16x13824xf32> to vector<16xf32>
    %broadcast_in_dim3A_355 = vector.shape_cast %reduce_max3A_354 : vector<16xf32> to vector<16x1xf32>
    %eq3A_356 = vector.broadcast %broadcast_in_dim3A_355 : vector<16x1xf32> to vector<16x13824xf32>
    %eq3A_357 = arith.cmpf oeq, %select_n3A_352, %eq3A_356 : vector<16x13824xf32>
    %jit3A_358 = arith.constant 13824 : i32
    %broadcast_in_dim3A_359 = vector.broadcast %jit3A_358 : i32 to vector<16x13824xi32>
    %select_n3A_360 = arith.select %eq3A_357, %iota3A, %broadcast_in_dim3A_359 : vector<16x13824xi1>, vector<16x13824xi32>
    %reduce_min3A_361 = arith.constant dense<2147483647> : vector<16xi32>
    %reduce_min3A_362 = vector.multi_reduction <minsi>, %select_n3A_360, %reduce_min3A_361 [1] : vector<16x13824xi32> to vector<16xi32>
    %broadcast_in_dim3A_363 = vector.shape_cast %reduce_min3A_362 : vector<16xi32> to vector<16x1xi32>
    %eq3A_364 = vector.broadcast %broadcast_in_dim3A_363 : vector<16x1xi32> to vector<16x13824xi32>
    %eq3A_365 = arith.cmpi eq, %iota3A, %eq3A_364 : vector<16x13824xi32>
    %jit3A_366 = arith.constant 0xFF800000 : f32
    %broadcast_in_dim3A_367 = vector.broadcast %jit3A_366 : f32 to vector<16x13824xf32>
    %select_n3A_368 = arith.select %eq3A_365, %broadcast_in_dim3A_367, %select_n3A_352 : vector<16x13824xi1>, vector<16x13824xf32>
    %reduce_max3A_369 = arith.constant dense<0xFF800000> : vector<16xf32>
    %reduce_max3A_370 = vector.multi_reduction <maximumf>, %select_n3A_368, %reduce_max3A_369 [1] : vector<16x13824xf32> to vector<16xf32>
    %broadcast_in_dim3A_371 = vector.shape_cast %reduce_max3A_370 : vector<16xf32> to vector<16x1xf32>
    %eq3A_372 = vector.broadcast %broadcast_in_dim3A_371 : vector<16x1xf32> to vector<16x13824xf32>
    %eq3A_373 = arith.cmpf oeq, %select_n3A_368, %eq3A_372 : vector<16x13824xf32>
    %jit3A_374 = arith.constant 13824 : i32
    %broadcast_in_dim3A_375 = vector.broadcast %jit3A_374 : i32 to vector<16x13824xi32>
    %select_n3A_376 = arith.select %eq3A_373, %iota3A, %broadcast_in_dim3A_375 : vector<16x13824xi1>, vector<16x13824xi32>
    %reduce_min3A_377 = arith.constant dense<2147483647> : vector<16xi32>
    %reduce_min3A_378 = vector.multi_reduction <minsi>, %select_n3A_376, %reduce_min3A_377 [1] : vector<16x13824xi32> to vector<16xi32>
    %broadcast_in_dim3A_379 = vector.shape_cast %reduce_min3A_378 : vector<16xi32> to vector<16x1xi32>
    %eq3A_380 = vector.broadcast %broadcast_in_dim3A_379 : vector<16x1xi32> to vector<16x13824xi32>
    %eq3A_381 = arith.cmpi eq, %iota3A, %eq3A_380 : vector<16x13824xi32>
    %jit3A_382 = arith.constant 0xFF800000 : f32
    %broadcast_in_dim3A_383 = vector.broadcast %jit3A_382 : f32 to vector<16x13824xf32>
    %select_n3A_384 = arith.select %eq3A_381, %broadcast_in_dim3A_383, %select_n3A_368 : vector<16x13824xi1>, vector<16x13824xf32>
    %reduce_max3A_385 = arith.constant dense<0xFF800000> : vector<16xf32>
    %reduce_max3A_386 = vector.multi_reduction <maximumf>, %select_n3A_384, %reduce_max3A_385 [1] : vector<16x13824xf32> to vector<16xf32>
    %broadcast_in_dim3A_387 = vector.shape_cast %reduce_max3A_386 : vector<16xf32> to vector<16x1xf32>
    %eq3A_388 = vector.broadcast %broadcast_in_dim3A_387 : vector<16x1xf32> to vector<16x13824xf32>
    %eq3A_389 = arith.cmpf oeq, %select_n3A_384, %eq3A_388 : vector<16x13824xf32>
    %jit3A_390 = arith.constant 13824 : i32
    %broadcast_in_dim3A_391 = vector.broadcast %jit3A_390 : i32 to vector<16x13824xi32>
    %select_n3A_392 = arith.select %eq3A_389, %iota3A, %broadcast_in_dim3A_391 : vector<16x13824xi1>, vector<16x13824xi32>
    %reduce_min3A_393 = arith.constant dense<2147483647> : vector<16xi32>
    %reduce_min3A_394 = vector.multi_reduction <minsi>, %select_n3A_392, %reduce_min3A_393 [1] : vector<16x13824xi32> to vector<16xi32>
    %broadcast_in_dim3A_395 = vector.shape_cast %reduce_min3A_394 : vector<16xi32> to vector<16x1xi32>
    %eq3A_396 = vector.broadcast %broadcast_in_dim3A_395 : vector<16x1xi32> to vector<16x13824xi32>
    %eq3A_397 = arith.cmpi eq, %iota3A, %eq3A_396 : vector<16x13824xi32>
    %jit3A_398 = arith.constant 0xFF800000 : f32
    %broadcast_in_dim3A_399 = vector.broadcast %jit3A_398 : f32 to vector<16x13824xf32>
    %select_n3A_400 = arith.select %eq3A_397, %broadcast_in_dim3A_399, %select_n3A_384 : vector<16x13824xi1>, vector<16x13824xf32>
    %reduce_max3A_401 = arith.constant dense<0xFF800000> : vector<16xf32>
    %reduce_max3A_402 = vector.multi_reduction <maximumf>, %select_n3A_400, %reduce_max3A_401 [1] : vector<16x13824xf32> to vector<16xf32>
    %broadcast_in_dim3A_403 = vector.shape_cast %reduce_max3A_402 : vector<16xf32> to vector<16x1xf32>
    %eq3A_404 = vector.broadcast %broadcast_in_dim3A_403 : vector<16x1xf32> to vector<16x13824xf32>
    %eq3A_405 = arith.cmpf oeq, %select_n3A_400, %eq3A_404 : vector<16x13824xf32>
    %jit3A_406 = arith.constant 13824 : i32
    %broadcast_in_dim3A_407 = vector.broadcast %jit3A_406 : i32 to vector<16x13824xi32>
    %select_n3A_408 = arith.select %eq3A_405, %iota3A, %broadcast_in_dim3A_407 : vector<16x13824xi1>, vector<16x13824xi32>
    %reduce_min3A_409 = arith.constant dense<2147483647> : vector<16xi32>
    %reduce_min3A_410 = vector.multi_reduction <minsi>, %select_n3A_408, %reduce_min3A_409 [1] : vector<16x13824xi32> to vector<16xi32>
    %broadcast_in_dim3A_411 = vector.shape_cast %reduce_min3A_410 : vector<16xi32> to vector<16x1xi32>
    %eq3A_412 = vector.broadcast %broadcast_in_dim3A_411 : vector<16x1xi32> to vector<16x13824xi32>
    %eq3A_413 = arith.cmpi eq, %iota3A, %eq3A_412 : vector<16x13824xi32>
    %jit3A_414 = arith.constant 0xFF800000 : f32
    %broadcast_in_dim3A_415 = vector.broadcast %jit3A_414 : f32 to vector<16x13824xf32>
    %select_n3A_416 = arith.select %eq3A_413, %broadcast_in_dim3A_415, %select_n3A_400 : vector<16x13824xi1>, vector<16x13824xf32>
    %reduce_max3A_417 = arith.constant dense<0xFF800000> : vector<16xf32>
    %reduce_max3A_418 = vector.multi_reduction <maximumf>, %select_n3A_416, %reduce_max3A_417 [1] : vector<16x13824xf32> to vector<16xf32>
    %broadcast_in_dim3A_419 = vector.shape_cast %reduce_max3A_418 : vector<16xf32> to vector<16x1xf32>
    %eq3A_420 = vector.broadcast %broadcast_in_dim3A_419 : vector<16x1xf32> to vector<16x13824xf32>
    %eq3A_421 = arith.cmpf oeq, %select_n3A_416, %eq3A_420 : vector<16x13824xf32>
    %jit3A_422 = arith.constant 13824 : i32
    %broadcast_in_dim3A_423 = vector.broadcast %jit3A_422 : i32 to vector<16x13824xi32>
    %select_n3A_424 = arith.select %eq3A_421, %iota3A, %broadcast_in_dim3A_423 : vector<16x13824xi1>, vector<16x13824xi32>
    %reduce_min3A_425 = arith.constant dense<2147483647> : vector<16xi32>
    %reduce_min3A_426 = vector.multi_reduction <minsi>, %select_n3A_424, %reduce_min3A_425 [1] : vector<16x13824xi32> to vector<16xi32>
    %broadcast_in_dim3A_427 = vector.shape_cast %reduce_min3A_426 : vector<16xi32> to vector<16x1xi32>
    %eq3A_428 = vector.broadcast %broadcast_in_dim3A_427 : vector<16x1xi32> to vector<16x13824xi32>
    %eq3A_429 = arith.cmpi eq, %iota3A, %eq3A_428 : vector<16x13824xi32>
    %jit3A_430 = arith.constant 0xFF800000 : f32
    %broadcast_in_dim3A_431 = vector.broadcast %jit3A_430 : f32 to vector<16x13824xf32>
    %select_n3A_432 = arith.select %eq3A_429, %broadcast_in_dim3A_431, %select_n3A_416 : vector<16x13824xi1>, vector<16x13824xf32>
    %reduce_max3A_433 = arith.constant dense<0xFF800000> : vector<16xf32>
    %reduce_max3A_434 = vector.multi_reduction <maximumf>, %select_n3A_432, %reduce_max3A_433 [1] : vector<16x13824xf32> to vector<16xf32>
    %broadcast_in_dim3A_435 = vector.shape_cast %reduce_max3A_434 : vector<16xf32> to vector<16x1xf32>
    %eq3A_436 = vector.broadcast %broadcast_in_dim3A_435 : vector<16x1xf32> to vector<16x13824xf32>
    %eq3A_437 = arith.cmpf oeq, %select_n3A_432, %eq3A_436 : vector<16x13824xf32>
    %jit3A_438 = arith.constant 13824 : i32
    %broadcast_in_dim3A_439 = vector.broadcast %jit3A_438 : i32 to vector<16x13824xi32>
    %select_n3A_440 = arith.select %eq3A_437, %iota3A, %broadcast_in_dim3A_439 : vector<16x13824xi1>, vector<16x13824xi32>
    %reduce_min3A_441 = arith.constant dense<2147483647> : vector<16xi32>
    %reduce_min3A_442 = vector.multi_reduction <minsi>, %select_n3A_440, %reduce_min3A_441 [1] : vector<16x13824xi32> to vector<16xi32>
    %broadcast_in_dim3A_443 = vector.shape_cast %reduce_min3A_442 : vector<16xi32> to vector<16x1xi32>
    %eq3A_444 = vector.broadcast %broadcast_in_dim3A_443 : vector<16x1xi32> to vector<16x13824xi32>
    %eq3A_445 = arith.cmpi eq, %iota3A, %eq3A_444 : vector<16x13824xi32>
    %jit3A_446 = arith.constant 0xFF800000 : f32
    %broadcast_in_dim3A_447 = vector.broadcast %jit3A_446 : f32 to vector<16x13824xf32>
    %select_n3A_448 = arith.select %eq3A_445, %broadcast_in_dim3A_447, %select_n3A_432 : vector<16x13824xi1>, vector<16x13824xf32>
    %reduce_max3A_449 = arith.constant dense<0xFF800000> : vector<16xf32>
    %reduce_max3A_450 = vector.multi_reduction <maximumf>, %select_n3A_448, %reduce_max3A_449 [1] : vector<16x13824xf32> to vector<16xf32>
    %broadcast_in_dim3A_451 = vector.shape_cast %reduce_max3A_450 : vector<16xf32> to vector<16x1xf32>
    %eq3A_452 = vector.broadcast %broadcast_in_dim3A_451 : vector<16x1xf32> to vector<16x13824xf32>
    %eq3A_453 = arith.cmpf oeq, %select_n3A_448, %eq3A_452 : vector<16x13824xf32>
    %jit3A_454 = arith.constant 13824 : i32
    %broadcast_in_dim3A_455 = vector.broadcast %jit3A_454 : i32 to vector<16x13824xi32>
    %select_n3A_456 = arith.select %eq3A_453, %iota3A, %broadcast_in_dim3A_455 : vector<16x13824xi1>, vector<16x13824xi32>
    %reduce_min3A_457 = arith.constant dense<2147483647> : vector<16xi32>
    %reduce_min3A_458 = vector.multi_reduction <minsi>, %select_n3A_456, %reduce_min3A_457 [1] : vector<16x13824xi32> to vector<16xi32>
    %broadcast_in_dim3A_459 = vector.shape_cast %reduce_min3A_458 : vector<16xi32> to vector<16x1xi32>
    %eq3A_460 = vector.broadcast %broadcast_in_dim3A_459 : vector<16x1xi32> to vector<16x13824xi32>
    %eq3A_461 = arith.cmpi eq, %iota3A, %eq3A_460 : vector<16x13824xi32>
    %jit3A_462 = arith.constant 0xFF800000 : f32
    %broadcast_in_dim3A_463 = vector.broadcast %jit3A_462 : f32 to vector<16x13824xf32>
    %select_n3A_464 = arith.select %eq3A_461, %broadcast_in_dim3A_463, %select_n3A_448 : vector<16x13824xi1>, vector<16x13824xf32>
    %reduce_max3A_465 = arith.constant dense<0xFF800000> : vector<16xf32>
    %reduce_max3A_466 = vector.multi_reduction <maximumf>, %select_n3A_464, %reduce_max3A_465 [1] : vector<16x13824xf32> to vector<16xf32>
    %broadcast_in_dim3A_467 = vector.shape_cast %reduce_max3A_466 : vector<16xf32> to vector<16x1xf32>
    %eq3A_468 = vector.broadcast %broadcast_in_dim3A_467 : vector<16x1xf32> to vector<16x13824xf32>
    %eq3A_469 = arith.cmpf oeq, %select_n3A_464, %eq3A_468 : vector<16x13824xf32>
    %jit3A_470 = arith.constant 13824 : i32
    %broadcast_in_dim3A_471 = vector.broadcast %jit3A_470 : i32 to vector<16x13824xi32>
    %select_n3A_472 = arith.select %eq3A_469, %iota3A, %broadcast_in_dim3A_471 : vector<16x13824xi1>, vector<16x13824xi32>
    %reduce_min3A_473 = arith.constant dense<2147483647> : vector<16xi32>
    %reduce_min3A_474 = vector.multi_reduction <minsi>, %select_n3A_472, %reduce_min3A_473 [1] : vector<16x13824xi32> to vector<16xi32>
    %broadcast_in_dim3A_475 = vector.shape_cast %reduce_min3A_474 : vector<16xi32> to vector<16x1xi32>
    %eq3A_476 = vector.broadcast %broadcast_in_dim3A_475 : vector<16x1xi32> to vector<16x13824xi32>
    %eq3A_477 = arith.cmpi eq, %iota3A, %eq3A_476 : vector<16x13824xi32>
    %jit3A_478 = arith.constant 0xFF800000 : f32
    %broadcast_in_dim3A_479 = vector.broadcast %jit3A_478 : f32 to vector<16x13824xf32>
    %select_n3A_480 = arith.select %eq3A_477, %broadcast_in_dim3A_479, %select_n3A_464 : vector<16x13824xi1>, vector<16x13824xf32>
    %reduce_max3A_481 = arith.constant dense<0xFF800000> : vector<16xf32>
    %reduce_max3A_482 = vector.multi_reduction <maximumf>, %select_n3A_480, %reduce_max3A_481 [1] : vector<16x13824xf32> to vector<16xf32>
    %broadcast_in_dim3A_483 = vector.shape_cast %reduce_max3A_482 : vector<16xf32> to vector<16x1xf32>
    %eq3A_484 = vector.broadcast %broadcast_in_dim3A_483 : vector<16x1xf32> to vector<16x13824xf32>
    %eq3A_485 = arith.cmpf oeq, %select_n3A_480, %eq3A_484 : vector<16x13824xf32>
    %jit3A_486 = arith.constant 13824 : i32
    %broadcast_in_dim3A_487 = vector.broadcast %jit3A_486 : i32 to vector<16x13824xi32>
    %select_n3A_488 = arith.select %eq3A_485, %iota3A, %broadcast_in_dim3A_487 : vector<16x13824xi1>, vector<16x13824xi32>
    %reduce_min3A_489 = arith.constant dense<2147483647> : vector<16xi32>
    %reduce_min3A_490 = vector.multi_reduction <minsi>, %select_n3A_488, %reduce_min3A_489 [1] : vector<16x13824xi32> to vector<16xi32>
    %broadcast_in_dim3A_491 = vector.shape_cast %reduce_min3A_490 : vector<16xi32> to vector<16x1xi32>
    %eq3A_492 = vector.broadcast %broadcast_in_dim3A_491 : vector<16x1xi32> to vector<16x13824xi32>
    %eq3A_493 = arith.cmpi eq, %iota3A, %eq3A_492 : vector<16x13824xi32>
    %jit3A_494 = arith.constant 0xFF800000 : f32
    %broadcast_in_dim3A_495 = vector.broadcast %jit3A_494 : f32 to vector<16x13824xf32>
    %select_n3A_496 = arith.select %eq3A_493, %broadcast_in_dim3A_495, %select_n3A_480 : vector<16x13824xi1>, vector<16x13824xf32>
    %reduce_max3A_497 = arith.constant dense<0xFF800000> : vector<16xf32>
    %reduce_max3A_498 = vector.multi_reduction <maximumf>, %select_n3A_496, %reduce_max3A_497 [1] : vector<16x13824xf32> to vector<16xf32>
    %broadcast_in_dim3A_499 = vector.shape_cast %reduce_max3A_498 : vector<16xf32> to vector<16x1xf32>
    %eq3A_500 = vector.broadcast %broadcast_in_dim3A_499 : vector<16x1xf32> to vector<16x13824xf32>
    %eq3A_501 = arith.cmpf oeq, %select_n3A_496, %eq3A_500 : vector<16x13824xf32>
    %jit3A_502 = arith.constant 13824 : i32
    %broadcast_in_dim3A_503 = vector.broadcast %jit3A_502 : i32 to vector<16x13824xi32>
    %select_n3A_504 = arith.select %eq3A_501, %iota3A, %broadcast_in_dim3A_503 : vector<16x13824xi1>, vector<16x13824xi32>
    %reduce_min3A_505 = arith.constant dense<2147483647> : vector<16xi32>
    %reduce_min3A_506 = vector.multi_reduction <minsi>, %select_n3A_504, %reduce_min3A_505 [1] : vector<16x13824xi32> to vector<16xi32>
    %broadcast_in_dim3A_507 = vector.shape_cast %reduce_min3A_506 : vector<16xi32> to vector<16x1xi32>
    %eq3A_508 = vector.broadcast %broadcast_in_dim3A_507 : vector<16x1xi32> to vector<16x13824xi32>
    %eq3A_509 = arith.cmpi eq, %iota3A, %eq3A_508 : vector<16x13824xi32>
    %jit3A_510 = arith.constant 0xFF800000 : f32
    %broadcast_in_dim3A_511 = vector.broadcast %jit3A_510 : f32 to vector<16x13824xf32>
    %select_n3A_512 = arith.select %eq3A_509, %broadcast_in_dim3A_511, %select_n3A_496 : vector<16x13824xi1>, vector<16x13824xf32>
    %reduce_max3A_513 = arith.constant dense<0xFF800000> : vector<16xf32>
    %reduce_max3A_514 = vector.multi_reduction <maximumf>, %select_n3A_512, %reduce_max3A_513 [1] : vector<16x13824xf32> to vector<16xf32>
    %broadcast_in_dim3A_515 = vector.shape_cast %reduce_max3A_514 : vector<16xf32> to vector<16x1xf32>
    %eq3A_516 = vector.broadcast %broadcast_in_dim3A_515 : vector<16x1xf32> to vector<16x13824xf32>
    %eq3A_517 = arith.cmpf oeq, %select_n3A_512, %eq3A_516 : vector<16x13824xf32>
    %jit3A_518 = arith.constant 13824 : i32
    %broadcast_in_dim3A_519 = vector.broadcast %jit3A_518 : i32 to vector<16x13824xi32>
    %select_n3A_520 = arith.select %eq3A_517, %iota3A, %broadcast_in_dim3A_519 : vector<16x13824xi1>, vector<16x13824xi32>
    %reduce_min3A_521 = arith.constant dense<2147483647> : vector<16xi32>
    %reduce_min3A_522 = vector.multi_reduction <minsi>, %select_n3A_520, %reduce_min3A_521 [1] : vector<16x13824xi32> to vector<16xi32>
    %broadcast_in_dim3A_523 = vector.shape_cast %reduce_min3A_522 : vector<16xi32> to vector<16x1xi32>
    %eq3A_524 = vector.broadcast %broadcast_in_dim3A_523 : vector<16x1xi32> to vector<16x13824xi32>
    %eq3A_525 = arith.cmpi eq, %iota3A, %eq3A_524 : vector<16x13824xi32>
    %jit3A_526 = arith.constant 0xFF800000 : f32
    %broadcast_in_dim3A_527 = vector.broadcast %jit3A_526 : f32 to vector<16x13824xf32>
    %select_n3A_528 = arith.select %eq3A_525, %broadcast_in_dim3A_527, %select_n3A_512 : vector<16x13824xi1>, vector<16x13824xf32>
    %reduce_max3A_529 = arith.constant dense<0xFF800000> : vector<16xf32>
    %reduce_max3A_530 = vector.multi_reduction <maximumf>, %select_n3A_528, %reduce_max3A_529 [1] : vector<16x13824xf32> to vector<16xf32>
    %broadcast_in_dim3A_531 = vector.shape_cast %reduce_max3A_530 : vector<16xf32> to vector<16x1xf32>
    %eq3A_532 = vector.broadcast %broadcast_in_dim3A_531 : vector<16x1xf32> to vector<16x13824xf32>
    %eq3A_533 = arith.cmpf oeq, %select_n3A_528, %eq3A_532 : vector<16x13824xf32>
    %jit3A_534 = arith.constant 13824 : i32
    %broadcast_in_dim3A_535 = vector.broadcast %jit3A_534 : i32 to vector<16x13824xi32>
    %select_n3A_536 = arith.select %eq3A_533, %iota3A, %broadcast_in_dim3A_535 : vector<16x13824xi1>, vector<16x13824xi32>
    %reduce_min3A_537 = arith.constant dense<2147483647> : vector<16xi32>
    %reduce_min3A_538 = vector.multi_reduction <minsi>, %select_n3A_536, %reduce_min3A_537 [1] : vector<16x13824xi32> to vector<16xi32>
    %broadcast_in_dim3A_539 = vector.shape_cast %reduce_min3A_538 : vector<16xi32> to vector<16x1xi32>
    %eq3A_540 = vector.broadcast %broadcast_in_dim3A_539 : vector<16x1xi32> to vector<16x13824xi32>
    %eq3A_541 = arith.cmpi eq, %iota3A, %eq3A_540 : vector<16x13824xi32>
    %jit3A_542 = arith.constant 0xFF800000 : f32
    %broadcast_in_dim3A_543 = vector.broadcast %jit3A_542 : f32 to vector<16x13824xf32>
    %select_n3A_544 = arith.select %eq3A_541, %broadcast_in_dim3A_543, %select_n3A_528 : vector<16x13824xi1>, vector<16x13824xf32>
    %reduce_max3A_545 = arith.constant dense<0xFF800000> : vector<16xf32>
    %reduce_max3A_546 = vector.multi_reduction <maximumf>, %select_n3A_544, %reduce_max3A_545 [1] : vector<16x13824xf32> to vector<16xf32>
    %broadcast_in_dim3A_547 = vector.shape_cast %reduce_max3A_546 : vector<16xf32> to vector<16x1xf32>
    %eq3A_548 = vector.broadcast %broadcast_in_dim3A_547 : vector<16x1xf32> to vector<16x13824xf32>
    %eq3A_549 = arith.cmpf oeq, %select_n3A_544, %eq3A_548 : vector<16x13824xf32>
    %jit3A_550 = arith.constant 13824 : i32
    %broadcast_in_dim3A_551 = vector.broadcast %jit3A_550 : i32 to vector<16x13824xi32>
    %select_n3A_552 = arith.select %eq3A_549, %iota3A, %broadcast_in_dim3A_551 : vector<16x13824xi1>, vector<16x13824xi32>
    %reduce_min3A_553 = arith.constant dense<2147483647> : vector<16xi32>
    %reduce_min3A_554 = vector.multi_reduction <minsi>, %select_n3A_552, %reduce_min3A_553 [1] : vector<16x13824xi32> to vector<16xi32>
    %broadcast_in_dim3A_555 = vector.shape_cast %reduce_min3A_554 : vector<16xi32> to vector<16x1xi32>
    %eq3A_556 = vector.broadcast %broadcast_in_dim3A_555 : vector<16x1xi32> to vector<16x13824xi32>
    %eq3A_557 = arith.cmpi eq, %iota3A, %eq3A_556 : vector<16x13824xi32>
    %jit3A_558 = arith.constant 0xFF800000 : f32
    %broadcast_in_dim3A_559 = vector.broadcast %jit3A_558 : f32 to vector<16x13824xf32>
    %select_n3A_560 = arith.select %eq3A_557, %broadcast_in_dim3A_559, %select_n3A_544 : vector<16x13824xi1>, vector<16x13824xf32>
    %reduce_max3A_561 = arith.constant dense<0xFF800000> : vector<16xf32>
    %reduce_max3A_562 = vector.multi_reduction <maximumf>, %select_n3A_560, %reduce_max3A_561 [1] : vector<16x13824xf32> to vector<16xf32>
    %broadcast_in_dim3A_563 = vector.shape_cast %reduce_max3A_562 : vector<16xf32> to vector<16x1xf32>
    %eq3A_564 = vector.broadcast %broadcast_in_dim3A_563 : vector<16x1xf32> to vector<16x13824xf32>
    %eq3A_565 = arith.cmpf oeq, %select_n3A_560, %eq3A_564 : vector<16x13824xf32>
    %jit3A_566 = arith.constant 13824 : i32
    %broadcast_in_dim3A_567 = vector.broadcast %jit3A_566 : i32 to vector<16x13824xi32>
    %select_n3A_568 = arith.select %eq3A_565, %iota3A, %broadcast_in_dim3A_567 : vector<16x13824xi1>, vector<16x13824xi32>
    %reduce_min3A_569 = arith.constant dense<2147483647> : vector<16xi32>
    %reduce_min3A_570 = vector.multi_reduction <minsi>, %select_n3A_568, %reduce_min3A_569 [1] : vector<16x13824xi32> to vector<16xi32>
    %broadcast_in_dim3A_571 = vector.shape_cast %reduce_min3A_570 : vector<16xi32> to vector<16x1xi32>
    %eq3A_572 = vector.broadcast %broadcast_in_dim3A_571 : vector<16x1xi32> to vector<16x13824xi32>
    %eq3A_573 = arith.cmpi eq, %iota3A, %eq3A_572 : vector<16x13824xi32>
    %jit3A_574 = arith.constant 0xFF800000 : f32
    %broadcast_in_dim3A_575 = vector.broadcast %jit3A_574 : f32 to vector<16x13824xf32>
    %select_n3A_576 = arith.select %eq3A_573, %broadcast_in_dim3A_575, %select_n3A_560 : vector<16x13824xi1>, vector<16x13824xf32>
    %reduce_max3A_577 = arith.constant dense<0xFF800000> : vector<16xf32>
    %reduce_max3A_578 = vector.multi_reduction <maximumf>, %select_n3A_576, %reduce_max3A_577 [1] : vector<16x13824xf32> to vector<16xf32>
    %broadcast_in_dim3A_579 = vector.shape_cast %reduce_max3A_578 : vector<16xf32> to vector<16x1xf32>
    %eq3A_580 = vector.broadcast %broadcast_in_dim3A_579 : vector<16x1xf32> to vector<16x13824xf32>
    %eq3A_581 = arith.cmpf oeq, %select_n3A_576, %eq3A_580 : vector<16x13824xf32>
    %jit3A_582 = arith.constant 13824 : i32
    %broadcast_in_dim3A_583 = vector.broadcast %jit3A_582 : i32 to vector<16x13824xi32>
    %select_n3A_584 = arith.select %eq3A_581, %iota3A, %broadcast_in_dim3A_583 : vector<16x13824xi1>, vector<16x13824xi32>
    %reduce_min3A_585 = arith.constant dense<2147483647> : vector<16xi32>
    %reduce_min3A_586 = vector.multi_reduction <minsi>, %select_n3A_584, %reduce_min3A_585 [1] : vector<16x13824xi32> to vector<16xi32>
    %broadcast_in_dim3A_587 = vector.shape_cast %reduce_min3A_586 : vector<16xi32> to vector<16x1xi32>
    %eq3A_588 = vector.broadcast %broadcast_in_dim3A_587 : vector<16x1xi32> to vector<16x13824xi32>
    %eq3A_589 = arith.cmpi eq, %iota3A, %eq3A_588 : vector<16x13824xi32>
    %jit3A_590 = arith.constant 0xFF800000 : f32
    %broadcast_in_dim3A_591 = vector.broadcast %jit3A_590 : f32 to vector<16x13824xf32>
    %select_n3A_592 = arith.select %eq3A_589, %broadcast_in_dim3A_591, %select_n3A_576 : vector<16x13824xi1>, vector<16x13824xf32>
    %reduce_max3A_593 = arith.constant dense<0xFF800000> : vector<16xf32>
    %reduce_max3A_594 = vector.multi_reduction <maximumf>, %select_n3A_592, %reduce_max3A_593 [1] : vector<16x13824xf32> to vector<16xf32>
    %broadcast_in_dim3A_595 = vector.shape_cast %reduce_max3A_594 : vector<16xf32> to vector<16x1xf32>
    %eq3A_596 = vector.broadcast %broadcast_in_dim3A_595 : vector<16x1xf32> to vector<16x13824xf32>
    %eq3A_597 = arith.cmpf oeq, %select_n3A_592, %eq3A_596 : vector<16x13824xf32>
    %jit3A_598 = arith.constant 13824 : i32
    %broadcast_in_dim3A_599 = vector.broadcast %jit3A_598 : i32 to vector<16x13824xi32>
    %select_n3A_600 = arith.select %eq3A_597, %iota3A, %broadcast_in_dim3A_599 : vector<16x13824xi1>, vector<16x13824xi32>
    %reduce_min3A_601 = arith.constant dense<2147483647> : vector<16xi32>
    %reduce_min3A_602 = vector.multi_reduction <minsi>, %select_n3A_600, %reduce_min3A_601 [1] : vector<16x13824xi32> to vector<16xi32>
    %broadcast_in_dim3A_603 = vector.shape_cast %reduce_min3A_602 : vector<16xi32> to vector<16x1xi32>
    %eq3A_604 = vector.broadcast %broadcast_in_dim3A_603 : vector<16x1xi32> to vector<16x13824xi32>
    %eq3A_605 = arith.cmpi eq, %iota3A, %eq3A_604 : vector<16x13824xi32>
    %jit3A_606 = arith.constant 0xFF800000 : f32
    %broadcast_in_dim3A_607 = vector.broadcast %jit3A_606 : f32 to vector<16x13824xf32>
    %select_n3A_608 = arith.select %eq3A_605, %broadcast_in_dim3A_607, %select_n3A_592 : vector<16x13824xi1>, vector<16x13824xf32>
    %reduce_max3A_609 = arith.constant dense<0xFF800000> : vector<16xf32>
    %reduce_max3A_610 = vector.multi_reduction <maximumf>, %select_n3A_608, %reduce_max3A_609 [1] : vector<16x13824xf32> to vector<16xf32>
    %broadcast_in_dim3A_611 = vector.shape_cast %reduce_max3A_610 : vector<16xf32> to vector<16x1xf32>
    %eq3A_612 = vector.broadcast %broadcast_in_dim3A_611 : vector<16x1xf32> to vector<16x13824xf32>
    %eq3A_613 = arith.cmpf oeq, %select_n3A_608, %eq3A_612 : vector<16x13824xf32>
    %jit3A_614 = arith.constant 13824 : i32
    %broadcast_in_dim3A_615 = vector.broadcast %jit3A_614 : i32 to vector<16x13824xi32>
    %select_n3A_616 = arith.select %eq3A_613, %iota3A, %broadcast_in_dim3A_615 : vector<16x13824xi1>, vector<16x13824xi32>
    %reduce_min3A_617 = arith.constant dense<2147483647> : vector<16xi32>
    %reduce_min3A_618 = vector.multi_reduction <minsi>, %select_n3A_616, %reduce_min3A_617 [1] : vector<16x13824xi32> to vector<16xi32>
    %broadcast_in_dim3A_619 = vector.shape_cast %reduce_min3A_618 : vector<16xi32> to vector<16x1xi32>
    %eq3A_620 = vector.broadcast %broadcast_in_dim3A_619 : vector<16x1xi32> to vector<16x13824xi32>
    %eq3A_621 = arith.cmpi eq, %iota3A, %eq3A_620 : vector<16x13824xi32>
    %jit3A_622 = arith.constant 0xFF800000 : f32
    %broadcast_in_dim3A_623 = vector.broadcast %jit3A_622 : f32 to vector<16x13824xf32>
    %select_n3A_624 = arith.select %eq3A_621, %broadcast_in_dim3A_623, %select_n3A_608 : vector<16x13824xi1>, vector<16x13824xf32>
    %reduce_max3A_625 = arith.constant dense<0xFF800000> : vector<16xf32>
    %reduce_max3A_626 = vector.multi_reduction <maximumf>, %select_n3A_624, %reduce_max3A_625 [1] : vector<16x13824xf32> to vector<16xf32>
    %broadcast_in_dim3A_627 = vector.shape_cast %reduce_max3A_626 : vector<16xf32> to vector<16x1xf32>
    %eq3A_628 = vector.broadcast %broadcast_in_dim3A_627 : vector<16x1xf32> to vector<16x13824xf32>
    %eq3A_629 = arith.cmpf oeq, %select_n3A_624, %eq3A_628 : vector<16x13824xf32>
    %jit3A_630 = arith.constant 13824 : i32
    %broadcast_in_dim3A_631 = vector.broadcast %jit3A_630 : i32 to vector<16x13824xi32>
    %select_n3A_632 = arith.select %eq3A_629, %iota3A, %broadcast_in_dim3A_631 : vector<16x13824xi1>, vector<16x13824xi32>
    %reduce_min3A_633 = arith.constant dense<2147483647> : vector<16xi32>
    %reduce_min3A_634 = vector.multi_reduction <minsi>, %select_n3A_632, %reduce_min3A_633 [1] : vector<16x13824xi32> to vector<16xi32>
    %broadcast_in_dim3A_635 = vector.shape_cast %reduce_min3A_634 : vector<16xi32> to vector<16x1xi32>
    %eq3A_636 = vector.broadcast %broadcast_in_dim3A_635 : vector<16x1xi32> to vector<16x13824xi32>
    %eq3A_637 = arith.cmpi eq, %iota3A, %eq3A_636 : vector<16x13824xi32>
    %jit3A_638 = arith.constant 0xFF800000 : f32
    %broadcast_in_dim3A_639 = vector.broadcast %jit3A_638 : f32 to vector<16x13824xf32>
    %select_n3A_640 = arith.select %eq3A_637, %broadcast_in_dim3A_639, %select_n3A_624 : vector<16x13824xi1>, vector<16x13824xf32>
    %reduce_max3A_641 = arith.constant dense<0xFF800000> : vector<16xf32>
    %reduce_max3A_642 = vector.multi_reduction <maximumf>, %select_n3A_640, %reduce_max3A_641 [1] : vector<16x13824xf32> to vector<16xf32>
    %broadcast_in_dim3A_643 = vector.shape_cast %reduce_max3A_642 : vector<16xf32> to vector<16x1xf32>
    %eq3A_644 = vector.broadcast %broadcast_in_dim3A_643 : vector<16x1xf32> to vector<16x13824xf32>
    %eq3A_645 = arith.cmpf oeq, %select_n3A_640, %eq3A_644 : vector<16x13824xf32>
    %jit3A_646 = arith.constant 13824 : i32
    %broadcast_in_dim3A_647 = vector.broadcast %jit3A_646 : i32 to vector<16x13824xi32>
    %select_n3A_648 = arith.select %eq3A_645, %iota3A, %broadcast_in_dim3A_647 : vector<16x13824xi1>, vector<16x13824xi32>
    %reduce_min3A_649 = arith.constant dense<2147483647> : vector<16xi32>
    %reduce_min3A_650 = vector.multi_reduction <minsi>, %select_n3A_648, %reduce_min3A_649 [1] : vector<16x13824xi32> to vector<16xi32>
    %broadcast_in_dim3A_651 = vector.shape_cast %reduce_min3A_650 : vector<16xi32> to vector<16x1xi32>
    %eq3A_652 = vector.broadcast %broadcast_in_dim3A_651 : vector<16x1xi32> to vector<16x13824xi32>
    %eq3A_653 = arith.cmpi eq, %iota3A, %eq3A_652 : vector<16x13824xi32>
    %jit3A_654 = arith.constant 0xFF800000 : f32
    %broadcast_in_dim3A_655 = vector.broadcast %jit3A_654 : f32 to vector<16x13824xf32>
    %select_n3A_656 = arith.select %eq3A_653, %broadcast_in_dim3A_655, %select_n3A_640 : vector<16x13824xi1>, vector<16x13824xf32>
    %reduce_max3A_657 = arith.constant dense<0xFF800000> : vector<16xf32>
    %reduce_max3A_658 = vector.multi_reduction <maximumf>, %select_n3A_656, %reduce_max3A_657 [1] : vector<16x13824xf32> to vector<16xf32>
    %broadcast_in_dim3A_659 = vector.shape_cast %reduce_max3A_658 : vector<16xf32> to vector<16x1xf32>
    %eq3A_660 = vector.broadcast %broadcast_in_dim3A_659 : vector<16x1xf32> to vector<16x13824xf32>
    %eq3A_661 = arith.cmpf oeq, %select_n3A_656, %eq3A_660 : vector<16x13824xf32>
    %jit3A_662 = arith.constant 13824 : i32
    %broadcast_in_dim3A_663 = vector.broadcast %jit3A_662 : i32 to vector<16x13824xi32>
    %select_n3A_664 = arith.select %eq3A_661, %iota3A, %broadcast_in_dim3A_663 : vector<16x13824xi1>, vector<16x13824xi32>
    %reduce_min3A_665 = arith.constant dense<2147483647> : vector<16xi32>
    %reduce_min3A_666 = vector.multi_reduction <minsi>, %select_n3A_664, %reduce_min3A_665 [1] : vector<16x13824xi32> to vector<16xi32>
    %broadcast_in_dim3A_667 = vector.shape_cast %reduce_min3A_666 : vector<16xi32> to vector<16x1xi32>
    %eq3A_668 = vector.broadcast %broadcast_in_dim3A_667 : vector<16x1xi32> to vector<16x13824xi32>
    %eq3A_669 = arith.cmpi eq, %iota3A, %eq3A_668 : vector<16x13824xi32>
    %jit3A_670 = arith.constant 0xFF800000 : f32
    %broadcast_in_dim3A_671 = vector.broadcast %jit3A_670 : f32 to vector<16x13824xf32>
    %select_n3A_672 = arith.select %eq3A_669, %broadcast_in_dim3A_671, %select_n3A_656 : vector<16x13824xi1>, vector<16x13824xf32>
    %reduce_max3A_673 = arith.constant dense<0xFF800000> : vector<16xf32>
    %reduce_max3A_674 = vector.multi_reduction <maximumf>, %select_n3A_672, %reduce_max3A_673 [1] : vector<16x13824xf32> to vector<16xf32>
    %broadcast_in_dim3A_675 = vector.shape_cast %reduce_max3A_674 : vector<16xf32> to vector<16x1xf32>
    %eq3A_676 = vector.broadcast %broadcast_in_dim3A_675 : vector<16x1xf32> to vector<16x13824xf32>
    %eq3A_677 = arith.cmpf oeq, %select_n3A_672, %eq3A_676 : vector<16x13824xf32>
    %jit3A_678 = arith.constant 13824 : i32
    %broadcast_in_dim3A_679 = vector.broadcast %jit3A_678 : i32 to vector<16x13824xi32>
    %select_n3A_680 = arith.select %eq3A_677, %iota3A, %broadcast_in_dim3A_679 : vector<16x13824xi1>, vector<16x13824xi32>
    %reduce_min3A_681 = arith.constant dense<2147483647> : vector<16xi32>
    %reduce_min3A_682 = vector.multi_reduction <minsi>, %select_n3A_680, %reduce_min3A_681 [1] : vector<16x13824xi32> to vector<16xi32>
    %broadcast_in_dim3A_683 = vector.shape_cast %reduce_min3A_682 : vector<16xi32> to vector<16x1xi32>
    %eq3A_684 = vector.broadcast %broadcast_in_dim3A_683 : vector<16x1xi32> to vector<16x13824xi32>
    %eq3A_685 = arith.cmpi eq, %iota3A, %eq3A_684 : vector<16x13824xi32>
    %jit3A_686 = arith.constant 0xFF800000 : f32
    %broadcast_in_dim3A_687 = vector.broadcast %jit3A_686 : f32 to vector<16x13824xf32>
    %select_n3A_688 = arith.select %eq3A_685, %broadcast_in_dim3A_687, %select_n3A_672 : vector<16x13824xi1>, vector<16x13824xf32>
    %reduce_max3A_689 = arith.constant dense<0xFF800000> : vector<16xf32>
    %reduce_max3A_690 = vector.multi_reduction <maximumf>, %select_n3A_688, %reduce_max3A_689 [1] : vector<16x13824xf32> to vector<16xf32>
    %broadcast_in_dim3A_691 = vector.shape_cast %reduce_max3A_690 : vector<16xf32> to vector<16x1xf32>
    %eq3A_692 = vector.broadcast %broadcast_in_dim3A_691 : vector<16x1xf32> to vector<16x13824xf32>
    %eq3A_693 = arith.cmpf oeq, %select_n3A_688, %eq3A_692 : vector<16x13824xf32>
    %jit3A_694 = arith.constant 13824 : i32
    %broadcast_in_dim3A_695 = vector.broadcast %jit3A_694 : i32 to vector<16x13824xi32>
    %select_n3A_696 = arith.select %eq3A_693, %iota3A, %broadcast_in_dim3A_695 : vector<16x13824xi1>, vector<16x13824xi32>
    %reduce_min3A_697 = arith.constant dense<2147483647> : vector<16xi32>
    %reduce_min3A_698 = vector.multi_reduction <minsi>, %select_n3A_696, %reduce_min3A_697 [1] : vector<16x13824xi32> to vector<16xi32>
    %broadcast_in_dim3A_699 = vector.shape_cast %reduce_min3A_698 : vector<16xi32> to vector<16x1xi32>
    %eq3A_700 = vector.broadcast %broadcast_in_dim3A_699 : vector<16x1xi32> to vector<16x13824xi32>
    %eq3A_701 = arith.cmpi eq, %iota3A, %eq3A_700 : vector<16x13824xi32>
    %jit3A_702 = arith.constant 0xFF800000 : f32
    %broadcast_in_dim3A_703 = vector.broadcast %jit3A_702 : f32 to vector<16x13824xf32>
    %select_n3A_704 = arith.select %eq3A_701, %broadcast_in_dim3A_703, %select_n3A_688 : vector<16x13824xi1>, vector<16x13824xf32>
    %reduce_max3A_705 = arith.constant dense<0xFF800000> : vector<16xf32>
    %reduce_max3A_706 = vector.multi_reduction <maximumf>, %select_n3A_704, %reduce_max3A_705 [1] : vector<16x13824xf32> to vector<16xf32>
    %broadcast_in_dim3A_707 = vector.shape_cast %reduce_max3A_706 : vector<16xf32> to vector<16x1xf32>
    %eq3A_708 = vector.broadcast %broadcast_in_dim3A_707 : vector<16x1xf32> to vector<16x13824xf32>
    %eq3A_709 = arith.cmpf oeq, %select_n3A_704, %eq3A_708 : vector<16x13824xf32>
    %jit3A_710 = arith.constant 13824 : i32
    %broadcast_in_dim3A_711 = vector.broadcast %jit3A_710 : i32 to vector<16x13824xi32>
    %select_n3A_712 = arith.select %eq3A_709, %iota3A, %broadcast_in_dim3A_711 : vector<16x13824xi1>, vector<16x13824xi32>
    %reduce_min3A_713 = arith.constant dense<2147483647> : vector<16xi32>
    %reduce_min3A_714 = vector.multi_reduction <minsi>, %select_n3A_712, %reduce_min3A_713 [1] : vector<16x13824xi32> to vector<16xi32>
    %broadcast_in_dim3A_715 = vector.shape_cast %reduce_min3A_714 : vector<16xi32> to vector<16x1xi32>
    %eq3A_716 = vector.broadcast %broadcast_in_dim3A_715 : vector<16x1xi32> to vector<16x13824xi32>
    %eq3A_717 = arith.cmpi eq, %iota3A, %eq3A_716 : vector<16x13824xi32>
    %jit3A_718 = arith.constant 0xFF800000 : f32
    %broadcast_in_dim3A_719 = vector.broadcast %jit3A_718 : f32 to vector<16x13824xf32>
    %select_n3A_720 = arith.select %eq3A_717, %broadcast_in_dim3A_719, %select_n3A_704 : vector<16x13824xi1>, vector<16x13824xf32>
    %reduce_max3A_721 = arith.constant dense<0xFF800000> : vector<16xf32>
    %reduce_max3A_722 = vector.multi_reduction <maximumf>, %select_n3A_720, %reduce_max3A_721 [1] : vector<16x13824xf32> to vector<16xf32>
    %broadcast_in_dim3A_723 = vector.shape_cast %reduce_max3A_722 : vector<16xf32> to vector<16x1xf32>
    %eq3A_724 = vector.broadcast %broadcast_in_dim3A_723 : vector<16x1xf32> to vector<16x13824xf32>
    %eq3A_725 = arith.cmpf oeq, %select_n3A_720, %eq3A_724 : vector<16x13824xf32>
    %jit3A_726 = arith.constant 13824 : i32
    %broadcast_in_dim3A_727 = vector.broadcast %jit3A_726 : i32 to vector<16x13824xi32>
    %select_n3A_728 = arith.select %eq3A_725, %iota3A, %broadcast_in_dim3A_727 : vector<16x13824xi1>, vector<16x13824xi32>
    %reduce_min3A_729 = arith.constant dense<2147483647> : vector<16xi32>
    %reduce_min3A_730 = vector.multi_reduction <minsi>, %select_n3A_728, %reduce_min3A_729 [1] : vector<16x13824xi32> to vector<16xi32>
    %broadcast_in_dim3A_731 = vector.shape_cast %reduce_min3A_730 : vector<16xi32> to vector<16x1xi32>
    %eq3A_732 = vector.broadcast %broadcast_in_dim3A_731 : vector<16x1xi32> to vector<16x13824xi32>
    %eq3A_733 = arith.cmpi eq, %iota3A, %eq3A_732 : vector<16x13824xi32>
    %jit3A_734 = arith.constant 0xFF800000 : f32
    %broadcast_in_dim3A_735 = vector.broadcast %jit3A_734 : f32 to vector<16x13824xf32>
    %select_n3A_736 = arith.select %eq3A_733, %broadcast_in_dim3A_735, %select_n3A_720 : vector<16x13824xi1>, vector<16x13824xf32>
    %reduce_max3A_737 = arith.constant dense<0xFF800000> : vector<16xf32>
    %reduce_max3A_738 = vector.multi_reduction <maximumf>, %select_n3A_736, %reduce_max3A_737 [1] : vector<16x13824xf32> to vector<16xf32>
    %broadcast_in_dim3A_739 = vector.shape_cast %reduce_max3A_738 : vector<16xf32> to vector<16x1xf32>
    %eq3A_740 = vector.broadcast %broadcast_in_dim3A_739 : vector<16x1xf32> to vector<16x13824xf32>
    %eq3A_741 = arith.cmpf oeq, %select_n3A_736, %eq3A_740 : vector<16x13824xf32>
    %jit3A_742 = arith.constant 13824 : i32
    %broadcast_in_dim3A_743 = vector.broadcast %jit3A_742 : i32 to vector<16x13824xi32>
    %select_n3A_744 = arith.select %eq3A_741, %iota3A, %broadcast_in_dim3A_743 : vector<16x13824xi1>, vector<16x13824xi32>
    %reduce_min3A_745 = arith.constant dense<2147483647> : vector<16xi32>
    %reduce_min3A_746 = vector.multi_reduction <minsi>, %select_n3A_744, %reduce_min3A_745 [1] : vector<16x13824xi32> to vector<16xi32>
    %broadcast_in_dim3A_747 = vector.shape_cast %reduce_min3A_746 : vector<16xi32> to vector<16x1xi32>
    %eq3A_748 = vector.broadcast %broadcast_in_dim3A_747 : vector<16x1xi32> to vector<16x13824xi32>
    %eq3A_749 = arith.cmpi eq, %iota3A, %eq3A_748 : vector<16x13824xi32>
    %jit3A_750 = arith.constant 0xFF800000 : f32
    %broadcast_in_dim3A_751 = vector.broadcast %jit3A_750 : f32 to vector<16x13824xf32>
    %select_n3A_752 = arith.select %eq3A_749, %broadcast_in_dim3A_751, %select_n3A_736 : vector<16x13824xi1>, vector<16x13824xf32>
    %reduce_max3A_753 = arith.constant dense<0xFF800000> : vector<16xf32>
    %reduce_max3A_754 = vector.multi_reduction <maximumf>, %select_n3A_752, %reduce_max3A_753 [1] : vector<16x13824xf32> to vector<16xf32>
    %broadcast_in_dim3A_755 = vector.shape_cast %reduce_max3A_754 : vector<16xf32> to vector<16x1xf32>
    %eq3A_756 = vector.broadcast %broadcast_in_dim3A_755 : vector<16x1xf32> to vector<16x13824xf32>
    %eq3A_757 = arith.cmpf oeq, %select_n3A_752, %eq3A_756 : vector<16x13824xf32>
    %jit3A_758 = arith.constant 13824 : i32
    %broadcast_in_dim3A_759 = vector.broadcast %jit3A_758 : i32 to vector<16x13824xi32>
    %select_n3A_760 = arith.select %eq3A_757, %iota3A, %broadcast_in_dim3A_759 : vector<16x13824xi1>, vector<16x13824xi32>
    %reduce_min3A_761 = arith.constant dense<2147483647> : vector<16xi32>
    %reduce_min3A_762 = vector.multi_reduction <minsi>, %select_n3A_760, %reduce_min3A_761 [1] : vector<16x13824xi32> to vector<16xi32>
    %broadcast_in_dim3A_763 = vector.shape_cast %reduce_min3A_762 : vector<16xi32> to vector<16x1xi32>
    %eq3A_764 = vector.broadcast %broadcast_in_dim3A_763 : vector<16x1xi32> to vector<16x13824xi32>
    %eq3A_765 = arith.cmpi eq, %iota3A, %eq3A_764 : vector<16x13824xi32>
    %jit3A_766 = arith.constant 0xFF800000 : f32
    %broadcast_in_dim3A_767 = vector.broadcast %jit3A_766 : f32 to vector<16x13824xf32>
    %select_n3A_768 = arith.select %eq3A_765, %broadcast_in_dim3A_767, %select_n3A_752 : vector<16x13824xi1>, vector<16x13824xf32>
    %reduce_max3A_769 = arith.constant dense<0xFF800000> : vector<16xf32>
    %reduce_max3A_770 = vector.multi_reduction <maximumf>, %select_n3A_768, %reduce_max3A_769 [1] : vector<16x13824xf32> to vector<16xf32>
    %broadcast_in_dim3A_771 = vector.shape_cast %reduce_max3A_770 : vector<16xf32> to vector<16x1xf32>
    %eq3A_772 = vector.broadcast %broadcast_in_dim3A_771 : vector<16x1xf32> to vector<16x13824xf32>
    %eq3A_773 = arith.cmpf oeq, %select_n3A_768, %eq3A_772 : vector<16x13824xf32>
    %jit3A_774 = arith.constant 13824 : i32
    %broadcast_in_dim3A_775 = vector.broadcast %jit3A_774 : i32 to vector<16x13824xi32>
    %select_n3A_776 = arith.select %eq3A_773, %iota3A, %broadcast_in_dim3A_775 : vector<16x13824xi1>, vector<16x13824xi32>
    %reduce_min3A_777 = arith.constant dense<2147483647> : vector<16xi32>
    %reduce_min3A_778 = vector.multi_reduction <minsi>, %select_n3A_776, %reduce_min3A_777 [1] : vector<16x13824xi32> to vector<16xi32>
    %broadcast_in_dim3A_779 = vector.shape_cast %reduce_min3A_778 : vector<16xi32> to vector<16x1xi32>
    %eq3A_780 = vector.broadcast %broadcast_in_dim3A_779 : vector<16x1xi32> to vector<16x13824xi32>
    %eq3A_781 = arith.cmpi eq, %iota3A, %eq3A_780 : vector<16x13824xi32>
    %jit3A_782 = arith.constant 0xFF800000 : f32
    %broadcast_in_dim3A_783 = vector.broadcast %jit3A_782 : f32 to vector<16x13824xf32>
    %select_n3A_784 = arith.select %eq3A_781, %broadcast_in_dim3A_783, %select_n3A_768 : vector<16x13824xi1>, vector<16x13824xf32>
    %reduce_max3A_785 = arith.constant dense<0xFF800000> : vector<16xf32>
    %reduce_max3A_786 = vector.multi_reduction <maximumf>, %select_n3A_784, %reduce_max3A_785 [1] : vector<16x13824xf32> to vector<16xf32>
    %broadcast_in_dim3A_787 = vector.shape_cast %reduce_max3A_786 : vector<16xf32> to vector<16x1xf32>
    %eq3A_788 = vector.broadcast %broadcast_in_dim3A_787 : vector<16x1xf32> to vector<16x13824xf32>
    %eq3A_789 = arith.cmpf oeq, %select_n3A_784, %eq3A_788 : vector<16x13824xf32>
    %jit3A_790 = arith.constant 13824 : i32
    %broadcast_in_dim3A_791 = vector.broadcast %jit3A_790 : i32 to vector<16x13824xi32>
    %select_n3A_792 = arith.select %eq3A_789, %iota3A, %broadcast_in_dim3A_791 : vector<16x13824xi1>, vector<16x13824xi32>
    %reduce_min3A_793 = arith.constant dense<2147483647> : vector<16xi32>
    %reduce_min3A_794 = vector.multi_reduction <minsi>, %select_n3A_792, %reduce_min3A_793 [1] : vector<16x13824xi32> to vector<16xi32>
    %broadcast_in_dim3A_795 = vector.shape_cast %reduce_min3A_794 : vector<16xi32> to vector<16x1xi32>
    %eq3A_796 = vector.broadcast %broadcast_in_dim3A_795 : vector<16x1xi32> to vector<16x13824xi32>
    %eq3A_797 = arith.cmpi eq, %iota3A, %eq3A_796 : vector<16x13824xi32>
    %jit3A_798 = arith.constant 0xFF800000 : f32
    %broadcast_in_dim3A_799 = vector.broadcast %jit3A_798 : f32 to vector<16x13824xf32>
    %select_n3A_800 = arith.select %eq3A_797, %broadcast_in_dim3A_799, %select_n3A_784 : vector<16x13824xi1>, vector<16x13824xf32>
    %reduce_max3A_801 = arith.constant dense<0xFF800000> : vector<16xf32>
    %reduce_max3A_802 = vector.multi_reduction <maximumf>, %select_n3A_800, %reduce_max3A_801 [1] : vector<16x13824xf32> to vector<16xf32>
    %broadcast_in_dim3A_803 = vector.shape_cast %reduce_max3A_802 : vector<16xf32> to vector<16x1xf32>
    %eq3A_804 = vector.broadcast %broadcast_in_dim3A_803 : vector<16x1xf32> to vector<16x13824xf32>
    %eq3A_805 = arith.cmpf oeq, %select_n3A_800, %eq3A_804 : vector<16x13824xf32>
    %jit3A_806 = arith.constant 13824 : i32
    %broadcast_in_dim3A_807 = vector.broadcast %jit3A_806 : i32 to vector<16x13824xi32>
    %select_n3A_808 = arith.select %eq3A_805, %iota3A, %broadcast_in_dim3A_807 : vector<16x13824xi1>, vector<16x13824xi32>
    %reduce_min3A_809 = arith.constant dense<2147483647> : vector<16xi32>
    %reduce_min3A_810 = vector.multi_reduction <minsi>, %select_n3A_808, %reduce_min3A_809 [1] : vector<16x13824xi32> to vector<16xi32>
    %broadcast_in_dim3A_811 = vector.shape_cast %reduce_min3A_810 : vector<16xi32> to vector<16x1xi32>
    %eq3A_812 = vector.broadcast %broadcast_in_dim3A_811 : vector<16x1xi32> to vector<16x13824xi32>
    %eq3A_813 = arith.cmpi eq, %iota3A, %eq3A_812 : vector<16x13824xi32>
    %jit3A_814 = arith.constant 0xFF800000 : f32
    %broadcast_in_dim3A_815 = vector.broadcast %jit3A_814 : f32 to vector<16x13824xf32>
    %select_n3A_816 = arith.select %eq3A_813, %broadcast_in_dim3A_815, %select_n3A_800 : vector<16x13824xi1>, vector<16x13824xf32>
    %reduce_max3A_817 = arith.constant dense<0xFF800000> : vector<16xf32>
    %reduce_max3A_818 = vector.multi_reduction <maximumf>, %select_n3A_816, %reduce_max3A_817 [1] : vector<16x13824xf32> to vector<16xf32>
    %broadcast_in_dim3A_819 = vector.shape_cast %reduce_max3A_818 : vector<16xf32> to vector<16x1xf32>
    %eq3A_820 = vector.broadcast %broadcast_in_dim3A_819 : vector<16x1xf32> to vector<16x13824xf32>
    %eq3A_821 = arith.cmpf oeq, %select_n3A_816, %eq3A_820 : vector<16x13824xf32>
    %jit3A_822 = arith.constant 13824 : i32
    %broadcast_in_dim3A_823 = vector.broadcast %jit3A_822 : i32 to vector<16x13824xi32>
    %select_n3A_824 = arith.select %eq3A_821, %iota3A, %broadcast_in_dim3A_823 : vector<16x13824xi1>, vector<16x13824xi32>
    %reduce_min3A_825 = arith.constant dense<2147483647> : vector<16xi32>
    %reduce_min3A_826 = vector.multi_reduction <minsi>, %select_n3A_824, %reduce_min3A_825 [1] : vector<16x13824xi32> to vector<16xi32>
    %broadcast_in_dim3A_827 = vector.shape_cast %reduce_min3A_826 : vector<16xi32> to vector<16x1xi32>
    %eq3A_828 = vector.broadcast %broadcast_in_dim3A_827 : vector<16x1xi32> to vector<16x13824xi32>
    %eq3A_829 = arith.cmpi eq, %iota3A, %eq3A_828 : vector<16x13824xi32>
    %jit3A_830 = arith.constant 0xFF800000 : f32
    %broadcast_in_dim3A_831 = vector.broadcast %jit3A_830 : f32 to vector<16x13824xf32>
    %select_n3A_832 = arith.select %eq3A_829, %broadcast_in_dim3A_831, %select_n3A_816 : vector<16x13824xi1>, vector<16x13824xf32>
    %reduce_max3A_833 = arith.constant dense<0xFF800000> : vector<16xf32>
    %reduce_max3A_834 = vector.multi_reduction <maximumf>, %select_n3A_832, %reduce_max3A_833 [1] : vector<16x13824xf32> to vector<16xf32>
    %broadcast_in_dim3A_835 = vector.shape_cast %reduce_max3A_834 : vector<16xf32> to vector<16x1xf32>
    %eq3A_836 = vector.broadcast %broadcast_in_dim3A_835 : vector<16x1xf32> to vector<16x13824xf32>
    %eq3A_837 = arith.cmpf oeq, %select_n3A_832, %eq3A_836 : vector<16x13824xf32>
    %jit3A_838 = arith.constant 13824 : i32
    %broadcast_in_dim3A_839 = vector.broadcast %jit3A_838 : i32 to vector<16x13824xi32>
    %select_n3A_840 = arith.select %eq3A_837, %iota3A, %broadcast_in_dim3A_839 : vector<16x13824xi1>, vector<16x13824xi32>
    %reduce_min3A_841 = arith.constant dense<2147483647> : vector<16xi32>
    %reduce_min3A_842 = vector.multi_reduction <minsi>, %select_n3A_840, %reduce_min3A_841 [1] : vector<16x13824xi32> to vector<16xi32>
    %broadcast_in_dim3A_843 = vector.shape_cast %reduce_min3A_842 : vector<16xi32> to vector<16x1xi32>
    %eq3A_844 = vector.broadcast %broadcast_in_dim3A_843 : vector<16x1xi32> to vector<16x13824xi32>
    %eq3A_845 = arith.cmpi eq, %iota3A, %eq3A_844 : vector<16x13824xi32>
    %jit3A_846 = arith.constant 0xFF800000 : f32
    %broadcast_in_dim3A_847 = vector.broadcast %jit3A_846 : f32 to vector<16x13824xf32>
    %select_n3A_848 = arith.select %eq3A_845, %broadcast_in_dim3A_847, %select_n3A_832 : vector<16x13824xi1>, vector<16x13824xf32>
    %reduce_max3A_849 = arith.constant dense<0xFF800000> : vector<16xf32>
    %reduce_max3A_850 = vector.multi_reduction <maximumf>, %select_n3A_848, %reduce_max3A_849 [1] : vector<16x13824xf32> to vector<16xf32>
    %broadcast_in_dim3A_851 = vector.shape_cast %reduce_max3A_850 : vector<16xf32> to vector<16x1xf32>
    %eq3A_852 = vector.broadcast %broadcast_in_dim3A_851 : vector<16x1xf32> to vector<16x13824xf32>
    %eq3A_853 = arith.cmpf oeq, %select_n3A_848, %eq3A_852 : vector<16x13824xf32>
    %jit3A_854 = arith.constant 13824 : i32
    %broadcast_in_dim3A_855 = vector.broadcast %jit3A_854 : i32 to vector<16x13824xi32>
    %select_n3A_856 = arith.select %eq3A_853, %iota3A, %broadcast_in_dim3A_855 : vector<16x13824xi1>, vector<16x13824xi32>
    %reduce_min3A_857 = arith.constant dense<2147483647> : vector<16xi32>
    %reduce_min3A_858 = vector.multi_reduction <minsi>, %select_n3A_856, %reduce_min3A_857 [1] : vector<16x13824xi32> to vector<16xi32>
    %broadcast_in_dim3A_859 = vector.shape_cast %reduce_min3A_858 : vector<16xi32> to vector<16x1xi32>
    %eq3A_860 = vector.broadcast %broadcast_in_dim3A_859 : vector<16x1xi32> to vector<16x13824xi32>
    %eq3A_861 = arith.cmpi eq, %iota3A, %eq3A_860 : vector<16x13824xi32>
    %jit3A_862 = arith.constant 0xFF800000 : f32
    %broadcast_in_dim3A_863 = vector.broadcast %jit3A_862 : f32 to vector<16x13824xf32>
    %select_n3A_864 = arith.select %eq3A_861, %broadcast_in_dim3A_863, %select_n3A_848 : vector<16x13824xi1>, vector<16x13824xf32>
    %reduce_max3A_865 = arith.constant dense<0xFF800000> : vector<16xf32>
    %reduce_max3A_866 = vector.multi_reduction <maximumf>, %select_n3A_864, %reduce_max3A_865 [1] : vector<16x13824xf32> to vector<16xf32>
    %broadcast_in_dim3A_867 = vector.shape_cast %reduce_max3A_866 : vector<16xf32> to vector<16x1xf32>
    %eq3A_868 = vector.broadcast %broadcast_in_dim3A_867 : vector<16x1xf32> to vector<16x13824xf32>
    %eq3A_869 = arith.cmpf oeq, %select_n3A_864, %eq3A_868 : vector<16x13824xf32>
    %jit3A_870 = arith.constant 13824 : i32
    %broadcast_in_dim3A_871 = vector.broadcast %jit3A_870 : i32 to vector<16x13824xi32>
    %select_n3A_872 = arith.select %eq3A_869, %iota3A, %broadcast_in_dim3A_871 : vector<16x13824xi1>, vector<16x13824xi32>
    %reduce_min3A_873 = arith.constant dense<2147483647> : vector<16xi32>
    %reduce_min3A_874 = vector.multi_reduction <minsi>, %select_n3A_872, %reduce_min3A_873 [1] : vector<16x13824xi32> to vector<16xi32>
    %broadcast_in_dim3A_875 = vector.shape_cast %reduce_min3A_874 : vector<16xi32> to vector<16x1xi32>
    %eq3A_876 = vector.broadcast %broadcast_in_dim3A_875 : vector<16x1xi32> to vector<16x13824xi32>
    %eq3A_877 = arith.cmpi eq, %iota3A, %eq3A_876 : vector<16x13824xi32>
    %jit3A_878 = arith.constant 0xFF800000 : f32
    %broadcast_in_dim3A_879 = vector.broadcast %jit3A_878 : f32 to vector<16x13824xf32>
    %select_n3A_880 = arith.select %eq3A_877, %broadcast_in_dim3A_879, %select_n3A_864 : vector<16x13824xi1>, vector<16x13824xf32>
    %reduce_max3A_881 = arith.constant dense<0xFF800000> : vector<16xf32>
    %reduce_max3A_882 = vector.multi_reduction <maximumf>, %select_n3A_880, %reduce_max3A_881 [1] : vector<16x13824xf32> to vector<16xf32>
    %broadcast_in_dim3A_883 = vector.shape_cast %reduce_max3A_882 : vector<16xf32> to vector<16x1xf32>
    %eq3A_884 = vector.broadcast %broadcast_in_dim3A_883 : vector<16x1xf32> to vector<16x13824xf32>
    %eq3A_885 = arith.cmpf oeq, %select_n3A_880, %eq3A_884 : vector<16x13824xf32>
    %jit3A_886 = arith.constant 13824 : i32
    %broadcast_in_dim3A_887 = vector.broadcast %jit3A_886 : i32 to vector<16x13824xi32>
    %select_n3A_888 = arith.select %eq3A_885, %iota3A, %broadcast_in_dim3A_887 : vector<16x13824xi1>, vector<16x13824xi32>
    %reduce_min3A_889 = arith.constant dense<2147483647> : vector<16xi32>
    %reduce_min3A_890 = vector.multi_reduction <minsi>, %select_n3A_888, %reduce_min3A_889 [1] : vector<16x13824xi32> to vector<16xi32>
    %broadcast_in_dim3A_891 = vector.shape_cast %reduce_min3A_890 : vector<16xi32> to vector<16x1xi32>
    %eq3A_892 = vector.broadcast %broadcast_in_dim3A_891 : vector<16x1xi32> to vector<16x13824xi32>
    %eq3A_893 = arith.cmpi eq, %iota3A, %eq3A_892 : vector<16x13824xi32>
    %jit3A_894 = arith.constant 0xFF800000 : f32
    %broadcast_in_dim3A_895 = vector.broadcast %jit3A_894 : f32 to vector<16x13824xf32>
    %select_n3A_896 = arith.select %eq3A_893, %broadcast_in_dim3A_895, %select_n3A_880 : vector<16x13824xi1>, vector<16x13824xf32>
    %reduce_max3A_897 = arith.constant dense<0xFF800000> : vector<16xf32>
    %reduce_max3A_898 = vector.multi_reduction <maximumf>, %select_n3A_896, %reduce_max3A_897 [1] : vector<16x13824xf32> to vector<16xf32>
    %broadcast_in_dim3A_899 = vector.shape_cast %reduce_max3A_898 : vector<16xf32> to vector<16x1xf32>
    %eq3A_900 = vector.broadcast %broadcast_in_dim3A_899 : vector<16x1xf32> to vector<16x13824xf32>
    %eq3A_901 = arith.cmpf oeq, %select_n3A_896, %eq3A_900 : vector<16x13824xf32>
    %jit3A_902 = arith.constant 13824 : i32
    %broadcast_in_dim3A_903 = vector.broadcast %jit3A_902 : i32 to vector<16x13824xi32>
    %select_n3A_904 = arith.select %eq3A_901, %iota3A, %broadcast_in_dim3A_903 : vector<16x13824xi1>, vector<16x13824xi32>
    %reduce_min3A_905 = arith.constant dense<2147483647> : vector<16xi32>
    %reduce_min3A_906 = vector.multi_reduction <minsi>, %select_n3A_904, %reduce_min3A_905 [1] : vector<16x13824xi32> to vector<16xi32>
    %broadcast_in_dim3A_907 = vector.shape_cast %reduce_min3A_906 : vector<16xi32> to vector<16x1xi32>
    %eq3A_908 = vector.broadcast %broadcast_in_dim3A_907 : vector<16x1xi32> to vector<16x13824xi32>
    %eq3A_909 = arith.cmpi eq, %iota3A, %eq3A_908 : vector<16x13824xi32>
    %jit3A_910 = arith.constant 0xFF800000 : f32
    %broadcast_in_dim3A_911 = vector.broadcast %jit3A_910 : f32 to vector<16x13824xf32>
    %select_n3A_912 = arith.select %eq3A_909, %broadcast_in_dim3A_911, %select_n3A_896 : vector<16x13824xi1>, vector<16x13824xf32>
    %reduce_max3A_913 = arith.constant dense<0xFF800000> : vector<16xf32>
    %reduce_max3A_914 = vector.multi_reduction <maximumf>, %select_n3A_912, %reduce_max3A_913 [1] : vector<16x13824xf32> to vector<16xf32>
    %broadcast_in_dim3A_915 = vector.shape_cast %reduce_max3A_914 : vector<16xf32> to vector<16x1xf32>
    %eq3A_916 = vector.broadcast %broadcast_in_dim3A_915 : vector<16x1xf32> to vector<16x13824xf32>
    %eq3A_917 = arith.cmpf oeq, %select_n3A_912, %eq3A_916 : vector<16x13824xf32>
    %jit3A_918 = arith.constant 13824 : i32
    %broadcast_in_dim3A_919 = vector.broadcast %jit3A_918 : i32 to vector<16x13824xi32>
    %select_n3A_920 = arith.select %eq3A_917, %iota3A, %broadcast_in_dim3A_919 : vector<16x13824xi1>, vector<16x13824xi32>
    %reduce_min3A_921 = arith.constant dense<2147483647> : vector<16xi32>
    %reduce_min3A_922 = vector.multi_reduction <minsi>, %select_n3A_920, %reduce_min3A_921 [1] : vector<16x13824xi32> to vector<16xi32>
    %broadcast_in_dim3A_923 = vector.shape_cast %reduce_min3A_922 : vector<16xi32> to vector<16x1xi32>
    %eq3A_924 = vector.broadcast %broadcast_in_dim3A_923 : vector<16x1xi32> to vector<16x13824xi32>
    %eq3A_925 = arith.cmpi eq, %iota3A, %eq3A_924 : vector<16x13824xi32>
    %jit3A_926 = arith.constant 0xFF800000 : f32
    %broadcast_in_dim3A_927 = vector.broadcast %jit3A_926 : f32 to vector<16x13824xf32>
    %select_n3A_928 = arith.select %eq3A_925, %broadcast_in_dim3A_927, %select_n3A_912 : vector<16x13824xi1>, vector<16x13824xf32>
    %reduce_max3A_929 = arith.constant dense<0xFF800000> : vector<16xf32>
    %reduce_max3A_930 = vector.multi_reduction <maximumf>, %select_n3A_928, %reduce_max3A_929 [1] : vector<16x13824xf32> to vector<16xf32>
    %broadcast_in_dim3A_931 = vector.shape_cast %reduce_max3A_930 : vector<16xf32> to vector<16x1xf32>
    %eq3A_932 = vector.broadcast %broadcast_in_dim3A_931 : vector<16x1xf32> to vector<16x13824xf32>
    %eq3A_933 = arith.cmpf oeq, %select_n3A_928, %eq3A_932 : vector<16x13824xf32>
    %jit3A_934 = arith.constant 13824 : i32
    %broadcast_in_dim3A_935 = vector.broadcast %jit3A_934 : i32 to vector<16x13824xi32>
    %select_n3A_936 = arith.select %eq3A_933, %iota3A, %broadcast_in_dim3A_935 : vector<16x13824xi1>, vector<16x13824xi32>
    %reduce_min3A_937 = arith.constant dense<2147483647> : vector<16xi32>
    %reduce_min3A_938 = vector.multi_reduction <minsi>, %select_n3A_936, %reduce_min3A_937 [1] : vector<16x13824xi32> to vector<16xi32>
    %broadcast_in_dim3A_939 = vector.shape_cast %reduce_min3A_938 : vector<16xi32> to vector<16x1xi32>
    %eq3A_940 = vector.broadcast %broadcast_in_dim3A_939 : vector<16x1xi32> to vector<16x13824xi32>
    %eq3A_941 = arith.cmpi eq, %iota3A, %eq3A_940 : vector<16x13824xi32>
    %jit3A_942 = arith.constant 0xFF800000 : f32
    %broadcast_in_dim3A_943 = vector.broadcast %jit3A_942 : f32 to vector<16x13824xf32>
    %select_n3A_944 = arith.select %eq3A_941, %broadcast_in_dim3A_943, %select_n3A_928 : vector<16x13824xi1>, vector<16x13824xf32>
    %reduce_max3A_945 = arith.constant dense<0xFF800000> : vector<16xf32>
    %reduce_max3A_946 = vector.multi_reduction <maximumf>, %select_n3A_944, %reduce_max3A_945 [1] : vector<16x13824xf32> to vector<16xf32>
    %broadcast_in_dim3A_947 = vector.shape_cast %reduce_max3A_946 : vector<16xf32> to vector<16x1xf32>
    %eq3A_948 = vector.broadcast %broadcast_in_dim3A_947 : vector<16x1xf32> to vector<16x13824xf32>
    %eq3A_949 = arith.cmpf oeq, %select_n3A_944, %eq3A_948 : vector<16x13824xf32>
    %jit3A_950 = arith.constant 13824 : i32
    %broadcast_in_dim3A_951 = vector.broadcast %jit3A_950 : i32 to vector<16x13824xi32>
    %select_n3A_952 = arith.select %eq3A_949, %iota3A, %broadcast_in_dim3A_951 : vector<16x13824xi1>, vector<16x13824xi32>
    %reduce_min3A_953 = arith.constant dense<2147483647> : vector<16xi32>
    %reduce_min3A_954 = vector.multi_reduction <minsi>, %select_n3A_952, %reduce_min3A_953 [1] : vector<16x13824xi32> to vector<16xi32>
    %broadcast_in_dim3A_955 = vector.shape_cast %reduce_min3A_954 : vector<16xi32> to vector<16x1xi32>
    %broadcast_in_dim3A_956 = arith.constant 0.000000e+00 : f32
    %broadcast_in_dim3A_957 = vector.broadcast %broadcast_in_dim3A_956 : f32 to vector<16x4xf32>
    %concatenate3A = tpu.concatenate %broadcast_in_dim3A, %broadcast_in_dim3A_19, %broadcast_in_dim3A_35, %broadcast_in_dim3A_51, %broadcast_in_dim3A_67, %broadcast_in_dim3A_83, %broadcast_in_dim3A_99, %broadcast_in_dim3A_115, %broadcast_in_dim3A_131, %broadcast_in_dim3A_147, %broadcast_in_dim3A_163, %broadcast_in_dim3A_179, %broadcast_in_dim3A_195, %broadcast_in_dim3A_211, %broadcast_in_dim3A_227, %broadcast_in_dim3A_243, %broadcast_in_dim3A_259, %broadcast_in_dim3A_275, %broadcast_in_dim3A_291, %broadcast_in_dim3A_307, %broadcast_in_dim3A_323, %broadcast_in_dim3A_339, %broadcast_in_dim3A_355, %broadcast_in_dim3A_371, %broadcast_in_dim3A_387, %broadcast_in_dim3A_403, %broadcast_in_dim3A_419, %broadcast_in_dim3A_435, %broadcast_in_dim3A_451, %broadcast_in_dim3A_467, %broadcast_in_dim3A_483, %broadcast_in_dim3A_499, %broadcast_in_dim3A_515, %broadcast_in_dim3A_531, %broadcast_in_dim3A_547, %broadcast_in_dim3A_563, %broadcast_in_dim3A_579, %broadcast_in_dim3A_595, %broadcast_in_dim3A_611, %broadcast_in_dim3A_627, %broadcast_in_dim3A_643, %broadcast_in_dim3A_659, %broadcast_in_dim3A_675, %broadcast_in_dim3A_691, %broadcast_in_dim3A_707, %broadcast_in_dim3A_723, %broadcast_in_dim3A_739, %broadcast_in_dim3A_755, %broadcast_in_dim3A_771, %broadcast_in_dim3A_787, %broadcast_in_dim3A_803, %broadcast_in_dim3A_819, %broadcast_in_dim3A_835, %broadcast_in_dim3A_851, %broadcast_in_dim3A_867, %broadcast_in_dim3A_883, %broadcast_in_dim3A_899, %broadcast_in_dim3A_915, %broadcast_in_dim3A_931, %broadcast_in_dim3A_947, %broadcast_in_dim3A_957 in 1 : vector<16x1xf32>, vector<16x1xf32>, vector<16x1xf32>, vector<16x1xf32>, vector<16x1xf32>, vector<16x1xf32>, vector<16x1xf32>, vector<16x1xf32>, vector<16x1xf32>, vector<16x1xf32>, vector<16x1xf32>, vector<16x1xf32>, vector<16x1xf32>, vector<16x1xf32>, vector<16x1xf32>, vector<16x1xf32>, vector<16x1xf32>, vector<16x1xf32>, vector<16x1xf32>, vector<16x1xf32>, vector<16x1xf32>, vector<16x1xf32>, vector<16x1xf32>, vector<16x1xf32>, vector<16x1xf32>, vector<16x1xf32>, vector<16x1xf32>, vector<16x1xf32>, vector<16x1xf32>, vector<16x1xf32>, vector<16x1xf32>, vector<16x1xf32>, vector<16x1xf32>, vector<16x1xf32>, vector<16x1xf32>, vector<16x1xf32>, vector<16x1xf32>, vector<16x1xf32>, vector<16x1xf32>, vector<16x1xf32>, vector<16x1xf32>, vector<16x1xf32>, vector<16x1xf32>, vector<16x1xf32>, vector<16x1xf32>, vector<16x1xf32>, vector<16x1xf32>, vector<16x1xf32>, vector<16x1xf32>, vector<16x1xf32>, vector<16x1xf32>, vector<16x1xf32>, vector<16x1xf32>, vector<16x1xf32>, vector<16x1xf32>, vector<16x1xf32>, vector<16x1xf32>, vector<16x1xf32>, vector<16x1xf32>, vector<16x1xf32>, vector<16x4xf32> -> vector<16x64xf32>
    %broadcast_in_dim3A_958 = arith.constant 0 : i32
    %broadcast_in_dim3A_959 = vector.broadcast %broadcast_in_dim3A_958 : i32 to vector<16x4xi32>
    %concatenate3A_960 = tpu.concatenate %broadcast_in_dim3A_11, %broadcast_in_dim3A_27, %broadcast_in_dim3A_43, %broadcast_in_dim3A_59, %broadcast_in_dim3A_75, %broadcast_in_dim3A_91, %broadcast_in_dim3A_107, %broadcast_in_dim3A_123, %broadcast_in_dim3A_139, %broadcast_in_dim3A_155, %broadcast_in_dim3A_171, %broadcast_in_dim3A_187, %broadcast_in_dim3A_203, %broadcast_in_dim3A_219, %broadcast_in_dim3A_235, %broadcast_in_dim3A_251, %broadcast_in_dim3A_267, %broadcast_in_dim3A_283, %broadcast_in_dim3A_299, %broadcast_in_dim3A_315, %broadcast_in_dim3A_331, %broadcast_in_dim3A_347, %broadcast_in_dim3A_363, %broadcast_in_dim3A_379, %broadcast_in_dim3A_395, %broadcast_in_dim3A_411, %broadcast_in_dim3A_427, %broadcast_in_dim3A_443, %broadcast_in_dim3A_459, %broadcast_in_dim3A_475, %broadcast_in_dim3A_491, %broadcast_in_dim3A_507, %broadcast_in_dim3A_523, %broadcast_in_dim3A_539, %broadcast_in_dim3A_555, %broadcast_in_dim3A_571, %broadcast_in_dim3A_587, %broadcast_in_dim3A_603, %broadcast_in_dim3A_619, %broadcast_in_dim3A_635, %broadcast_in_dim3A_651, %broadcast_in_dim3A_667, %broadcast_in_dim3A_683, %broadcast_in_dim3A_699, %broadcast_in_dim3A_715, %broadcast_in_dim3A_731, %broadcast_in_dim3A_747, %broadcast_in_dim3A_763, %broadcast_in_dim3A_779, %broadcast_in_dim3A_795, %broadcast_in_dim3A_811, %broadcast_in_dim3A_827, %broadcast_in_dim3A_843, %broadcast_in_dim3A_859, %broadcast_in_dim3A_875, %broadcast_in_dim3A_891, %broadcast_in_dim3A_907, %broadcast_in_dim3A_923, %broadcast_in_dim3A_939, %broadcast_in_dim3A_955, %broadcast_in_dim3A_959 in 1 : vector<16x1xi32>, vector<16x1xi32>, vector<16x1xi32>, vector<16x1xi32>, vector<16x1xi32>, vector<16x1xi32>, vector<16x1xi32>, vector<16x1xi32>, vector<16x1xi32>, vector<16x1xi32>, vector<16x1xi32>, vector<16x1xi32>, vector<16x1xi32>, vector<16x1xi32>, vector<16x1xi32>, vector<16x1xi32>, vector<16x1xi32>, vector<16x1xi32>, vector<16x1xi32>, vector<16x1xi32>, vector<16x1xi32>, vector<16x1xi32>, vector<16x1xi32>, vector<16x1xi32>, vector<16x1xi32>, vector<16x1xi32>, vector<16x1xi32>, vector<16x1xi32>, vector<16x1xi32>, vector<16x1xi32>, vector<16x1xi32>, vector<16x1xi32>, vector<16x1xi32>, vector<16x1xi32>, vector<16x1xi32>, vector<16x1xi32>, vector<16x1xi32>, vector<16x1xi32>, vector<16x1xi32>, vector<16x1xi32>, vector<16x1xi32>, vector<16x1xi32>, vector<16x1xi32>, vector<16x1xi32>, vector<16x1xi32>, vector<16x1xi32>, vector<16x1xi32>, vector<16x1xi32>, vector<16x1xi32>, vector<16x1xi32>, vector<16x1xi32>, vector<16x1xi32>, vector<16x1xi32>, vector<16x1xi32>, vector<16x1xi32>, vector<16x1xi32>, vector<16x1xi32>, vector<16x1xi32>, vector<16x1xi32>, vector<16x1xi32>, vector<16x4xi32> -> vector<16x64xi32>
    %swap3A = arith.constant 0 : index
    %swap3A_961 = arith.constant 0 : index
    %swap3A_962 = vector.load %arg1[%swap3A, %swap3A_961] : memref<16x64xf32, #tpu.memory_space<vmem>>, vector<16x64xf32>
    tpu.vector_store %arg1[%swap3A, %swap3A_961], %concatenate3A {strides = array<i32>} : memref<16x64xf32, #tpu.memory_space<vmem>>, vector<16x64xf32>,
    %swap3A_963 = arith.constant 0 : index
    %swap3A_964 = arith.constant 0 : index
    %swap3A_965 = vector.load %arg2[%swap3A_963, %swap3A_964] : memref<16x64xi32, #tpu.memory_space<vmem>>, vector<16x64xi32>
    tpu.vector_store %arg2[%swap3A_963, %swap3A_964], %concatenate3A_960 {strides = array<i32>} : memref<16x64xi32, #tpu.memory_space<vmem>>, vector<16x64xi32>,
    %concatenate3A_966 = tpu.concatenate %concatenate3A_960, %concatenate3A_960 in 1 : vector<16x64xi32>, vector<16x64xi32> -> vector<16x128xi32>
    %broadcast_in_dim3A_967 = vector.shape_cast %concatenate3A_966 : vector<16x128xi32> to vector<16x1x128xi32>
    %broadcast_in_dim3A_968 = vector.shape_cast %broadcast_in_dim3A_967 : vector<16x1x128xi32> to vector<16x1x128xi32>
    %broadcast_in_dim3A_969 = vector.broadcast %broadcast_in_dim3A_968 : vector<16x1x128xi32> to vector<16x64x128xi32>
    %iota3A_970 = tpu.iota {dimensions = array<i32: 0>} : vector<16x64x128xi32>
    %iota3A_971 = tpu.iota {dimensions = array<i32: 1>} : vector<16x64x128xi32>
    %iota3A_972 = tpu.iota {dimensions = array<i32: 2>} : vector<16x64x128xi32>
    %mul3A = arith.constant 2 : i32
    %mul3A_973 = vector.broadcast %mul3A : i32 to vector<16x64x128xi32>
    %mul3A_974 = arith.muli %iota3A_971, %mul3A_973 : vector<16x64x128xi32>
    %ge3A = arith.constant 64 : i32
    %ge3A_975 = vector.broadcast %ge3A : i32 to vector<16x64x128xi32>
    %ge3A_976 = arith.cmpi sge, %iota3A_972, %ge3A_975 : vector<16x64x128xi32>
    %convert_element_type3A = arith.extui %ge3A_976 : vector<16x64x128xi1> to vector<16x64x128xi32>
    %add3A = arith.addi %mul3A_974, %convert_element_type3A : vector<16x64x128xi32>
    %lt3A = arith.constant 108 : i32
    %lt3A_977 = vector.broadcast %lt3A : i32 to vector<16x64x128xi32>
    %lt3A_978 = arith.cmpi slt, %add3A, %lt3A_977 : vector<16x64x128xi32>
    %mul3A_979 = arith.constant 108 : i32
    %mul3A_980 = vector.broadcast %mul3A_979 : i32 to vector<16x64x128xi32>
    %mul3A_981 = arith.muli %iota3A_970, %mul3A_980 : vector<16x64x128xi32>
    %add3A_982 = arith.addi %mul3A_981, %add3A : vector<16x64x128xi32>
    %mul3A_983 = arith.constant 13824 : i32
    %mul3A_984 = vector.broadcast %mul3A_983 : i32 to vector<16x64x128xi32>
    %mul3A_985 = arith.muli %add3A_982, %mul3A_984 : vector<16x64x128xi32>
    %add3A_986 = arith.addi %mul3A_985, %broadcast_in_dim3A_969 : vector<16x64x128xi32>
    %jit3A_987 = arith.constant 0 : i32
    %broadcast_in_dim3A_988 = vector.broadcast %jit3A_987 : i32 to vector<16x64x128xi32>
    %select_n3A_989 = arith.select %lt3A_978, %add3A_986, %broadcast_in_dim3A_988 : vector<16x64x128xi1>, vector<16x64x128xi32>
    %swap3A_990 = arith.constant 0 : index
    %swap3A_991 = arith.constant 0 : index
    %swap3A_992 = arith.constant 0 : index
    %swap3A_993 = vector.load %arg3[%swap3A_990, %swap3A_991, %swap3A_992] : memref<16x64x128xi32, #tpu.memory_space<vmem>>, vector<16x64x128xi32>
    tpu.vector_store %arg3[%swap3A_990, %swap3A_991, %swap3A_992], %select_n3A_989 {strides = array<i32>} : memref<16x64x128xi32, #tpu.memory_space<vmem>>, vector<16x64x128xi32>,
    %broadcast_in_dim3A_994 = vector.shape_cast %concatenate3A_966 : vector<16x128xi32> to vector<16x1x128xi32>
    %broadcast_in_dim3A_995 = vector.shape_cast %broadcast_in_dim3A_994 : vector<16x1x128xi32> to vector<16x1x128xi32>
    %broadcast_in_dim3A_996 = vector.broadcast %broadcast_in_dim3A_995 : vector<16x1x128xi32> to vector<16x8x128xi32>
    %iota3A_997 = tpu.iota {dimensions = array<i32: 0>} : vector<16x8x128xi32>
    %iota3A_998 = tpu.iota {dimensions = array<i32: 1>} : vector<16x8x128xi32>
    %iota3A_999 = tpu.iota {dimensions = array<i32: 2>} : vector<16x8x128xi32>
    %mul3A_1000 = arith.constant 2 : i32
    %mul3A_1001 = vector.broadcast %mul3A_1000 : i32 to vector<16x8x128xi32>
    %mul3A_1002 = arith.muli %iota3A_998, %mul3A_1001 : vector<16x8x128xi32>
    %ge3A_1003 = arith.constant 64 : i32
    %ge3A_1004 = vector.broadcast %ge3A_1003 : i32 to vector<16x8x128xi32>
    %ge3A_1005 = arith.cmpi sge, %iota3A_999, %ge3A_1004 : vector<16x8x128xi32>
    %convert_element_type3A_1006 = arith.extui %ge3A_1005 : vector<16x8x128xi1> to vector<16x8x128xi32>
    %add3A_1007 = arith.addi %mul3A_1002, %convert_element_type3A_1006 : vector<16x8x128xi32>
    %lt3A_1008 = arith.constant 3 : i32
    %lt3A_1009 = vector.broadcast %lt3A_1008 : i32 to vector<16x8x128xi32>
    %lt3A_1010 = arith.cmpi slt, %add3A_1007, %lt3A_1009 : vector<16x8x128xi32>
    %mul3A_1011 = arith.constant 3 : i32
    %mul3A_1012 = vector.broadcast %mul3A_1011 : i32 to vector<16x8x128xi32>
    %mul3A_1013 = arith.muli %iota3A_997, %mul3A_1012 : vector<16x8x128xi32>
    %min3A = arith.constant 2 : i32
    %min3A_1014 = vector.broadcast %min3A : i32 to vector<16x8x128xi32>
    %min3A_1015 = arith.minsi %add3A_1007, %min3A_1014 : vector<16x8x128xi32>
    %add3A_1016 = arith.addi %mul3A_1013, %min3A_1015 : vector<16x8x128xi32>
    %mul3A_1017 = arith.constant 13824 : i32
    %mul3A_1018 = vector.broadcast %mul3A_1017 : i32 to vector<16x8x128xi32>
    %mul3A_1019 = arith.muli %add3A_1016, %mul3A_1018 : vector<16x8x128xi32>
    %add3A_1020 = arith.addi %mul3A_1019, %broadcast_in_dim3A_996 : vector<16x8x128xi32>
    %jit3A_1021 = arith.constant 0 : i32
    %broadcast_in_dim3A_1022 = vector.broadcast %jit3A_1021 : i32 to vector<16x8x128xi32>
    %select_n3A_1023 = arith.select %lt3A_1010, %add3A_1020, %broadcast_in_dim3A_1022 : vector<16x8x128xi1>, vector<16x8x128xi32>
    %swap3A_1024 = arith.constant 0 : index
    %swap3A_1025 = arith.constant 0 : index
    %swap3A_1026 = arith.constant 0 : index
    %swap3A_1027 = vector.load %arg4[%swap3A_1024, %swap3A_1025, %swap3A_1026] : memref<16x8x128xi32, #tpu.memory_space<vmem>>, vector<16x8x128xi32>
    tpu.vector_store %arg4[%swap3A_1024, %swap3A_1025, %swap3A_1026], %select_n3A_1023 {strides = array<i32>} : memref<16x8x128xi32, #tpu.memory_space<vmem>>, vector<16x8x128xi32>,
    return
  }
}

module attributes {stable_mosaic.version = 14 : i64} {
  func.func @_post_tc(%arg0: memref<16x64xf32, #tpu.memory_space<vmem>>, %arg1: memref<16x64xi32, #tpu.memory_space<vmem>>, %arg2: memref<16x108x64xf32, #tpu.memory_space<vmem>>, %arg3: memref<16x4x64xf32, #tpu.memory_space<vmem>>, %arg4: memref<16x60x8xf32, #tpu.memory_space<vmem>>) attributes {dimension_semantics = [], scalar_prefetch = 0 : i64, scratch_operands = 0 : i64, tpu.core_type = #tpu.core_type<tc>} {
    %broadcast_in_dim3A = arith.constant -1.000000e+00 : f32
    %broadcast_in_dim3A_0 = vector.broadcast %broadcast_in_dim3A : f32 to vector<16x60x8xf32>
    %swap3A = arith.constant 0 : index
    %swap3A_1 = arith.constant 0 : index
    %swap3A_2 = arith.constant 0 : index
    %swap3A_3 = vector.load %arg4[%swap3A, %swap3A_1, %swap3A_2] : memref<16x60x8xf32, #tpu.memory_space<vmem>>, vector<16x60x8xf32>
    tpu.vector_store %arg4[%swap3A, %swap3A_1, %swap3A_2], %broadcast_in_dim3A_0 {strides = array<i32>} : memref<16x60x8xf32, #tpu.memory_space<vmem>>, vector<16x60x8xf32>,
    %get3A = arith.constant 0 : index
    %get3A_4 = arith.constant 0 : index
    %get3A_5 = arith.constant 0 : index
    %get3A_6 = vector.load %arg2[%get3A, %get3A_4, %get3A_5] : memref<16x108x64xf32, #tpu.memory_space<vmem>>, vector<16x108x64xf32>
    %iota3A = tpu.iota {dimensions = array<i32: 1>} : vector<16x36x64xi32>
    %convert_element_type3A = arith.sitofp %iota3A : vector<16x36x64xi32> to vector<16x36x64xf32>
    %slice3A = vector.extract_strided_slice %get3A_6 {offsets = [0, 0, 0], sizes = [16, 36, 64], strides = [1, 1, 1]} : vector<16x108x64xf32> to vector<16x36x64xf32>
    %reduce_max3A = arith.constant dense<0xFF800000> : vector<16x64xf32>
    %reduce_max3A_7 = vector.multi_reduction <maximumf>, %slice3A, %reduce_max3A [1] : vector<16x36x64xf32> to vector<16x64xf32>
    %broadcast_in_dim3A_8 = vector.shape_cast %reduce_max3A_7 : vector<16x64xf32> to vector<16x1x64xf32>
    %sub3A = vector.broadcast %broadcast_in_dim3A_8 : vector<16x1x64xf32> to vector<16x36x64xf32>
    %sub3A_9 = arith.subf %slice3A, %sub3A : vector<16x36x64xf32>
    %exp3A = math.exp %sub3A_9 : vector<16x36x64xf32>
    %mul3A = arith.mulf %exp3A, %convert_element_type3A : vector<16x36x64xf32>
    %reduce_sum3A = arith.constant dense<0.000000e+00> : vector<16x64xf32>
    %reduce_sum3A_10 = vector.multi_reduction <add>, %mul3A, %reduce_sum3A [1] : vector<16x36x64xf32> to vector<16x64xf32>
    %reduce_sum3A_11 = arith.constant dense<0.000000e+00> : vector<16x64xf32>
    %reduce_sum3A_12 = vector.multi_reduction <add>, %exp3A, %reduce_sum3A_11 [1] : vector<16x36x64xf32> to vector<16x64xf32>
    %div3A = arith.divf %reduce_sum3A_10, %reduce_sum3A_12 : vector<16x64xf32>
    %slice3A_13 = vector.extract_strided_slice %get3A_6 {offsets = [0, 36, 0], sizes = [16, 36, 64], strides = [1, 1, 1]} : vector<16x108x64xf32> to vector<16x36x64xf32>
    %reduce_max3A_14 = arith.constant dense<0xFF800000> : vector<16x64xf32>
    %reduce_max3A_15 = vector.multi_reduction <maximumf>, %slice3A_13, %reduce_max3A_14 [1] : vector<16x36x64xf32> to vector<16x64xf32>
    %broadcast_in_dim3A_16 = vector.shape_cast %reduce_max3A_15 : vector<16x64xf32> to vector<16x1x64xf32>
    %sub3A_17 = vector.broadcast %broadcast_in_dim3A_16 : vector<16x1x64xf32> to vector<16x36x64xf32>
    %sub3A_18 = arith.subf %slice3A_13, %sub3A_17 : vector<16x36x64xf32>
    %exp3A_19 = math.exp %sub3A_18 : vector<16x36x64xf32>
    %mul3A_20 = arith.mulf %exp3A_19, %convert_element_type3A : vector<16x36x64xf32>
    %reduce_sum3A_21 = arith.constant dense<0.000000e+00> : vector<16x64xf32>
    %reduce_sum3A_22 = vector.multi_reduction <add>, %mul3A_20, %reduce_sum3A_21 [1] : vector<16x36x64xf32> to vector<16x64xf32>
    %reduce_sum3A_23 = arith.constant dense<0.000000e+00> : vector<16x64xf32>
    %reduce_sum3A_24 = vector.multi_reduction <add>, %exp3A_19, %reduce_sum3A_23 [1] : vector<16x36x64xf32> to vector<16x64xf32>
    %div3A_25 = arith.divf %reduce_sum3A_22, %reduce_sum3A_24 : vector<16x64xf32>
    %slice3A_26 = vector.extract_strided_slice %get3A_6 {offsets = [0, 72, 0], sizes = [16, 36, 64], strides = [1, 1, 1]} : vector<16x108x64xf32> to vector<16x36x64xf32>
    %reduce_max3A_27 = arith.constant dense<0xFF800000> : vector<16x64xf32>
    %reduce_max3A_28 = vector.multi_reduction <maximumf>, %slice3A_26, %reduce_max3A_27 [1] : vector<16x36x64xf32> to vector<16x64xf32>
    %broadcast_in_dim3A_29 = vector.shape_cast %reduce_max3A_28 : vector<16x64xf32> to vector<16x1x64xf32>
    %sub3A_30 = vector.broadcast %broadcast_in_dim3A_29 : vector<16x1x64xf32> to vector<16x36x64xf32>
    %sub3A_31 = arith.subf %slice3A_26, %sub3A_30 : vector<16x36x64xf32>
    %exp3A_32 = math.exp %sub3A_31 : vector<16x36x64xf32>
    %mul3A_33 = arith.mulf %exp3A_32, %convert_element_type3A : vector<16x36x64xf32>
    %reduce_sum3A_34 = arith.constant dense<0.000000e+00> : vector<16x64xf32>
    %reduce_sum3A_35 = vector.multi_reduction <add>, %mul3A_33, %reduce_sum3A_34 [1] : vector<16x36x64xf32> to vector<16x64xf32>
    %reduce_sum3A_36 = arith.constant dense<0.000000e+00> : vector<16x64xf32>
    %reduce_sum3A_37 = vector.multi_reduction <add>, %exp3A_32, %reduce_sum3A_36 [1] : vector<16x36x64xf32> to vector<16x64xf32>
    %div3A_38 = arith.divf %reduce_sum3A_35, %reduce_sum3A_37 : vector<16x64xf32>
    %get3A_39 = arith.constant 0 : index
    %get3A_40 = arith.constant 0 : index
    %get3A_41 = vector.load %arg1[%get3A_39, %get3A_40] : memref<16x64xi32, #tpu.memory_space<vmem>>, vector<16x64xi32>
    %jit3A = arith.constant 576 : i32
    %div3A_42 = vector.broadcast %jit3A : i32 to vector<16x64xi32>
    %div3A_43 = arith.divsi %get3A_41, %div3A_42 : vector<16x64xi32>
    %sign3A = arith.constant 0 : i32
    %sign3A_44 = vector.broadcast %sign3A : i32 to vector<16x64xi32>
    %sign3A_45 = arith.cmpi sgt, %get3A_41, %sign3A_44 : vector<16x64xi32>
    %sign3A_46 = arith.extui %sign3A_45 : vector<16x64xi1> to vector<16x64xi32>
    %sign3A_47 = arith.constant 0 : i32
    %sign3A_48 = vector.broadcast %sign3A_47 : i32 to vector<16x64xi32>
    %sign3A_49 = arith.cmpi slt, %get3A_41, %sign3A_48 : vector<16x64xi32>
    %sign3A_50 = arith.extui %sign3A_49 : vector<16x64xi1> to vector<16x64xi32>
    %sign3A_51 = arith.subi %sign3A_46, %sign3A_50 : vector<16x64xi32>
    %sign3A_52 = arith.constant 0 : i32
    %sign3A_53 = arith.cmpi sgt, %jit3A, %sign3A_52 : i32
    %sign3A_54 = arith.extui %sign3A_53 : i1 to i32
    %sign3A_55 = arith.constant 0 : i32
    %sign3A_56 = arith.cmpi slt, %jit3A, %sign3A_55 : i32
    %sign3A_57 = arith.extui %sign3A_56 : i1 to i32
    %sign3A_58 = arith.subi %sign3A_54, %sign3A_57 : i32
    %ne3A = vector.broadcast %sign3A_58 : i32 to vector<16x64xi32>
    %ne3A_59 = arith.cmpi ne, %sign3A_51, %ne3A : vector<16x64xi32>
    %rem3A = vector.broadcast %jit3A : i32 to vector<16x64xi32>
    %rem3A_60 = arith.remsi %get3A_41, %rem3A : vector<16x64xi32>
    %ne3A_61 = arith.constant 0 : i32
    %ne3A_62 = vector.broadcast %ne3A_61 : i32 to vector<16x64xi32>
    %ne3A_63 = arith.cmpi ne, %rem3A_60, %ne3A_62 : vector<16x64xi32>
    %and3A = arith.andi %ne3A_59, %ne3A_63 : vector<16x64xi1>
    %sub3A_64 = arith.constant 1 : i32
    %sub3A_65 = vector.broadcast %sub3A_64 : i32 to vector<16x64xi32>
    %sub3A_66 = arith.subi %div3A_43, %sub3A_65 : vector<16x64xi32>
    %select_n3A = arith.select %and3A, %sub3A_66, %div3A_43 : vector<16x64xi1>, vector<16x64xi32>
    %convert_element_type3A_67 = arith.sitofp %select_n3A : vector<16x64xi32> to vector<16x64xf32>
    %jit3A_68 = arith.constant 24 : i32
    %div3A_69 = vector.broadcast %jit3A_68 : i32 to vector<16x64xi32>
    %div3A_70 = arith.divsi %get3A_41, %div3A_69 : vector<16x64xi32>
    %sign3A_71 = arith.constant 0 : i32
    %sign3A_72 = vector.broadcast %sign3A_71 : i32 to vector<16x64xi32>
    %sign3A_73 = arith.cmpi sgt, %get3A_41, %sign3A_72 : vector<16x64xi32>
    %sign3A_74 = arith.extui %sign3A_73 : vector<16x64xi1> to vector<16x64xi32>
    %sign3A_75 = arith.constant 0 : i32
    %sign3A_76 = vector.broadcast %sign3A_75 : i32 to vector<16x64xi32>
    %sign3A_77 = arith.cmpi slt, %get3A_41, %sign3A_76 : vector<16x64xi32>
    %sign3A_78 = arith.extui %sign3A_77 : vector<16x64xi1> to vector<16x64xi32>
    %sign3A_79 = arith.subi %sign3A_74, %sign3A_78 : vector<16x64xi32>
    %sign3A_80 = arith.constant 0 : i32
    %sign3A_81 = arith.cmpi sgt, %jit3A_68, %sign3A_80 : i32
    %sign3A_82 = arith.extui %sign3A_81 : i1 to i32
    %sign3A_83 = arith.constant 0 : i32
    %sign3A_84 = arith.cmpi slt, %jit3A_68, %sign3A_83 : i32
    %sign3A_85 = arith.extui %sign3A_84 : i1 to i32
    %sign3A_86 = arith.subi %sign3A_82, %sign3A_85 : i32
    %ne3A_87 = vector.broadcast %sign3A_86 : i32 to vector<16x64xi32>
    %ne3A_88 = arith.cmpi ne, %sign3A_79, %ne3A_87 : vector<16x64xi32>
    %rem3A_89 = vector.broadcast %jit3A_68 : i32 to vector<16x64xi32>
    %rem3A_90 = arith.remsi %get3A_41, %rem3A_89 : vector<16x64xi32>
    %ne3A_91 = arith.constant 0 : i32
    %ne3A_92 = vector.broadcast %ne3A_91 : i32 to vector<16x64xi32>
    %ne3A_93 = arith.cmpi ne, %rem3A_90, %ne3A_92 : vector<16x64xi32>
    %and3A_94 = arith.andi %ne3A_88, %ne3A_93 : vector<16x64xi1>
    %sub3A_95 = arith.constant 1 : i32
    %sub3A_96 = vector.broadcast %sub3A_95 : i32 to vector<16x64xi32>
    %sub3A_97 = arith.subi %div3A_70, %sub3A_96 : vector<16x64xi32>
    %select_n3A_98 = arith.select %and3A_94, %sub3A_97, %div3A_70 : vector<16x64xi1>, vector<16x64xi32>
    %jit3A_99 = arith.constant 24 : i32
    %eq3A = arith.constant 0 : i32
    %eq3A_100 = arith.cmpi eq, %jit3A_99, %eq3A : i32
    %jit3A_101 = arith.constant 1 : i32
    %select_n3A_102 = arith.select %eq3A_100, %jit3A_101, %jit3A_99 : i32
    %rem3A_103 = vector.broadcast %select_n3A_102 : i32 to vector<16x64xi32>
    %rem3A_104 = arith.remsi %select_n3A_98, %rem3A_103 : vector<16x64xi32>
    %ne3A_105 = arith.constant 0 : i32
    %ne3A_106 = vector.broadcast %ne3A_105 : i32 to vector<16x64xi32>
    %ne3A_107 = arith.cmpi ne, %rem3A_104, %ne3A_106 : vector<16x64xi32>
    %lt3A = arith.constant 0 : i32
    %lt3A_108 = vector.broadcast %lt3A : i32 to vector<16x64xi32>
    %lt3A_109 = arith.cmpi slt, %rem3A_104, %lt3A_108 : vector<16x64xi32>
    %lt3A_110 = arith.constant 0 : i32
    %lt3A_111 = arith.cmpi slt, %select_n3A_102, %lt3A_110 : i32
    %ne3A_112 = vector.broadcast %lt3A_111 : i1 to vector<16x64xi1>
    %ne3A_113 = vector.broadcast %ne3A_112 : vector<16x64xi1> to vector<16x64xi1>
    %ne3A_114 = arith.xori %lt3A_109, %ne3A_113 : vector<16x64xi1>
    %and3A_115 = arith.andi %ne3A_114, %ne3A_107 : vector<16x64xi1>
    %add3A = vector.broadcast %select_n3A_102 : i32 to vector<16x64xi32>
    %add3A_116 = arith.addi %rem3A_104, %add3A : vector<16x64xi32>
    %select_n3A_117 = arith.select %and3A_115, %add3A_116, %rem3A_104 : vector<16x64xi1>, vector<16x64xi32>
    %convert_element_type3A_118 = arith.sitofp %select_n3A_117 : vector<16x64xi32> to vector<16x64xf32>
    %jit3A_119 = arith.constant 24 : i32
    %eq3A_120 = arith.constant 0 : i32
    %eq3A_121 = arith.cmpi eq, %jit3A_119, %eq3A_120 : i32
    %jit3A_122 = arith.constant 1 : i32
    %select_n3A_123 = arith.select %eq3A_121, %jit3A_122, %jit3A_119 : i32
    %rem3A_124 = vector.broadcast %select_n3A_123 : i32 to vector<16x64xi32>
    %rem3A_125 = arith.remsi %get3A_41, %rem3A_124 : vector<16x64xi32>
    %ne3A_126 = arith.constant 0 : i32
    %ne3A_127 = vector.broadcast %ne3A_126 : i32 to vector<16x64xi32>
    %ne3A_128 = arith.cmpi ne, %rem3A_125, %ne3A_127 : vector<16x64xi32>
    %lt3A_129 = arith.constant 0 : i32
    %lt3A_130 = vector.broadcast %lt3A_129 : i32 to vector<16x64xi32>
    %lt3A_131 = arith.cmpi slt, %rem3A_125, %lt3A_130 : vector<16x64xi32>
    %lt3A_132 = arith.constant 0 : i32
    %lt3A_133 = arith.cmpi slt, %select_n3A_123, %lt3A_132 : i32
    %ne3A_134 = vector.broadcast %lt3A_133 : i1 to vector<16x64xi1>
    %ne3A_135 = vector.broadcast %ne3A_134 : vector<16x64xi1> to vector<16x64xi1>
    %ne3A_136 = arith.xori %lt3A_131, %ne3A_135 : vector<16x64xi1>
    %and3A_137 = arith.andi %ne3A_136, %ne3A_128 : vector<16x64xi1>
    %add3A_138 = vector.broadcast %select_n3A_123 : i32 to vector<16x64xi32>
    %add3A_139 = arith.addi %rem3A_125, %add3A_138 : vector<16x64xi32>
    %select_n3A_140 = arith.select %and3A_137, %add3A_139, %rem3A_125 : vector<16x64xi1>, vector<16x64xi32>
    %convert_element_type3A_141 = arith.sitofp %select_n3A_140 : vector<16x64xi32> to vector<16x64xf32>
    %get3A_142 = arith.constant 0 : index
    %get3A_143 = arith.constant 0 : index
    %get3A_144 = arith.constant 0 : index
    %get3A_145 = vector.load %arg3[%get3A_142, %get3A_143, %get3A_144] : memref<16x4x64xf32, #tpu.memory_space<vmem>>, vector<16x4x64xf32>
    %slice3A_146 = vector.extract_strided_slice %get3A_145 {offsets = [0, 0, 0], sizes = [16, 1, 64], strides = [1, 1, 1]} : vector<16x4x64xf32> to vector<16x1x64xf32>
    %squeeze3A = vector.shape_cast %slice3A_146 : vector<16x1x64xf32> to vector<16x64xf32>
    %add3A_147 = arith.addf %convert_element_type3A_67, %squeeze3A : vector<16x64xf32>
    %mul3A_148 = arith.constant 4.000000e+00 : f32
    %mul3A_149 = vector.broadcast %mul3A_148 : f32 to vector<16x64xf32>
    %mul3A_150 = arith.mulf %add3A_147, %mul3A_149 : vector<16x64xf32>
    %slice3A_151 = vector.extract_strided_slice %get3A_145 {offsets = [0, 1, 0], sizes = [16, 1, 64], strides = [1, 1, 1]} : vector<16x4x64xf32> to vector<16x1x64xf32>
    %squeeze3A_152 = vector.shape_cast %slice3A_151 : vector<16x1x64xf32> to vector<16x64xf32>
    %add3A_153 = arith.addf %convert_element_type3A_118, %squeeze3A_152 : vector<16x64xf32>
    %mul3A_154 = arith.constant 4.000000e+00 : f32
    %mul3A_155 = vector.broadcast %mul3A_154 : f32 to vector<16x64xf32>
    %mul3A_156 = arith.mulf %add3A_153, %mul3A_155 : vector<16x64xf32>
    %slice3A_157 = vector.extract_strided_slice %get3A_145 {offsets = [0, 2, 0], sizes = [16, 1, 64], strides = [1, 1, 1]} : vector<16x4x64xf32> to vector<16x1x64xf32>
    %squeeze3A_158 = vector.shape_cast %slice3A_157 : vector<16x1x64xf32> to vector<16x64xf32>
    %add3A_159 = arith.addf %convert_element_type3A_141, %squeeze3A_158 : vector<16x64xf32>
    %mul3A_160 = arith.constant 4.000000e+00 : f32
    %mul3A_161 = vector.broadcast %mul3A_160 : f32 to vector<16x64xf32>
    %mul3A_162 = arith.mulf %add3A_159, %mul3A_161 : vector<16x64xf32>
    %mul3A_163 = arith.constant 4.000000e+00 : f32
    %mul3A_164 = vector.broadcast %mul3A_163 : f32 to vector<16x64xf32>
    %mul3A_165 = arith.mulf %div3A, %mul3A_164 : vector<16x64xf32>
    %mul3A_166 = arith.constant 4.000000e+00 : f32
    %mul3A_167 = vector.broadcast %mul3A_166 : f32 to vector<16x64xf32>
    %mul3A_168 = arith.mulf %div3A_25, %mul3A_167 : vector<16x64xf32>
    %mul3A_169 = arith.constant 4.000000e+00 : f32
    %mul3A_170 = vector.broadcast %mul3A_169 : f32 to vector<16x64xf32>
    %mul3A_171 = arith.mulf %div3A_38, %mul3A_170 : vector<16x64xf32>
    %iota3A_172 = tpu.iota {dimensions = array<i32: 1>} : vector<16x64xi32>
    %get3A_173 = arith.constant 0 : index
    %get3A_174 = arith.constant 0 : index
    %get3A_175 = vector.load %arg0[%get3A_173, %get3A_174] : memref<16x64xf32, #tpu.memory_space<vmem>>, vector<16x64xf32>
    %lt3A_176 = arith.constant 60 : i32
    %lt3A_177 = vector.broadcast %lt3A_176 : i32 to vector<16x64xi32>
    %lt3A_178 = arith.cmpi slt, %iota3A_172, %lt3A_177 : vector<16x64xi32>
    %gt3A = arith.constant 1.500000e-01 : f32
    %gt3A_179 = vector.broadcast %gt3A : f32 to vector<16x64xf32>
    %gt3A_180 = arith.cmpf ogt, %get3A_175, %gt3A_179 : vector<16x64xf32>
    %and3A_181 = arith.andi %lt3A_178, %gt3A_180 : vector<16x64xi1>
    %jit3A_182 = arith.constant 0xFF800000 : f32
    %broadcast_in_dim3A_183 = vector.broadcast %jit3A_182 : f32 to vector<16x64xf32>
    %select_n3A_184 = arith.select %and3A_181, %get3A_175, %broadcast_in_dim3A_183 : vector<16x64xi1>, vector<16x64xf32>
    %mul3A_185 = arith.constant 5.000000e-01 : f32
    %mul3A_186 = vector.broadcast %mul3A_185 : f32 to vector<16x64xf32>
    %mul3A_187 = arith.mulf %mul3A_165, %mul3A_186 : vector<16x64xf32>
    %sub3A_188 = arith.subf %mul3A_150, %mul3A_187 : vector<16x64xf32>
    %mul3A_189 = arith.constant 5.000000e-01 : f32
    %mul3A_190 = vector.broadcast %mul3A_189 : f32 to vector<16x64xf32>
    %mul3A_191 = arith.mulf %mul3A_165, %mul3A_190 : vector<16x64xf32>
    %add3A_192 = arith.addf %mul3A_150, %mul3A_191 : vector<16x64xf32>
    %mul3A_193 = arith.constant 5.000000e-01 : f32
    %mul3A_194 = vector.broadcast %mul3A_193 : f32 to vector<16x64xf32>
    %mul3A_195 = arith.mulf %mul3A_168, %mul3A_194 : vector<16x64xf32>
    %sub3A_196 = arith.subf %mul3A_156, %mul3A_195 : vector<16x64xf32>
    %mul3A_197 = arith.constant 5.000000e-01 : f32
    %mul3A_198 = vector.broadcast %mul3A_197 : f32 to vector<16x64xf32>
    %mul3A_199 = arith.mulf %mul3A_168, %mul3A_198 : vector<16x64xf32>
    %add3A_200 = arith.addf %mul3A_156, %mul3A_199 : vector<16x64xf32>
    %mul3A_201 = arith.constant 5.000000e-01 : f32
    %mul3A_202 = vector.broadcast %mul3A_201 : f32 to vector<16x64xf32>
    %mul3A_203 = arith.mulf %mul3A_171, %mul3A_202 : vector<16x64xf32>
    %sub3A_204 = arith.subf %mul3A_162, %mul3A_203 : vector<16x64xf32>
    %mul3A_205 = arith.constant 5.000000e-01 : f32
    %mul3A_206 = vector.broadcast %mul3A_205 : f32 to vector<16x64xf32>
    %mul3A_207 = arith.mulf %mul3A_171, %mul3A_206 : vector<16x64xf32>
    %add3A_208 = arith.addf %mul3A_162, %mul3A_207 : vector<16x64xf32>
    %mul3A_209 = arith.mulf %mul3A_165, %mul3A_168 : vector<16x64xf32>
    %mul3A_210 = arith.mulf %mul3A_209, %mul3A_171 : vector<16x64xf32>
    %reduce_max3A_211 = arith.constant dense<0xFF800000> : vector<16xf32>
    %reduce_max3A_212 = vector.multi_reduction <maximumf>, %select_n3A_184, %reduce_max3A_211 [1] : vector<16x64xf32> to vector<16xf32>
    %broadcast_in_dim3A_213 = vector.shape_cast %reduce_max3A_212 : vector<16xf32> to vector<16x1xf32>
    %gt3A_214 = arith.constant 0xFF800000 : f32
    %gt3A_215 = vector.broadcast %gt3A_214 : f32 to vector<16x1xf32>
    %gt3A_216 = arith.cmpf ogt, %broadcast_in_dim3A_213, %gt3A_215 : vector<16x1xf32>
    %eq3A_217 = vector.broadcast %broadcast_in_dim3A_213 : vector<16x1xf32> to vector<16x64xf32>
    %eq3A_218 = arith.cmpf oeq, %select_n3A_184, %eq3A_217 : vector<16x64xf32>
    %jit3A_219 = arith.constant 64 : i32
    %broadcast_in_dim3A_220 = vector.broadcast %jit3A_219 : i32 to vector<16x64xi32>
    %select_n3A_221 = arith.select %eq3A_218, %iota3A_172, %broadcast_in_dim3A_220 : vector<16x64xi1>, vector<16x64xi32>
    %reduce_min3A = arith.constant dense<2147483647> : vector<16xi32>
    %reduce_min3A_222 = vector.multi_reduction <minsi>, %select_n3A_221, %reduce_min3A [1] : vector<16x64xi32> to vector<16xi32>
    %broadcast_in_dim3A_223 = vector.shape_cast %reduce_min3A_222 : vector<16xi32> to vector<16x1xi32>
    %eq3A_224 = vector.broadcast %broadcast_in_dim3A_223 : vector<16x1xi32> to vector<16x64xi32>
    %eq3A_225 = arith.cmpi eq, %iota3A_172, %eq3A_224 : vector<16x64xi32>
    %jit3A_226 = arith.constant 0.000000e+00 : f32
    %broadcast_in_dim3A_227 = vector.broadcast %jit3A_226 : f32 to vector<16x64xf32>
    %select_n3A_228 = arith.select %eq3A_225, %mul3A_150, %broadcast_in_dim3A_227 : vector<16x64xi1>, vector<16x64xf32>
    %reduce_sum3A_229 = arith.constant dense<0.000000e+00> : vector<16xf32>
    %reduce_sum3A_230 = vector.multi_reduction <add>, %select_n3A_228, %reduce_sum3A_229 [1] : vector<16x64xf32> to vector<16xf32>
    %broadcast_in_dim3A_231 = vector.shape_cast %reduce_sum3A_230 : vector<16xf32> to vector<16x1xf32>
    %jit3A_232 = arith.constant 0.000000e+00 : f32
    %broadcast_in_dim3A_233 = vector.broadcast %jit3A_232 : f32 to vector<16x64xf32>
    %select_n3A_234 = arith.select %eq3A_225, %mul3A_156, %broadcast_in_dim3A_233 : vector<16x64xi1>, vector<16x64xf32>
    %reduce_sum3A_235 = arith.constant dense<0.000000e+00> : vector<16xf32>
    %reduce_sum3A_236 = vector.multi_reduction <add>, %select_n3A_234, %reduce_sum3A_235 [1] : vector<16x64xf32> to vector<16xf32>
    %broadcast_in_dim3A_237 = vector.shape_cast %reduce_sum3A_236 : vector<16xf32> to vector<16x1xf32>
    %jit3A_238 = arith.constant 0.000000e+00 : f32
    %broadcast_in_dim3A_239 = vector.broadcast %jit3A_238 : f32 to vector<16x64xf32>
    %select_n3A_240 = arith.select %eq3A_225, %mul3A_162, %broadcast_in_dim3A_239 : vector<16x64xi1>, vector<16x64xf32>
    %reduce_sum3A_241 = arith.constant dense<0.000000e+00> : vector<16xf32>
    %reduce_sum3A_242 = vector.multi_reduction <add>, %select_n3A_240, %reduce_sum3A_241 [1] : vector<16x64xf32> to vector<16xf32>
    %broadcast_in_dim3A_243 = vector.shape_cast %reduce_sum3A_242 : vector<16xf32> to vector<16x1xf32>
    %jit3A_244 = arith.constant 0.000000e+00 : f32
    %broadcast_in_dim3A_245 = vector.broadcast %jit3A_244 : f32 to vector<16x64xf32>
    %select_n3A_246 = arith.select %eq3A_225, %mul3A_165, %broadcast_in_dim3A_245 : vector<16x64xi1>, vector<16x64xf32>
    %reduce_sum3A_247 = arith.constant dense<0.000000e+00> : vector<16xf32>
    %reduce_sum3A_248 = vector.multi_reduction <add>, %select_n3A_246, %reduce_sum3A_247 [1] : vector<16x64xf32> to vector<16xf32>
    %broadcast_in_dim3A_249 = vector.shape_cast %reduce_sum3A_248 : vector<16xf32> to vector<16x1xf32>
    %jit3A_250 = arith.constant 0.000000e+00 : f32
    %broadcast_in_dim3A_251 = vector.broadcast %jit3A_250 : f32 to vector<16x64xf32>
    %select_n3A_252 = arith.select %eq3A_225, %mul3A_168, %broadcast_in_dim3A_251 : vector<16x64xi1>, vector<16x64xf32>
    %reduce_sum3A_253 = arith.constant dense<0.000000e+00> : vector<16xf32>
    %reduce_sum3A_254 = vector.multi_reduction <add>, %select_n3A_252, %reduce_sum3A_253 [1] : vector<16x64xf32> to vector<16xf32>
    %broadcast_in_dim3A_255 = vector.shape_cast %reduce_sum3A_254 : vector<16xf32> to vector<16x1xf32>
    %jit3A_256 = arith.constant 0.000000e+00 : f32
    %broadcast_in_dim3A_257 = vector.broadcast %jit3A_256 : f32 to vector<16x64xf32>
    %select_n3A_258 = arith.select %eq3A_225, %mul3A_171, %broadcast_in_dim3A_257 : vector<16x64xi1>, vector<16x64xf32>
    %reduce_sum3A_259 = arith.constant dense<0.000000e+00> : vector<16xf32>
    %reduce_sum3A_260 = vector.multi_reduction <add>, %select_n3A_258, %reduce_sum3A_259 [1] : vector<16x64xf32> to vector<16xf32>
    %broadcast_in_dim3A_261 = vector.shape_cast %reduce_sum3A_260 : vector<16xf32> to vector<16x1xf32>
    %mul3A_262 = arith.constant 5.000000e-01 : f32
    %mul3A_263 = vector.broadcast %mul3A_262 : f32 to vector<16x1xf32>
    %mul3A_264 = arith.mulf %broadcast_in_dim3A_249, %mul3A_263 : vector<16x1xf32>
    %add3A_265 = arith.addf %broadcast_in_dim3A_231, %mul3A_264 : vector<16x1xf32>
    %min3A = vector.broadcast %add3A_265 : vector<16x1xf32> to vector<16x64xf32>
    %min3A_266 = arith.minimumf %add3A_192, %min3A : vector<16x64xf32>
    %mul3A_267 = arith.constant 5.000000e-01 : f32
    %mul3A_268 = vector.broadcast %mul3A_267 : f32 to vector<16x1xf32>
    %mul3A_269 = arith.mulf %broadcast_in_dim3A_249, %mul3A_268 : vector<16x1xf32>
    %sub3A_270 = arith.subf %broadcast_in_dim3A_231, %mul3A_269 : vector<16x1xf32>
    %max3A = vector.broadcast %sub3A_270 : vector<16x1xf32> to vector<16x64xf32>
    %max3A_271 = arith.maximumf %sub3A_188, %max3A : vector<16x64xf32>
    %sub3A_272 = arith.subf %min3A_266, %max3A_271 : vector<16x64xf32>
    %max3A_273 = arith.constant 0.000000e+00 : f32
    %max3A_274 = vector.broadcast %max3A_273 : f32 to vector<16x64xf32>
    %max3A_275 = arith.maximumf %sub3A_272, %max3A_274 : vector<16x64xf32>
    %mul3A_276 = arith.constant 5.000000e-01 : f32
    %mul3A_277 = vector.broadcast %mul3A_276 : f32 to vector<16x1xf32>
    %mul3A_278 = arith.mulf %broadcast_in_dim3A_255, %mul3A_277 : vector<16x1xf32>
    %add3A_279 = arith.addf %broadcast_in_dim3A_237, %mul3A_278 : vector<16x1xf32>
    %min3A_280 = vector.broadcast %add3A_279 : vector<16x1xf32> to vector<16x64xf32>
    %min3A_281 = arith.minimumf %add3A_200, %min3A_280 : vector<16x64xf32>
    %mul3A_282 = arith.constant 5.000000e-01 : f32
    %mul3A_283 = vector.broadcast %mul3A_282 : f32 to vector<16x1xf32>
    %mul3A_284 = arith.mulf %broadcast_in_dim3A_255, %mul3A_283 : vector<16x1xf32>
    %sub3A_285 = arith.subf %broadcast_in_dim3A_237, %mul3A_284 : vector<16x1xf32>
    %max3A_286 = vector.broadcast %sub3A_285 : vector<16x1xf32> to vector<16x64xf32>
    %max3A_287 = arith.maximumf %sub3A_196, %max3A_286 : vector<16x64xf32>
    %sub3A_288 = arith.subf %min3A_281, %max3A_287 : vector<16x64xf32>
    %max3A_289 = arith.constant 0.000000e+00 : f32
    %max3A_290 = vector.broadcast %max3A_289 : f32 to vector<16x64xf32>
    %max3A_291 = arith.maximumf %sub3A_288, %max3A_290 : vector<16x64xf32>
    %mul3A_292 = arith.constant 5.000000e-01 : f32
    %mul3A_293 = vector.broadcast %mul3A_292 : f32 to vector<16x1xf32>
    %mul3A_294 = arith.mulf %broadcast_in_dim3A_261, %mul3A_293 : vector<16x1xf32>
    %add3A_295 = arith.addf %broadcast_in_dim3A_243, %mul3A_294 : vector<16x1xf32>
    %min3A_296 = vector.broadcast %add3A_295 : vector<16x1xf32> to vector<16x64xf32>
    %min3A_297 = arith.minimumf %add3A_208, %min3A_296 : vector<16x64xf32>
    %mul3A_298 = arith.constant 5.000000e-01 : f32
    %mul3A_299 = vector.broadcast %mul3A_298 : f32 to vector<16x1xf32>
    %mul3A_300 = arith.mulf %broadcast_in_dim3A_261, %mul3A_299 : vector<16x1xf32>
    %sub3A_301 = arith.subf %broadcast_in_dim3A_243, %mul3A_300 : vector<16x1xf32>
    %max3A_302 = vector.broadcast %sub3A_301 : vector<16x1xf32> to vector<16x64xf32>
    %max3A_303 = arith.maximumf %sub3A_204, %max3A_302 : vector<16x64xf32>
    %sub3A_304 = arith.subf %min3A_297, %max3A_303 : vector<16x64xf32>
    %max3A_305 = arith.constant 0.000000e+00 : f32
    %max3A_306 = vector.broadcast %max3A_305 : f32 to vector<16x64xf32>
    %max3A_307 = arith.maximumf %sub3A_304, %max3A_306 : vector<16x64xf32>
    %mul3A_308 = arith.mulf %max3A_275, %max3A_291 : vector<16x64xf32>
    %mul3A_309 = arith.mulf %mul3A_308, %max3A_307 : vector<16x64xf32>
    %mul3A_310 = arith.mulf %broadcast_in_dim3A_249, %broadcast_in_dim3A_255 : vector<16x1xf32>
    %mul3A_311 = arith.mulf %mul3A_310, %broadcast_in_dim3A_261 : vector<16x1xf32>
    %add3A_312 = vector.broadcast %mul3A_311 : vector<16x1xf32> to vector<16x64xf32>
    %add3A_313 = arith.addf %add3A_312, %mul3A_210 : vector<16x64xf32>
    %sub3A_314 = arith.subf %add3A_313, %mul3A_309 : vector<16x64xf32>
    %add3A_315 = arith.constant 9.99999993E-9 : f32
    %add3A_316 = vector.broadcast %add3A_315 : f32 to vector<16x64xf32>
    %add3A_317 = arith.addf %sub3A_314, %add3A_316 : vector<16x64xf32>
    %div3A_318 = arith.divf %mul3A_309, %add3A_317 : vector<16x64xf32>
    %gt3A_319 = arith.constant 5.000000e-02 : f32
    %gt3A_320 = vector.broadcast %gt3A_319 : f32 to vector<16x64xf32>
    %gt3A_321 = arith.cmpf ogt, %div3A_318, %gt3A_320 : vector<16x64xf32>
    %or3A = arith.ori %gt3A_321, %eq3A_225 : vector<16x64xi1>
    %and3A_322 = vector.broadcast %gt3A_216 : vector<16x1xi1> to vector<16x64xi1>
    %and3A_323 = arith.andi %and3A_322, %or3A : vector<16x64xi1>
    %jit3A_324 = arith.constant 0xFF800000 : f32
    %broadcast_in_dim3A_325 = vector.broadcast %jit3A_324 : f32 to vector<16x64xf32>
    %select_n3A_326 = arith.select %and3A_323, %broadcast_in_dim3A_325, %select_n3A_184 : vector<16x64xi1>, vector<16x64xf32>
    %broadcast_in_dim3A_327 = arith.constant -1.000000e+00 : f32
    %broadcast_in_dim3A_328 = vector.broadcast %broadcast_in_dim3A_327 : f32 to vector<16x1xf32>
    %jit3A_329 = arith.constant 1.000000e+00 : f32
    %broadcast_in_dim3A_330 = vector.broadcast %jit3A_329 : f32 to vector<16x1xf32>
    %select_n3A_331 = arith.select %gt3A_216, %broadcast_in_dim3A_330, %broadcast_in_dim3A_328 : vector<16x1xi1>, vector<16x1xf32>
    %select_n3A_332 = arith.select %gt3A_216, %broadcast_in_dim3A_213, %broadcast_in_dim3A_328 : vector<16x1xi1>, vector<16x1xf32>
    %select_n3A_333 = arith.select %gt3A_216, %broadcast_in_dim3A_231, %broadcast_in_dim3A_328 : vector<16x1xi1>, vector<16x1xf32>
    %select_n3A_334 = arith.select %gt3A_216, %broadcast_in_dim3A_237, %broadcast_in_dim3A_328 : vector<16x1xi1>, vector<16x1xf32>
    %select_n3A_335 = arith.select %gt3A_216, %broadcast_in_dim3A_243, %broadcast_in_dim3A_328 : vector<16x1xi1>, vector<16x1xf32>
    %select_n3A_336 = arith.select %gt3A_216, %broadcast_in_dim3A_249, %broadcast_in_dim3A_328 : vector<16x1xi1>, vector<16x1xf32>
    %select_n3A_337 = arith.select %gt3A_216, %broadcast_in_dim3A_255, %broadcast_in_dim3A_328 : vector<16x1xi1>, vector<16x1xf32>
    %select_n3A_338 = arith.select %gt3A_216, %broadcast_in_dim3A_261, %broadcast_in_dim3A_328 : vector<16x1xi1>, vector<16x1xf32>
    %concatenate3A = tpu.concatenate %select_n3A_331, %select_n3A_332, %select_n3A_333, %select_n3A_334, %select_n3A_335, %select_n3A_336, %select_n3A_337, %select_n3A_338 in 1 : vector<16x1xf32>, vector<16x1xf32>, vector<16x1xf32>, vector<16x1xf32>, vector<16x1xf32>, vector<16x1xf32>, vector<16x1xf32>, vector<16x1xf32> -> vector<16x8xf32>
    %swap3A_339 = arith.constant 0 : index
    %swap3A_340 = arith.constant 0 : index
    %swap3A_341 = arith.constant 0 : index
    %swap3A_342 = vector.load %arg4[%swap3A_339, %swap3A_340, %swap3A_341] : memref<16x60x8xf32, #tpu.memory_space<vmem>>, vector<16x1x8xf32>
    %swap3A_343 = vector.shape_cast %swap3A_342 : vector<16x1x8xf32> to vector<16x8xf32>
    %swap3A_344 = vector.shape_cast %concatenate3A : vector<16x8xf32> to vector<16x1x8xf32>
    tpu.vector_store %arg4[%swap3A_339, %swap3A_340, %swap3A_341], %swap3A_344 {strides = array<i32>} : memref<16x60x8xf32, #tpu.memory_space<vmem>>, vector<16x1x8xf32>,
    %reduce_max3A_345 = arith.constant dense<0xFF800000> : vector<16xf32>
    %reduce_max3A_346 = vector.multi_reduction <maximumf>, %select_n3A_326, %reduce_max3A_345 [1] : vector<16x64xf32> to vector<16xf32>
    %broadcast_in_dim3A_347 = vector.shape_cast %reduce_max3A_346 : vector<16xf32> to vector<16x1xf32>
    %gt3A_348 = arith.constant 0xFF800000 : f32
    %gt3A_349 = vector.broadcast %gt3A_348 : f32 to vector<16x1xf32>
    %gt3A_350 = arith.cmpf ogt, %broadcast_in_dim3A_347, %gt3A_349 : vector<16x1xf32>
    %eq3A_351 = vector.broadcast %broadcast_in_dim3A_347 : vector<16x1xf32> to vector<16x64xf32>
    %eq3A_352 = arith.cmpf oeq, %select_n3A_326, %eq3A_351 : vector<16x64xf32>
    %jit3A_353 = arith.constant 64 : i32
    %broadcast_in_dim3A_354 = vector.broadcast %jit3A_353 : i32 to vector<16x64xi32>
    %select_n3A_355 = arith.select %eq3A_352, %iota3A_172, %broadcast_in_dim3A_354 : vector<16x64xi1>, vector<16x64xi32>
    %reduce_min3A_356 = arith.constant dense<2147483647> : vector<16xi32>
    %reduce_min3A_357 = vector.multi_reduction <minsi>, %select_n3A_355, %reduce_min3A_356 [1] : vector<16x64xi32> to vector<16xi32>
    %broadcast_in_dim3A_358 = vector.shape_cast %reduce_min3A_357 : vector<16xi32> to vector<16x1xi32>
    %eq3A_359 = vector.broadcast %broadcast_in_dim3A_358 : vector<16x1xi32> to vector<16x64xi32>
    %eq3A_360 = arith.cmpi eq, %iota3A_172, %eq3A_359 : vector<16x64xi32>
    %jit3A_361 = arith.constant 0.000000e+00 : f32
    %broadcast_in_dim3A_362 = vector.broadcast %jit3A_361 : f32 to vector<16x64xf32>
    %select_n3A_363 = arith.select %eq3A_360, %mul3A_150, %broadcast_in_dim3A_362 : vector<16x64xi1>, vector<16x64xf32>
    %reduce_sum3A_364 = arith.constant dense<0.000000e+00> : vector<16xf32>
    %reduce_sum3A_365 = vector.multi_reduction <add>, %select_n3A_363, %reduce_sum3A_364 [1] : vector<16x64xf32> to vector<16xf32>
    %broadcast_in_dim3A_366 = vector.shape_cast %reduce_sum3A_365 : vector<16xf32> to vector<16x1xf32>
    %jit3A_367 = arith.constant 0.000000e+00 : f32
    %broadcast_in_dim3A_368 = vector.broadcast %jit3A_367 : f32 to vector<16x64xf32>
    %select_n3A_369 = arith.select %eq3A_360, %mul3A_156, %broadcast_in_dim3A_368 : vector<16x64xi1>, vector<16x64xf32>
    %reduce_sum3A_370 = arith.constant dense<0.000000e+00> : vector<16xf32>
    %reduce_sum3A_371 = vector.multi_reduction <add>, %select_n3A_369, %reduce_sum3A_370 [1] : vector<16x64xf32> to vector<16xf32>
    %broadcast_in_dim3A_372 = vector.shape_cast %reduce_sum3A_371 : vector<16xf32> to vector<16x1xf32>
    %jit3A_373 = arith.constant 0.000000e+00 : f32
    %broadcast_in_dim3A_374 = vector.broadcast %jit3A_373 : f32 to vector<16x64xf32>
    %select_n3A_375 = arith.select %eq3A_360, %mul3A_162, %broadcast_in_dim3A_374 : vector<16x64xi1>, vector<16x64xf32>
    %reduce_sum3A_376 = arith.constant dense<0.000000e+00> : vector<16xf32>
    %reduce_sum3A_377 = vector.multi_reduction <add>, %select_n3A_375, %reduce_sum3A_376 [1] : vector<16x64xf32> to vector<16xf32>
    %broadcast_in_dim3A_378 = vector.shape_cast %reduce_sum3A_377 : vector<16xf32> to vector<16x1xf32>
    %jit3A_379 = arith.constant 0.000000e+00 : f32
    %broadcast_in_dim3A_380 = vector.broadcast %jit3A_379 : f32 to vector<16x64xf32>
    %select_n3A_381 = arith.select %eq3A_360, %mul3A_165, %broadcast_in_dim3A_380 : vector<16x64xi1>, vector<16x64xf32>
    %reduce_sum3A_382 = arith.constant dense<0.000000e+00> : vector<16xf32>
    %reduce_sum3A_383 = vector.multi_reduction <add>, %select_n3A_381, %reduce_sum3A_382 [1] : vector<16x64xf32> to vector<16xf32>
    %broadcast_in_dim3A_384 = vector.shape_cast %reduce_sum3A_383 : vector<16xf32> to vector<16x1xf32>
    %jit3A_385 = arith.constant 0.000000e+00 : f32
    %broadcast_in_dim3A_386 = vector.broadcast %jit3A_385 : f32 to vector<16x64xf32>
    %select_n3A_387 = arith.select %eq3A_360, %mul3A_168, %broadcast_in_dim3A_386 : vector<16x64xi1>, vector<16x64xf32>
    %reduce_sum3A_388 = arith.constant dense<0.000000e+00> : vector<16xf32>
    %reduce_sum3A_389 = vector.multi_reduction <add>, %select_n3A_387, %reduce_sum3A_388 [1] : vector<16x64xf32> to vector<16xf32>
    %broadcast_in_dim3A_390 = vector.shape_cast %reduce_sum3A_389 : vector<16xf32> to vector<16x1xf32>
    %jit3A_391 = arith.constant 0.000000e+00 : f32
    %broadcast_in_dim3A_392 = vector.broadcast %jit3A_391 : f32 to vector<16x64xf32>
    %select_n3A_393 = arith.select %eq3A_360, %mul3A_171, %broadcast_in_dim3A_392 : vector<16x64xi1>, vector<16x64xf32>
    %reduce_sum3A_394 = arith.constant dense<0.000000e+00> : vector<16xf32>
    %reduce_sum3A_395 = vector.multi_reduction <add>, %select_n3A_393, %reduce_sum3A_394 [1] : vector<16x64xf32> to vector<16xf32>
    %broadcast_in_dim3A_396 = vector.shape_cast %reduce_sum3A_395 : vector<16xf32> to vector<16x1xf32>
    %mul3A_397 = arith.constant 5.000000e-01 : f32
    %mul3A_398 = vector.broadcast %mul3A_397 : f32 to vector<16x1xf32>
    %mul3A_399 = arith.mulf %broadcast_in_dim3A_384, %mul3A_398 : vector<16x1xf32>
    %add3A_400 = arith.addf %broadcast_in_dim3A_366, %mul3A_399 : vector<16x1xf32>
    %min3A_401 = vector.broadcast %add3A_400 : vector<16x1xf32> to vector<16x64xf32>
    %min3A_402 = arith.minimumf %add3A_192, %min3A_401 : vector<16x64xf32>
    %mul3A_403 = arith.constant 5.000000e-01 : f32
    %mul3A_404 = vector.broadcast %mul3A_403 : f32 to vector<16x1xf32>
    %mul3A_405 = arith.mulf %broadcast_in_dim3A_384, %mul3A_404 : vector<16x1xf32>
    %sub3A_406 = arith.subf %broadcast_in_dim3A_366, %mul3A_405 : vector<16x1xf32>
    %max3A_407 = vector.broadcast %sub3A_406 : vector<16x1xf32> to vector<16x64xf32>
    %max3A_408 = arith.maximumf %sub3A_188, %max3A_407 : vector<16x64xf32>
    %sub3A_409 = arith.subf %min3A_402, %max3A_408 : vector<16x64xf32>
    %max3A_410 = arith.constant 0.000000e+00 : f32
    %max3A_411 = vector.broadcast %max3A_410 : f32 to vector<16x64xf32>
    %max3A_412 = arith.maximumf %sub3A_409, %max3A_411 : vector<16x64xf32>
    %mul3A_413 = arith.constant 5.000000e-01 : f32
    %mul3A_414 = vector.broadcast %mul3A_413 : f32 to vector<16x1xf32>
    %mul3A_415 = arith.mulf %broadcast_in_dim3A_390, %mul3A_414 : vector<16x1xf32>
    %add3A_416 = arith.addf %broadcast_in_dim3A_372, %mul3A_415 : vector<16x1xf32>
    %min3A_417 = vector.broadcast %add3A_416 : vector<16x1xf32> to vector<16x64xf32>
    %min3A_418 = arith.minimumf %add3A_200, %min3A_417 : vector<16x64xf32>
    %mul3A_419 = arith.constant 5.000000e-01 : f32
    %mul3A_420 = vector.broadcast %mul3A_419 : f32 to vector<16x1xf32>
    %mul3A_421 = arith.mulf %broadcast_in_dim3A_390, %mul3A_420 : vector<16x1xf32>
    %sub3A_422 = arith.subf %broadcast_in_dim3A_372, %mul3A_421 : vector<16x1xf32>
    %max3A_423 = vector.broadcast %sub3A_422 : vector<16x1xf32> to vector<16x64xf32>
    %max3A_424 = arith.maximumf %sub3A_196, %max3A_423 : vector<16x64xf32>
    %sub3A_425 = arith.subf %min3A_418, %max3A_424 : vector<16x64xf32>
    %max3A_426 = arith.constant 0.000000e+00 : f32
    %max3A_427 = vector.broadcast %max3A_426 : f32 to vector<16x64xf32>
    %max3A_428 = arith.maximumf %sub3A_425, %max3A_427 : vector<16x64xf32>
    %mul3A_429 = arith.constant 5.000000e-01 : f32
    %mul3A_430 = vector.broadcast %mul3A_429 : f32 to vector<16x1xf32>
    %mul3A_431 = arith.mulf %broadcast_in_dim3A_396, %mul3A_430 : vector<16x1xf32>
    %add3A_432 = arith.addf %broadcast_in_dim3A_378, %mul3A_431 : vector<16x1xf32>
    %min3A_433 = vector.broadcast %add3A_432 : vector<16x1xf32> to vector<16x64xf32>
    %min3A_434 = arith.minimumf %add3A_208, %min3A_433 : vector<16x64xf32>
    %mul3A_435 = arith.constant 5.000000e-01 : f32
    %mul3A_436 = vector.broadcast %mul3A_435 : f32 to vector<16x1xf32>
    %mul3A_437 = arith.mulf %broadcast_in_dim3A_396, %mul3A_436 : vector<16x1xf32>
    %sub3A_438 = arith.subf %broadcast_in_dim3A_378, %mul3A_437 : vector<16x1xf32>
    %max3A_439 = vector.broadcast %sub3A_438 : vector<16x1xf32> to vector<16x64xf32>
    %max3A_440 = arith.maximumf %sub3A_204, %max3A_439 : vector<16x64xf32>
    %sub3A_441 = arith.subf %min3A_434, %max3A_440 : vector<16x64xf32>
    %max3A_442 = arith.constant 0.000000e+00 : f32
    %max3A_443 = vector.broadcast %max3A_442 : f32 to vector<16x64xf32>
    %max3A_444 = arith.maximumf %sub3A_441, %max3A_443 : vector<16x64xf32>
    %mul3A_445 = arith.mulf %max3A_412, %max3A_428 : vector<16x64xf32>
    %mul3A_446 = arith.mulf %mul3A_445, %max3A_444 : vector<16x64xf32>
    %mul3A_447 = arith.mulf %broadcast_in_dim3A_384, %broadcast_in_dim3A_390 : vector<16x1xf32>
    %mul3A_448 = arith.mulf %mul3A_447, %broadcast_in_dim3A_396 : vector<16x1xf32>
    %add3A_449 = vector.broadcast %mul3A_448 : vector<16x1xf32> to vector<16x64xf32>
    %add3A_450 = arith.addf %add3A_449, %mul3A_210 : vector<16x64xf32>
    %sub3A_451 = arith.subf %add3A_450, %mul3A_446 : vector<16x64xf32>
    %add3A_452 = arith.constant 9.99999993E-9 : f32
    %add3A_453 = vector.broadcast %add3A_452 : f32 to vector<16x64xf32>
    %add3A_454 = arith.addf %sub3A_451, %add3A_453 : vector<16x64xf32>
    %div3A_455 = arith.divf %mul3A_446, %add3A_454 : vector<16x64xf32>
    %gt3A_456 = arith.constant 5.000000e-02 : f32
    %gt3A_457 = vector.broadcast %gt3A_456 : f32 to vector<16x64xf32>
    %gt3A_458 = arith.cmpf ogt, %div3A_455, %gt3A_457 : vector<16x64xf32>
    %or3A_459 = arith.ori %gt3A_458, %eq3A_360 : vector<16x64xi1>
    %and3A_460 = vector.broadcast %gt3A_350 : vector<16x1xi1> to vector<16x64xi1>
    %and3A_461 = arith.andi %and3A_460, %or3A_459 : vector<16x64xi1>
    %jit3A_462 = arith.constant 0xFF800000 : f32
    %broadcast_in_dim3A_463 = vector.broadcast %jit3A_462 : f32 to vector<16x64xf32>
    %select_n3A_464 = arith.select %and3A_461, %broadcast_in_dim3A_463, %select_n3A_326 : vector<16x64xi1>, vector<16x64xf32>
    %broadcast_in_dim3A_465 = arith.constant -1.000000e+00 : f32
    %broadcast_in_dim3A_466 = vector.broadcast %broadcast_in_dim3A_465 : f32 to vector<16x1xf32>
    %jit3A_467 = arith.constant 1.000000e+00 : f32
    %broadcast_in_dim3A_468 = vector.broadcast %jit3A_467 : f32 to vector<16x1xf32>
    %select_n3A_469 = arith.select %gt3A_350, %broadcast_in_dim3A_468, %broadcast_in_dim3A_466 : vector<16x1xi1>, vector<16x1xf32>
    %select_n3A_470 = arith.select %gt3A_350, %broadcast_in_dim3A_347, %broadcast_in_dim3A_466 : vector<16x1xi1>, vector<16x1xf32>
    %select_n3A_471 = arith.select %gt3A_350, %broadcast_in_dim3A_366, %broadcast_in_dim3A_466 : vector<16x1xi1>, vector<16x1xf32>
    %select_n3A_472 = arith.select %gt3A_350, %broadcast_in_dim3A_372, %broadcast_in_dim3A_466 : vector<16x1xi1>, vector<16x1xf32>
    %select_n3A_473 = arith.select %gt3A_350, %broadcast_in_dim3A_378, %broadcast_in_dim3A_466 : vector<16x1xi1>, vector<16x1xf32>
    %select_n3A_474 = arith.select %gt3A_350, %broadcast_in_dim3A_384, %broadcast_in_dim3A_466 : vector<16x1xi1>, vector<16x1xf32>
    %select_n3A_475 = arith.select %gt3A_350, %broadcast_in_dim3A_390, %broadcast_in_dim3A_466 : vector<16x1xi1>, vector<16x1xf32>
    %select_n3A_476 = arith.select %gt3A_350, %broadcast_in_dim3A_396, %broadcast_in_dim3A_466 : vector<16x1xi1>, vector<16x1xf32>
    %concatenate3A_477 = tpu.concatenate %select_n3A_469, %select_n3A_470, %select_n3A_471, %select_n3A_472, %select_n3A_473, %select_n3A_474, %select_n3A_475, %select_n3A_476 in 1 : vector<16x1xf32>, vector<16x1xf32>, vector<16x1xf32>, vector<16x1xf32>, vector<16x1xf32>, vector<16x1xf32>, vector<16x1xf32>, vector<16x1xf32> -> vector<16x8xf32>
    %swap3A_478 = arith.constant 0 : index
    %swap3A_479 = arith.constant 1 : index
    %swap3A_480 = arith.constant 0 : index
    %swap3A_481 = vector.load %arg4[%swap3A_478, %swap3A_479, %swap3A_480] : memref<16x60x8xf32, #tpu.memory_space<vmem>>, vector<16x1x8xf32>
    %swap3A_482 = vector.shape_cast %swap3A_481 : vector<16x1x8xf32> to vector<16x8xf32>
    %swap3A_483 = vector.shape_cast %concatenate3A_477 : vector<16x8xf32> to vector<16x1x8xf32>
    tpu.vector_store %arg4[%swap3A_478, %swap3A_479, %swap3A_480], %swap3A_483 {strides = array<i32>} : memref<16x60x8xf32, #tpu.memory_space<vmem>>, vector<16x1x8xf32>,
    %reduce_max3A_484 = arith.constant dense<0xFF800000> : vector<16xf32>
    %reduce_max3A_485 = vector.multi_reduction <maximumf>, %select_n3A_464, %reduce_max3A_484 [1] : vector<16x64xf32> to vector<16xf32>
    %broadcast_in_dim3A_486 = vector.shape_cast %reduce_max3A_485 : vector<16xf32> to vector<16x1xf32>
    %gt3A_487 = arith.constant 0xFF800000 : f32
    %gt3A_488 = vector.broadcast %gt3A_487 : f32 to vector<16x1xf32>
    %gt3A_489 = arith.cmpf ogt, %broadcast_in_dim3A_486, %gt3A_488 : vector<16x1xf32>
    %eq3A_490 = vector.broadcast %broadcast_in_dim3A_486 : vector<16x1xf32> to vector<16x64xf32>
    %eq3A_491 = arith.cmpf oeq, %select_n3A_464, %eq3A_490 : vector<16x64xf32>
    %jit3A_492 = arith.constant 64 : i32
    %broadcast_in_dim3A_493 = vector.broadcast %jit3A_492 : i32 to vector<16x64xi32>
    %select_n3A_494 = arith.select %eq3A_491, %iota3A_172, %broadcast_in_dim3A_493 : vector<16x64xi1>, vector<16x64xi32>
    %reduce_min3A_495 = arith.constant dense<2147483647> : vector<16xi32>
    %reduce_min3A_496 = vector.multi_reduction <minsi>, %select_n3A_494, %reduce_min3A_495 [1] : vector<16x64xi32> to vector<16xi32>
    %broadcast_in_dim3A_497 = vector.shape_cast %reduce_min3A_496 : vector<16xi32> to vector<16x1xi32>
    %eq3A_498 = vector.broadcast %broadcast_in_dim3A_497 : vector<16x1xi32> to vector<16x64xi32>
    %eq3A_499 = arith.cmpi eq, %iota3A_172, %eq3A_498 : vector<16x64xi32>
    %jit3A_500 = arith.constant 0.000000e+00 : f32
    %broadcast_in_dim3A_501 = vector.broadcast %jit3A_500 : f32 to vector<16x64xf32>
    %select_n3A_502 = arith.select %eq3A_499, %mul3A_150, %broadcast_in_dim3A_501 : vector<16x64xi1>, vector<16x64xf32>
    %reduce_sum3A_503 = arith.constant dense<0.000000e+00> : vector<16xf32>
    %reduce_sum3A_504 = vector.multi_reduction <add>, %select_n3A_502, %reduce_sum3A_503 [1] : vector<16x64xf32> to vector<16xf32>
    %broadcast_in_dim3A_505 = vector.shape_cast %reduce_sum3A_504 : vector<16xf32> to vector<16x1xf32>
    %jit3A_506 = arith.constant 0.000000e+00 : f32
    %broadcast_in_dim3A_507 = vector.broadcast %jit3A_506 : f32 to vector<16x64xf32>
    %select_n3A_508 = arith.select %eq3A_499, %mul3A_156, %broadcast_in_dim3A_507 : vector<16x64xi1>, vector<16x64xf32>
    %reduce_sum3A_509 = arith.constant dense<0.000000e+00> : vector<16xf32>
    %reduce_sum3A_510 = vector.multi_reduction <add>, %select_n3A_508, %reduce_sum3A_509 [1] : vector<16x64xf32> to vector<16xf32>
    %broadcast_in_dim3A_511 = vector.shape_cast %reduce_sum3A_510 : vector<16xf32> to vector<16x1xf32>
    %jit3A_512 = arith.constant 0.000000e+00 : f32
    %broadcast_in_dim3A_513 = vector.broadcast %jit3A_512 : f32 to vector<16x64xf32>
    %select_n3A_514 = arith.select %eq3A_499, %mul3A_162, %broadcast_in_dim3A_513 : vector<16x64xi1>, vector<16x64xf32>
    %reduce_sum3A_515 = arith.constant dense<0.000000e+00> : vector<16xf32>
    %reduce_sum3A_516 = vector.multi_reduction <add>, %select_n3A_514, %reduce_sum3A_515 [1] : vector<16x64xf32> to vector<16xf32>
    %broadcast_in_dim3A_517 = vector.shape_cast %reduce_sum3A_516 : vector<16xf32> to vector<16x1xf32>
    %jit3A_518 = arith.constant 0.000000e+00 : f32
    %broadcast_in_dim3A_519 = vector.broadcast %jit3A_518 : f32 to vector<16x64xf32>
    %select_n3A_520 = arith.select %eq3A_499, %mul3A_165, %broadcast_in_dim3A_519 : vector<16x64xi1>, vector<16x64xf32>
    %reduce_sum3A_521 = arith.constant dense<0.000000e+00> : vector<16xf32>
    %reduce_sum3A_522 = vector.multi_reduction <add>, %select_n3A_520, %reduce_sum3A_521 [1] : vector<16x64xf32> to vector<16xf32>
    %broadcast_in_dim3A_523 = vector.shape_cast %reduce_sum3A_522 : vector<16xf32> to vector<16x1xf32>
    %jit3A_524 = arith.constant 0.000000e+00 : f32
    %broadcast_in_dim3A_525 = vector.broadcast %jit3A_524 : f32 to vector<16x64xf32>
    %select_n3A_526 = arith.select %eq3A_499, %mul3A_168, %broadcast_in_dim3A_525 : vector<16x64xi1>, vector<16x64xf32>
    %reduce_sum3A_527 = arith.constant dense<0.000000e+00> : vector<16xf32>
    %reduce_sum3A_528 = vector.multi_reduction <add>, %select_n3A_526, %reduce_sum3A_527 [1] : vector<16x64xf32> to vector<16xf32>
    %broadcast_in_dim3A_529 = vector.shape_cast %reduce_sum3A_528 : vector<16xf32> to vector<16x1xf32>
    %jit3A_530 = arith.constant 0.000000e+00 : f32
    %broadcast_in_dim3A_531 = vector.broadcast %jit3A_530 : f32 to vector<16x64xf32>
    %select_n3A_532 = arith.select %eq3A_499, %mul3A_171, %broadcast_in_dim3A_531 : vector<16x64xi1>, vector<16x64xf32>
    %reduce_sum3A_533 = arith.constant dense<0.000000e+00> : vector<16xf32>
    %reduce_sum3A_534 = vector.multi_reduction <add>, %select_n3A_532, %reduce_sum3A_533 [1] : vector<16x64xf32> to vector<16xf32>
    %broadcast_in_dim3A_535 = vector.shape_cast %reduce_sum3A_534 : vector<16xf32> to vector<16x1xf32>
    %mul3A_536 = arith.constant 5.000000e-01 : f32
    %mul3A_537 = vector.broadcast %mul3A_536 : f32 to vector<16x1xf32>
    %mul3A_538 = arith.mulf %broadcast_in_dim3A_523, %mul3A_537 : vector<16x1xf32>
    %add3A_539 = arith.addf %broadcast_in_dim3A_505, %mul3A_538 : vector<16x1xf32>
    %min3A_540 = vector.broadcast %add3A_539 : vector<16x1xf32> to vector<16x64xf32>
    %min3A_541 = arith.minimumf %add3A_192, %min3A_540 : vector<16x64xf32>
    %mul3A_542 = arith.constant 5.000000e-01 : f32
    %mul3A_543 = vector.broadcast %mul3A_542 : f32 to vector<16x1xf32>
    %mul3A_544 = arith.mulf %broadcast_in_dim3A_523, %mul3A_543 : vector<16x1xf32>
    %sub3A_545 = arith.subf %broadcast_in_dim3A_505, %mul3A_544 : vector<16x1xf32>
    %max3A_546 = vector.broadcast %sub3A_545 : vector<16x1xf32> to vector<16x64xf32>
    %max3A_547 = arith.maximumf %sub3A_188, %max3A_546 : vector<16x64xf32>
    %sub3A_548 = arith.subf %min3A_541, %max3A_547 : vector<16x64xf32>
    %max3A_549 = arith.constant 0.000000e+00 : f32
    %max3A_550 = vector.broadcast %max3A_549 : f32 to vector<16x64xf32>
    %max3A_551 = arith.maximumf %sub3A_548, %max3A_550 : vector<16x64xf32>
    %mul3A_552 = arith.constant 5.000000e-01 : f32
    %mul3A_553 = vector.broadcast %mul3A_552 : f32 to vector<16x1xf32>
    %mul3A_554 = arith.mulf %broadcast_in_dim3A_529, %mul3A_553 : vector<16x1xf32>
    %add3A_555 = arith.addf %broadcast_in_dim3A_511, %mul3A_554 : vector<16x1xf32>
    %min3A_556 = vector.broadcast %add3A_555 : vector<16x1xf32> to vector<16x64xf32>
    %min3A_557 = arith.minimumf %add3A_200, %min3A_556 : vector<16x64xf32>
    %mul3A_558 = arith.constant 5.000000e-01 : f32
    %mul3A_559 = vector.broadcast %mul3A_558 : f32 to vector<16x1xf32>
    %mul3A_560 = arith.mulf %broadcast_in_dim3A_529, %mul3A_559 : vector<16x1xf32>
    %sub3A_561 = arith.subf %broadcast_in_dim3A_511, %mul3A_560 : vector<16x1xf32>
    %max3A_562 = vector.broadcast %sub3A_561 : vector<16x1xf32> to vector<16x64xf32>
    %max3A_563 = arith.maximumf %sub3A_196, %max3A_562 : vector<16x64xf32>
    %sub3A_564 = arith.subf %min3A_557, %max3A_563 : vector<16x64xf32>
    %max3A_565 = arith.constant 0.000000e+00 : f32
    %max3A_566 = vector.broadcast %max3A_565 : f32 to vector<16x64xf32>
    %max3A_567 = arith.maximumf %sub3A_564, %max3A_566 : vector<16x64xf32>
    %mul3A_568 = arith.constant 5.000000e-01 : f32
    %mul3A_569 = vector.broadcast %mul3A_568 : f32 to vector<16x1xf32>
    %mul3A_570 = arith.mulf %broadcast_in_dim3A_535, %mul3A_569 : vector<16x1xf32>
    %add3A_571 = arith.addf %broadcast_in_dim3A_517, %mul3A_570 : vector<16x1xf32>
    %min3A_572 = vector.broadcast %add3A_571 : vector<16x1xf32> to vector<16x64xf32>
    %min3A_573 = arith.minimumf %add3A_208, %min3A_572 : vector<16x64xf32>
    %mul3A_574 = arith.constant 5.000000e-01 : f32
    %mul3A_575 = vector.broadcast %mul3A_574 : f32 to vector<16x1xf32>
    %mul3A_576 = arith.mulf %broadcast_in_dim3A_535, %mul3A_575 : vector<16x1xf32>
    %sub3A_577 = arith.subf %broadcast_in_dim3A_517, %mul3A_576 : vector<16x1xf32>
    %max3A_578 = vector.broadcast %sub3A_577 : vector<16x1xf32> to vector<16x64xf32>
    %max3A_579 = arith.maximumf %sub3A_204, %max3A_578 : vector<16x64xf32>
    %sub3A_580 = arith.subf %min3A_573, %max3A_579 : vector<16x64xf32>
    %max3A_581 = arith.constant 0.000000e+00 : f32
    %max3A_582 = vector.broadcast %max3A_581 : f32 to vector<16x64xf32>
    %max3A_583 = arith.maximumf %sub3A_580, %max3A_582 : vector<16x64xf32>
    %mul3A_584 = arith.mulf %max3A_551, %max3A_567 : vector<16x64xf32>
    %mul3A_585 = arith.mulf %mul3A_584, %max3A_583 : vector<16x64xf32>
    %mul3A_586 = arith.mulf %broadcast_in_dim3A_523, %broadcast_in_dim3A_529 : vector<16x1xf32>
    %mul3A_587 = arith.mulf %mul3A_586, %broadcast_in_dim3A_535 : vector<16x1xf32>
    %add3A_588 = vector.broadcast %mul3A_587 : vector<16x1xf32> to vector<16x64xf32>
    %add3A_589 = arith.addf %add3A_588, %mul3A_210 : vector<16x64xf32>
    %sub3A_590 = arith.subf %add3A_589, %mul3A_585 : vector<16x64xf32>
    %add3A_591 = arith.constant 9.99999993E-9 : f32
    %add3A_592 = vector.broadcast %add3A_591 : f32 to vector<16x64xf32>
    %add3A_593 = arith.addf %sub3A_590, %add3A_592 : vector<16x64xf32>
    %div3A_594 = arith.divf %mul3A_585, %add3A_593 : vector<16x64xf32>
    %gt3A_595 = arith.constant 5.000000e-02 : f32
    %gt3A_596 = vector.broadcast %gt3A_595 : f32 to vector<16x64xf32>
    %gt3A_597 = arith.cmpf ogt, %div3A_594, %gt3A_596 : vector<16x64xf32>
    %or3A_598 = arith.ori %gt3A_597, %eq3A_499 : vector<16x64xi1>
    %and3A_599 = vector.broadcast %gt3A_489 : vector<16x1xi1> to vector<16x64xi1>
    %and3A_600 = arith.andi %and3A_599, %or3A_598 : vector<16x64xi1>
    %jit3A_601 = arith.constant 0xFF800000 : f32
    %broadcast_in_dim3A_602 = vector.broadcast %jit3A_601 : f32 to vector<16x64xf32>
    %select_n3A_603 = arith.select %and3A_600, %broadcast_in_dim3A_602, %select_n3A_464 : vector<16x64xi1>, vector<16x64xf32>
    %broadcast_in_dim3A_604 = arith.constant -1.000000e+00 : f32
    %broadcast_in_dim3A_605 = vector.broadcast %broadcast_in_dim3A_604 : f32 to vector<16x1xf32>
    %jit3A_606 = arith.constant 1.000000e+00 : f32
    %broadcast_in_dim3A_607 = vector.broadcast %jit3A_606 : f32 to vector<16x1xf32>
    %select_n3A_608 = arith.select %gt3A_489, %broadcast_in_dim3A_607, %broadcast_in_dim3A_605 : vector<16x1xi1>, vector<16x1xf32>
    %select_n3A_609 = arith.select %gt3A_489, %broadcast_in_dim3A_486, %broadcast_in_dim3A_605 : vector<16x1xi1>, vector<16x1xf32>
    %select_n3A_610 = arith.select %gt3A_489, %broadcast_in_dim3A_505, %broadcast_in_dim3A_605 : vector<16x1xi1>, vector<16x1xf32>
    %select_n3A_611 = arith.select %gt3A_489, %broadcast_in_dim3A_511, %broadcast_in_dim3A_605 : vector<16x1xi1>, vector<16x1xf32>
    %select_n3A_612 = arith.select %gt3A_489, %broadcast_in_dim3A_517, %broadcast_in_dim3A_605 : vector<16x1xi1>, vector<16x1xf32>
    %select_n3A_613 = arith.select %gt3A_489, %broadcast_in_dim3A_523, %broadcast_in_dim3A_605 : vector<16x1xi1>, vector<16x1xf32>
    %select_n3A_614 = arith.select %gt3A_489, %broadcast_in_dim3A_529, %broadcast_in_dim3A_605 : vector<16x1xi1>, vector<16x1xf32>
    %select_n3A_615 = arith.select %gt3A_489, %broadcast_in_dim3A_535, %broadcast_in_dim3A_605 : vector<16x1xi1>, vector<16x1xf32>
    %concatenate3A_616 = tpu.concatenate %select_n3A_608, %select_n3A_609, %select_n3A_610, %select_n3A_611, %select_n3A_612, %select_n3A_613, %select_n3A_614, %select_n3A_615 in 1 : vector<16x1xf32>, vector<16x1xf32>, vector<16x1xf32>, vector<16x1xf32>, vector<16x1xf32>, vector<16x1xf32>, vector<16x1xf32>, vector<16x1xf32> -> vector<16x8xf32>
    %swap3A_617 = arith.constant 0 : index
    %swap3A_618 = arith.constant 2 : index
    %swap3A_619 = arith.constant 0 : index
    %swap3A_620 = vector.load %arg4[%swap3A_617, %swap3A_618, %swap3A_619] : memref<16x60x8xf32, #tpu.memory_space<vmem>>, vector<16x1x8xf32>
    %swap3A_621 = vector.shape_cast %swap3A_620 : vector<16x1x8xf32> to vector<16x8xf32>
    %swap3A_622 = vector.shape_cast %concatenate3A_616 : vector<16x8xf32> to vector<16x1x8xf32>
    tpu.vector_store %arg4[%swap3A_617, %swap3A_618, %swap3A_619], %swap3A_622 {strides = array<i32>} : memref<16x60x8xf32, #tpu.memory_space<vmem>>, vector<16x1x8xf32>,
    %reduce_max3A_623 = arith.constant dense<0xFF800000> : vector<16xf32>
    %reduce_max3A_624 = vector.multi_reduction <maximumf>, %select_n3A_603, %reduce_max3A_623 [1] : vector<16x64xf32> to vector<16xf32>
    %broadcast_in_dim3A_625 = vector.shape_cast %reduce_max3A_624 : vector<16xf32> to vector<16x1xf32>
    %gt3A_626 = arith.constant 0xFF800000 : f32
    %gt3A_627 = vector.broadcast %gt3A_626 : f32 to vector<16x1xf32>
    %gt3A_628 = arith.cmpf ogt, %broadcast_in_dim3A_625, %gt3A_627 : vector<16x1xf32>
    %eq3A_629 = vector.broadcast %broadcast_in_dim3A_625 : vector<16x1xf32> to vector<16x64xf32>
    %eq3A_630 = arith.cmpf oeq, %select_n3A_603, %eq3A_629 : vector<16x64xf32>
    %jit3A_631 = arith.constant 64 : i32
    %broadcast_in_dim3A_632 = vector.broadcast %jit3A_631 : i32 to vector<16x64xi32>
    %select_n3A_633 = arith.select %eq3A_630, %iota3A_172, %broadcast_in_dim3A_632 : vector<16x64xi1>, vector<16x64xi32>
    %reduce_min3A_634 = arith.constant dense<2147483647> : vector<16xi32>
    %reduce_min3A_635 = vector.multi_reduction <minsi>, %select_n3A_633, %reduce_min3A_634 [1] : vector<16x64xi32> to vector<16xi32>
    %broadcast_in_dim3A_636 = vector.shape_cast %reduce_min3A_635 : vector<16xi32> to vector<16x1xi32>
    %eq3A_637 = vector.broadcast %broadcast_in_dim3A_636 : vector<16x1xi32> to vector<16x64xi32>
    %eq3A_638 = arith.cmpi eq, %iota3A_172, %eq3A_637 : vector<16x64xi32>
    %jit3A_639 = arith.constant 0.000000e+00 : f32
    %broadcast_in_dim3A_640 = vector.broadcast %jit3A_639 : f32 to vector<16x64xf32>
    %select_n3A_641 = arith.select %eq3A_638, %mul3A_150, %broadcast_in_dim3A_640 : vector<16x64xi1>, vector<16x64xf32>
    %reduce_sum3A_642 = arith.constant dense<0.000000e+00> : vector<16xf32>
    %reduce_sum3A_643 = vector.multi_reduction <add>, %select_n3A_641, %reduce_sum3A_642 [1] : vector<16x64xf32> to vector<16xf32>
    %broadcast_in_dim3A_644 = vector.shape_cast %reduce_sum3A_643 : vector<16xf32> to vector<16x1xf32>
    %jit3A_645 = arith.constant 0.000000e+00 : f32
    %broadcast_in_dim3A_646 = vector.broadcast %jit3A_645 : f32 to vector<16x64xf32>
    %select_n3A_647 = arith.select %eq3A_638, %mul3A_156, %broadcast_in_dim3A_646 : vector<16x64xi1>, vector<16x64xf32>
    %reduce_sum3A_648 = arith.constant dense<0.000000e+00> : vector<16xf32>
    %reduce_sum3A_649 = vector.multi_reduction <add>, %select_n3A_647, %reduce_sum3A_648 [1] : vector<16x64xf32> to vector<16xf32>
    %broadcast_in_dim3A_650 = vector.shape_cast %reduce_sum3A_649 : vector<16xf32> to vector<16x1xf32>
    %jit3A_651 = arith.constant 0.000000e+00 : f32
    %broadcast_in_dim3A_652 = vector.broadcast %jit3A_651 : f32 to vector<16x64xf32>
    %select_n3A_653 = arith.select %eq3A_638, %mul3A_162, %broadcast_in_dim3A_652 : vector<16x64xi1>, vector<16x64xf32>
    %reduce_sum3A_654 = arith.constant dense<0.000000e+00> : vector<16xf32>
    %reduce_sum3A_655 = vector.multi_reduction <add>, %select_n3A_653, %reduce_sum3A_654 [1] : vector<16x64xf32> to vector<16xf32>
    %broadcast_in_dim3A_656 = vector.shape_cast %reduce_sum3A_655 : vector<16xf32> to vector<16x1xf32>
    %jit3A_657 = arith.constant 0.000000e+00 : f32
    %broadcast_in_dim3A_658 = vector.broadcast %jit3A_657 : f32 to vector<16x64xf32>
    %select_n3A_659 = arith.select %eq3A_638, %mul3A_165, %broadcast_in_dim3A_658 : vector<16x64xi1>, vector<16x64xf32>
    %reduce_sum3A_660 = arith.constant dense<0.000000e+00> : vector<16xf32>
    %reduce_sum3A_661 = vector.multi_reduction <add>, %select_n3A_659, %reduce_sum3A_660 [1] : vector<16x64xf32> to vector<16xf32>
    %broadcast_in_dim3A_662 = vector.shape_cast %reduce_sum3A_661 : vector<16xf32> to vector<16x1xf32>
    %jit3A_663 = arith.constant 0.000000e+00 : f32
    %broadcast_in_dim3A_664 = vector.broadcast %jit3A_663 : f32 to vector<16x64xf32>
    %select_n3A_665 = arith.select %eq3A_638, %mul3A_168, %broadcast_in_dim3A_664 : vector<16x64xi1>, vector<16x64xf32>
    %reduce_sum3A_666 = arith.constant dense<0.000000e+00> : vector<16xf32>
    %reduce_sum3A_667 = vector.multi_reduction <add>, %select_n3A_665, %reduce_sum3A_666 [1] : vector<16x64xf32> to vector<16xf32>
    %broadcast_in_dim3A_668 = vector.shape_cast %reduce_sum3A_667 : vector<16xf32> to vector<16x1xf32>
    %jit3A_669 = arith.constant 0.000000e+00 : f32
    %broadcast_in_dim3A_670 = vector.broadcast %jit3A_669 : f32 to vector<16x64xf32>
    %select_n3A_671 = arith.select %eq3A_638, %mul3A_171, %broadcast_in_dim3A_670 : vector<16x64xi1>, vector<16x64xf32>
    %reduce_sum3A_672 = arith.constant dense<0.000000e+00> : vector<16xf32>
    %reduce_sum3A_673 = vector.multi_reduction <add>, %select_n3A_671, %reduce_sum3A_672 [1] : vector<16x64xf32> to vector<16xf32>
    %broadcast_in_dim3A_674 = vector.shape_cast %reduce_sum3A_673 : vector<16xf32> to vector<16x1xf32>
    %mul3A_675 = arith.constant 5.000000e-01 : f32
    %mul3A_676 = vector.broadcast %mul3A_675 : f32 to vector<16x1xf32>
    %mul3A_677 = arith.mulf %broadcast_in_dim3A_662, %mul3A_676 : vector<16x1xf32>
    %add3A_678 = arith.addf %broadcast_in_dim3A_644, %mul3A_677 : vector<16x1xf32>
    %min3A_679 = vector.broadcast %add3A_678 : vector<16x1xf32> to vector<16x64xf32>
    %min3A_680 = arith.minimumf %add3A_192, %min3A_679 : vector<16x64xf32>
    %mul3A_681 = arith.constant 5.000000e-01 : f32
    %mul3A_682 = vector.broadcast %mul3A_681 : f32 to vector<16x1xf32>
    %mul3A_683 = arith.mulf %broadcast_in_dim3A_662, %mul3A_682 : vector<16x1xf32>
    %sub3A_684 = arith.subf %broadcast_in_dim3A_644, %mul3A_683 : vector<16x1xf32>
    %max3A_685 = vector.broadcast %sub3A_684 : vector<16x1xf32> to vector<16x64xf32>
    %max3A_686 = arith.maximumf %sub3A_188, %max3A_685 : vector<16x64xf32>
    %sub3A_687 = arith.subf %min3A_680, %max3A_686 : vector<16x64xf32>
    %max3A_688 = arith.constant 0.000000e+00 : f32
    %max3A_689 = vector.broadcast %max3A_688 : f32 to vector<16x64xf32>
    %max3A_690 = arith.maximumf %sub3A_687, %max3A_689 : vector<16x64xf32>
    %mul3A_691 = arith.constant 5.000000e-01 : f32
    %mul3A_692 = vector.broadcast %mul3A_691 : f32 to vector<16x1xf32>
    %mul3A_693 = arith.mulf %broadcast_in_dim3A_668, %mul3A_692 : vector<16x1xf32>
    %add3A_694 = arith.addf %broadcast_in_dim3A_650, %mul3A_693 : vector<16x1xf32>
    %min3A_695 = vector.broadcast %add3A_694 : vector<16x1xf32> to vector<16x64xf32>
    %min3A_696 = arith.minimumf %add3A_200, %min3A_695 : vector<16x64xf32>
    %mul3A_697 = arith.constant 5.000000e-01 : f32
    %mul3A_698 = vector.broadcast %mul3A_697 : f32 to vector<16x1xf32>
    %mul3A_699 = arith.mulf %broadcast_in_dim3A_668, %mul3A_698 : vector<16x1xf32>
    %sub3A_700 = arith.subf %broadcast_in_dim3A_650, %mul3A_699 : vector<16x1xf32>
    %max3A_701 = vector.broadcast %sub3A_700 : vector<16x1xf32> to vector<16x64xf32>
    %max3A_702 = arith.maximumf %sub3A_196, %max3A_701 : vector<16x64xf32>
    %sub3A_703 = arith.subf %min3A_696, %max3A_702 : vector<16x64xf32>
    %max3A_704 = arith.constant 0.000000e+00 : f32
    %max3A_705 = vector.broadcast %max3A_704 : f32 to vector<16x64xf32>
    %max3A_706 = arith.maximumf %sub3A_703, %max3A_705 : vector<16x64xf32>
    %mul3A_707 = arith.constant 5.000000e-01 : f32
    %mul3A_708 = vector.broadcast %mul3A_707 : f32 to vector<16x1xf32>
    %mul3A_709 = arith.mulf %broadcast_in_dim3A_674, %mul3A_708 : vector<16x1xf32>
    %add3A_710 = arith.addf %broadcast_in_dim3A_656, %mul3A_709 : vector<16x1xf32>
    %min3A_711 = vector.broadcast %add3A_710 : vector<16x1xf32> to vector<16x64xf32>
    %min3A_712 = arith.minimumf %add3A_208, %min3A_711 : vector<16x64xf32>
    %mul3A_713 = arith.constant 5.000000e-01 : f32
    %mul3A_714 = vector.broadcast %mul3A_713 : f32 to vector<16x1xf32>
    %mul3A_715 = arith.mulf %broadcast_in_dim3A_674, %mul3A_714 : vector<16x1xf32>
    %sub3A_716 = arith.subf %broadcast_in_dim3A_656, %mul3A_715 : vector<16x1xf32>
    %max3A_717 = vector.broadcast %sub3A_716 : vector<16x1xf32> to vector<16x64xf32>
    %max3A_718 = arith.maximumf %sub3A_204, %max3A_717 : vector<16x64xf32>
    %sub3A_719 = arith.subf %min3A_712, %max3A_718 : vector<16x64xf32>
    %max3A_720 = arith.constant 0.000000e+00 : f32
    %max3A_721 = vector.broadcast %max3A_720 : f32 to vector<16x64xf32>
    %max3A_722 = arith.maximumf %sub3A_719, %max3A_721 : vector<16x64xf32>
    %mul3A_723 = arith.mulf %max3A_690, %max3A_706 : vector<16x64xf32>
    %mul3A_724 = arith.mulf %mul3A_723, %max3A_722 : vector<16x64xf32>
    %mul3A_725 = arith.mulf %broadcast_in_dim3A_662, %broadcast_in_dim3A_668 : vector<16x1xf32>
    %mul3A_726 = arith.mulf %mul3A_725, %broadcast_in_dim3A_674 : vector<16x1xf32>
    %add3A_727 = vector.broadcast %mul3A_726 : vector<16x1xf32> to vector<16x64xf32>
    %add3A_728 = arith.addf %add3A_727, %mul3A_210 : vector<16x64xf32>
    %sub3A_729 = arith.subf %add3A_728, %mul3A_724 : vector<16x64xf32>
    %add3A_730 = arith.constant 9.99999993E-9 : f32
    %add3A_731 = vector.broadcast %add3A_730 : f32 to vector<16x64xf32>
    %add3A_732 = arith.addf %sub3A_729, %add3A_731 : vector<16x64xf32>
    %div3A_733 = arith.divf %mul3A_724, %add3A_732 : vector<16x64xf32>
    %gt3A_734 = arith.constant 5.000000e-02 : f32
    %gt3A_735 = vector.broadcast %gt3A_734 : f32 to vector<16x64xf32>
    %gt3A_736 = arith.cmpf ogt, %div3A_733, %gt3A_735 : vector<16x64xf32>
    %or3A_737 = arith.ori %gt3A_736, %eq3A_638 : vector<16x64xi1>
    %and3A_738 = vector.broadcast %gt3A_628 : vector<16x1xi1> to vector<16x64xi1>
    %and3A_739 = arith.andi %and3A_738, %or3A_737 : vector<16x64xi1>
    %jit3A_740 = arith.constant 0xFF800000 : f32
    %broadcast_in_dim3A_741 = vector.broadcast %jit3A_740 : f32 to vector<16x64xf32>
    %select_n3A_742 = arith.select %and3A_739, %broadcast_in_dim3A_741, %select_n3A_603 : vector<16x64xi1>, vector<16x64xf32>
    %broadcast_in_dim3A_743 = arith.constant -1.000000e+00 : f32
    %broadcast_in_dim3A_744 = vector.broadcast %broadcast_in_dim3A_743 : f32 to vector<16x1xf32>
    %jit3A_745 = arith.constant 1.000000e+00 : f32
    %broadcast_in_dim3A_746 = vector.broadcast %jit3A_745 : f32 to vector<16x1xf32>
    %select_n3A_747 = arith.select %gt3A_628, %broadcast_in_dim3A_746, %broadcast_in_dim3A_744 : vector<16x1xi1>, vector<16x1xf32>
    %select_n3A_748 = arith.select %gt3A_628, %broadcast_in_dim3A_625, %broadcast_in_dim3A_744 : vector<16x1xi1>, vector<16x1xf32>
    %select_n3A_749 = arith.select %gt3A_628, %broadcast_in_dim3A_644, %broadcast_in_dim3A_744 : vector<16x1xi1>, vector<16x1xf32>
    %select_n3A_750 = arith.select %gt3A_628, %broadcast_in_dim3A_650, %broadcast_in_dim3A_744 : vector<16x1xi1>, vector<16x1xf32>
    %select_n3A_751 = arith.select %gt3A_628, %broadcast_in_dim3A_656, %broadcast_in_dim3A_744 : vector<16x1xi1>, vector<16x1xf32>
    %select_n3A_752 = arith.select %gt3A_628, %broadcast_in_dim3A_662, %broadcast_in_dim3A_744 : vector<16x1xi1>, vector<16x1xf32>
    %select_n3A_753 = arith.select %gt3A_628, %broadcast_in_dim3A_668, %broadcast_in_dim3A_744 : vector<16x1xi1>, vector<16x1xf32>
    %select_n3A_754 = arith.select %gt3A_628, %broadcast_in_dim3A_674, %broadcast_in_dim3A_744 : vector<16x1xi1>, vector<16x1xf32>
    %concatenate3A_755 = tpu.concatenate %select_n3A_747, %select_n3A_748, %select_n3A_749, %select_n3A_750, %select_n3A_751, %select_n3A_752, %select_n3A_753, %select_n3A_754 in 1 : vector<16x1xf32>, vector<16x1xf32>, vector<16x1xf32>, vector<16x1xf32>, vector<16x1xf32>, vector<16x1xf32>, vector<16x1xf32>, vector<16x1xf32> -> vector<16x8xf32>
    %swap3A_756 = arith.constant 0 : index
    %swap3A_757 = arith.constant 3 : index
    %swap3A_758 = arith.constant 0 : index
    %swap3A_759 = vector.load %arg4[%swap3A_756, %swap3A_757, %swap3A_758] : memref<16x60x8xf32, #tpu.memory_space<vmem>>, vector<16x1x8xf32>
    %swap3A_760 = vector.shape_cast %swap3A_759 : vector<16x1x8xf32> to vector<16x8xf32>
    %swap3A_761 = vector.shape_cast %concatenate3A_755 : vector<16x8xf32> to vector<16x1x8xf32>
    tpu.vector_store %arg4[%swap3A_756, %swap3A_757, %swap3A_758], %swap3A_761 {strides = array<i32>} : memref<16x60x8xf32, #tpu.memory_space<vmem>>, vector<16x1x8xf32>,
    %reduce_max3A_762 = arith.constant dense<0xFF800000> : vector<16xf32>
    %reduce_max3A_763 = vector.multi_reduction <maximumf>, %select_n3A_742, %reduce_max3A_762 [1] : vector<16x64xf32> to vector<16xf32>
    %broadcast_in_dim3A_764 = vector.shape_cast %reduce_max3A_763 : vector<16xf32> to vector<16x1xf32>
    %gt3A_765 = arith.constant 0xFF800000 : f32
    %gt3A_766 = vector.broadcast %gt3A_765 : f32 to vector<16x1xf32>
    %gt3A_767 = arith.cmpf ogt, %broadcast_in_dim3A_764, %gt3A_766 : vector<16x1xf32>
    %eq3A_768 = vector.broadcast %broadcast_in_dim3A_764 : vector<16x1xf32> to vector<16x64xf32>
    %eq3A_769 = arith.cmpf oeq, %select_n3A_742, %eq3A_768 : vector<16x64xf32>
    %jit3A_770 = arith.constant 64 : i32
    %broadcast_in_dim3A_771 = vector.broadcast %jit3A_770 : i32 to vector<16x64xi32>
    %select_n3A_772 = arith.select %eq3A_769, %iota3A_172, %broadcast_in_dim3A_771 : vector<16x64xi1>, vector<16x64xi32>
    %reduce_min3A_773 = arith.constant dense<2147483647> : vector<16xi32>
    %reduce_min3A_774 = vector.multi_reduction <minsi>, %select_n3A_772, %reduce_min3A_773 [1] : vector<16x64xi32> to vector<16xi32>
    %broadcast_in_dim3A_775 = vector.shape_cast %reduce_min3A_774 : vector<16xi32> to vector<16x1xi32>
    %eq3A_776 = vector.broadcast %broadcast_in_dim3A_775 : vector<16x1xi32> to vector<16x64xi32>
    %eq3A_777 = arith.cmpi eq, %iota3A_172, %eq3A_776 : vector<16x64xi32>
    %jit3A_778 = arith.constant 0.000000e+00 : f32
    %broadcast_in_dim3A_779 = vector.broadcast %jit3A_778 : f32 to vector<16x64xf32>
    %select_n3A_780 = arith.select %eq3A_777, %mul3A_150, %broadcast_in_dim3A_779 : vector<16x64xi1>, vector<16x64xf32>
    %reduce_sum3A_781 = arith.constant dense<0.000000e+00> : vector<16xf32>
    %reduce_sum3A_782 = vector.multi_reduction <add>, %select_n3A_780, %reduce_sum3A_781 [1] : vector<16x64xf32> to vector<16xf32>
    %broadcast_in_dim3A_783 = vector.shape_cast %reduce_sum3A_782 : vector<16xf32> to vector<16x1xf32>
    %jit3A_784 = arith.constant 0.000000e+00 : f32
    %broadcast_in_dim3A_785 = vector.broadcast %jit3A_784 : f32 to vector<16x64xf32>
    %select_n3A_786 = arith.select %eq3A_777, %mul3A_156, %broadcast_in_dim3A_785 : vector<16x64xi1>, vector<16x64xf32>
    %reduce_sum3A_787 = arith.constant dense<0.000000e+00> : vector<16xf32>
    %reduce_sum3A_788 = vector.multi_reduction <add>, %select_n3A_786, %reduce_sum3A_787 [1] : vector<16x64xf32> to vector<16xf32>
    %broadcast_in_dim3A_789 = vector.shape_cast %reduce_sum3A_788 : vector<16xf32> to vector<16x1xf32>
    %jit3A_790 = arith.constant 0.000000e+00 : f32
    %broadcast_in_dim3A_791 = vector.broadcast %jit3A_790 : f32 to vector<16x64xf32>
    %select_n3A_792 = arith.select %eq3A_777, %mul3A_162, %broadcast_in_dim3A_791 : vector<16x64xi1>, vector<16x64xf32>
    %reduce_sum3A_793 = arith.constant dense<0.000000e+00> : vector<16xf32>
    %reduce_sum3A_794 = vector.multi_reduction <add>, %select_n3A_792, %reduce_sum3A_793 [1] : vector<16x64xf32> to vector<16xf32>
    %broadcast_in_dim3A_795 = vector.shape_cast %reduce_sum3A_794 : vector<16xf32> to vector<16x1xf32>
    %jit3A_796 = arith.constant 0.000000e+00 : f32
    %broadcast_in_dim3A_797 = vector.broadcast %jit3A_796 : f32 to vector<16x64xf32>
    %select_n3A_798 = arith.select %eq3A_777, %mul3A_165, %broadcast_in_dim3A_797 : vector<16x64xi1>, vector<16x64xf32>
    %reduce_sum3A_799 = arith.constant dense<0.000000e+00> : vector<16xf32>
    %reduce_sum3A_800 = vector.multi_reduction <add>, %select_n3A_798, %reduce_sum3A_799 [1] : vector<16x64xf32> to vector<16xf32>
    %broadcast_in_dim3A_801 = vector.shape_cast %reduce_sum3A_800 : vector<16xf32> to vector<16x1xf32>
    %jit3A_802 = arith.constant 0.000000e+00 : f32
    %broadcast_in_dim3A_803 = vector.broadcast %jit3A_802 : f32 to vector<16x64xf32>
    %select_n3A_804 = arith.select %eq3A_777, %mul3A_168, %broadcast_in_dim3A_803 : vector<16x64xi1>, vector<16x64xf32>
    %reduce_sum3A_805 = arith.constant dense<0.000000e+00> : vector<16xf32>
    %reduce_sum3A_806 = vector.multi_reduction <add>, %select_n3A_804, %reduce_sum3A_805 [1] : vector<16x64xf32> to vector<16xf32>
    %broadcast_in_dim3A_807 = vector.shape_cast %reduce_sum3A_806 : vector<16xf32> to vector<16x1xf32>
    %jit3A_808 = arith.constant 0.000000e+00 : f32
    %broadcast_in_dim3A_809 = vector.broadcast %jit3A_808 : f32 to vector<16x64xf32>
    %select_n3A_810 = arith.select %eq3A_777, %mul3A_171, %broadcast_in_dim3A_809 : vector<16x64xi1>, vector<16x64xf32>
    %reduce_sum3A_811 = arith.constant dense<0.000000e+00> : vector<16xf32>
    %reduce_sum3A_812 = vector.multi_reduction <add>, %select_n3A_810, %reduce_sum3A_811 [1] : vector<16x64xf32> to vector<16xf32>
    %broadcast_in_dim3A_813 = vector.shape_cast %reduce_sum3A_812 : vector<16xf32> to vector<16x1xf32>
    %mul3A_814 = arith.constant 5.000000e-01 : f32
    %mul3A_815 = vector.broadcast %mul3A_814 : f32 to vector<16x1xf32>
    %mul3A_816 = arith.mulf %broadcast_in_dim3A_801, %mul3A_815 : vector<16x1xf32>
    %add3A_817 = arith.addf %broadcast_in_dim3A_783, %mul3A_816 : vector<16x1xf32>
    %min3A_818 = vector.broadcast %add3A_817 : vector<16x1xf32> to vector<16x64xf32>
    %min3A_819 = arith.minimumf %add3A_192, %min3A_818 : vector<16x64xf32>
    %mul3A_820 = arith.constant 5.000000e-01 : f32
    %mul3A_821 = vector.broadcast %mul3A_820 : f32 to vector<16x1xf32>
    %mul3A_822 = arith.mulf %broadcast_in_dim3A_801, %mul3A_821 : vector<16x1xf32>
    %sub3A_823 = arith.subf %broadcast_in_dim3A_783, %mul3A_822 : vector<16x1xf32>
    %max3A_824 = vector.broadcast %sub3A_823 : vector<16x1xf32> to vector<16x64xf32>
    %max3A_825 = arith.maximumf %sub3A_188, %max3A_824 : vector<16x64xf32>
    %sub3A_826 = arith.subf %min3A_819, %max3A_825 : vector<16x64xf32>
    %max3A_827 = arith.constant 0.000000e+00 : f32
    %max3A_828 = vector.broadcast %max3A_827 : f32 to vector<16x64xf32>
    %max3A_829 = arith.maximumf %sub3A_826, %max3A_828 : vector<16x64xf32>
    %mul3A_830 = arith.constant 5.000000e-01 : f32
    %mul3A_831 = vector.broadcast %mul3A_830 : f32 to vector<16x1xf32>
    %mul3A_832 = arith.mulf %broadcast_in_dim3A_807, %mul3A_831 : vector<16x1xf32>
    %add3A_833 = arith.addf %broadcast_in_dim3A_789, %mul3A_832 : vector<16x1xf32>
    %min3A_834 = vector.broadcast %add3A_833 : vector<16x1xf32> to vector<16x64xf32>
    %min3A_835 = arith.minimumf %add3A_200, %min3A_834 : vector<16x64xf32>
    %mul3A_836 = arith.constant 5.000000e-01 : f32
    %mul3A_837 = vector.broadcast %mul3A_836 : f32 to vector<16x1xf32>
    %mul3A_838 = arith.mulf %broadcast_in_dim3A_807, %mul3A_837 : vector<16x1xf32>
    %sub3A_839 = arith.subf %broadcast_in_dim3A_789, %mul3A_838 : vector<16x1xf32>
    %max3A_840 = vector.broadcast %sub3A_839 : vector<16x1xf32> to vector<16x64xf32>
    %max3A_841 = arith.maximumf %sub3A_196, %max3A_840 : vector<16x64xf32>
    %sub3A_842 = arith.subf %min3A_835, %max3A_841 : vector<16x64xf32>
    %max3A_843 = arith.constant 0.000000e+00 : f32
    %max3A_844 = vector.broadcast %max3A_843 : f32 to vector<16x64xf32>
    %max3A_845 = arith.maximumf %sub3A_842, %max3A_844 : vector<16x64xf32>
    %mul3A_846 = arith.constant 5.000000e-01 : f32
    %mul3A_847 = vector.broadcast %mul3A_846 : f32 to vector<16x1xf32>
    %mul3A_848 = arith.mulf %broadcast_in_dim3A_813, %mul3A_847 : vector<16x1xf32>
    %add3A_849 = arith.addf %broadcast_in_dim3A_795, %mul3A_848 : vector<16x1xf32>
    %min3A_850 = vector.broadcast %add3A_849 : vector<16x1xf32> to vector<16x64xf32>
    %min3A_851 = arith.minimumf %add3A_208, %min3A_850 : vector<16x64xf32>
    %mul3A_852 = arith.constant 5.000000e-01 : f32
    %mul3A_853 = vector.broadcast %mul3A_852 : f32 to vector<16x1xf32>
    %mul3A_854 = arith.mulf %broadcast_in_dim3A_813, %mul3A_853 : vector<16x1xf32>
    %sub3A_855 = arith.subf %broadcast_in_dim3A_795, %mul3A_854 : vector<16x1xf32>
    %max3A_856 = vector.broadcast %sub3A_855 : vector<16x1xf32> to vector<16x64xf32>
    %max3A_857 = arith.maximumf %sub3A_204, %max3A_856 : vector<16x64xf32>
    %sub3A_858 = arith.subf %min3A_851, %max3A_857 : vector<16x64xf32>
    %max3A_859 = arith.constant 0.000000e+00 : f32
    %max3A_860 = vector.broadcast %max3A_859 : f32 to vector<16x64xf32>
    %max3A_861 = arith.maximumf %sub3A_858, %max3A_860 : vector<16x64xf32>
    %mul3A_862 = arith.mulf %max3A_829, %max3A_845 : vector<16x64xf32>
    %mul3A_863 = arith.mulf %mul3A_862, %max3A_861 : vector<16x64xf32>
    %mul3A_864 = arith.mulf %broadcast_in_dim3A_801, %broadcast_in_dim3A_807 : vector<16x1xf32>
    %mul3A_865 = arith.mulf %mul3A_864, %broadcast_in_dim3A_813 : vector<16x1xf32>
    %add3A_866 = vector.broadcast %mul3A_865 : vector<16x1xf32> to vector<16x64xf32>
    %add3A_867 = arith.addf %add3A_866, %mul3A_210 : vector<16x64xf32>
    %sub3A_868 = arith.subf %add3A_867, %mul3A_863 : vector<16x64xf32>
    %add3A_869 = arith.constant 9.99999993E-9 : f32
    %add3A_870 = vector.broadcast %add3A_869 : f32 to vector<16x64xf32>
    %add3A_871 = arith.addf %sub3A_868, %add3A_870 : vector<16x64xf32>
    %div3A_872 = arith.divf %mul3A_863, %add3A_871 : vector<16x64xf32>
    %gt3A_873 = arith.constant 5.000000e-02 : f32
    %gt3A_874 = vector.broadcast %gt3A_873 : f32 to vector<16x64xf32>
    %gt3A_875 = arith.cmpf ogt, %div3A_872, %gt3A_874 : vector<16x64xf32>
    %or3A_876 = arith.ori %gt3A_875, %eq3A_777 : vector<16x64xi1>
    %and3A_877 = vector.broadcast %gt3A_767 : vector<16x1xi1> to vector<16x64xi1>
    %and3A_878 = arith.andi %and3A_877, %or3A_876 : vector<16x64xi1>
    %jit3A_879 = arith.constant 0xFF800000 : f32
    %broadcast_in_dim3A_880 = vector.broadcast %jit3A_879 : f32 to vector<16x64xf32>
    %select_n3A_881 = arith.select %and3A_878, %broadcast_in_dim3A_880, %select_n3A_742 : vector<16x64xi1>, vector<16x64xf32>
    %broadcast_in_dim3A_882 = arith.constant -1.000000e+00 : f32
    %broadcast_in_dim3A_883 = vector.broadcast %broadcast_in_dim3A_882 : f32 to vector<16x1xf32>
    %jit3A_884 = arith.constant 1.000000e+00 : f32
    %broadcast_in_dim3A_885 = vector.broadcast %jit3A_884 : f32 to vector<16x1xf32>
    %select_n3A_886 = arith.select %gt3A_767, %broadcast_in_dim3A_885, %broadcast_in_dim3A_883 : vector<16x1xi1>, vector<16x1xf32>
    %select_n3A_887 = arith.select %gt3A_767, %broadcast_in_dim3A_764, %broadcast_in_dim3A_883 : vector<16x1xi1>, vector<16x1xf32>
    %select_n3A_888 = arith.select %gt3A_767, %broadcast_in_dim3A_783, %broadcast_in_dim3A_883 : vector<16x1xi1>, vector<16x1xf32>
    %select_n3A_889 = arith.select %gt3A_767, %broadcast_in_dim3A_789, %broadcast_in_dim3A_883 : vector<16x1xi1>, vector<16x1xf32>
    %select_n3A_890 = arith.select %gt3A_767, %broadcast_in_dim3A_795, %broadcast_in_dim3A_883 : vector<16x1xi1>, vector<16x1xf32>
    %select_n3A_891 = arith.select %gt3A_767, %broadcast_in_dim3A_801, %broadcast_in_dim3A_883 : vector<16x1xi1>, vector<16x1xf32>
    %select_n3A_892 = arith.select %gt3A_767, %broadcast_in_dim3A_807, %broadcast_in_dim3A_883 : vector<16x1xi1>, vector<16x1xf32>
    %select_n3A_893 = arith.select %gt3A_767, %broadcast_in_dim3A_813, %broadcast_in_dim3A_883 : vector<16x1xi1>, vector<16x1xf32>
    %concatenate3A_894 = tpu.concatenate %select_n3A_886, %select_n3A_887, %select_n3A_888, %select_n3A_889, %select_n3A_890, %select_n3A_891, %select_n3A_892, %select_n3A_893 in 1 : vector<16x1xf32>, vector<16x1xf32>, vector<16x1xf32>, vector<16x1xf32>, vector<16x1xf32>, vector<16x1xf32>, vector<16x1xf32>, vector<16x1xf32> -> vector<16x8xf32>
    %swap3A_895 = arith.constant 0 : index
    %swap3A_896 = arith.constant 4 : index
    %swap3A_897 = arith.constant 0 : index
    %swap3A_898 = vector.load %arg4[%swap3A_895, %swap3A_896, %swap3A_897] : memref<16x60x8xf32, #tpu.memory_space<vmem>>, vector<16x1x8xf32>
    %swap3A_899 = vector.shape_cast %swap3A_898 : vector<16x1x8xf32> to vector<16x8xf32>
    %swap3A_900 = vector.shape_cast %concatenate3A_894 : vector<16x8xf32> to vector<16x1x8xf32>
    tpu.vector_store %arg4[%swap3A_895, %swap3A_896, %swap3A_897], %swap3A_900 {strides = array<i32>} : memref<16x60x8xf32, #tpu.memory_space<vmem>>, vector<16x1x8xf32>,
    %reduce_max3A_901 = arith.constant dense<0xFF800000> : vector<16xf32>
    %reduce_max3A_902 = vector.multi_reduction <maximumf>, %select_n3A_881, %reduce_max3A_901 [1] : vector<16x64xf32> to vector<16xf32>
    %broadcast_in_dim3A_903 = vector.shape_cast %reduce_max3A_902 : vector<16xf32> to vector<16x1xf32>
    %gt3A_904 = arith.constant 0xFF800000 : f32
    %gt3A_905 = vector.broadcast %gt3A_904 : f32 to vector<16x1xf32>
    %gt3A_906 = arith.cmpf ogt, %broadcast_in_dim3A_903, %gt3A_905 : vector<16x1xf32>
    %eq3A_907 = vector.broadcast %broadcast_in_dim3A_903 : vector<16x1xf32> to vector<16x64xf32>
    %eq3A_908 = arith.cmpf oeq, %select_n3A_881, %eq3A_907 : vector<16x64xf32>
    %jit3A_909 = arith.constant 64 : i32
    %broadcast_in_dim3A_910 = vector.broadcast %jit3A_909 : i32 to vector<16x64xi32>
    %select_n3A_911 = arith.select %eq3A_908, %iota3A_172, %broadcast_in_dim3A_910 : vector<16x64xi1>, vector<16x64xi32>
    %reduce_min3A_912 = arith.constant dense<2147483647> : vector<16xi32>
    %reduce_min3A_913 = vector.multi_reduction <minsi>, %select_n3A_911, %reduce_min3A_912 [1] : vector<16x64xi32> to vector<16xi32>
    %broadcast_in_dim3A_914 = vector.shape_cast %reduce_min3A_913 : vector<16xi32> to vector<16x1xi32>
    %eq3A_915 = vector.broadcast %broadcast_in_dim3A_914 : vector<16x1xi32> to vector<16x64xi32>
    %eq3A_916 = arith.cmpi eq, %iota3A_172, %eq3A_915 : vector<16x64xi32>
    %jit3A_917 = arith.constant 0.000000e+00 : f32
    %broadcast_in_dim3A_918 = vector.broadcast %jit3A_917 : f32 to vector<16x64xf32>
    %select_n3A_919 = arith.select %eq3A_916, %mul3A_150, %broadcast_in_dim3A_918 : vector<16x64xi1>, vector<16x64xf32>
    %reduce_sum3A_920 = arith.constant dense<0.000000e+00> : vector<16xf32>
    %reduce_sum3A_921 = vector.multi_reduction <add>, %select_n3A_919, %reduce_sum3A_920 [1] : vector<16x64xf32> to vector<16xf32>
    %broadcast_in_dim3A_922 = vector.shape_cast %reduce_sum3A_921 : vector<16xf32> to vector<16x1xf32>
    %jit3A_923 = arith.constant 0.000000e+00 : f32
    %broadcast_in_dim3A_924 = vector.broadcast %jit3A_923 : f32 to vector<16x64xf32>
    %select_n3A_925 = arith.select %eq3A_916, %mul3A_156, %broadcast_in_dim3A_924 : vector<16x64xi1>, vector<16x64xf32>
    %reduce_sum3A_926 = arith.constant dense<0.000000e+00> : vector<16xf32>
    %reduce_sum3A_927 = vector.multi_reduction <add>, %select_n3A_925, %reduce_sum3A_926 [1] : vector<16x64xf32> to vector<16xf32>
    %broadcast_in_dim3A_928 = vector.shape_cast %reduce_sum3A_927 : vector<16xf32> to vector<16x1xf32>
    %jit3A_929 = arith.constant 0.000000e+00 : f32
    %broadcast_in_dim3A_930 = vector.broadcast %jit3A_929 : f32 to vector<16x64xf32>
    %select_n3A_931 = arith.select %eq3A_916, %mul3A_162, %broadcast_in_dim3A_930 : vector<16x64xi1>, vector<16x64xf32>
    %reduce_sum3A_932 = arith.constant dense<0.000000e+00> : vector<16xf32>
    %reduce_sum3A_933 = vector.multi_reduction <add>, %select_n3A_931, %reduce_sum3A_932 [1] : vector<16x64xf32> to vector<16xf32>
    %broadcast_in_dim3A_934 = vector.shape_cast %reduce_sum3A_933 : vector<16xf32> to vector<16x1xf32>
    %jit3A_935 = arith.constant 0.000000e+00 : f32
    %broadcast_in_dim3A_936 = vector.broadcast %jit3A_935 : f32 to vector<16x64xf32>
    %select_n3A_937 = arith.select %eq3A_916, %mul3A_165, %broadcast_in_dim3A_936 : vector<16x64xi1>, vector<16x64xf32>
    %reduce_sum3A_938 = arith.constant dense<0.000000e+00> : vector<16xf32>
    %reduce_sum3A_939 = vector.multi_reduction <add>, %select_n3A_937, %reduce_sum3A_938 [1] : vector<16x64xf32> to vector<16xf32>
    %broadcast_in_dim3A_940 = vector.shape_cast %reduce_sum3A_939 : vector<16xf32> to vector<16x1xf32>
    %jit3A_941 = arith.constant 0.000000e+00 : f32
    %broadcast_in_dim3A_942 = vector.broadcast %jit3A_941 : f32 to vector<16x64xf32>
    %select_n3A_943 = arith.select %eq3A_916, %mul3A_168, %broadcast_in_dim3A_942 : vector<16x64xi1>, vector<16x64xf32>
    %reduce_sum3A_944 = arith.constant dense<0.000000e+00> : vector<16xf32>
    %reduce_sum3A_945 = vector.multi_reduction <add>, %select_n3A_943, %reduce_sum3A_944 [1] : vector<16x64xf32> to vector<16xf32>
    %broadcast_in_dim3A_946 = vector.shape_cast %reduce_sum3A_945 : vector<16xf32> to vector<16x1xf32>
    %jit3A_947 = arith.constant 0.000000e+00 : f32
    %broadcast_in_dim3A_948 = vector.broadcast %jit3A_947 : f32 to vector<16x64xf32>
    %select_n3A_949 = arith.select %eq3A_916, %mul3A_171, %broadcast_in_dim3A_948 : vector<16x64xi1>, vector<16x64xf32>
    %reduce_sum3A_950 = arith.constant dense<0.000000e+00> : vector<16xf32>
    %reduce_sum3A_951 = vector.multi_reduction <add>, %select_n3A_949, %reduce_sum3A_950 [1] : vector<16x64xf32> to vector<16xf32>
    %broadcast_in_dim3A_952 = vector.shape_cast %reduce_sum3A_951 : vector<16xf32> to vector<16x1xf32>
    %mul3A_953 = arith.constant 5.000000e-01 : f32
    %mul3A_954 = vector.broadcast %mul3A_953 : f32 to vector<16x1xf32>
    %mul3A_955 = arith.mulf %broadcast_in_dim3A_940, %mul3A_954 : vector<16x1xf32>
    %add3A_956 = arith.addf %broadcast_in_dim3A_922, %mul3A_955 : vector<16x1xf32>
    %min3A_957 = vector.broadcast %add3A_956 : vector<16x1xf32> to vector<16x64xf32>
    %min3A_958 = arith.minimumf %add3A_192, %min3A_957 : vector<16x64xf32>
    %mul3A_959 = arith.constant 5.000000e-01 : f32
    %mul3A_960 = vector.broadcast %mul3A_959 : f32 to vector<16x1xf32>
    %mul3A_961 = arith.mulf %broadcast_in_dim3A_940, %mul3A_960 : vector<16x1xf32>
    %sub3A_962 = arith.subf %broadcast_in_dim3A_922, %mul3A_961 : vector<16x1xf32>
    %max3A_963 = vector.broadcast %sub3A_962 : vector<16x1xf32> to vector<16x64xf32>
    %max3A_964 = arith.maximumf %sub3A_188, %max3A_963 : vector<16x64xf32>
    %sub3A_965 = arith.subf %min3A_958, %max3A_964 : vector<16x64xf32>
    %max3A_966 = arith.constant 0.000000e+00 : f32
    %max3A_967 = vector.broadcast %max3A_966 : f32 to vector<16x64xf32>
    %max3A_968 = arith.maximumf %sub3A_965, %max3A_967 : vector<16x64xf32>
    %mul3A_969 = arith.constant 5.000000e-01 : f32
    %mul3A_970 = vector.broadcast %mul3A_969 : f32 to vector<16x1xf32>
    %mul3A_971 = arith.mulf %broadcast_in_dim3A_946, %mul3A_970 : vector<16x1xf32>
    %add3A_972 = arith.addf %broadcast_in_dim3A_928, %mul3A_971 : vector<16x1xf32>
    %min3A_973 = vector.broadcast %add3A_972 : vector<16x1xf32> to vector<16x64xf32>
    %min3A_974 = arith.minimumf %add3A_200, %min3A_973 : vector<16x64xf32>
    %mul3A_975 = arith.constant 5.000000e-01 : f32
    %mul3A_976 = vector.broadcast %mul3A_975 : f32 to vector<16x1xf32>
    %mul3A_977 = arith.mulf %broadcast_in_dim3A_946, %mul3A_976 : vector<16x1xf32>
    %sub3A_978 = arith.subf %broadcast_in_dim3A_928, %mul3A_977 : vector<16x1xf32>
    %max3A_979 = vector.broadcast %sub3A_978 : vector<16x1xf32> to vector<16x64xf32>
    %max3A_980 = arith.maximumf %sub3A_196, %max3A_979 : vector<16x64xf32>
    %sub3A_981 = arith.subf %min3A_974, %max3A_980 : vector<16x64xf32>
    %max3A_982 = arith.constant 0.000000e+00 : f32
    %max3A_983 = vector.broadcast %max3A_982 : f32 to vector<16x64xf32>
    %max3A_984 = arith.maximumf %sub3A_981, %max3A_983 : vector<16x64xf32>
    %mul3A_985 = arith.constant 5.000000e-01 : f32
    %mul3A_986 = vector.broadcast %mul3A_985 : f32 to vector<16x1xf32>
    %mul3A_987 = arith.mulf %broadcast_in_dim3A_952, %mul3A_986 : vector<16x1xf32>
    %add3A_988 = arith.addf %broadcast_in_dim3A_934, %mul3A_987 : vector<16x1xf32>
    %min3A_989 = vector.broadcast %add3A_988 : vector<16x1xf32> to vector<16x64xf32>
    %min3A_990 = arith.minimumf %add3A_208, %min3A_989 : vector<16x64xf32>
    %mul3A_991 = arith.constant 5.000000e-01 : f32
    %mul3A_992 = vector.broadcast %mul3A_991 : f32 to vector<16x1xf32>
    %mul3A_993 = arith.mulf %broadcast_in_dim3A_952, %mul3A_992 : vector<16x1xf32>
    %sub3A_994 = arith.subf %broadcast_in_dim3A_934, %mul3A_993 : vector<16x1xf32>
    %max3A_995 = vector.broadcast %sub3A_994 : vector<16x1xf32> to vector<16x64xf32>
    %max3A_996 = arith.maximumf %sub3A_204, %max3A_995 : vector<16x64xf32>
    %sub3A_997 = arith.subf %min3A_990, %max3A_996 : vector<16x64xf32>
    %max3A_998 = arith.constant 0.000000e+00 : f32
    %max3A_999 = vector.broadcast %max3A_998 : f32 to vector<16x64xf32>
    %max3A_1000 = arith.maximumf %sub3A_997, %max3A_999 : vector<16x64xf32>
    %mul3A_1001 = arith.mulf %max3A_968, %max3A_984 : vector<16x64xf32>
    %mul3A_1002 = arith.mulf %mul3A_1001, %max3A_1000 : vector<16x64xf32>
    %mul3A_1003 = arith.mulf %broadcast_in_dim3A_940, %broadcast_in_dim3A_946 : vector<16x1xf32>
    %mul3A_1004 = arith.mulf %mul3A_1003, %broadcast_in_dim3A_952 : vector<16x1xf32>
    %add3A_1005 = vector.broadcast %mul3A_1004 : vector<16x1xf32> to vector<16x64xf32>
    %add3A_1006 = arith.addf %add3A_1005, %mul3A_210 : vector<16x64xf32>
    %sub3A_1007 = arith.subf %add3A_1006, %mul3A_1002 : vector<16x64xf32>
    %add3A_1008 = arith.constant 9.99999993E-9 : f32
    %add3A_1009 = vector.broadcast %add3A_1008 : f32 to vector<16x64xf32>
    %add3A_1010 = arith.addf %sub3A_1007, %add3A_1009 : vector<16x64xf32>
    %div3A_1011 = arith.divf %mul3A_1002, %add3A_1010 : vector<16x64xf32>
    %gt3A_1012 = arith.constant 5.000000e-02 : f32
    %gt3A_1013 = vector.broadcast %gt3A_1012 : f32 to vector<16x64xf32>
    %gt3A_1014 = arith.cmpf ogt, %div3A_1011, %gt3A_1013 : vector<16x64xf32>
    %or3A_1015 = arith.ori %gt3A_1014, %eq3A_916 : vector<16x64xi1>
    %and3A_1016 = vector.broadcast %gt3A_906 : vector<16x1xi1> to vector<16x64xi1>
    %and3A_1017 = arith.andi %and3A_1016, %or3A_1015 : vector<16x64xi1>
    %jit3A_1018 = arith.constant 0xFF800000 : f32
    %broadcast_in_dim3A_1019 = vector.broadcast %jit3A_1018 : f32 to vector<16x64xf32>
    %select_n3A_1020 = arith.select %and3A_1017, %broadcast_in_dim3A_1019, %select_n3A_881 : vector<16x64xi1>, vector<16x64xf32>
    %broadcast_in_dim3A_1021 = arith.constant -1.000000e+00 : f32
    %broadcast_in_dim3A_1022 = vector.broadcast %broadcast_in_dim3A_1021 : f32 to vector<16x1xf32>
    %jit3A_1023 = arith.constant 1.000000e+00 : f32
    %broadcast_in_dim3A_1024 = vector.broadcast %jit3A_1023 : f32 to vector<16x1xf32>
    %select_n3A_1025 = arith.select %gt3A_906, %broadcast_in_dim3A_1024, %broadcast_in_dim3A_1022 : vector<16x1xi1>, vector<16x1xf32>
    %select_n3A_1026 = arith.select %gt3A_906, %broadcast_in_dim3A_903, %broadcast_in_dim3A_1022 : vector<16x1xi1>, vector<16x1xf32>
    %select_n3A_1027 = arith.select %gt3A_906, %broadcast_in_dim3A_922, %broadcast_in_dim3A_1022 : vector<16x1xi1>, vector<16x1xf32>
    %select_n3A_1028 = arith.select %gt3A_906, %broadcast_in_dim3A_928, %broadcast_in_dim3A_1022 : vector<16x1xi1>, vector<16x1xf32>
    %select_n3A_1029 = arith.select %gt3A_906, %broadcast_in_dim3A_934, %broadcast_in_dim3A_1022 : vector<16x1xi1>, vector<16x1xf32>
    %select_n3A_1030 = arith.select %gt3A_906, %broadcast_in_dim3A_940, %broadcast_in_dim3A_1022 : vector<16x1xi1>, vector<16x1xf32>
    %select_n3A_1031 = arith.select %gt3A_906, %broadcast_in_dim3A_946, %broadcast_in_dim3A_1022 : vector<16x1xi1>, vector<16x1xf32>
    %select_n3A_1032 = arith.select %gt3A_906, %broadcast_in_dim3A_952, %broadcast_in_dim3A_1022 : vector<16x1xi1>, vector<16x1xf32>
    %concatenate3A_1033 = tpu.concatenate %select_n3A_1025, %select_n3A_1026, %select_n3A_1027, %select_n3A_1028, %select_n3A_1029, %select_n3A_1030, %select_n3A_1031, %select_n3A_1032 in 1 : vector<16x1xf32>, vector<16x1xf32>, vector<16x1xf32>, vector<16x1xf32>, vector<16x1xf32>, vector<16x1xf32>, vector<16x1xf32>, vector<16x1xf32> -> vector<16x8xf32>
    %swap3A_1034 = arith.constant 0 : index
    %swap3A_1035 = arith.constant 5 : index
    %swap3A_1036 = arith.constant 0 : index
    %swap3A_1037 = vector.load %arg4[%swap3A_1034, %swap3A_1035, %swap3A_1036] : memref<16x60x8xf32, #tpu.memory_space<vmem>>, vector<16x1x8xf32>
    %swap3A_1038 = vector.shape_cast %swap3A_1037 : vector<16x1x8xf32> to vector<16x8xf32>
    %swap3A_1039 = vector.shape_cast %concatenate3A_1033 : vector<16x8xf32> to vector<16x1x8xf32>
    tpu.vector_store %arg4[%swap3A_1034, %swap3A_1035, %swap3A_1036], %swap3A_1039 {strides = array<i32>} : memref<16x60x8xf32, #tpu.memory_space<vmem>>, vector<16x1x8xf32>,
    %reduce_max3A_1040 = arith.constant dense<0xFF800000> : vector<16xf32>
    %reduce_max3A_1041 = vector.multi_reduction <maximumf>, %select_n3A_1020, %reduce_max3A_1040 [1] : vector<16x64xf32> to vector<16xf32>
    %broadcast_in_dim3A_1042 = vector.shape_cast %reduce_max3A_1041 : vector<16xf32> to vector<16x1xf32>
    %gt3A_1043 = arith.constant 0xFF800000 : f32
    %gt3A_1044 = vector.broadcast %gt3A_1043 : f32 to vector<16x1xf32>
    %gt3A_1045 = arith.cmpf ogt, %broadcast_in_dim3A_1042, %gt3A_1044 : vector<16x1xf32>
    %eq3A_1046 = vector.broadcast %broadcast_in_dim3A_1042 : vector<16x1xf32> to vector<16x64xf32>
    %eq3A_1047 = arith.cmpf oeq, %select_n3A_1020, %eq3A_1046 : vector<16x64xf32>
    %jit3A_1048 = arith.constant 64 : i32
    %broadcast_in_dim3A_1049 = vector.broadcast %jit3A_1048 : i32 to vector<16x64xi32>
    %select_n3A_1050 = arith.select %eq3A_1047, %iota3A_172, %broadcast_in_dim3A_1049 : vector<16x64xi1>, vector<16x64xi32>
    %reduce_min3A_1051 = arith.constant dense<2147483647> : vector<16xi32>
    %reduce_min3A_1052 = vector.multi_reduction <minsi>, %select_n3A_1050, %reduce_min3A_1051 [1] : vector<16x64xi32> to vector<16xi32>
    %broadcast_in_dim3A_1053 = vector.shape_cast %reduce_min3A_1052 : vector<16xi32> to vector<16x1xi32>
    %eq3A_1054 = vector.broadcast %broadcast_in_dim3A_1053 : vector<16x1xi32> to vector<16x64xi32>
    %eq3A_1055 = arith.cmpi eq, %iota3A_172, %eq3A_1054 : vector<16x64xi32>
    %jit3A_1056 = arith.constant 0.000000e+00 : f32
    %broadcast_in_dim3A_1057 = vector.broadcast %jit3A_1056 : f32 to vector<16x64xf32>
    %select_n3A_1058 = arith.select %eq3A_1055, %mul3A_150, %broadcast_in_dim3A_1057 : vector<16x64xi1>, vector<16x64xf32>
    %reduce_sum3A_1059 = arith.constant dense<0.000000e+00> : vector<16xf32>
    %reduce_sum3A_1060 = vector.multi_reduction <add>, %select_n3A_1058, %reduce_sum3A_1059 [1] : vector<16x64xf32> to vector<16xf32>
    %broadcast_in_dim3A_1061 = vector.shape_cast %reduce_sum3A_1060 : vector<16xf32> to vector<16x1xf32>
    %jit3A_1062 = arith.constant 0.000000e+00 : f32
    %broadcast_in_dim3A_1063 = vector.broadcast %jit3A_1062 : f32 to vector<16x64xf32>
    %select_n3A_1064 = arith.select %eq3A_1055, %mul3A_156, %broadcast_in_dim3A_1063 : vector<16x64xi1>, vector<16x64xf32>
    %reduce_sum3A_1065 = arith.constant dense<0.000000e+00> : vector<16xf32>
    %reduce_sum3A_1066 = vector.multi_reduction <add>, %select_n3A_1064, %reduce_sum3A_1065 [1] : vector<16x64xf32> to vector<16xf32>
    %broadcast_in_dim3A_1067 = vector.shape_cast %reduce_sum3A_1066 : vector<16xf32> to vector<16x1xf32>
    %jit3A_1068 = arith.constant 0.000000e+00 : f32
    %broadcast_in_dim3A_1069 = vector.broadcast %jit3A_1068 : f32 to vector<16x64xf32>
    %select_n3A_1070 = arith.select %eq3A_1055, %mul3A_162, %broadcast_in_dim3A_1069 : vector<16x64xi1>, vector<16x64xf32>
    %reduce_sum3A_1071 = arith.constant dense<0.000000e+00> : vector<16xf32>
    %reduce_sum3A_1072 = vector.multi_reduction <add>, %select_n3A_1070, %reduce_sum3A_1071 [1] : vector<16x64xf32> to vector<16xf32>
    %broadcast_in_dim3A_1073 = vector.shape_cast %reduce_sum3A_1072 : vector<16xf32> to vector<16x1xf32>
    %jit3A_1074 = arith.constant 0.000000e+00 : f32
    %broadcast_in_dim3A_1075 = vector.broadcast %jit3A_1074 : f32 to vector<16x64xf32>
    %select_n3A_1076 = arith.select %eq3A_1055, %mul3A_165, %broadcast_in_dim3A_1075 : vector<16x64xi1>, vector<16x64xf32>
    %reduce_sum3A_1077 = arith.constant dense<0.000000e+00> : vector<16xf32>
    %reduce_sum3A_1078 = vector.multi_reduction <add>, %select_n3A_1076, %reduce_sum3A_1077 [1] : vector<16x64xf32> to vector<16xf32>
    %broadcast_in_dim3A_1079 = vector.shape_cast %reduce_sum3A_1078 : vector<16xf32> to vector<16x1xf32>
    %jit3A_1080 = arith.constant 0.000000e+00 : f32
    %broadcast_in_dim3A_1081 = vector.broadcast %jit3A_1080 : f32 to vector<16x64xf32>
    %select_n3A_1082 = arith.select %eq3A_1055, %mul3A_168, %broadcast_in_dim3A_1081 : vector<16x64xi1>, vector<16x64xf32>
    %reduce_sum3A_1083 = arith.constant dense<0.000000e+00> : vector<16xf32>
    %reduce_sum3A_1084 = vector.multi_reduction <add>, %select_n3A_1082, %reduce_sum3A_1083 [1] : vector<16x64xf32> to vector<16xf32>
    %broadcast_in_dim3A_1085 = vector.shape_cast %reduce_sum3A_1084 : vector<16xf32> to vector<16x1xf32>
    %jit3A_1086 = arith.constant 0.000000e+00 : f32
    %broadcast_in_dim3A_1087 = vector.broadcast %jit3A_1086 : f32 to vector<16x64xf32>
    %select_n3A_1088 = arith.select %eq3A_1055, %mul3A_171, %broadcast_in_dim3A_1087 : vector<16x64xi1>, vector<16x64xf32>
    %reduce_sum3A_1089 = arith.constant dense<0.000000e+00> : vector<16xf32>
    %reduce_sum3A_1090 = vector.multi_reduction <add>, %select_n3A_1088, %reduce_sum3A_1089 [1] : vector<16x64xf32> to vector<16xf32>
    %broadcast_in_dim3A_1091 = vector.shape_cast %reduce_sum3A_1090 : vector<16xf32> to vector<16x1xf32>
    %mul3A_1092 = arith.constant 5.000000e-01 : f32
    %mul3A_1093 = vector.broadcast %mul3A_1092 : f32 to vector<16x1xf32>
    %mul3A_1094 = arith.mulf %broadcast_in_dim3A_1079, %mul3A_1093 : vector<16x1xf32>
    %add3A_1095 = arith.addf %broadcast_in_dim3A_1061, %mul3A_1094 : vector<16x1xf32>
    %min3A_1096 = vector.broadcast %add3A_1095 : vector<16x1xf32> to vector<16x64xf32>
    %min3A_1097 = arith.minimumf %add3A_192, %min3A_1096 : vector<16x64xf32>
    %mul3A_1098 = arith.constant 5.000000e-01 : f32
    %mul3A_1099 = vector.broadcast %mul3A_1098 : f32 to vector<16x1xf32>
    %mul3A_1100 = arith.mulf %broadcast_in_dim3A_1079, %mul3A_1099 : vector<16x1xf32>
    %sub3A_1101 = arith.subf %broadcast_in_dim3A_1061, %mul3A_1100 : vector<16x1xf32>
    %max3A_1102 = vector.broadcast %sub3A_1101 : vector<16x1xf32> to vector<16x64xf32>
    %max3A_1103 = arith.maximumf %sub3A_188, %max3A_1102 : vector<16x64xf32>
    %sub3A_1104 = arith.subf %min3A_1097, %max3A_1103 : vector<16x64xf32>
    %max3A_1105 = arith.constant 0.000000e+00 : f32
    %max3A_1106 = vector.broadcast %max3A_1105 : f32 to vector<16x64xf32>
    %max3A_1107 = arith.maximumf %sub3A_1104, %max3A_1106 : vector<16x64xf32>
    %mul3A_1108 = arith.constant 5.000000e-01 : f32
    %mul3A_1109 = vector.broadcast %mul3A_1108 : f32 to vector<16x1xf32>
    %mul3A_1110 = arith.mulf %broadcast_in_dim3A_1085, %mul3A_1109 : vector<16x1xf32>
    %add3A_1111 = arith.addf %broadcast_in_dim3A_1067, %mul3A_1110 : vector<16x1xf32>
    %min3A_1112 = vector.broadcast %add3A_1111 : vector<16x1xf32> to vector<16x64xf32>
    %min3A_1113 = arith.minimumf %add3A_200, %min3A_1112 : vector<16x64xf32>
    %mul3A_1114 = arith.constant 5.000000e-01 : f32
    %mul3A_1115 = vector.broadcast %mul3A_1114 : f32 to vector<16x1xf32>
    %mul3A_1116 = arith.mulf %broadcast_in_dim3A_1085, %mul3A_1115 : vector<16x1xf32>
    %sub3A_1117 = arith.subf %broadcast_in_dim3A_1067, %mul3A_1116 : vector<16x1xf32>
    %max3A_1118 = vector.broadcast %sub3A_1117 : vector<16x1xf32> to vector<16x64xf32>
    %max3A_1119 = arith.maximumf %sub3A_196, %max3A_1118 : vector<16x64xf32>
    %sub3A_1120 = arith.subf %min3A_1113, %max3A_1119 : vector<16x64xf32>
    %max3A_1121 = arith.constant 0.000000e+00 : f32
    %max3A_1122 = vector.broadcast %max3A_1121 : f32 to vector<16x64xf32>
    %max3A_1123 = arith.maximumf %sub3A_1120, %max3A_1122 : vector<16x64xf32>
    %mul3A_1124 = arith.constant 5.000000e-01 : f32
    %mul3A_1125 = vector.broadcast %mul3A_1124 : f32 to vector<16x1xf32>
    %mul3A_1126 = arith.mulf %broadcast_in_dim3A_1091, %mul3A_1125 : vector<16x1xf32>
    %add3A_1127 = arith.addf %broadcast_in_dim3A_1073, %mul3A_1126 : vector<16x1xf32>
    %min3A_1128 = vector.broadcast %add3A_1127 : vector<16x1xf32> to vector<16x64xf32>
    %min3A_1129 = arith.minimumf %add3A_208, %min3A_1128 : vector<16x64xf32>
    %mul3A_1130 = arith.constant 5.000000e-01 : f32
    %mul3A_1131 = vector.broadcast %mul3A_1130 : f32 to vector<16x1xf32>
    %mul3A_1132 = arith.mulf %broadcast_in_dim3A_1091, %mul3A_1131 : vector<16x1xf32>
    %sub3A_1133 = arith.subf %broadcast_in_dim3A_1073, %mul3A_1132 : vector<16x1xf32>
    %max3A_1134 = vector.broadcast %sub3A_1133 : vector<16x1xf32> to vector<16x64xf32>
    %max3A_1135 = arith.maximumf %sub3A_204, %max3A_1134 : vector<16x64xf32>
    %sub3A_1136 = arith.subf %min3A_1129, %max3A_1135 : vector<16x64xf32>
    %max3A_1137 = arith.constant 0.000000e+00 : f32
    %max3A_1138 = vector.broadcast %max3A_1137 : f32 to vector<16x64xf32>
    %max3A_1139 = arith.maximumf %sub3A_1136, %max3A_1138 : vector<16x64xf32>
    %mul3A_1140 = arith.mulf %max3A_1107, %max3A_1123 : vector<16x64xf32>
    %mul3A_1141 = arith.mulf %mul3A_1140, %max3A_1139 : vector<16x64xf32>
    %mul3A_1142 = arith.mulf %broadcast_in_dim3A_1079, %broadcast_in_dim3A_1085 : vector<16x1xf32>
    %mul3A_1143 = arith.mulf %mul3A_1142, %broadcast_in_dim3A_1091 : vector<16x1xf32>
    %add3A_1144 = vector.broadcast %mul3A_1143 : vector<16x1xf32> to vector<16x64xf32>
    %add3A_1145 = arith.addf %add3A_1144, %mul3A_210 : vector<16x64xf32>
    %sub3A_1146 = arith.subf %add3A_1145, %mul3A_1141 : vector<16x64xf32>
    %add3A_1147 = arith.constant 9.99999993E-9 : f32
    %add3A_1148 = vector.broadcast %add3A_1147 : f32 to vector<16x64xf32>
    %add3A_1149 = arith.addf %sub3A_1146, %add3A_1148 : vector<16x64xf32>
    %div3A_1150 = arith.divf %mul3A_1141, %add3A_1149 : vector<16x64xf32>
    %gt3A_1151 = arith.constant 5.000000e-02 : f32
    %gt3A_1152 = vector.broadcast %gt3A_1151 : f32 to vector<16x64xf32>
    %gt3A_1153 = arith.cmpf ogt, %div3A_1150, %gt3A_1152 : vector<16x64xf32>
    %or3A_1154 = arith.ori %gt3A_1153, %eq3A_1055 : vector<16x64xi1>
    %and3A_1155 = vector.broadcast %gt3A_1045 : vector<16x1xi1> to vector<16x64xi1>
    %and3A_1156 = arith.andi %and3A_1155, %or3A_1154 : vector<16x64xi1>
    %jit3A_1157 = arith.constant 0xFF800000 : f32
    %broadcast_in_dim3A_1158 = vector.broadcast %jit3A_1157 : f32 to vector<16x64xf32>
    %select_n3A_1159 = arith.select %and3A_1156, %broadcast_in_dim3A_1158, %select_n3A_1020 : vector<16x64xi1>, vector<16x64xf32>
    %broadcast_in_dim3A_1160 = arith.constant -1.000000e+00 : f32
    %broadcast_in_dim3A_1161 = vector.broadcast %broadcast_in_dim3A_1160 : f32 to vector<16x1xf32>
    %jit3A_1162 = arith.constant 1.000000e+00 : f32
    %broadcast_in_dim3A_1163 = vector.broadcast %jit3A_1162 : f32 to vector<16x1xf32>
    %select_n3A_1164 = arith.select %gt3A_1045, %broadcast_in_dim3A_1163, %broadcast_in_dim3A_1161 : vector<16x1xi1>, vector<16x1xf32>
    %select_n3A_1165 = arith.select %gt3A_1045, %broadcast_in_dim3A_1042, %broadcast_in_dim3A_1161 : vector<16x1xi1>, vector<16x1xf32>
    %select_n3A_1166 = arith.select %gt3A_1045, %broadcast_in_dim3A_1061, %broadcast_in_dim3A_1161 : vector<16x1xi1>, vector<16x1xf32>
    %select_n3A_1167 = arith.select %gt3A_1045, %broadcast_in_dim3A_1067, %broadcast_in_dim3A_1161 : vector<16x1xi1>, vector<16x1xf32>
    %select_n3A_1168 = arith.select %gt3A_1045, %broadcast_in_dim3A_1073, %broadcast_in_dim3A_1161 : vector<16x1xi1>, vector<16x1xf32>
    %select_n3A_1169 = arith.select %gt3A_1045, %broadcast_in_dim3A_1079, %broadcast_in_dim3A_1161 : vector<16x1xi1>, vector<16x1xf32>
    %select_n3A_1170 = arith.select %gt3A_1045, %broadcast_in_dim3A_1085, %broadcast_in_dim3A_1161 : vector<16x1xi1>, vector<16x1xf32>
    %select_n3A_1171 = arith.select %gt3A_1045, %broadcast_in_dim3A_1091, %broadcast_in_dim3A_1161 : vector<16x1xi1>, vector<16x1xf32>
    %concatenate3A_1172 = tpu.concatenate %select_n3A_1164, %select_n3A_1165, %select_n3A_1166, %select_n3A_1167, %select_n3A_1168, %select_n3A_1169, %select_n3A_1170, %select_n3A_1171 in 1 : vector<16x1xf32>, vector<16x1xf32>, vector<16x1xf32>, vector<16x1xf32>, vector<16x1xf32>, vector<16x1xf32>, vector<16x1xf32>, vector<16x1xf32> -> vector<16x8xf32>
    %swap3A_1173 = arith.constant 0 : index
    %swap3A_1174 = arith.constant 6 : index
    %swap3A_1175 = arith.constant 0 : index
    %swap3A_1176 = vector.load %arg4[%swap3A_1173, %swap3A_1174, %swap3A_1175] : memref<16x60x8xf32, #tpu.memory_space<vmem>>, vector<16x1x8xf32>
    %swap3A_1177 = vector.shape_cast %swap3A_1176 : vector<16x1x8xf32> to vector<16x8xf32>
    %swap3A_1178 = vector.shape_cast %concatenate3A_1172 : vector<16x8xf32> to vector<16x1x8xf32>
    tpu.vector_store %arg4[%swap3A_1173, %swap3A_1174, %swap3A_1175], %swap3A_1178 {strides = array<i32>} : memref<16x60x8xf32, #tpu.memory_space<vmem>>, vector<16x1x8xf32>,
    %reduce_max3A_1179 = arith.constant dense<0xFF800000> : vector<16xf32>
    %reduce_max3A_1180 = vector.multi_reduction <maximumf>, %select_n3A_1159, %reduce_max3A_1179 [1] : vector<16x64xf32> to vector<16xf32>
    %broadcast_in_dim3A_1181 = vector.shape_cast %reduce_max3A_1180 : vector<16xf32> to vector<16x1xf32>
    %gt3A_1182 = arith.constant 0xFF800000 : f32
    %gt3A_1183 = vector.broadcast %gt3A_1182 : f32 to vector<16x1xf32>
    %gt3A_1184 = arith.cmpf ogt, %broadcast_in_dim3A_1181, %gt3A_1183 : vector<16x1xf32>
    %eq3A_1185 = vector.broadcast %broadcast_in_dim3A_1181 : vector<16x1xf32> to vector<16x64xf32>
    %eq3A_1186 = arith.cmpf oeq, %select_n3A_1159, %eq3A_1185 : vector<16x64xf32>
    %jit3A_1187 = arith.constant 64 : i32
    %broadcast_in_dim3A_1188 = vector.broadcast %jit3A_1187 : i32 to vector<16x64xi32>
    %select_n3A_1189 = arith.select %eq3A_1186, %iota3A_172, %broadcast_in_dim3A_1188 : vector<16x64xi1>, vector<16x64xi32>
    %reduce_min3A_1190 = arith.constant dense<2147483647> : vector<16xi32>
    %reduce_min3A_1191 = vector.multi_reduction <minsi>, %select_n3A_1189, %reduce_min3A_1190 [1] : vector<16x64xi32> to vector<16xi32>
    %broadcast_in_dim3A_1192 = vector.shape_cast %reduce_min3A_1191 : vector<16xi32> to vector<16x1xi32>
    %eq3A_1193 = vector.broadcast %broadcast_in_dim3A_1192 : vector<16x1xi32> to vector<16x64xi32>
    %eq3A_1194 = arith.cmpi eq, %iota3A_172, %eq3A_1193 : vector<16x64xi32>
    %jit3A_1195 = arith.constant 0.000000e+00 : f32
    %broadcast_in_dim3A_1196 = vector.broadcast %jit3A_1195 : f32 to vector<16x64xf32>
    %select_n3A_1197 = arith.select %eq3A_1194, %mul3A_150, %broadcast_in_dim3A_1196 : vector<16x64xi1>, vector<16x64xf32>
    %reduce_sum3A_1198 = arith.constant dense<0.000000e+00> : vector<16xf32>
    %reduce_sum3A_1199 = vector.multi_reduction <add>, %select_n3A_1197, %reduce_sum3A_1198 [1] : vector<16x64xf32> to vector<16xf32>
    %broadcast_in_dim3A_1200 = vector.shape_cast %reduce_sum3A_1199 : vector<16xf32> to vector<16x1xf32>
    %jit3A_1201 = arith.constant 0.000000e+00 : f32
    %broadcast_in_dim3A_1202 = vector.broadcast %jit3A_1201 : f32 to vector<16x64xf32>
    %select_n3A_1203 = arith.select %eq3A_1194, %mul3A_156, %broadcast_in_dim3A_1202 : vector<16x64xi1>, vector<16x64xf32>
    %reduce_sum3A_1204 = arith.constant dense<0.000000e+00> : vector<16xf32>
    %reduce_sum3A_1205 = vector.multi_reduction <add>, %select_n3A_1203, %reduce_sum3A_1204 [1] : vector<16x64xf32> to vector<16xf32>
    %broadcast_in_dim3A_1206 = vector.shape_cast %reduce_sum3A_1205 : vector<16xf32> to vector<16x1xf32>
    %jit3A_1207 = arith.constant 0.000000e+00 : f32
    %broadcast_in_dim3A_1208 = vector.broadcast %jit3A_1207 : f32 to vector<16x64xf32>
    %select_n3A_1209 = arith.select %eq3A_1194, %mul3A_162, %broadcast_in_dim3A_1208 : vector<16x64xi1>, vector<16x64xf32>
    %reduce_sum3A_1210 = arith.constant dense<0.000000e+00> : vector<16xf32>
    %reduce_sum3A_1211 = vector.multi_reduction <add>, %select_n3A_1209, %reduce_sum3A_1210 [1] : vector<16x64xf32> to vector<16xf32>
    %broadcast_in_dim3A_1212 = vector.shape_cast %reduce_sum3A_1211 : vector<16xf32> to vector<16x1xf32>
    %jit3A_1213 = arith.constant 0.000000e+00 : f32
    %broadcast_in_dim3A_1214 = vector.broadcast %jit3A_1213 : f32 to vector<16x64xf32>
    %select_n3A_1215 = arith.select %eq3A_1194, %mul3A_165, %broadcast_in_dim3A_1214 : vector<16x64xi1>, vector<16x64xf32>
    %reduce_sum3A_1216 = arith.constant dense<0.000000e+00> : vector<16xf32>
    %reduce_sum3A_1217 = vector.multi_reduction <add>, %select_n3A_1215, %reduce_sum3A_1216 [1] : vector<16x64xf32> to vector<16xf32>
    %broadcast_in_dim3A_1218 = vector.shape_cast %reduce_sum3A_1217 : vector<16xf32> to vector<16x1xf32>
    %jit3A_1219 = arith.constant 0.000000e+00 : f32
    %broadcast_in_dim3A_1220 = vector.broadcast %jit3A_1219 : f32 to vector<16x64xf32>
    %select_n3A_1221 = arith.select %eq3A_1194, %mul3A_168, %broadcast_in_dim3A_1220 : vector<16x64xi1>, vector<16x64xf32>
    %reduce_sum3A_1222 = arith.constant dense<0.000000e+00> : vector<16xf32>
    %reduce_sum3A_1223 = vector.multi_reduction <add>, %select_n3A_1221, %reduce_sum3A_1222 [1] : vector<16x64xf32> to vector<16xf32>
    %broadcast_in_dim3A_1224 = vector.shape_cast %reduce_sum3A_1223 : vector<16xf32> to vector<16x1xf32>
    %jit3A_1225 = arith.constant 0.000000e+00 : f32
    %broadcast_in_dim3A_1226 = vector.broadcast %jit3A_1225 : f32 to vector<16x64xf32>
    %select_n3A_1227 = arith.select %eq3A_1194, %mul3A_171, %broadcast_in_dim3A_1226 : vector<16x64xi1>, vector<16x64xf32>
    %reduce_sum3A_1228 = arith.constant dense<0.000000e+00> : vector<16xf32>
    %reduce_sum3A_1229 = vector.multi_reduction <add>, %select_n3A_1227, %reduce_sum3A_1228 [1] : vector<16x64xf32> to vector<16xf32>
    %broadcast_in_dim3A_1230 = vector.shape_cast %reduce_sum3A_1229 : vector<16xf32> to vector<16x1xf32>
    %mul3A_1231 = arith.constant 5.000000e-01 : f32
    %mul3A_1232 = vector.broadcast %mul3A_1231 : f32 to vector<16x1xf32>
    %mul3A_1233 = arith.mulf %broadcast_in_dim3A_1218, %mul3A_1232 : vector<16x1xf32>
    %add3A_1234 = arith.addf %broadcast_in_dim3A_1200, %mul3A_1233 : vector<16x1xf32>
    %min3A_1235 = vector.broadcast %add3A_1234 : vector<16x1xf32> to vector<16x64xf32>
    %min3A_1236 = arith.minimumf %add3A_192, %min3A_1235 : vector<16x64xf32>
    %mul3A_1237 = arith.constant 5.000000e-01 : f32
    %mul3A_1238 = vector.broadcast %mul3A_1237 : f32 to vector<16x1xf32>
    %mul3A_1239 = arith.mulf %broadcast_in_dim3A_1218, %mul3A_1238 : vector<16x1xf32>
    %sub3A_1240 = arith.subf %broadcast_in_dim3A_1200, %mul3A_1239 : vector<16x1xf32>
    %max3A_1241 = vector.broadcast %sub3A_1240 : vector<16x1xf32> to vector<16x64xf32>
    %max3A_1242 = arith.maximumf %sub3A_188, %max3A_1241 : vector<16x64xf32>
    %sub3A_1243 = arith.subf %min3A_1236, %max3A_1242 : vector<16x64xf32>
    %max3A_1244 = arith.constant 0.000000e+00 : f32
    %max3A_1245 = vector.broadcast %max3A_1244 : f32 to vector<16x64xf32>
    %max3A_1246 = arith.maximumf %sub3A_1243, %max3A_1245 : vector<16x64xf32>
    %mul3A_1247 = arith.constant 5.000000e-01 : f32
    %mul3A_1248 = vector.broadcast %mul3A_1247 : f32 to vector<16x1xf32>
    %mul3A_1249 = arith.mulf %broadcast_in_dim3A_1224, %mul3A_1248 : vector<16x1xf32>
    %add3A_1250 = arith.addf %broadcast_in_dim3A_1206, %mul3A_1249 : vector<16x1xf32>
    %min3A_1251 = vector.broadcast %add3A_1250 : vector<16x1xf32> to vector<16x64xf32>
    %min3A_1252 = arith.minimumf %add3A_200, %min3A_1251 : vector<16x64xf32>
    %mul3A_1253 = arith.constant 5.000000e-01 : f32
    %mul3A_1254 = vector.broadcast %mul3A_1253 : f32 to vector<16x1xf32>
    %mul3A_1255 = arith.mulf %broadcast_in_dim3A_1224, %mul3A_1254 : vector<16x1xf32>
    %sub3A_1256 = arith.subf %broadcast_in_dim3A_1206, %mul3A_1255 : vector<16x1xf32>
    %max3A_1257 = vector.broadcast %sub3A_1256 : vector<16x1xf32> to vector<16x64xf32>
    %max3A_1258 = arith.maximumf %sub3A_196, %max3A_1257 : vector<16x64xf32>
    %sub3A_1259 = arith.subf %min3A_1252, %max3A_1258 : vector<16x64xf32>
    %max3A_1260 = arith.constant 0.000000e+00 : f32
    %max3A_1261 = vector.broadcast %max3A_1260 : f32 to vector<16x64xf32>
    %max3A_1262 = arith.maximumf %sub3A_1259, %max3A_1261 : vector<16x64xf32>
    %mul3A_1263 = arith.constant 5.000000e-01 : f32
    %mul3A_1264 = vector.broadcast %mul3A_1263 : f32 to vector<16x1xf32>
    %mul3A_1265 = arith.mulf %broadcast_in_dim3A_1230, %mul3A_1264 : vector<16x1xf32>
    %add3A_1266 = arith.addf %broadcast_in_dim3A_1212, %mul3A_1265 : vector<16x1xf32>
    %min3A_1267 = vector.broadcast %add3A_1266 : vector<16x1xf32> to vector<16x64xf32>
    %min3A_1268 = arith.minimumf %add3A_208, %min3A_1267 : vector<16x64xf32>
    %mul3A_1269 = arith.constant 5.000000e-01 : f32
    %mul3A_1270 = vector.broadcast %mul3A_1269 : f32 to vector<16x1xf32>
    %mul3A_1271 = arith.mulf %broadcast_in_dim3A_1230, %mul3A_1270 : vector<16x1xf32>
    %sub3A_1272 = arith.subf %broadcast_in_dim3A_1212, %mul3A_1271 : vector<16x1xf32>
    %max3A_1273 = vector.broadcast %sub3A_1272 : vector<16x1xf32> to vector<16x64xf32>
    %max3A_1274 = arith.maximumf %sub3A_204, %max3A_1273 : vector<16x64xf32>
    %sub3A_1275 = arith.subf %min3A_1268, %max3A_1274 : vector<16x64xf32>
    %max3A_1276 = arith.constant 0.000000e+00 : f32
    %max3A_1277 = vector.broadcast %max3A_1276 : f32 to vector<16x64xf32>
    %max3A_1278 = arith.maximumf %sub3A_1275, %max3A_1277 : vector<16x64xf32>
    %mul3A_1279 = arith.mulf %max3A_1246, %max3A_1262 : vector<16x64xf32>
    %mul3A_1280 = arith.mulf %mul3A_1279, %max3A_1278 : vector<16x64xf32>
    %mul3A_1281 = arith.mulf %broadcast_in_dim3A_1218, %broadcast_in_dim3A_1224 : vector<16x1xf32>
    %mul3A_1282 = arith.mulf %mul3A_1281, %broadcast_in_dim3A_1230 : vector<16x1xf32>
    %add3A_1283 = vector.broadcast %mul3A_1282 : vector<16x1xf32> to vector<16x64xf32>
    %add3A_1284 = arith.addf %add3A_1283, %mul3A_210 : vector<16x64xf32>
    %sub3A_1285 = arith.subf %add3A_1284, %mul3A_1280 : vector<16x64xf32>
    %add3A_1286 = arith.constant 9.99999993E-9 : f32
    %add3A_1287 = vector.broadcast %add3A_1286 : f32 to vector<16x64xf32>
    %add3A_1288 = arith.addf %sub3A_1285, %add3A_1287 : vector<16x64xf32>
    %div3A_1289 = arith.divf %mul3A_1280, %add3A_1288 : vector<16x64xf32>
    %gt3A_1290 = arith.constant 5.000000e-02 : f32
    %gt3A_1291 = vector.broadcast %gt3A_1290 : f32 to vector<16x64xf32>
    %gt3A_1292 = arith.cmpf ogt, %div3A_1289, %gt3A_1291 : vector<16x64xf32>
    %or3A_1293 = arith.ori %gt3A_1292, %eq3A_1194 : vector<16x64xi1>
    %and3A_1294 = vector.broadcast %gt3A_1184 : vector<16x1xi1> to vector<16x64xi1>
    %and3A_1295 = arith.andi %and3A_1294, %or3A_1293 : vector<16x64xi1>
    %jit3A_1296 = arith.constant 0xFF800000 : f32
    %broadcast_in_dim3A_1297 = vector.broadcast %jit3A_1296 : f32 to vector<16x64xf32>
    %select_n3A_1298 = arith.select %and3A_1295, %broadcast_in_dim3A_1297, %select_n3A_1159 : vector<16x64xi1>, vector<16x64xf32>
    %broadcast_in_dim3A_1299 = arith.constant -1.000000e+00 : f32
    %broadcast_in_dim3A_1300 = vector.broadcast %broadcast_in_dim3A_1299 : f32 to vector<16x1xf32>
    %jit3A_1301 = arith.constant 1.000000e+00 : f32
    %broadcast_in_dim3A_1302 = vector.broadcast %jit3A_1301 : f32 to vector<16x1xf32>
    %select_n3A_1303 = arith.select %gt3A_1184, %broadcast_in_dim3A_1302, %broadcast_in_dim3A_1300 : vector<16x1xi1>, vector<16x1xf32>
    %select_n3A_1304 = arith.select %gt3A_1184, %broadcast_in_dim3A_1181, %broadcast_in_dim3A_1300 : vector<16x1xi1>, vector<16x1xf32>
    %select_n3A_1305 = arith.select %gt3A_1184, %broadcast_in_dim3A_1200, %broadcast_in_dim3A_1300 : vector<16x1xi1>, vector<16x1xf32>
    %select_n3A_1306 = arith.select %gt3A_1184, %broadcast_in_dim3A_1206, %broadcast_in_dim3A_1300 : vector<16x1xi1>, vector<16x1xf32>
    %select_n3A_1307 = arith.select %gt3A_1184, %broadcast_in_dim3A_1212, %broadcast_in_dim3A_1300 : vector<16x1xi1>, vector<16x1xf32>
    %select_n3A_1308 = arith.select %gt3A_1184, %broadcast_in_dim3A_1218, %broadcast_in_dim3A_1300 : vector<16x1xi1>, vector<16x1xf32>
    %select_n3A_1309 = arith.select %gt3A_1184, %broadcast_in_dim3A_1224, %broadcast_in_dim3A_1300 : vector<16x1xi1>, vector<16x1xf32>
    %select_n3A_1310 = arith.select %gt3A_1184, %broadcast_in_dim3A_1230, %broadcast_in_dim3A_1300 : vector<16x1xi1>, vector<16x1xf32>
    %concatenate3A_1311 = tpu.concatenate %select_n3A_1303, %select_n3A_1304, %select_n3A_1305, %select_n3A_1306, %select_n3A_1307, %select_n3A_1308, %select_n3A_1309, %select_n3A_1310 in 1 : vector<16x1xf32>, vector<16x1xf32>, vector<16x1xf32>, vector<16x1xf32>, vector<16x1xf32>, vector<16x1xf32>, vector<16x1xf32>, vector<16x1xf32> -> vector<16x8xf32>
    %swap3A_1312 = arith.constant 0 : index
    %swap3A_1313 = arith.constant 7 : index
    %swap3A_1314 = arith.constant 0 : index
    %swap3A_1315 = vector.load %arg4[%swap3A_1312, %swap3A_1313, %swap3A_1314] : memref<16x60x8xf32, #tpu.memory_space<vmem>>, vector<16x1x8xf32>
    %swap3A_1316 = vector.shape_cast %swap3A_1315 : vector<16x1x8xf32> to vector<16x8xf32>
    %swap3A_1317 = vector.shape_cast %concatenate3A_1311 : vector<16x8xf32> to vector<16x1x8xf32>
    tpu.vector_store %arg4[%swap3A_1312, %swap3A_1313, %swap3A_1314], %swap3A_1317 {strides = array<i32>} : memref<16x60x8xf32, #tpu.memory_space<vmem>>, vector<16x1x8xf32>,
    %reduce_max3A_1318 = arith.constant dense<0xFF800000> : vector<16xf32>
    %reduce_max3A_1319 = vector.multi_reduction <maximumf>, %select_n3A_1298, %reduce_max3A_1318 [1] : vector<16x64xf32> to vector<16xf32>
    %broadcast_in_dim3A_1320 = vector.shape_cast %reduce_max3A_1319 : vector<16xf32> to vector<16x1xf32>
    %gt3A_1321 = arith.constant 0xFF800000 : f32
    %gt3A_1322 = vector.broadcast %gt3A_1321 : f32 to vector<16x1xf32>
    %gt3A_1323 = arith.cmpf ogt, %broadcast_in_dim3A_1320, %gt3A_1322 : vector<16x1xf32>
    %eq3A_1324 = vector.broadcast %broadcast_in_dim3A_1320 : vector<16x1xf32> to vector<16x64xf32>
    %eq3A_1325 = arith.cmpf oeq, %select_n3A_1298, %eq3A_1324 : vector<16x64xf32>
    %jit3A_1326 = arith.constant 64 : i32
    %broadcast_in_dim3A_1327 = vector.broadcast %jit3A_1326 : i32 to vector<16x64xi32>
    %select_n3A_1328 = arith.select %eq3A_1325, %iota3A_172, %broadcast_in_dim3A_1327 : vector<16x64xi1>, vector<16x64xi32>
    %reduce_min3A_1329 = arith.constant dense<2147483647> : vector<16xi32>
    %reduce_min3A_1330 = vector.multi_reduction <minsi>, %select_n3A_1328, %reduce_min3A_1329 [1] : vector<16x64xi32> to vector<16xi32>
    %broadcast_in_dim3A_1331 = vector.shape_cast %reduce_min3A_1330 : vector<16xi32> to vector<16x1xi32>
    %eq3A_1332 = vector.broadcast %broadcast_in_dim3A_1331 : vector<16x1xi32> to vector<16x64xi32>
    %eq3A_1333 = arith.cmpi eq, %iota3A_172, %eq3A_1332 : vector<16x64xi32>
    %jit3A_1334 = arith.constant 0.000000e+00 : f32
    %broadcast_in_dim3A_1335 = vector.broadcast %jit3A_1334 : f32 to vector<16x64xf32>
    %select_n3A_1336 = arith.select %eq3A_1333, %mul3A_150, %broadcast_in_dim3A_1335 : vector<16x64xi1>, vector<16x64xf32>
    %reduce_sum3A_1337 = arith.constant dense<0.000000e+00> : vector<16xf32>
    %reduce_sum3A_1338 = vector.multi_reduction <add>, %select_n3A_1336, %reduce_sum3A_1337 [1] : vector<16x64xf32> to vector<16xf32>
    %broadcast_in_dim3A_1339 = vector.shape_cast %reduce_sum3A_1338 : vector<16xf32> to vector<16x1xf32>
    %jit3A_1340 = arith.constant 0.000000e+00 : f32
    %broadcast_in_dim3A_1341 = vector.broadcast %jit3A_1340 : f32 to vector<16x64xf32>
    %select_n3A_1342 = arith.select %eq3A_1333, %mul3A_156, %broadcast_in_dim3A_1341 : vector<16x64xi1>, vector<16x64xf32>
    %reduce_sum3A_1343 = arith.constant dense<0.000000e+00> : vector<16xf32>
    %reduce_sum3A_1344 = vector.multi_reduction <add>, %select_n3A_1342, %reduce_sum3A_1343 [1] : vector<16x64xf32> to vector<16xf32>
    %broadcast_in_dim3A_1345 = vector.shape_cast %reduce_sum3A_1344 : vector<16xf32> to vector<16x1xf32>
    %jit3A_1346 = arith.constant 0.000000e+00 : f32
    %broadcast_in_dim3A_1347 = vector.broadcast %jit3A_1346 : f32 to vector<16x64xf32>
    %select_n3A_1348 = arith.select %eq3A_1333, %mul3A_162, %broadcast_in_dim3A_1347 : vector<16x64xi1>, vector<16x64xf32>
    %reduce_sum3A_1349 = arith.constant dense<0.000000e+00> : vector<16xf32>
    %reduce_sum3A_1350 = vector.multi_reduction <add>, %select_n3A_1348, %reduce_sum3A_1349 [1] : vector<16x64xf32> to vector<16xf32>
    %broadcast_in_dim3A_1351 = vector.shape_cast %reduce_sum3A_1350 : vector<16xf32> to vector<16x1xf32>
    %jit3A_1352 = arith.constant 0.000000e+00 : f32
    %broadcast_in_dim3A_1353 = vector.broadcast %jit3A_1352 : f32 to vector<16x64xf32>
    %select_n3A_1354 = arith.select %eq3A_1333, %mul3A_165, %broadcast_in_dim3A_1353 : vector<16x64xi1>, vector<16x64xf32>
    %reduce_sum3A_1355 = arith.constant dense<0.000000e+00> : vector<16xf32>
    %reduce_sum3A_1356 = vector.multi_reduction <add>, %select_n3A_1354, %reduce_sum3A_1355 [1] : vector<16x64xf32> to vector<16xf32>
    %broadcast_in_dim3A_1357 = vector.shape_cast %reduce_sum3A_1356 : vector<16xf32> to vector<16x1xf32>
    %jit3A_1358 = arith.constant 0.000000e+00 : f32
    %broadcast_in_dim3A_1359 = vector.broadcast %jit3A_1358 : f32 to vector<16x64xf32>
    %select_n3A_1360 = arith.select %eq3A_1333, %mul3A_168, %broadcast_in_dim3A_1359 : vector<16x64xi1>, vector<16x64xf32>
    %reduce_sum3A_1361 = arith.constant dense<0.000000e+00> : vector<16xf32>
    %reduce_sum3A_1362 = vector.multi_reduction <add>, %select_n3A_1360, %reduce_sum3A_1361 [1] : vector<16x64xf32> to vector<16xf32>
    %broadcast_in_dim3A_1363 = vector.shape_cast %reduce_sum3A_1362 : vector<16xf32> to vector<16x1xf32>
    %jit3A_1364 = arith.constant 0.000000e+00 : f32
    %broadcast_in_dim3A_1365 = vector.broadcast %jit3A_1364 : f32 to vector<16x64xf32>
    %select_n3A_1366 = arith.select %eq3A_1333, %mul3A_171, %broadcast_in_dim3A_1365 : vector<16x64xi1>, vector<16x64xf32>
    %reduce_sum3A_1367 = arith.constant dense<0.000000e+00> : vector<16xf32>
    %reduce_sum3A_1368 = vector.multi_reduction <add>, %select_n3A_1366, %reduce_sum3A_1367 [1] : vector<16x64xf32> to vector<16xf32>
    %broadcast_in_dim3A_1369 = vector.shape_cast %reduce_sum3A_1368 : vector<16xf32> to vector<16x1xf32>
    %mul3A_1370 = arith.constant 5.000000e-01 : f32
    %mul3A_1371 = vector.broadcast %mul3A_1370 : f32 to vector<16x1xf32>
    %mul3A_1372 = arith.mulf %broadcast_in_dim3A_1357, %mul3A_1371 : vector<16x1xf32>
    %add3A_1373 = arith.addf %broadcast_in_dim3A_1339, %mul3A_1372 : vector<16x1xf32>
    %min3A_1374 = vector.broadcast %add3A_1373 : vector<16x1xf32> to vector<16x64xf32>
    %min3A_1375 = arith.minimumf %add3A_192, %min3A_1374 : vector<16x64xf32>
    %mul3A_1376 = arith.constant 5.000000e-01 : f32
    %mul3A_1377 = vector.broadcast %mul3A_1376 : f32 to vector<16x1xf32>
    %mul3A_1378 = arith.mulf %broadcast_in_dim3A_1357, %mul3A_1377 : vector<16x1xf32>
    %sub3A_1379 = arith.subf %broadcast_in_dim3A_1339, %mul3A_1378 : vector<16x1xf32>
    %max3A_1380 = vector.broadcast %sub3A_1379 : vector<16x1xf32> to vector<16x64xf32>
    %max3A_1381 = arith.maximumf %sub3A_188, %max3A_1380 : vector<16x64xf32>
    %sub3A_1382 = arith.subf %min3A_1375, %max3A_1381 : vector<16x64xf32>
    %max3A_1383 = arith.constant 0.000000e+00 : f32
    %max3A_1384 = vector.broadcast %max3A_1383 : f32 to vector<16x64xf32>
    %max3A_1385 = arith.maximumf %sub3A_1382, %max3A_1384 : vector<16x64xf32>
    %mul3A_1386 = arith.constant 5.000000e-01 : f32
    %mul3A_1387 = vector.broadcast %mul3A_1386 : f32 to vector<16x1xf32>
    %mul3A_1388 = arith.mulf %broadcast_in_dim3A_1363, %mul3A_1387 : vector<16x1xf32>
    %add3A_1389 = arith.addf %broadcast_in_dim3A_1345, %mul3A_1388 : vector<16x1xf32>
    %min3A_1390 = vector.broadcast %add3A_1389 : vector<16x1xf32> to vector<16x64xf32>
    %min3A_1391 = arith.minimumf %add3A_200, %min3A_1390 : vector<16x64xf32>
    %mul3A_1392 = arith.constant 5.000000e-01 : f32
    %mul3A_1393 = vector.broadcast %mul3A_1392 : f32 to vector<16x1xf32>
    %mul3A_1394 = arith.mulf %broadcast_in_dim3A_1363, %mul3A_1393 : vector<16x1xf32>
    %sub3A_1395 = arith.subf %broadcast_in_dim3A_1345, %mul3A_1394 : vector<16x1xf32>
    %max3A_1396 = vector.broadcast %sub3A_1395 : vector<16x1xf32> to vector<16x64xf32>
    %max3A_1397 = arith.maximumf %sub3A_196, %max3A_1396 : vector<16x64xf32>
    %sub3A_1398 = arith.subf %min3A_1391, %max3A_1397 : vector<16x64xf32>
    %max3A_1399 = arith.constant 0.000000e+00 : f32
    %max3A_1400 = vector.broadcast %max3A_1399 : f32 to vector<16x64xf32>
    %max3A_1401 = arith.maximumf %sub3A_1398, %max3A_1400 : vector<16x64xf32>
    %mul3A_1402 = arith.constant 5.000000e-01 : f32
    %mul3A_1403 = vector.broadcast %mul3A_1402 : f32 to vector<16x1xf32>
    %mul3A_1404 = arith.mulf %broadcast_in_dim3A_1369, %mul3A_1403 : vector<16x1xf32>
    %add3A_1405 = arith.addf %broadcast_in_dim3A_1351, %mul3A_1404 : vector<16x1xf32>
    %min3A_1406 = vector.broadcast %add3A_1405 : vector<16x1xf32> to vector<16x64xf32>
    %min3A_1407 = arith.minimumf %add3A_208, %min3A_1406 : vector<16x64xf32>
    %mul3A_1408 = arith.constant 5.000000e-01 : f32
    %mul3A_1409 = vector.broadcast %mul3A_1408 : f32 to vector<16x1xf32>
    %mul3A_1410 = arith.mulf %broadcast_in_dim3A_1369, %mul3A_1409 : vector<16x1xf32>
    %sub3A_1411 = arith.subf %broadcast_in_dim3A_1351, %mul3A_1410 : vector<16x1xf32>
    %max3A_1412 = vector.broadcast %sub3A_1411 : vector<16x1xf32> to vector<16x64xf32>
    %max3A_1413 = arith.maximumf %sub3A_204, %max3A_1412 : vector<16x64xf32>
    %sub3A_1414 = arith.subf %min3A_1407, %max3A_1413 : vector<16x64xf32>
    %max3A_1415 = arith.constant 0.000000e+00 : f32
    %max3A_1416 = vector.broadcast %max3A_1415 : f32 to vector<16x64xf32>
    %max3A_1417 = arith.maximumf %sub3A_1414, %max3A_1416 : vector<16x64xf32>
    %mul3A_1418 = arith.mulf %max3A_1385, %max3A_1401 : vector<16x64xf32>
    %mul3A_1419 = arith.mulf %mul3A_1418, %max3A_1417 : vector<16x64xf32>
    %mul3A_1420 = arith.mulf %broadcast_in_dim3A_1357, %broadcast_in_dim3A_1363 : vector<16x1xf32>
    %mul3A_1421 = arith.mulf %mul3A_1420, %broadcast_in_dim3A_1369 : vector<16x1xf32>
    %add3A_1422 = vector.broadcast %mul3A_1421 : vector<16x1xf32> to vector<16x64xf32>
    %add3A_1423 = arith.addf %add3A_1422, %mul3A_210 : vector<16x64xf32>
    %sub3A_1424 = arith.subf %add3A_1423, %mul3A_1419 : vector<16x64xf32>
    %add3A_1425 = arith.constant 9.99999993E-9 : f32
    %add3A_1426 = vector.broadcast %add3A_1425 : f32 to vector<16x64xf32>
    %add3A_1427 = arith.addf %sub3A_1424, %add3A_1426 : vector<16x64xf32>
    %div3A_1428 = arith.divf %mul3A_1419, %add3A_1427 : vector<16x64xf32>
    %gt3A_1429 = arith.constant 5.000000e-02 : f32
    %gt3A_1430 = vector.broadcast %gt3A_1429 : f32 to vector<16x64xf32>
    %gt3A_1431 = arith.cmpf ogt, %div3A_1428, %gt3A_1430 : vector<16x64xf32>
    %or3A_1432 = arith.ori %gt3A_1431, %eq3A_1333 : vector<16x64xi1>
    %and3A_1433 = vector.broadcast %gt3A_1323 : vector<16x1xi1> to vector<16x64xi1>
    %and3A_1434 = arith.andi %and3A_1433, %or3A_1432 : vector<16x64xi1>
    %jit3A_1435 = arith.constant 0xFF800000 : f32
    %broadcast_in_dim3A_1436 = vector.broadcast %jit3A_1435 : f32 to vector<16x64xf32>
    %select_n3A_1437 = arith.select %and3A_1434, %broadcast_in_dim3A_1436, %select_n3A_1298 : vector<16x64xi1>, vector<16x64xf32>
    %broadcast_in_dim3A_1438 = arith.constant -1.000000e+00 : f32
    %broadcast_in_dim3A_1439 = vector.broadcast %broadcast_in_dim3A_1438 : f32 to vector<16x1xf32>
    %jit3A_1440 = arith.constant 1.000000e+00 : f32
    %broadcast_in_dim3A_1441 = vector.broadcast %jit3A_1440 : f32 to vector<16x1xf32>
    %select_n3A_1442 = arith.select %gt3A_1323, %broadcast_in_dim3A_1441, %broadcast_in_dim3A_1439 : vector<16x1xi1>, vector<16x1xf32>
    %select_n3A_1443 = arith.select %gt3A_1323, %broadcast_in_dim3A_1320, %broadcast_in_dim3A_1439 : vector<16x1xi1>, vector<16x1xf32>
    %select_n3A_1444 = arith.select %gt3A_1323, %broadcast_in_dim3A_1339, %broadcast_in_dim3A_1439 : vector<16x1xi1>, vector<16x1xf32>
    %select_n3A_1445 = arith.select %gt3A_1323, %broadcast_in_dim3A_1345, %broadcast_in_dim3A_1439 : vector<16x1xi1>, vector<16x1xf32>
    %select_n3A_1446 = arith.select %gt3A_1323, %broadcast_in_dim3A_1351, %broadcast_in_dim3A_1439 : vector<16x1xi1>, vector<16x1xf32>
    %select_n3A_1447 = arith.select %gt3A_1323, %broadcast_in_dim3A_1357, %broadcast_in_dim3A_1439 : vector<16x1xi1>, vector<16x1xf32>
    %select_n3A_1448 = arith.select %gt3A_1323, %broadcast_in_dim3A_1363, %broadcast_in_dim3A_1439 : vector<16x1xi1>, vector<16x1xf32>
    %select_n3A_1449 = arith.select %gt3A_1323, %broadcast_in_dim3A_1369, %broadcast_in_dim3A_1439 : vector<16x1xi1>, vector<16x1xf32>
    %concatenate3A_1450 = tpu.concatenate %select_n3A_1442, %select_n3A_1443, %select_n3A_1444, %select_n3A_1445, %select_n3A_1446, %select_n3A_1447, %select_n3A_1448, %select_n3A_1449 in 1 : vector<16x1xf32>, vector<16x1xf32>, vector<16x1xf32>, vector<16x1xf32>, vector<16x1xf32>, vector<16x1xf32>, vector<16x1xf32>, vector<16x1xf32> -> vector<16x8xf32>
    %swap3A_1451 = arith.constant 0 : index
    %swap3A_1452 = arith.constant 8 : index
    %swap3A_1453 = arith.constant 0 : index
    %swap3A_1454 = vector.load %arg4[%swap3A_1451, %swap3A_1452, %swap3A_1453] : memref<16x60x8xf32, #tpu.memory_space<vmem>>, vector<16x1x8xf32>
    %swap3A_1455 = vector.shape_cast %swap3A_1454 : vector<16x1x8xf32> to vector<16x8xf32>
    %swap3A_1456 = vector.shape_cast %concatenate3A_1450 : vector<16x8xf32> to vector<16x1x8xf32>
    tpu.vector_store %arg4[%swap3A_1451, %swap3A_1452, %swap3A_1453], %swap3A_1456 {strides = array<i32>} : memref<16x60x8xf32, #tpu.memory_space<vmem>>, vector<16x1x8xf32>,
    %reduce_max3A_1457 = arith.constant dense<0xFF800000> : vector<16xf32>
    %reduce_max3A_1458 = vector.multi_reduction <maximumf>, %select_n3A_1437, %reduce_max3A_1457 [1] : vector<16x64xf32> to vector<16xf32>
    %broadcast_in_dim3A_1459 = vector.shape_cast %reduce_max3A_1458 : vector<16xf32> to vector<16x1xf32>
    %gt3A_1460 = arith.constant 0xFF800000 : f32
    %gt3A_1461 = vector.broadcast %gt3A_1460 : f32 to vector<16x1xf32>
    %gt3A_1462 = arith.cmpf ogt, %broadcast_in_dim3A_1459, %gt3A_1461 : vector<16x1xf32>
    %eq3A_1463 = vector.broadcast %broadcast_in_dim3A_1459 : vector<16x1xf32> to vector<16x64xf32>
    %eq3A_1464 = arith.cmpf oeq, %select_n3A_1437, %eq3A_1463 : vector<16x64xf32>
    %jit3A_1465 = arith.constant 64 : i32
    %broadcast_in_dim3A_1466 = vector.broadcast %jit3A_1465 : i32 to vector<16x64xi32>
    %select_n3A_1467 = arith.select %eq3A_1464, %iota3A_172, %broadcast_in_dim3A_1466 : vector<16x64xi1>, vector<16x64xi32>
    %reduce_min3A_1468 = arith.constant dense<2147483647> : vector<16xi32>
    %reduce_min3A_1469 = vector.multi_reduction <minsi>, %select_n3A_1467, %reduce_min3A_1468 [1] : vector<16x64xi32> to vector<16xi32>
    %broadcast_in_dim3A_1470 = vector.shape_cast %reduce_min3A_1469 : vector<16xi32> to vector<16x1xi32>
    %eq3A_1471 = vector.broadcast %broadcast_in_dim3A_1470 : vector<16x1xi32> to vector<16x64xi32>
    %eq3A_1472 = arith.cmpi eq, %iota3A_172, %eq3A_1471 : vector<16x64xi32>
    %jit3A_1473 = arith.constant 0.000000e+00 : f32
    %broadcast_in_dim3A_1474 = vector.broadcast %jit3A_1473 : f32 to vector<16x64xf32>
    %select_n3A_1475 = arith.select %eq3A_1472, %mul3A_150, %broadcast_in_dim3A_1474 : vector<16x64xi1>, vector<16x64xf32>
    %reduce_sum3A_1476 = arith.constant dense<0.000000e+00> : vector<16xf32>
    %reduce_sum3A_1477 = vector.multi_reduction <add>, %select_n3A_1475, %reduce_sum3A_1476 [1] : vector<16x64xf32> to vector<16xf32>
    %broadcast_in_dim3A_1478 = vector.shape_cast %reduce_sum3A_1477 : vector<16xf32> to vector<16x1xf32>
    %jit3A_1479 = arith.constant 0.000000e+00 : f32
    %broadcast_in_dim3A_1480 = vector.broadcast %jit3A_1479 : f32 to vector<16x64xf32>
    %select_n3A_1481 = arith.select %eq3A_1472, %mul3A_156, %broadcast_in_dim3A_1480 : vector<16x64xi1>, vector<16x64xf32>
    %reduce_sum3A_1482 = arith.constant dense<0.000000e+00> : vector<16xf32>
    %reduce_sum3A_1483 = vector.multi_reduction <add>, %select_n3A_1481, %reduce_sum3A_1482 [1] : vector<16x64xf32> to vector<16xf32>
    %broadcast_in_dim3A_1484 = vector.shape_cast %reduce_sum3A_1483 : vector<16xf32> to vector<16x1xf32>
    %jit3A_1485 = arith.constant 0.000000e+00 : f32
    %broadcast_in_dim3A_1486 = vector.broadcast %jit3A_1485 : f32 to vector<16x64xf32>
    %select_n3A_1487 = arith.select %eq3A_1472, %mul3A_162, %broadcast_in_dim3A_1486 : vector<16x64xi1>, vector<16x64xf32>
    %reduce_sum3A_1488 = arith.constant dense<0.000000e+00> : vector<16xf32>
    %reduce_sum3A_1489 = vector.multi_reduction <add>, %select_n3A_1487, %reduce_sum3A_1488 [1] : vector<16x64xf32> to vector<16xf32>
    %broadcast_in_dim3A_1490 = vector.shape_cast %reduce_sum3A_1489 : vector<16xf32> to vector<16x1xf32>
    %jit3A_1491 = arith.constant 0.000000e+00 : f32
    %broadcast_in_dim3A_1492 = vector.broadcast %jit3A_1491 : f32 to vector<16x64xf32>
    %select_n3A_1493 = arith.select %eq3A_1472, %mul3A_165, %broadcast_in_dim3A_1492 : vector<16x64xi1>, vector<16x64xf32>
    %reduce_sum3A_1494 = arith.constant dense<0.000000e+00> : vector<16xf32>
    %reduce_sum3A_1495 = vector.multi_reduction <add>, %select_n3A_1493, %reduce_sum3A_1494 [1] : vector<16x64xf32> to vector<16xf32>
    %broadcast_in_dim3A_1496 = vector.shape_cast %reduce_sum3A_1495 : vector<16xf32> to vector<16x1xf32>
    %jit3A_1497 = arith.constant 0.000000e+00 : f32
    %broadcast_in_dim3A_1498 = vector.broadcast %jit3A_1497 : f32 to vector<16x64xf32>
    %select_n3A_1499 = arith.select %eq3A_1472, %mul3A_168, %broadcast_in_dim3A_1498 : vector<16x64xi1>, vector<16x64xf32>
    %reduce_sum3A_1500 = arith.constant dense<0.000000e+00> : vector<16xf32>
    %reduce_sum3A_1501 = vector.multi_reduction <add>, %select_n3A_1499, %reduce_sum3A_1500 [1] : vector<16x64xf32> to vector<16xf32>
    %broadcast_in_dim3A_1502 = vector.shape_cast %reduce_sum3A_1501 : vector<16xf32> to vector<16x1xf32>
    %jit3A_1503 = arith.constant 0.000000e+00 : f32
    %broadcast_in_dim3A_1504 = vector.broadcast %jit3A_1503 : f32 to vector<16x64xf32>
    %select_n3A_1505 = arith.select %eq3A_1472, %mul3A_171, %broadcast_in_dim3A_1504 : vector<16x64xi1>, vector<16x64xf32>
    %reduce_sum3A_1506 = arith.constant dense<0.000000e+00> : vector<16xf32>
    %reduce_sum3A_1507 = vector.multi_reduction <add>, %select_n3A_1505, %reduce_sum3A_1506 [1] : vector<16x64xf32> to vector<16xf32>
    %broadcast_in_dim3A_1508 = vector.shape_cast %reduce_sum3A_1507 : vector<16xf32> to vector<16x1xf32>
    %mul3A_1509 = arith.constant 5.000000e-01 : f32
    %mul3A_1510 = vector.broadcast %mul3A_1509 : f32 to vector<16x1xf32>
    %mul3A_1511 = arith.mulf %broadcast_in_dim3A_1496, %mul3A_1510 : vector<16x1xf32>
    %add3A_1512 = arith.addf %broadcast_in_dim3A_1478, %mul3A_1511 : vector<16x1xf32>
    %min3A_1513 = vector.broadcast %add3A_1512 : vector<16x1xf32> to vector<16x64xf32>
    %min3A_1514 = arith.minimumf %add3A_192, %min3A_1513 : vector<16x64xf32>
    %mul3A_1515 = arith.constant 5.000000e-01 : f32
    %mul3A_1516 = vector.broadcast %mul3A_1515 : f32 to vector<16x1xf32>
    %mul3A_1517 = arith.mulf %broadcast_in_dim3A_1496, %mul3A_1516 : vector<16x1xf32>
    %sub3A_1518 = arith.subf %broadcast_in_dim3A_1478, %mul3A_1517 : vector<16x1xf32>
    %max3A_1519 = vector.broadcast %sub3A_1518 : vector<16x1xf32> to vector<16x64xf32>
    %max3A_1520 = arith.maximumf %sub3A_188, %max3A_1519 : vector<16x64xf32>
    %sub3A_1521 = arith.subf %min3A_1514, %max3A_1520 : vector<16x64xf32>
    %max3A_1522 = arith.constant 0.000000e+00 : f32
    %max3A_1523 = vector.broadcast %max3A_1522 : f32 to vector<16x64xf32>
    %max3A_1524 = arith.maximumf %sub3A_1521, %max3A_1523 : vector<16x64xf32>
    %mul3A_1525 = arith.constant 5.000000e-01 : f32
    %mul3A_1526 = vector.broadcast %mul3A_1525 : f32 to vector<16x1xf32>
    %mul3A_1527 = arith.mulf %broadcast_in_dim3A_1502, %mul3A_1526 : vector<16x1xf32>
    %add3A_1528 = arith.addf %broadcast_in_dim3A_1484, %mul3A_1527 : vector<16x1xf32>
    %min3A_1529 = vector.broadcast %add3A_1528 : vector<16x1xf32> to vector<16x64xf32>
    %min3A_1530 = arith.minimumf %add3A_200, %min3A_1529 : vector<16x64xf32>
    %mul3A_1531 = arith.constant 5.000000e-01 : f32
    %mul3A_1532 = vector.broadcast %mul3A_1531 : f32 to vector<16x1xf32>
    %mul3A_1533 = arith.mulf %broadcast_in_dim3A_1502, %mul3A_1532 : vector<16x1xf32>
    %sub3A_1534 = arith.subf %broadcast_in_dim3A_1484, %mul3A_1533 : vector<16x1xf32>
    %max3A_1535 = vector.broadcast %sub3A_1534 : vector<16x1xf32> to vector<16x64xf32>
    %max3A_1536 = arith.maximumf %sub3A_196, %max3A_1535 : vector<16x64xf32>
    %sub3A_1537 = arith.subf %min3A_1530, %max3A_1536 : vector<16x64xf32>
    %max3A_1538 = arith.constant 0.000000e+00 : f32
    %max3A_1539 = vector.broadcast %max3A_1538 : f32 to vector<16x64xf32>
    %max3A_1540 = arith.maximumf %sub3A_1537, %max3A_1539 : vector<16x64xf32>
    %mul3A_1541 = arith.constant 5.000000e-01 : f32
    %mul3A_1542 = vector.broadcast %mul3A_1541 : f32 to vector<16x1xf32>
    %mul3A_1543 = arith.mulf %broadcast_in_dim3A_1508, %mul3A_1542 : vector<16x1xf32>
    %add3A_1544 = arith.addf %broadcast_in_dim3A_1490, %mul3A_1543 : vector<16x1xf32>
    %min3A_1545 = vector.broadcast %add3A_1544 : vector<16x1xf32> to vector<16x64xf32>
    %min3A_1546 = arith.minimumf %add3A_208, %min3A_1545 : vector<16x64xf32>
    %mul3A_1547 = arith.constant 5.000000e-01 : f32
    %mul3A_1548 = vector.broadcast %mul3A_1547 : f32 to vector<16x1xf32>
    %mul3A_1549 = arith.mulf %broadcast_in_dim3A_1508, %mul3A_1548 : vector<16x1xf32>
    %sub3A_1550 = arith.subf %broadcast_in_dim3A_1490, %mul3A_1549 : vector<16x1xf32>
    %max3A_1551 = vector.broadcast %sub3A_1550 : vector<16x1xf32> to vector<16x64xf32>
    %max3A_1552 = arith.maximumf %sub3A_204, %max3A_1551 : vector<16x64xf32>
    %sub3A_1553 = arith.subf %min3A_1546, %max3A_1552 : vector<16x64xf32>
    %max3A_1554 = arith.constant 0.000000e+00 : f32
    %max3A_1555 = vector.broadcast %max3A_1554 : f32 to vector<16x64xf32>
    %max3A_1556 = arith.maximumf %sub3A_1553, %max3A_1555 : vector<16x64xf32>
    %mul3A_1557 = arith.mulf %max3A_1524, %max3A_1540 : vector<16x64xf32>
    %mul3A_1558 = arith.mulf %mul3A_1557, %max3A_1556 : vector<16x64xf32>
    %mul3A_1559 = arith.mulf %broadcast_in_dim3A_1496, %broadcast_in_dim3A_1502 : vector<16x1xf32>
    %mul3A_1560 = arith.mulf %mul3A_1559, %broadcast_in_dim3A_1508 : vector<16x1xf32>
    %add3A_1561 = vector.broadcast %mul3A_1560 : vector<16x1xf32> to vector<16x64xf32>
    %add3A_1562 = arith.addf %add3A_1561, %mul3A_210 : vector<16x64xf32>
    %sub3A_1563 = arith.subf %add3A_1562, %mul3A_1558 : vector<16x64xf32>
    %add3A_1564 = arith.constant 9.99999993E-9 : f32
    %add3A_1565 = vector.broadcast %add3A_1564 : f32 to vector<16x64xf32>
    %add3A_1566 = arith.addf %sub3A_1563, %add3A_1565 : vector<16x64xf32>
    %div3A_1567 = arith.divf %mul3A_1558, %add3A_1566 : vector<16x64xf32>
    %gt3A_1568 = arith.constant 5.000000e-02 : f32
    %gt3A_1569 = vector.broadcast %gt3A_1568 : f32 to vector<16x64xf32>
    %gt3A_1570 = arith.cmpf ogt, %div3A_1567, %gt3A_1569 : vector<16x64xf32>
    %or3A_1571 = arith.ori %gt3A_1570, %eq3A_1472 : vector<16x64xi1>
    %and3A_1572 = vector.broadcast %gt3A_1462 : vector<16x1xi1> to vector<16x64xi1>
    %and3A_1573 = arith.andi %and3A_1572, %or3A_1571 : vector<16x64xi1>
    %jit3A_1574 = arith.constant 0xFF800000 : f32
    %broadcast_in_dim3A_1575 = vector.broadcast %jit3A_1574 : f32 to vector<16x64xf32>
    %select_n3A_1576 = arith.select %and3A_1573, %broadcast_in_dim3A_1575, %select_n3A_1437 : vector<16x64xi1>, vector<16x64xf32>
    %broadcast_in_dim3A_1577 = arith.constant -1.000000e+00 : f32
    %broadcast_in_dim3A_1578 = vector.broadcast %broadcast_in_dim3A_1577 : f32 to vector<16x1xf32>
    %jit3A_1579 = arith.constant 1.000000e+00 : f32
    %broadcast_in_dim3A_1580 = vector.broadcast %jit3A_1579 : f32 to vector<16x1xf32>
    %select_n3A_1581 = arith.select %gt3A_1462, %broadcast_in_dim3A_1580, %broadcast_in_dim3A_1578 : vector<16x1xi1>, vector<16x1xf32>
    %select_n3A_1582 = arith.select %gt3A_1462, %broadcast_in_dim3A_1459, %broadcast_in_dim3A_1578 : vector<16x1xi1>, vector<16x1xf32>
    %select_n3A_1583 = arith.select %gt3A_1462, %broadcast_in_dim3A_1478, %broadcast_in_dim3A_1578 : vector<16x1xi1>, vector<16x1xf32>
    %select_n3A_1584 = arith.select %gt3A_1462, %broadcast_in_dim3A_1484, %broadcast_in_dim3A_1578 : vector<16x1xi1>, vector<16x1xf32>
    %select_n3A_1585 = arith.select %gt3A_1462, %broadcast_in_dim3A_1490, %broadcast_in_dim3A_1578 : vector<16x1xi1>, vector<16x1xf32>
    %select_n3A_1586 = arith.select %gt3A_1462, %broadcast_in_dim3A_1496, %broadcast_in_dim3A_1578 : vector<16x1xi1>, vector<16x1xf32>
    %select_n3A_1587 = arith.select %gt3A_1462, %broadcast_in_dim3A_1502, %broadcast_in_dim3A_1578 : vector<16x1xi1>, vector<16x1xf32>
    %select_n3A_1588 = arith.select %gt3A_1462, %broadcast_in_dim3A_1508, %broadcast_in_dim3A_1578 : vector<16x1xi1>, vector<16x1xf32>
    %concatenate3A_1589 = tpu.concatenate %select_n3A_1581, %select_n3A_1582, %select_n3A_1583, %select_n3A_1584, %select_n3A_1585, %select_n3A_1586, %select_n3A_1587, %select_n3A_1588 in 1 : vector<16x1xf32>, vector<16x1xf32>, vector<16x1xf32>, vector<16x1xf32>, vector<16x1xf32>, vector<16x1xf32>, vector<16x1xf32>, vector<16x1xf32> -> vector<16x8xf32>
    %swap3A_1590 = arith.constant 0 : index
    %swap3A_1591 = arith.constant 9 : index
    %swap3A_1592 = arith.constant 0 : index
    %swap3A_1593 = vector.load %arg4[%swap3A_1590, %swap3A_1591, %swap3A_1592] : memref<16x60x8xf32, #tpu.memory_space<vmem>>, vector<16x1x8xf32>
    %swap3A_1594 = vector.shape_cast %swap3A_1593 : vector<16x1x8xf32> to vector<16x8xf32>
    %swap3A_1595 = vector.shape_cast %concatenate3A_1589 : vector<16x8xf32> to vector<16x1x8xf32>
    tpu.vector_store %arg4[%swap3A_1590, %swap3A_1591, %swap3A_1592], %swap3A_1595 {strides = array<i32>} : memref<16x60x8xf32, #tpu.memory_space<vmem>>, vector<16x1x8xf32>,
    %reduce_max3A_1596 = arith.constant dense<0xFF800000> : vector<16xf32>
    %reduce_max3A_1597 = vector.multi_reduction <maximumf>, %select_n3A_1576, %reduce_max3A_1596 [1] : vector<16x64xf32> to vector<16xf32>
    %broadcast_in_dim3A_1598 = vector.shape_cast %reduce_max3A_1597 : vector<16xf32> to vector<16x1xf32>
    %gt3A_1599 = arith.constant 0xFF800000 : f32
    %gt3A_1600 = vector.broadcast %gt3A_1599 : f32 to vector<16x1xf32>
    %gt3A_1601 = arith.cmpf ogt, %broadcast_in_dim3A_1598, %gt3A_1600 : vector<16x1xf32>
    %eq3A_1602 = vector.broadcast %broadcast_in_dim3A_1598 : vector<16x1xf32> to vector<16x64xf32>
    %eq3A_1603 = arith.cmpf oeq, %select_n3A_1576, %eq3A_1602 : vector<16x64xf32>
    %jit3A_1604 = arith.constant 64 : i32
    %broadcast_in_dim3A_1605 = vector.broadcast %jit3A_1604 : i32 to vector<16x64xi32>
    %select_n3A_1606 = arith.select %eq3A_1603, %iota3A_172, %broadcast_in_dim3A_1605 : vector<16x64xi1>, vector<16x64xi32>
    %reduce_min3A_1607 = arith.constant dense<2147483647> : vector<16xi32>
    %reduce_min3A_1608 = vector.multi_reduction <minsi>, %select_n3A_1606, %reduce_min3A_1607 [1] : vector<16x64xi32> to vector<16xi32>
    %broadcast_in_dim3A_1609 = vector.shape_cast %reduce_min3A_1608 : vector<16xi32> to vector<16x1xi32>
    %eq3A_1610 = vector.broadcast %broadcast_in_dim3A_1609 : vector<16x1xi32> to vector<16x64xi32>
    %eq3A_1611 = arith.cmpi eq, %iota3A_172, %eq3A_1610 : vector<16x64xi32>
    %jit3A_1612 = arith.constant 0.000000e+00 : f32
    %broadcast_in_dim3A_1613 = vector.broadcast %jit3A_1612 : f32 to vector<16x64xf32>
    %select_n3A_1614 = arith.select %eq3A_1611, %mul3A_150, %broadcast_in_dim3A_1613 : vector<16x64xi1>, vector<16x64xf32>
    %reduce_sum3A_1615 = arith.constant dense<0.000000e+00> : vector<16xf32>
    %reduce_sum3A_1616 = vector.multi_reduction <add>, %select_n3A_1614, %reduce_sum3A_1615 [1] : vector<16x64xf32> to vector<16xf32>
    %broadcast_in_dim3A_1617 = vector.shape_cast %reduce_sum3A_1616 : vector<16xf32> to vector<16x1xf32>
    %jit3A_1618 = arith.constant 0.000000e+00 : f32
    %broadcast_in_dim3A_1619 = vector.broadcast %jit3A_1618 : f32 to vector<16x64xf32>
    %select_n3A_1620 = arith.select %eq3A_1611, %mul3A_156, %broadcast_in_dim3A_1619 : vector<16x64xi1>, vector<16x64xf32>
    %reduce_sum3A_1621 = arith.constant dense<0.000000e+00> : vector<16xf32>
    %reduce_sum3A_1622 = vector.multi_reduction <add>, %select_n3A_1620, %reduce_sum3A_1621 [1] : vector<16x64xf32> to vector<16xf32>
    %broadcast_in_dim3A_1623 = vector.shape_cast %reduce_sum3A_1622 : vector<16xf32> to vector<16x1xf32>
    %jit3A_1624 = arith.constant 0.000000e+00 : f32
    %broadcast_in_dim3A_1625 = vector.broadcast %jit3A_1624 : f32 to vector<16x64xf32>
    %select_n3A_1626 = arith.select %eq3A_1611, %mul3A_162, %broadcast_in_dim3A_1625 : vector<16x64xi1>, vector<16x64xf32>
    %reduce_sum3A_1627 = arith.constant dense<0.000000e+00> : vector<16xf32>
    %reduce_sum3A_1628 = vector.multi_reduction <add>, %select_n3A_1626, %reduce_sum3A_1627 [1] : vector<16x64xf32> to vector<16xf32>
    %broadcast_in_dim3A_1629 = vector.shape_cast %reduce_sum3A_1628 : vector<16xf32> to vector<16x1xf32>
    %jit3A_1630 = arith.constant 0.000000e+00 : f32
    %broadcast_in_dim3A_1631 = vector.broadcast %jit3A_1630 : f32 to vector<16x64xf32>
    %select_n3A_1632 = arith.select %eq3A_1611, %mul3A_165, %broadcast_in_dim3A_1631 : vector<16x64xi1>, vector<16x64xf32>
    %reduce_sum3A_1633 = arith.constant dense<0.000000e+00> : vector<16xf32>
    %reduce_sum3A_1634 = vector.multi_reduction <add>, %select_n3A_1632, %reduce_sum3A_1633 [1] : vector<16x64xf32> to vector<16xf32>
    %broadcast_in_dim3A_1635 = vector.shape_cast %reduce_sum3A_1634 : vector<16xf32> to vector<16x1xf32>
    %jit3A_1636 = arith.constant 0.000000e+00 : f32
    %broadcast_in_dim3A_1637 = vector.broadcast %jit3A_1636 : f32 to vector<16x64xf32>
    %select_n3A_1638 = arith.select %eq3A_1611, %mul3A_168, %broadcast_in_dim3A_1637 : vector<16x64xi1>, vector<16x64xf32>
    %reduce_sum3A_1639 = arith.constant dense<0.000000e+00> : vector<16xf32>
    %reduce_sum3A_1640 = vector.multi_reduction <add>, %select_n3A_1638, %reduce_sum3A_1639 [1] : vector<16x64xf32> to vector<16xf32>
    %broadcast_in_dim3A_1641 = vector.shape_cast %reduce_sum3A_1640 : vector<16xf32> to vector<16x1xf32>
    %jit3A_1642 = arith.constant 0.000000e+00 : f32
    %broadcast_in_dim3A_1643 = vector.broadcast %jit3A_1642 : f32 to vector<16x64xf32>
    %select_n3A_1644 = arith.select %eq3A_1611, %mul3A_171, %broadcast_in_dim3A_1643 : vector<16x64xi1>, vector<16x64xf32>
    %reduce_sum3A_1645 = arith.constant dense<0.000000e+00> : vector<16xf32>
    %reduce_sum3A_1646 = vector.multi_reduction <add>, %select_n3A_1644, %reduce_sum3A_1645 [1] : vector<16x64xf32> to vector<16xf32>
    %broadcast_in_dim3A_1647 = vector.shape_cast %reduce_sum3A_1646 : vector<16xf32> to vector<16x1xf32>
    %mul3A_1648 = arith.constant 5.000000e-01 : f32
    %mul3A_1649 = vector.broadcast %mul3A_1648 : f32 to vector<16x1xf32>
    %mul3A_1650 = arith.mulf %broadcast_in_dim3A_1635, %mul3A_1649 : vector<16x1xf32>
    %add3A_1651 = arith.addf %broadcast_in_dim3A_1617, %mul3A_1650 : vector<16x1xf32>
    %min3A_1652 = vector.broadcast %add3A_1651 : vector<16x1xf32> to vector<16x64xf32>
    %min3A_1653 = arith.minimumf %add3A_192, %min3A_1652 : vector<16x64xf32>
    %mul3A_1654 = arith.constant 5.000000e-01 : f32
    %mul3A_1655 = vector.broadcast %mul3A_1654 : f32 to vector<16x1xf32>
    %mul3A_1656 = arith.mulf %broadcast_in_dim3A_1635, %mul3A_1655 : vector<16x1xf32>
    %sub3A_1657 = arith.subf %broadcast_in_dim3A_1617, %mul3A_1656 : vector<16x1xf32>
    %max3A_1658 = vector.broadcast %sub3A_1657 : vector<16x1xf32> to vector<16x64xf32>
    %max3A_1659 = arith.maximumf %sub3A_188, %max3A_1658 : vector<16x64xf32>
    %sub3A_1660 = arith.subf %min3A_1653, %max3A_1659 : vector<16x64xf32>
    %max3A_1661 = arith.constant 0.000000e+00 : f32
    %max3A_1662 = vector.broadcast %max3A_1661 : f32 to vector<16x64xf32>
    %max3A_1663 = arith.maximumf %sub3A_1660, %max3A_1662 : vector<16x64xf32>
    %mul3A_1664 = arith.constant 5.000000e-01 : f32
    %mul3A_1665 = vector.broadcast %mul3A_1664 : f32 to vector<16x1xf32>
    %mul3A_1666 = arith.mulf %broadcast_in_dim3A_1641, %mul3A_1665 : vector<16x1xf32>
    %add3A_1667 = arith.addf %broadcast_in_dim3A_1623, %mul3A_1666 : vector<16x1xf32>
    %min3A_1668 = vector.broadcast %add3A_1667 : vector<16x1xf32> to vector<16x64xf32>
    %min3A_1669 = arith.minimumf %add3A_200, %min3A_1668 : vector<16x64xf32>
    %mul3A_1670 = arith.constant 5.000000e-01 : f32
    %mul3A_1671 = vector.broadcast %mul3A_1670 : f32 to vector<16x1xf32>
    %mul3A_1672 = arith.mulf %broadcast_in_dim3A_1641, %mul3A_1671 : vector<16x1xf32>
    %sub3A_1673 = arith.subf %broadcast_in_dim3A_1623, %mul3A_1672 : vector<16x1xf32>
    %max3A_1674 = vector.broadcast %sub3A_1673 : vector<16x1xf32> to vector<16x64xf32>
    %max3A_1675 = arith.maximumf %sub3A_196, %max3A_1674 : vector<16x64xf32>
    %sub3A_1676 = arith.subf %min3A_1669, %max3A_1675 : vector<16x64xf32>
    %max3A_1677 = arith.constant 0.000000e+00 : f32
    %max3A_1678 = vector.broadcast %max3A_1677 : f32 to vector<16x64xf32>
    %max3A_1679 = arith.maximumf %sub3A_1676, %max3A_1678 : vector<16x64xf32>
    %mul3A_1680 = arith.constant 5.000000e-01 : f32
    %mul3A_1681 = vector.broadcast %mul3A_1680 : f32 to vector<16x1xf32>
    %mul3A_1682 = arith.mulf %broadcast_in_dim3A_1647, %mul3A_1681 : vector<16x1xf32>
    %add3A_1683 = arith.addf %broadcast_in_dim3A_1629, %mul3A_1682 : vector<16x1xf32>
    %min3A_1684 = vector.broadcast %add3A_1683 : vector<16x1xf32> to vector<16x64xf32>
    %min3A_1685 = arith.minimumf %add3A_208, %min3A_1684 : vector<16x64xf32>
    %mul3A_1686 = arith.constant 5.000000e-01 : f32
    %mul3A_1687 = vector.broadcast %mul3A_1686 : f32 to vector<16x1xf32>
    %mul3A_1688 = arith.mulf %broadcast_in_dim3A_1647, %mul3A_1687 : vector<16x1xf32>
    %sub3A_1689 = arith.subf %broadcast_in_dim3A_1629, %mul3A_1688 : vector<16x1xf32>
    %max3A_1690 = vector.broadcast %sub3A_1689 : vector<16x1xf32> to vector<16x64xf32>
    %max3A_1691 = arith.maximumf %sub3A_204, %max3A_1690 : vector<16x64xf32>
    %sub3A_1692 = arith.subf %min3A_1685, %max3A_1691 : vector<16x64xf32>
    %max3A_1693 = arith.constant 0.000000e+00 : f32
    %max3A_1694 = vector.broadcast %max3A_1693 : f32 to vector<16x64xf32>
    %max3A_1695 = arith.maximumf %sub3A_1692, %max3A_1694 : vector<16x64xf32>
    %mul3A_1696 = arith.mulf %max3A_1663, %max3A_1679 : vector<16x64xf32>
    %mul3A_1697 = arith.mulf %mul3A_1696, %max3A_1695 : vector<16x64xf32>
    %mul3A_1698 = arith.mulf %broadcast_in_dim3A_1635, %broadcast_in_dim3A_1641 : vector<16x1xf32>
    %mul3A_1699 = arith.mulf %mul3A_1698, %broadcast_in_dim3A_1647 : vector<16x1xf32>
    %add3A_1700 = vector.broadcast %mul3A_1699 : vector<16x1xf32> to vector<16x64xf32>
    %add3A_1701 = arith.addf %add3A_1700, %mul3A_210 : vector<16x64xf32>
    %sub3A_1702 = arith.subf %add3A_1701, %mul3A_1697 : vector<16x64xf32>
    %add3A_1703 = arith.constant 9.99999993E-9 : f32
    %add3A_1704 = vector.broadcast %add3A_1703 : f32 to vector<16x64xf32>
    %add3A_1705 = arith.addf %sub3A_1702, %add3A_1704 : vector<16x64xf32>
    %div3A_1706 = arith.divf %mul3A_1697, %add3A_1705 : vector<16x64xf32>
    %gt3A_1707 = arith.constant 5.000000e-02 : f32
    %gt3A_1708 = vector.broadcast %gt3A_1707 : f32 to vector<16x64xf32>
    %gt3A_1709 = arith.cmpf ogt, %div3A_1706, %gt3A_1708 : vector<16x64xf32>
    %or3A_1710 = arith.ori %gt3A_1709, %eq3A_1611 : vector<16x64xi1>
    %and3A_1711 = vector.broadcast %gt3A_1601 : vector<16x1xi1> to vector<16x64xi1>
    %and3A_1712 = arith.andi %and3A_1711, %or3A_1710 : vector<16x64xi1>
    %jit3A_1713 = arith.constant 0xFF800000 : f32
    %broadcast_in_dim3A_1714 = vector.broadcast %jit3A_1713 : f32 to vector<16x64xf32>
    %select_n3A_1715 = arith.select %and3A_1712, %broadcast_in_dim3A_1714, %select_n3A_1576 : vector<16x64xi1>, vector<16x64xf32>
    %broadcast_in_dim3A_1716 = arith.constant -1.000000e+00 : f32
    %broadcast_in_dim3A_1717 = vector.broadcast %broadcast_in_dim3A_1716 : f32 to vector<16x1xf32>
    %jit3A_1718 = arith.constant 1.000000e+00 : f32
    %broadcast_in_dim3A_1719 = vector.broadcast %jit3A_1718 : f32 to vector<16x1xf32>
    %select_n3A_1720 = arith.select %gt3A_1601, %broadcast_in_dim3A_1719, %broadcast_in_dim3A_1717 : vector<16x1xi1>, vector<16x1xf32>
    %select_n3A_1721 = arith.select %gt3A_1601, %broadcast_in_dim3A_1598, %broadcast_in_dim3A_1717 : vector<16x1xi1>, vector<16x1xf32>
    %select_n3A_1722 = arith.select %gt3A_1601, %broadcast_in_dim3A_1617, %broadcast_in_dim3A_1717 : vector<16x1xi1>, vector<16x1xf32>
    %select_n3A_1723 = arith.select %gt3A_1601, %broadcast_in_dim3A_1623, %broadcast_in_dim3A_1717 : vector<16x1xi1>, vector<16x1xf32>
    %select_n3A_1724 = arith.select %gt3A_1601, %broadcast_in_dim3A_1629, %broadcast_in_dim3A_1717 : vector<16x1xi1>, vector<16x1xf32>
    %select_n3A_1725 = arith.select %gt3A_1601, %broadcast_in_dim3A_1635, %broadcast_in_dim3A_1717 : vector<16x1xi1>, vector<16x1xf32>
    %select_n3A_1726 = arith.select %gt3A_1601, %broadcast_in_dim3A_1641, %broadcast_in_dim3A_1717 : vector<16x1xi1>, vector<16x1xf32>
    %select_n3A_1727 = arith.select %gt3A_1601, %broadcast_in_dim3A_1647, %broadcast_in_dim3A_1717 : vector<16x1xi1>, vector<16x1xf32>
    %concatenate3A_1728 = tpu.concatenate %select_n3A_1720, %select_n3A_1721, %select_n3A_1722, %select_n3A_1723, %select_n3A_1724, %select_n3A_1725, %select_n3A_1726, %select_n3A_1727 in 1 : vector<16x1xf32>, vector<16x1xf32>, vector<16x1xf32>, vector<16x1xf32>, vector<16x1xf32>, vector<16x1xf32>, vector<16x1xf32>, vector<16x1xf32> -> vector<16x8xf32>
    %swap3A_1729 = arith.constant 0 : index
    %swap3A_1730 = arith.constant 10 : index
    %swap3A_1731 = arith.constant 0 : index
    %swap3A_1732 = vector.load %arg4[%swap3A_1729, %swap3A_1730, %swap3A_1731] : memref<16x60x8xf32, #tpu.memory_space<vmem>>, vector<16x1x8xf32>
    %swap3A_1733 = vector.shape_cast %swap3A_1732 : vector<16x1x8xf32> to vector<16x8xf32>
    %swap3A_1734 = vector.shape_cast %concatenate3A_1728 : vector<16x8xf32> to vector<16x1x8xf32>
    tpu.vector_store %arg4[%swap3A_1729, %swap3A_1730, %swap3A_1731], %swap3A_1734 {strides = array<i32>} : memref<16x60x8xf32, #tpu.memory_space<vmem>>, vector<16x1x8xf32>,
    %reduce_max3A_1735 = arith.constant dense<0xFF800000> : vector<16xf32>
    %reduce_max3A_1736 = vector.multi_reduction <maximumf>, %select_n3A_1715, %reduce_max3A_1735 [1] : vector<16x64xf32> to vector<16xf32>
    %broadcast_in_dim3A_1737 = vector.shape_cast %reduce_max3A_1736 : vector<16xf32> to vector<16x1xf32>
    %gt3A_1738 = arith.constant 0xFF800000 : f32
    %gt3A_1739 = vector.broadcast %gt3A_1738 : f32 to vector<16x1xf32>
    %gt3A_1740 = arith.cmpf ogt, %broadcast_in_dim3A_1737, %gt3A_1739 : vector<16x1xf32>
    %eq3A_1741 = vector.broadcast %broadcast_in_dim3A_1737 : vector<16x1xf32> to vector<16x64xf32>
    %eq3A_1742 = arith.cmpf oeq, %select_n3A_1715, %eq3A_1741 : vector<16x64xf32>
    %jit3A_1743 = arith.constant 64 : i32
    %broadcast_in_dim3A_1744 = vector.broadcast %jit3A_1743 : i32 to vector<16x64xi32>
    %select_n3A_1745 = arith.select %eq3A_1742, %iota3A_172, %broadcast_in_dim3A_1744 : vector<16x64xi1>, vector<16x64xi32>
    %reduce_min3A_1746 = arith.constant dense<2147483647> : vector<16xi32>
    %reduce_min3A_1747 = vector.multi_reduction <minsi>, %select_n3A_1745, %reduce_min3A_1746 [1] : vector<16x64xi32> to vector<16xi32>
    %broadcast_in_dim3A_1748 = vector.shape_cast %reduce_min3A_1747 : vector<16xi32> to vector<16x1xi32>
    %eq3A_1749 = vector.broadcast %broadcast_in_dim3A_1748 : vector<16x1xi32> to vector<16x64xi32>
    %eq3A_1750 = arith.cmpi eq, %iota3A_172, %eq3A_1749 : vector<16x64xi32>
    %jit3A_1751 = arith.constant 0.000000e+00 : f32
    %broadcast_in_dim3A_1752 = vector.broadcast %jit3A_1751 : f32 to vector<16x64xf32>
    %select_n3A_1753 = arith.select %eq3A_1750, %mul3A_150, %broadcast_in_dim3A_1752 : vector<16x64xi1>, vector<16x64xf32>
    %reduce_sum3A_1754 = arith.constant dense<0.000000e+00> : vector<16xf32>
    %reduce_sum3A_1755 = vector.multi_reduction <add>, %select_n3A_1753, %reduce_sum3A_1754 [1] : vector<16x64xf32> to vector<16xf32>
    %broadcast_in_dim3A_1756 = vector.shape_cast %reduce_sum3A_1755 : vector<16xf32> to vector<16x1xf32>
    %jit3A_1757 = arith.constant 0.000000e+00 : f32
    %broadcast_in_dim3A_1758 = vector.broadcast %jit3A_1757 : f32 to vector<16x64xf32>
    %select_n3A_1759 = arith.select %eq3A_1750, %mul3A_156, %broadcast_in_dim3A_1758 : vector<16x64xi1>, vector<16x64xf32>
    %reduce_sum3A_1760 = arith.constant dense<0.000000e+00> : vector<16xf32>
    %reduce_sum3A_1761 = vector.multi_reduction <add>, %select_n3A_1759, %reduce_sum3A_1760 [1] : vector<16x64xf32> to vector<16xf32>
    %broadcast_in_dim3A_1762 = vector.shape_cast %reduce_sum3A_1761 : vector<16xf32> to vector<16x1xf32>
    %jit3A_1763 = arith.constant 0.000000e+00 : f32
    %broadcast_in_dim3A_1764 = vector.broadcast %jit3A_1763 : f32 to vector<16x64xf32>
    %select_n3A_1765 = arith.select %eq3A_1750, %mul3A_162, %broadcast_in_dim3A_1764 : vector<16x64xi1>, vector<16x64xf32>
    %reduce_sum3A_1766 = arith.constant dense<0.000000e+00> : vector<16xf32>
    %reduce_sum3A_1767 = vector.multi_reduction <add>, %select_n3A_1765, %reduce_sum3A_1766 [1] : vector<16x64xf32> to vector<16xf32>
    %broadcast_in_dim3A_1768 = vector.shape_cast %reduce_sum3A_1767 : vector<16xf32> to vector<16x1xf32>
    %jit3A_1769 = arith.constant 0.000000e+00 : f32
    %broadcast_in_dim3A_1770 = vector.broadcast %jit3A_1769 : f32 to vector<16x64xf32>
    %select_n3A_1771 = arith.select %eq3A_1750, %mul3A_165, %broadcast_in_dim3A_1770 : vector<16x64xi1>, vector<16x64xf32>
    %reduce_sum3A_1772 = arith.constant dense<0.000000e+00> : vector<16xf32>
    %reduce_sum3A_1773 = vector.multi_reduction <add>, %select_n3A_1771, %reduce_sum3A_1772 [1] : vector<16x64xf32> to vector<16xf32>
    %broadcast_in_dim3A_1774 = vector.shape_cast %reduce_sum3A_1773 : vector<16xf32> to vector<16x1xf32>
    %jit3A_1775 = arith.constant 0.000000e+00 : f32
    %broadcast_in_dim3A_1776 = vector.broadcast %jit3A_1775 : f32 to vector<16x64xf32>
    %select_n3A_1777 = arith.select %eq3A_1750, %mul3A_168, %broadcast_in_dim3A_1776 : vector<16x64xi1>, vector<16x64xf32>
    %reduce_sum3A_1778 = arith.constant dense<0.000000e+00> : vector<16xf32>
    %reduce_sum3A_1779 = vector.multi_reduction <add>, %select_n3A_1777, %reduce_sum3A_1778 [1] : vector<16x64xf32> to vector<16xf32>
    %broadcast_in_dim3A_1780 = vector.shape_cast %reduce_sum3A_1779 : vector<16xf32> to vector<16x1xf32>
    %jit3A_1781 = arith.constant 0.000000e+00 : f32
    %broadcast_in_dim3A_1782 = vector.broadcast %jit3A_1781 : f32 to vector<16x64xf32>
    %select_n3A_1783 = arith.select %eq3A_1750, %mul3A_171, %broadcast_in_dim3A_1782 : vector<16x64xi1>, vector<16x64xf32>
    %reduce_sum3A_1784 = arith.constant dense<0.000000e+00> : vector<16xf32>
    %reduce_sum3A_1785 = vector.multi_reduction <add>, %select_n3A_1783, %reduce_sum3A_1784 [1] : vector<16x64xf32> to vector<16xf32>
    %broadcast_in_dim3A_1786 = vector.shape_cast %reduce_sum3A_1785 : vector<16xf32> to vector<16x1xf32>
    %mul3A_1787 = arith.constant 5.000000e-01 : f32
    %mul3A_1788 = vector.broadcast %mul3A_1787 : f32 to vector<16x1xf32>
    %mul3A_1789 = arith.mulf %broadcast_in_dim3A_1774, %mul3A_1788 : vector<16x1xf32>
    %add3A_1790 = arith.addf %broadcast_in_dim3A_1756, %mul3A_1789 : vector<16x1xf32>
    %min3A_1791 = vector.broadcast %add3A_1790 : vector<16x1xf32> to vector<16x64xf32>
    %min3A_1792 = arith.minimumf %add3A_192, %min3A_1791 : vector<16x64xf32>
    %mul3A_1793 = arith.constant 5.000000e-01 : f32
    %mul3A_1794 = vector.broadcast %mul3A_1793 : f32 to vector<16x1xf32>
    %mul3A_1795 = arith.mulf %broadcast_in_dim3A_1774, %mul3A_1794 : vector<16x1xf32>
    %sub3A_1796 = arith.subf %broadcast_in_dim3A_1756, %mul3A_1795 : vector<16x1xf32>
    %max3A_1797 = vector.broadcast %sub3A_1796 : vector<16x1xf32> to vector<16x64xf32>
    %max3A_1798 = arith.maximumf %sub3A_188, %max3A_1797 : vector<16x64xf32>
    %sub3A_1799 = arith.subf %min3A_1792, %max3A_1798 : vector<16x64xf32>
    %max3A_1800 = arith.constant 0.000000e+00 : f32
    %max3A_1801 = vector.broadcast %max3A_1800 : f32 to vector<16x64xf32>
    %max3A_1802 = arith.maximumf %sub3A_1799, %max3A_1801 : vector<16x64xf32>
    %mul3A_1803 = arith.constant 5.000000e-01 : f32
    %mul3A_1804 = vector.broadcast %mul3A_1803 : f32 to vector<16x1xf32>
    %mul3A_1805 = arith.mulf %broadcast_in_dim3A_1780, %mul3A_1804 : vector<16x1xf32>
    %add3A_1806 = arith.addf %broadcast_in_dim3A_1762, %mul3A_1805 : vector<16x1xf32>
    %min3A_1807 = vector.broadcast %add3A_1806 : vector<16x1xf32> to vector<16x64xf32>
    %min3A_1808 = arith.minimumf %add3A_200, %min3A_1807 : vector<16x64xf32>
    %mul3A_1809 = arith.constant 5.000000e-01 : f32
    %mul3A_1810 = vector.broadcast %mul3A_1809 : f32 to vector<16x1xf32>
    %mul3A_1811 = arith.mulf %broadcast_in_dim3A_1780, %mul3A_1810 : vector<16x1xf32>
    %sub3A_1812 = arith.subf %broadcast_in_dim3A_1762, %mul3A_1811 : vector<16x1xf32>
    %max3A_1813 = vector.broadcast %sub3A_1812 : vector<16x1xf32> to vector<16x64xf32>
    %max3A_1814 = arith.maximumf %sub3A_196, %max3A_1813 : vector<16x64xf32>
    %sub3A_1815 = arith.subf %min3A_1808, %max3A_1814 : vector<16x64xf32>
    %max3A_1816 = arith.constant 0.000000e+00 : f32
    %max3A_1817 = vector.broadcast %max3A_1816 : f32 to vector<16x64xf32>
    %max3A_1818 = arith.maximumf %sub3A_1815, %max3A_1817 : vector<16x64xf32>
    %mul3A_1819 = arith.constant 5.000000e-01 : f32
    %mul3A_1820 = vector.broadcast %mul3A_1819 : f32 to vector<16x1xf32>
    %mul3A_1821 = arith.mulf %broadcast_in_dim3A_1786, %mul3A_1820 : vector<16x1xf32>
    %add3A_1822 = arith.addf %broadcast_in_dim3A_1768, %mul3A_1821 : vector<16x1xf32>
    %min3A_1823 = vector.broadcast %add3A_1822 : vector<16x1xf32> to vector<16x64xf32>
    %min3A_1824 = arith.minimumf %add3A_208, %min3A_1823 : vector<16x64xf32>
    %mul3A_1825 = arith.constant 5.000000e-01 : f32
    %mul3A_1826 = vector.broadcast %mul3A_1825 : f32 to vector<16x1xf32>
    %mul3A_1827 = arith.mulf %broadcast_in_dim3A_1786, %mul3A_1826 : vector<16x1xf32>
    %sub3A_1828 = arith.subf %broadcast_in_dim3A_1768, %mul3A_1827 : vector<16x1xf32>
    %max3A_1829 = vector.broadcast %sub3A_1828 : vector<16x1xf32> to vector<16x64xf32>
    %max3A_1830 = arith.maximumf %sub3A_204, %max3A_1829 : vector<16x64xf32>
    %sub3A_1831 = arith.subf %min3A_1824, %max3A_1830 : vector<16x64xf32>
    %max3A_1832 = arith.constant 0.000000e+00 : f32
    %max3A_1833 = vector.broadcast %max3A_1832 : f32 to vector<16x64xf32>
    %max3A_1834 = arith.maximumf %sub3A_1831, %max3A_1833 : vector<16x64xf32>
    %mul3A_1835 = arith.mulf %max3A_1802, %max3A_1818 : vector<16x64xf32>
    %mul3A_1836 = arith.mulf %mul3A_1835, %max3A_1834 : vector<16x64xf32>
    %mul3A_1837 = arith.mulf %broadcast_in_dim3A_1774, %broadcast_in_dim3A_1780 : vector<16x1xf32>
    %mul3A_1838 = arith.mulf %mul3A_1837, %broadcast_in_dim3A_1786 : vector<16x1xf32>
    %add3A_1839 = vector.broadcast %mul3A_1838 : vector<16x1xf32> to vector<16x64xf32>
    %add3A_1840 = arith.addf %add3A_1839, %mul3A_210 : vector<16x64xf32>
    %sub3A_1841 = arith.subf %add3A_1840, %mul3A_1836 : vector<16x64xf32>
    %add3A_1842 = arith.constant 9.99999993E-9 : f32
    %add3A_1843 = vector.broadcast %add3A_1842 : f32 to vector<16x64xf32>
    %add3A_1844 = arith.addf %sub3A_1841, %add3A_1843 : vector<16x64xf32>
    %div3A_1845 = arith.divf %mul3A_1836, %add3A_1844 : vector<16x64xf32>
    %gt3A_1846 = arith.constant 5.000000e-02 : f32
    %gt3A_1847 = vector.broadcast %gt3A_1846 : f32 to vector<16x64xf32>
    %gt3A_1848 = arith.cmpf ogt, %div3A_1845, %gt3A_1847 : vector<16x64xf32>
    %or3A_1849 = arith.ori %gt3A_1848, %eq3A_1750 : vector<16x64xi1>
    %and3A_1850 = vector.broadcast %gt3A_1740 : vector<16x1xi1> to vector<16x64xi1>
    %and3A_1851 = arith.andi %and3A_1850, %or3A_1849 : vector<16x64xi1>
    %jit3A_1852 = arith.constant 0xFF800000 : f32
    %broadcast_in_dim3A_1853 = vector.broadcast %jit3A_1852 : f32 to vector<16x64xf32>
    %select_n3A_1854 = arith.select %and3A_1851, %broadcast_in_dim3A_1853, %select_n3A_1715 : vector<16x64xi1>, vector<16x64xf32>
    %broadcast_in_dim3A_1855 = arith.constant -1.000000e+00 : f32
    %broadcast_in_dim3A_1856 = vector.broadcast %broadcast_in_dim3A_1855 : f32 to vector<16x1xf32>
    %jit3A_1857 = arith.constant 1.000000e+00 : f32
    %broadcast_in_dim3A_1858 = vector.broadcast %jit3A_1857 : f32 to vector<16x1xf32>
    %select_n3A_1859 = arith.select %gt3A_1740, %broadcast_in_dim3A_1858, %broadcast_in_dim3A_1856 : vector<16x1xi1>, vector<16x1xf32>
    %select_n3A_1860 = arith.select %gt3A_1740, %broadcast_in_dim3A_1737, %broadcast_in_dim3A_1856 : vector<16x1xi1>, vector<16x1xf32>
    %select_n3A_1861 = arith.select %gt3A_1740, %broadcast_in_dim3A_1756, %broadcast_in_dim3A_1856 : vector<16x1xi1>, vector<16x1xf32>
    %select_n3A_1862 = arith.select %gt3A_1740, %broadcast_in_dim3A_1762, %broadcast_in_dim3A_1856 : vector<16x1xi1>, vector<16x1xf32>
    %select_n3A_1863 = arith.select %gt3A_1740, %broadcast_in_dim3A_1768, %broadcast_in_dim3A_1856 : vector<16x1xi1>, vector<16x1xf32>
    %select_n3A_1864 = arith.select %gt3A_1740, %broadcast_in_dim3A_1774, %broadcast_in_dim3A_1856 : vector<16x1xi1>, vector<16x1xf32>
    %select_n3A_1865 = arith.select %gt3A_1740, %broadcast_in_dim3A_1780, %broadcast_in_dim3A_1856 : vector<16x1xi1>, vector<16x1xf32>
    %select_n3A_1866 = arith.select %gt3A_1740, %broadcast_in_dim3A_1786, %broadcast_in_dim3A_1856 : vector<16x1xi1>, vector<16x1xf32>
    %concatenate3A_1867 = tpu.concatenate %select_n3A_1859, %select_n3A_1860, %select_n3A_1861, %select_n3A_1862, %select_n3A_1863, %select_n3A_1864, %select_n3A_1865, %select_n3A_1866 in 1 : vector<16x1xf32>, vector<16x1xf32>, vector<16x1xf32>, vector<16x1xf32>, vector<16x1xf32>, vector<16x1xf32>, vector<16x1xf32>, vector<16x1xf32> -> vector<16x8xf32>
    %swap3A_1868 = arith.constant 0 : index
    %swap3A_1869 = arith.constant 11 : index
    %swap3A_1870 = arith.constant 0 : index
    %swap3A_1871 = vector.load %arg4[%swap3A_1868, %swap3A_1869, %swap3A_1870] : memref<16x60x8xf32, #tpu.memory_space<vmem>>, vector<16x1x8xf32>
    %swap3A_1872 = vector.shape_cast %swap3A_1871 : vector<16x1x8xf32> to vector<16x8xf32>
    %swap3A_1873 = vector.shape_cast %concatenate3A_1867 : vector<16x8xf32> to vector<16x1x8xf32>
    tpu.vector_store %arg4[%swap3A_1868, %swap3A_1869, %swap3A_1870], %swap3A_1873 {strides = array<i32>} : memref<16x60x8xf32, #tpu.memory_space<vmem>>, vector<16x1x8xf32>,
    %reduce_max3A_1874 = arith.constant dense<0xFF800000> : vector<16xf32>
    %reduce_max3A_1875 = vector.multi_reduction <maximumf>, %select_n3A_1854, %reduce_max3A_1874 [1] : vector<16x64xf32> to vector<16xf32>
    %broadcast_in_dim3A_1876 = vector.shape_cast %reduce_max3A_1875 : vector<16xf32> to vector<16x1xf32>
    %gt3A_1877 = arith.constant 0xFF800000 : f32
    %gt3A_1878 = vector.broadcast %gt3A_1877 : f32 to vector<16x1xf32>
    %gt3A_1879 = arith.cmpf ogt, %broadcast_in_dim3A_1876, %gt3A_1878 : vector<16x1xf32>
    %eq3A_1880 = vector.broadcast %broadcast_in_dim3A_1876 : vector<16x1xf32> to vector<16x64xf32>
    %eq3A_1881 = arith.cmpf oeq, %select_n3A_1854, %eq3A_1880 : vector<16x64xf32>
    %jit3A_1882 = arith.constant 64 : i32
    %broadcast_in_dim3A_1883 = vector.broadcast %jit3A_1882 : i32 to vector<16x64xi32>
    %select_n3A_1884 = arith.select %eq3A_1881, %iota3A_172, %broadcast_in_dim3A_1883 : vector<16x64xi1>, vector<16x64xi32>
    %reduce_min3A_1885 = arith.constant dense<2147483647> : vector<16xi32>
    %reduce_min3A_1886 = vector.multi_reduction <minsi>, %select_n3A_1884, %reduce_min3A_1885 [1] : vector<16x64xi32> to vector<16xi32>
    %broadcast_in_dim3A_1887 = vector.shape_cast %reduce_min3A_1886 : vector<16xi32> to vector<16x1xi32>
    %eq3A_1888 = vector.broadcast %broadcast_in_dim3A_1887 : vector<16x1xi32> to vector<16x64xi32>
    %eq3A_1889 = arith.cmpi eq, %iota3A_172, %eq3A_1888 : vector<16x64xi32>
    %jit3A_1890 = arith.constant 0.000000e+00 : f32
    %broadcast_in_dim3A_1891 = vector.broadcast %jit3A_1890 : f32 to vector<16x64xf32>
    %select_n3A_1892 = arith.select %eq3A_1889, %mul3A_150, %broadcast_in_dim3A_1891 : vector<16x64xi1>, vector<16x64xf32>
    %reduce_sum3A_1893 = arith.constant dense<0.000000e+00> : vector<16xf32>
    %reduce_sum3A_1894 = vector.multi_reduction <add>, %select_n3A_1892, %reduce_sum3A_1893 [1] : vector<16x64xf32> to vector<16xf32>
    %broadcast_in_dim3A_1895 = vector.shape_cast %reduce_sum3A_1894 : vector<16xf32> to vector<16x1xf32>
    %jit3A_1896 = arith.constant 0.000000e+00 : f32
    %broadcast_in_dim3A_1897 = vector.broadcast %jit3A_1896 : f32 to vector<16x64xf32>
    %select_n3A_1898 = arith.select %eq3A_1889, %mul3A_156, %broadcast_in_dim3A_1897 : vector<16x64xi1>, vector<16x64xf32>
    %reduce_sum3A_1899 = arith.constant dense<0.000000e+00> : vector<16xf32>
    %reduce_sum3A_1900 = vector.multi_reduction <add>, %select_n3A_1898, %reduce_sum3A_1899 [1] : vector<16x64xf32> to vector<16xf32>
    %broadcast_in_dim3A_1901 = vector.shape_cast %reduce_sum3A_1900 : vector<16xf32> to vector<16x1xf32>
    %jit3A_1902 = arith.constant 0.000000e+00 : f32
    %broadcast_in_dim3A_1903 = vector.broadcast %jit3A_1902 : f32 to vector<16x64xf32>
    %select_n3A_1904 = arith.select %eq3A_1889, %mul3A_162, %broadcast_in_dim3A_1903 : vector<16x64xi1>, vector<16x64xf32>
    %reduce_sum3A_1905 = arith.constant dense<0.000000e+00> : vector<16xf32>
    %reduce_sum3A_1906 = vector.multi_reduction <add>, %select_n3A_1904, %reduce_sum3A_1905 [1] : vector<16x64xf32> to vector<16xf32>
    %broadcast_in_dim3A_1907 = vector.shape_cast %reduce_sum3A_1906 : vector<16xf32> to vector<16x1xf32>
    %jit3A_1908 = arith.constant 0.000000e+00 : f32
    %broadcast_in_dim3A_1909 = vector.broadcast %jit3A_1908 : f32 to vector<16x64xf32>
    %select_n3A_1910 = arith.select %eq3A_1889, %mul3A_165, %broadcast_in_dim3A_1909 : vector<16x64xi1>, vector<16x64xf32>
    %reduce_sum3A_1911 = arith.constant dense<0.000000e+00> : vector<16xf32>
    %reduce_sum3A_1912 = vector.multi_reduction <add>, %select_n3A_1910, %reduce_sum3A_1911 [1] : vector<16x64xf32> to vector<16xf32>
    %broadcast_in_dim3A_1913 = vector.shape_cast %reduce_sum3A_1912 : vector<16xf32> to vector<16x1xf32>
    %jit3A_1914 = arith.constant 0.000000e+00 : f32
    %broadcast_in_dim3A_1915 = vector.broadcast %jit3A_1914 : f32 to vector<16x64xf32>
    %select_n3A_1916 = arith.select %eq3A_1889, %mul3A_168, %broadcast_in_dim3A_1915 : vector<16x64xi1>, vector<16x64xf32>
    %reduce_sum3A_1917 = arith.constant dense<0.000000e+00> : vector<16xf32>
    %reduce_sum3A_1918 = vector.multi_reduction <add>, %select_n3A_1916, %reduce_sum3A_1917 [1] : vector<16x64xf32> to vector<16xf32>
    %broadcast_in_dim3A_1919 = vector.shape_cast %reduce_sum3A_1918 : vector<16xf32> to vector<16x1xf32>
    %jit3A_1920 = arith.constant 0.000000e+00 : f32
    %broadcast_in_dim3A_1921 = vector.broadcast %jit3A_1920 : f32 to vector<16x64xf32>
    %select_n3A_1922 = arith.select %eq3A_1889, %mul3A_171, %broadcast_in_dim3A_1921 : vector<16x64xi1>, vector<16x64xf32>
    %reduce_sum3A_1923 = arith.constant dense<0.000000e+00> : vector<16xf32>
    %reduce_sum3A_1924 = vector.multi_reduction <add>, %select_n3A_1922, %reduce_sum3A_1923 [1] : vector<16x64xf32> to vector<16xf32>
    %broadcast_in_dim3A_1925 = vector.shape_cast %reduce_sum3A_1924 : vector<16xf32> to vector<16x1xf32>
    %mul3A_1926 = arith.constant 5.000000e-01 : f32
    %mul3A_1927 = vector.broadcast %mul3A_1926 : f32 to vector<16x1xf32>
    %mul3A_1928 = arith.mulf %broadcast_in_dim3A_1913, %mul3A_1927 : vector<16x1xf32>
    %add3A_1929 = arith.addf %broadcast_in_dim3A_1895, %mul3A_1928 : vector<16x1xf32>
    %min3A_1930 = vector.broadcast %add3A_1929 : vector<16x1xf32> to vector<16x64xf32>
    %min3A_1931 = arith.minimumf %add3A_192, %min3A_1930 : vector<16x64xf32>
    %mul3A_1932 = arith.constant 5.000000e-01 : f32
    %mul3A_1933 = vector.broadcast %mul3A_1932 : f32 to vector<16x1xf32>
    %mul3A_1934 = arith.mulf %broadcast_in_dim3A_1913, %mul3A_1933 : vector<16x1xf32>
    %sub3A_1935 = arith.subf %broadcast_in_dim3A_1895, %mul3A_1934 : vector<16x1xf32>
    %max3A_1936 = vector.broadcast %sub3A_1935 : vector<16x1xf32> to vector<16x64xf32>
    %max3A_1937 = arith.maximumf %sub3A_188, %max3A_1936 : vector<16x64xf32>
    %sub3A_1938 = arith.subf %min3A_1931, %max3A_1937 : vector<16x64xf32>
    %max3A_1939 = arith.constant 0.000000e+00 : f32
    %max3A_1940 = vector.broadcast %max3A_1939 : f32 to vector<16x64xf32>
    %max3A_1941 = arith.maximumf %sub3A_1938, %max3A_1940 : vector<16x64xf32>
    %mul3A_1942 = arith.constant 5.000000e-01 : f32
    %mul3A_1943 = vector.broadcast %mul3A_1942 : f32 to vector<16x1xf32>
    %mul3A_1944 = arith.mulf %broadcast_in_dim3A_1919, %mul3A_1943 : vector<16x1xf32>
    %add3A_1945 = arith.addf %broadcast_in_dim3A_1901, %mul3A_1944 : vector<16x1xf32>
    %min3A_1946 = vector.broadcast %add3A_1945 : vector<16x1xf32> to vector<16x64xf32>
    %min3A_1947 = arith.minimumf %add3A_200, %min3A_1946 : vector<16x64xf32>
    %mul3A_1948 = arith.constant 5.000000e-01 : f32
    %mul3A_1949 = vector.broadcast %mul3A_1948 : f32 to vector<16x1xf32>
    %mul3A_1950 = arith.mulf %broadcast_in_dim3A_1919, %mul3A_1949 : vector<16x1xf32>
    %sub3A_1951 = arith.subf %broadcast_in_dim3A_1901, %mul3A_1950 : vector<16x1xf32>
    %max3A_1952 = vector.broadcast %sub3A_1951 : vector<16x1xf32> to vector<16x64xf32>
    %max3A_1953 = arith.maximumf %sub3A_196, %max3A_1952 : vector<16x64xf32>
    %sub3A_1954 = arith.subf %min3A_1947, %max3A_1953 : vector<16x64xf32>
    %max3A_1955 = arith.constant 0.000000e+00 : f32
    %max3A_1956 = vector.broadcast %max3A_1955 : f32 to vector<16x64xf32>
    %max3A_1957 = arith.maximumf %sub3A_1954, %max3A_1956 : vector<16x64xf32>
    %mul3A_1958 = arith.constant 5.000000e-01 : f32
    %mul3A_1959 = vector.broadcast %mul3A_1958 : f32 to vector<16x1xf32>
    %mul3A_1960 = arith.mulf %broadcast_in_dim3A_1925, %mul3A_1959 : vector<16x1xf32>
    %add3A_1961 = arith.addf %broadcast_in_dim3A_1907, %mul3A_1960 : vector<16x1xf32>
    %min3A_1962 = vector.broadcast %add3A_1961 : vector<16x1xf32> to vector<16x64xf32>
    %min3A_1963 = arith.minimumf %add3A_208, %min3A_1962 : vector<16x64xf32>
    %mul3A_1964 = arith.constant 5.000000e-01 : f32
    %mul3A_1965 = vector.broadcast %mul3A_1964 : f32 to vector<16x1xf32>
    %mul3A_1966 = arith.mulf %broadcast_in_dim3A_1925, %mul3A_1965 : vector<16x1xf32>
    %sub3A_1967 = arith.subf %broadcast_in_dim3A_1907, %mul3A_1966 : vector<16x1xf32>
    %max3A_1968 = vector.broadcast %sub3A_1967 : vector<16x1xf32> to vector<16x64xf32>
    %max3A_1969 = arith.maximumf %sub3A_204, %max3A_1968 : vector<16x64xf32>
    %sub3A_1970 = arith.subf %min3A_1963, %max3A_1969 : vector<16x64xf32>
    %max3A_1971 = arith.constant 0.000000e+00 : f32
    %max3A_1972 = vector.broadcast %max3A_1971 : f32 to vector<16x64xf32>
    %max3A_1973 = arith.maximumf %sub3A_1970, %max3A_1972 : vector<16x64xf32>
    %mul3A_1974 = arith.mulf %max3A_1941, %max3A_1957 : vector<16x64xf32>
    %mul3A_1975 = arith.mulf %mul3A_1974, %max3A_1973 : vector<16x64xf32>
    %mul3A_1976 = arith.mulf %broadcast_in_dim3A_1913, %broadcast_in_dim3A_1919 : vector<16x1xf32>
    %mul3A_1977 = arith.mulf %mul3A_1976, %broadcast_in_dim3A_1925 : vector<16x1xf32>
    %add3A_1978 = vector.broadcast %mul3A_1977 : vector<16x1xf32> to vector<16x64xf32>
    %add3A_1979 = arith.addf %add3A_1978, %mul3A_210 : vector<16x64xf32>
    %sub3A_1980 = arith.subf %add3A_1979, %mul3A_1975 : vector<16x64xf32>
    %add3A_1981 = arith.constant 9.99999993E-9 : f32
    %add3A_1982 = vector.broadcast %add3A_1981 : f32 to vector<16x64xf32>
    %add3A_1983 = arith.addf %sub3A_1980, %add3A_1982 : vector<16x64xf32>
    %div3A_1984 = arith.divf %mul3A_1975, %add3A_1983 : vector<16x64xf32>
    %gt3A_1985 = arith.constant 5.000000e-02 : f32
    %gt3A_1986 = vector.broadcast %gt3A_1985 : f32 to vector<16x64xf32>
    %gt3A_1987 = arith.cmpf ogt, %div3A_1984, %gt3A_1986 : vector<16x64xf32>
    %or3A_1988 = arith.ori %gt3A_1987, %eq3A_1889 : vector<16x64xi1>
    %and3A_1989 = vector.broadcast %gt3A_1879 : vector<16x1xi1> to vector<16x64xi1>
    %and3A_1990 = arith.andi %and3A_1989, %or3A_1988 : vector<16x64xi1>
    %jit3A_1991 = arith.constant 0xFF800000 : f32
    %broadcast_in_dim3A_1992 = vector.broadcast %jit3A_1991 : f32 to vector<16x64xf32>
    %select_n3A_1993 = arith.select %and3A_1990, %broadcast_in_dim3A_1992, %select_n3A_1854 : vector<16x64xi1>, vector<16x64xf32>
    %broadcast_in_dim3A_1994 = arith.constant -1.000000e+00 : f32
    %broadcast_in_dim3A_1995 = vector.broadcast %broadcast_in_dim3A_1994 : f32 to vector<16x1xf32>
    %jit3A_1996 = arith.constant 1.000000e+00 : f32
    %broadcast_in_dim3A_1997 = vector.broadcast %jit3A_1996 : f32 to vector<16x1xf32>
    %select_n3A_1998 = arith.select %gt3A_1879, %broadcast_in_dim3A_1997, %broadcast_in_dim3A_1995 : vector<16x1xi1>, vector<16x1xf32>
    %select_n3A_1999 = arith.select %gt3A_1879, %broadcast_in_dim3A_1876, %broadcast_in_dim3A_1995 : vector<16x1xi1>, vector<16x1xf32>
    %select_n3A_2000 = arith.select %gt3A_1879, %broadcast_in_dim3A_1895, %broadcast_in_dim3A_1995 : vector<16x1xi1>, vector<16x1xf32>
    %select_n3A_2001 = arith.select %gt3A_1879, %broadcast_in_dim3A_1901, %broadcast_in_dim3A_1995 : vector<16x1xi1>, vector<16x1xf32>
    %select_n3A_2002 = arith.select %gt3A_1879, %broadcast_in_dim3A_1907, %broadcast_in_dim3A_1995 : vector<16x1xi1>, vector<16x1xf32>
    %select_n3A_2003 = arith.select %gt3A_1879, %broadcast_in_dim3A_1913, %broadcast_in_dim3A_1995 : vector<16x1xi1>, vector<16x1xf32>
    %select_n3A_2004 = arith.select %gt3A_1879, %broadcast_in_dim3A_1919, %broadcast_in_dim3A_1995 : vector<16x1xi1>, vector<16x1xf32>
    %select_n3A_2005 = arith.select %gt3A_1879, %broadcast_in_dim3A_1925, %broadcast_in_dim3A_1995 : vector<16x1xi1>, vector<16x1xf32>
    %concatenate3A_2006 = tpu.concatenate %select_n3A_1998, %select_n3A_1999, %select_n3A_2000, %select_n3A_2001, %select_n3A_2002, %select_n3A_2003, %select_n3A_2004, %select_n3A_2005 in 1 : vector<16x1xf32>, vector<16x1xf32>, vector<16x1xf32>, vector<16x1xf32>, vector<16x1xf32>, vector<16x1xf32>, vector<16x1xf32>, vector<16x1xf32> -> vector<16x8xf32>
    %swap3A_2007 = arith.constant 0 : index
    %swap3A_2008 = arith.constant 12 : index
    %swap3A_2009 = arith.constant 0 : index
    %swap3A_2010 = vector.load %arg4[%swap3A_2007, %swap3A_2008, %swap3A_2009] : memref<16x60x8xf32, #tpu.memory_space<vmem>>, vector<16x1x8xf32>
    %swap3A_2011 = vector.shape_cast %swap3A_2010 : vector<16x1x8xf32> to vector<16x8xf32>
    %swap3A_2012 = vector.shape_cast %concatenate3A_2006 : vector<16x8xf32> to vector<16x1x8xf32>
    tpu.vector_store %arg4[%swap3A_2007, %swap3A_2008, %swap3A_2009], %swap3A_2012 {strides = array<i32>} : memref<16x60x8xf32, #tpu.memory_space<vmem>>, vector<16x1x8xf32>,
    %reduce_max3A_2013 = arith.constant dense<0xFF800000> : vector<16xf32>
    %reduce_max3A_2014 = vector.multi_reduction <maximumf>, %select_n3A_1993, %reduce_max3A_2013 [1] : vector<16x64xf32> to vector<16xf32>
    %broadcast_in_dim3A_2015 = vector.shape_cast %reduce_max3A_2014 : vector<16xf32> to vector<16x1xf32>
    %gt3A_2016 = arith.constant 0xFF800000 : f32
    %gt3A_2017 = vector.broadcast %gt3A_2016 : f32 to vector<16x1xf32>
    %gt3A_2018 = arith.cmpf ogt, %broadcast_in_dim3A_2015, %gt3A_2017 : vector<16x1xf32>
    %eq3A_2019 = vector.broadcast %broadcast_in_dim3A_2015 : vector<16x1xf32> to vector<16x64xf32>
    %eq3A_2020 = arith.cmpf oeq, %select_n3A_1993, %eq3A_2019 : vector<16x64xf32>
    %jit3A_2021 = arith.constant 64 : i32
    %broadcast_in_dim3A_2022 = vector.broadcast %jit3A_2021 : i32 to vector<16x64xi32>
    %select_n3A_2023 = arith.select %eq3A_2020, %iota3A_172, %broadcast_in_dim3A_2022 : vector<16x64xi1>, vector<16x64xi32>
    %reduce_min3A_2024 = arith.constant dense<2147483647> : vector<16xi32>
    %reduce_min3A_2025 = vector.multi_reduction <minsi>, %select_n3A_2023, %reduce_min3A_2024 [1] : vector<16x64xi32> to vector<16xi32>
    %broadcast_in_dim3A_2026 = vector.shape_cast %reduce_min3A_2025 : vector<16xi32> to vector<16x1xi32>
    %eq3A_2027 = vector.broadcast %broadcast_in_dim3A_2026 : vector<16x1xi32> to vector<16x64xi32>
    %eq3A_2028 = arith.cmpi eq, %iota3A_172, %eq3A_2027 : vector<16x64xi32>
    %jit3A_2029 = arith.constant 0.000000e+00 : f32
    %broadcast_in_dim3A_2030 = vector.broadcast %jit3A_2029 : f32 to vector<16x64xf32>
    %select_n3A_2031 = arith.select %eq3A_2028, %mul3A_150, %broadcast_in_dim3A_2030 : vector<16x64xi1>, vector<16x64xf32>
    %reduce_sum3A_2032 = arith.constant dense<0.000000e+00> : vector<16xf32>
    %reduce_sum3A_2033 = vector.multi_reduction <add>, %select_n3A_2031, %reduce_sum3A_2032 [1] : vector<16x64xf32> to vector<16xf32>
    %broadcast_in_dim3A_2034 = vector.shape_cast %reduce_sum3A_2033 : vector<16xf32> to vector<16x1xf32>
    %jit3A_2035 = arith.constant 0.000000e+00 : f32
    %broadcast_in_dim3A_2036 = vector.broadcast %jit3A_2035 : f32 to vector<16x64xf32>
    %select_n3A_2037 = arith.select %eq3A_2028, %mul3A_156, %broadcast_in_dim3A_2036 : vector<16x64xi1>, vector<16x64xf32>
    %reduce_sum3A_2038 = arith.constant dense<0.000000e+00> : vector<16xf32>
    %reduce_sum3A_2039 = vector.multi_reduction <add>, %select_n3A_2037, %reduce_sum3A_2038 [1] : vector<16x64xf32> to vector<16xf32>
    %broadcast_in_dim3A_2040 = vector.shape_cast %reduce_sum3A_2039 : vector<16xf32> to vector<16x1xf32>
    %jit3A_2041 = arith.constant 0.000000e+00 : f32
    %broadcast_in_dim3A_2042 = vector.broadcast %jit3A_2041 : f32 to vector<16x64xf32>
    %select_n3A_2043 = arith.select %eq3A_2028, %mul3A_162, %broadcast_in_dim3A_2042 : vector<16x64xi1>, vector<16x64xf32>
    %reduce_sum3A_2044 = arith.constant dense<0.000000e+00> : vector<16xf32>
    %reduce_sum3A_2045 = vector.multi_reduction <add>, %select_n3A_2043, %reduce_sum3A_2044 [1] : vector<16x64xf32> to vector<16xf32>
    %broadcast_in_dim3A_2046 = vector.shape_cast %reduce_sum3A_2045 : vector<16xf32> to vector<16x1xf32>
    %jit3A_2047 = arith.constant 0.000000e+00 : f32
    %broadcast_in_dim3A_2048 = vector.broadcast %jit3A_2047 : f32 to vector<16x64xf32>
    %select_n3A_2049 = arith.select %eq3A_2028, %mul3A_165, %broadcast_in_dim3A_2048 : vector<16x64xi1>, vector<16x64xf32>
    %reduce_sum3A_2050 = arith.constant dense<0.000000e+00> : vector<16xf32>
    %reduce_sum3A_2051 = vector.multi_reduction <add>, %select_n3A_2049, %reduce_sum3A_2050 [1] : vector<16x64xf32> to vector<16xf32>
    %broadcast_in_dim3A_2052 = vector.shape_cast %reduce_sum3A_2051 : vector<16xf32> to vector<16x1xf32>
    %jit3A_2053 = arith.constant 0.000000e+00 : f32
    %broadcast_in_dim3A_2054 = vector.broadcast %jit3A_2053 : f32 to vector<16x64xf32>
    %select_n3A_2055 = arith.select %eq3A_2028, %mul3A_168, %broadcast_in_dim3A_2054 : vector<16x64xi1>, vector<16x64xf32>
    %reduce_sum3A_2056 = arith.constant dense<0.000000e+00> : vector<16xf32>
    %reduce_sum3A_2057 = vector.multi_reduction <add>, %select_n3A_2055, %reduce_sum3A_2056 [1] : vector<16x64xf32> to vector<16xf32>
    %broadcast_in_dim3A_2058 = vector.shape_cast %reduce_sum3A_2057 : vector<16xf32> to vector<16x1xf32>
    %jit3A_2059 = arith.constant 0.000000e+00 : f32
    %broadcast_in_dim3A_2060 = vector.broadcast %jit3A_2059 : f32 to vector<16x64xf32>
    %select_n3A_2061 = arith.select %eq3A_2028, %mul3A_171, %broadcast_in_dim3A_2060 : vector<16x64xi1>, vector<16x64xf32>
    %reduce_sum3A_2062 = arith.constant dense<0.000000e+00> : vector<16xf32>
    %reduce_sum3A_2063 = vector.multi_reduction <add>, %select_n3A_2061, %reduce_sum3A_2062 [1] : vector<16x64xf32> to vector<16xf32>
    %broadcast_in_dim3A_2064 = vector.shape_cast %reduce_sum3A_2063 : vector<16xf32> to vector<16x1xf32>
    %mul3A_2065 = arith.constant 5.000000e-01 : f32
    %mul3A_2066 = vector.broadcast %mul3A_2065 : f32 to vector<16x1xf32>
    %mul3A_2067 = arith.mulf %broadcast_in_dim3A_2052, %mul3A_2066 : vector<16x1xf32>
    %add3A_2068 = arith.addf %broadcast_in_dim3A_2034, %mul3A_2067 : vector<16x1xf32>
    %min3A_2069 = vector.broadcast %add3A_2068 : vector<16x1xf32> to vector<16x64xf32>
    %min3A_2070 = arith.minimumf %add3A_192, %min3A_2069 : vector<16x64xf32>
    %mul3A_2071 = arith.constant 5.000000e-01 : f32
    %mul3A_2072 = vector.broadcast %mul3A_2071 : f32 to vector<16x1xf32>
    %mul3A_2073 = arith.mulf %broadcast_in_dim3A_2052, %mul3A_2072 : vector<16x1xf32>
    %sub3A_2074 = arith.subf %broadcast_in_dim3A_2034, %mul3A_2073 : vector<16x1xf32>
    %max3A_2075 = vector.broadcast %sub3A_2074 : vector<16x1xf32> to vector<16x64xf32>
    %max3A_2076 = arith.maximumf %sub3A_188, %max3A_2075 : vector<16x64xf32>
    %sub3A_2077 = arith.subf %min3A_2070, %max3A_2076 : vector<16x64xf32>
    %max3A_2078 = arith.constant 0.000000e+00 : f32
    %max3A_2079 = vector.broadcast %max3A_2078 : f32 to vector<16x64xf32>
    %max3A_2080 = arith.maximumf %sub3A_2077, %max3A_2079 : vector<16x64xf32>
    %mul3A_2081 = arith.constant 5.000000e-01 : f32
    %mul3A_2082 = vector.broadcast %mul3A_2081 : f32 to vector<16x1xf32>
    %mul3A_2083 = arith.mulf %broadcast_in_dim3A_2058, %mul3A_2082 : vector<16x1xf32>
    %add3A_2084 = arith.addf %broadcast_in_dim3A_2040, %mul3A_2083 : vector<16x1xf32>
    %min3A_2085 = vector.broadcast %add3A_2084 : vector<16x1xf32> to vector<16x64xf32>
    %min3A_2086 = arith.minimumf %add3A_200, %min3A_2085 : vector<16x64xf32>
    %mul3A_2087 = arith.constant 5.000000e-01 : f32
    %mul3A_2088 = vector.broadcast %mul3A_2087 : f32 to vector<16x1xf32>
    %mul3A_2089 = arith.mulf %broadcast_in_dim3A_2058, %mul3A_2088 : vector<16x1xf32>
    %sub3A_2090 = arith.subf %broadcast_in_dim3A_2040, %mul3A_2089 : vector<16x1xf32>
    %max3A_2091 = vector.broadcast %sub3A_2090 : vector<16x1xf32> to vector<16x64xf32>
    %max3A_2092 = arith.maximumf %sub3A_196, %max3A_2091 : vector<16x64xf32>
    %sub3A_2093 = arith.subf %min3A_2086, %max3A_2092 : vector<16x64xf32>
    %max3A_2094 = arith.constant 0.000000e+00 : f32
    %max3A_2095 = vector.broadcast %max3A_2094 : f32 to vector<16x64xf32>
    %max3A_2096 = arith.maximumf %sub3A_2093, %max3A_2095 : vector<16x64xf32>
    %mul3A_2097 = arith.constant 5.000000e-01 : f32
    %mul3A_2098 = vector.broadcast %mul3A_2097 : f32 to vector<16x1xf32>
    %mul3A_2099 = arith.mulf %broadcast_in_dim3A_2064, %mul3A_2098 : vector<16x1xf32>
    %add3A_2100 = arith.addf %broadcast_in_dim3A_2046, %mul3A_2099 : vector<16x1xf32>
    %min3A_2101 = vector.broadcast %add3A_2100 : vector<16x1xf32> to vector<16x64xf32>
    %min3A_2102 = arith.minimumf %add3A_208, %min3A_2101 : vector<16x64xf32>
    %mul3A_2103 = arith.constant 5.000000e-01 : f32
    %mul3A_2104 = vector.broadcast %mul3A_2103 : f32 to vector<16x1xf32>
    %mul3A_2105 = arith.mulf %broadcast_in_dim3A_2064, %mul3A_2104 : vector<16x1xf32>
    %sub3A_2106 = arith.subf %broadcast_in_dim3A_2046, %mul3A_2105 : vector<16x1xf32>
    %max3A_2107 = vector.broadcast %sub3A_2106 : vector<16x1xf32> to vector<16x64xf32>
    %max3A_2108 = arith.maximumf %sub3A_204, %max3A_2107 : vector<16x64xf32>
    %sub3A_2109 = arith.subf %min3A_2102, %max3A_2108 : vector<16x64xf32>
    %max3A_2110 = arith.constant 0.000000e+00 : f32
    %max3A_2111 = vector.broadcast %max3A_2110 : f32 to vector<16x64xf32>
    %max3A_2112 = arith.maximumf %sub3A_2109, %max3A_2111 : vector<16x64xf32>
    %mul3A_2113 = arith.mulf %max3A_2080, %max3A_2096 : vector<16x64xf32>
    %mul3A_2114 = arith.mulf %mul3A_2113, %max3A_2112 : vector<16x64xf32>
    %mul3A_2115 = arith.mulf %broadcast_in_dim3A_2052, %broadcast_in_dim3A_2058 : vector<16x1xf32>
    %mul3A_2116 = arith.mulf %mul3A_2115, %broadcast_in_dim3A_2064 : vector<16x1xf32>
    %add3A_2117 = vector.broadcast %mul3A_2116 : vector<16x1xf32> to vector<16x64xf32>
    %add3A_2118 = arith.addf %add3A_2117, %mul3A_210 : vector<16x64xf32>
    %sub3A_2119 = arith.subf %add3A_2118, %mul3A_2114 : vector<16x64xf32>
    %add3A_2120 = arith.constant 9.99999993E-9 : f32
    %add3A_2121 = vector.broadcast %add3A_2120 : f32 to vector<16x64xf32>
    %add3A_2122 = arith.addf %sub3A_2119, %add3A_2121 : vector<16x64xf32>
    %div3A_2123 = arith.divf %mul3A_2114, %add3A_2122 : vector<16x64xf32>
    %gt3A_2124 = arith.constant 5.000000e-02 : f32
    %gt3A_2125 = vector.broadcast %gt3A_2124 : f32 to vector<16x64xf32>
    %gt3A_2126 = arith.cmpf ogt, %div3A_2123, %gt3A_2125 : vector<16x64xf32>
    %or3A_2127 = arith.ori %gt3A_2126, %eq3A_2028 : vector<16x64xi1>
    %and3A_2128 = vector.broadcast %gt3A_2018 : vector<16x1xi1> to vector<16x64xi1>
    %and3A_2129 = arith.andi %and3A_2128, %or3A_2127 : vector<16x64xi1>
    %jit3A_2130 = arith.constant 0xFF800000 : f32
    %broadcast_in_dim3A_2131 = vector.broadcast %jit3A_2130 : f32 to vector<16x64xf32>
    %select_n3A_2132 = arith.select %and3A_2129, %broadcast_in_dim3A_2131, %select_n3A_1993 : vector<16x64xi1>, vector<16x64xf32>
    %broadcast_in_dim3A_2133 = arith.constant -1.000000e+00 : f32
    %broadcast_in_dim3A_2134 = vector.broadcast %broadcast_in_dim3A_2133 : f32 to vector<16x1xf32>
    %jit3A_2135 = arith.constant 1.000000e+00 : f32
    %broadcast_in_dim3A_2136 = vector.broadcast %jit3A_2135 : f32 to vector<16x1xf32>
    %select_n3A_2137 = arith.select %gt3A_2018, %broadcast_in_dim3A_2136, %broadcast_in_dim3A_2134 : vector<16x1xi1>, vector<16x1xf32>
    %select_n3A_2138 = arith.select %gt3A_2018, %broadcast_in_dim3A_2015, %broadcast_in_dim3A_2134 : vector<16x1xi1>, vector<16x1xf32>
    %select_n3A_2139 = arith.select %gt3A_2018, %broadcast_in_dim3A_2034, %broadcast_in_dim3A_2134 : vector<16x1xi1>, vector<16x1xf32>
    %select_n3A_2140 = arith.select %gt3A_2018, %broadcast_in_dim3A_2040, %broadcast_in_dim3A_2134 : vector<16x1xi1>, vector<16x1xf32>
    %select_n3A_2141 = arith.select %gt3A_2018, %broadcast_in_dim3A_2046, %broadcast_in_dim3A_2134 : vector<16x1xi1>, vector<16x1xf32>
    %select_n3A_2142 = arith.select %gt3A_2018, %broadcast_in_dim3A_2052, %broadcast_in_dim3A_2134 : vector<16x1xi1>, vector<16x1xf32>
    %select_n3A_2143 = arith.select %gt3A_2018, %broadcast_in_dim3A_2058, %broadcast_in_dim3A_2134 : vector<16x1xi1>, vector<16x1xf32>
    %select_n3A_2144 = arith.select %gt3A_2018, %broadcast_in_dim3A_2064, %broadcast_in_dim3A_2134 : vector<16x1xi1>, vector<16x1xf32>
    %concatenate3A_2145 = tpu.concatenate %select_n3A_2137, %select_n3A_2138, %select_n3A_2139, %select_n3A_2140, %select_n3A_2141, %select_n3A_2142, %select_n3A_2143, %select_n3A_2144 in 1 : vector<16x1xf32>, vector<16x1xf32>, vector<16x1xf32>, vector<16x1xf32>, vector<16x1xf32>, vector<16x1xf32>, vector<16x1xf32>, vector<16x1xf32> -> vector<16x8xf32>
    %swap3A_2146 = arith.constant 0 : index
    %swap3A_2147 = arith.constant 13 : index
    %swap3A_2148 = arith.constant 0 : index
    %swap3A_2149 = vector.load %arg4[%swap3A_2146, %swap3A_2147, %swap3A_2148] : memref<16x60x8xf32, #tpu.memory_space<vmem>>, vector<16x1x8xf32>
    %swap3A_2150 = vector.shape_cast %swap3A_2149 : vector<16x1x8xf32> to vector<16x8xf32>
    %swap3A_2151 = vector.shape_cast %concatenate3A_2145 : vector<16x8xf32> to vector<16x1x8xf32>
    tpu.vector_store %arg4[%swap3A_2146, %swap3A_2147, %swap3A_2148], %swap3A_2151 {strides = array<i32>} : memref<16x60x8xf32, #tpu.memory_space<vmem>>, vector<16x1x8xf32>,
    %reduce_max3A_2152 = arith.constant dense<0xFF800000> : vector<16xf32>
    %reduce_max3A_2153 = vector.multi_reduction <maximumf>, %select_n3A_2132, %reduce_max3A_2152 [1] : vector<16x64xf32> to vector<16xf32>
    %broadcast_in_dim3A_2154 = vector.shape_cast %reduce_max3A_2153 : vector<16xf32> to vector<16x1xf32>
    %gt3A_2155 = arith.constant 0xFF800000 : f32
    %gt3A_2156 = vector.broadcast %gt3A_2155 : f32 to vector<16x1xf32>
    %gt3A_2157 = arith.cmpf ogt, %broadcast_in_dim3A_2154, %gt3A_2156 : vector<16x1xf32>
    %eq3A_2158 = vector.broadcast %broadcast_in_dim3A_2154 : vector<16x1xf32> to vector<16x64xf32>
    %eq3A_2159 = arith.cmpf oeq, %select_n3A_2132, %eq3A_2158 : vector<16x64xf32>
    %jit3A_2160 = arith.constant 64 : i32
    %broadcast_in_dim3A_2161 = vector.broadcast %jit3A_2160 : i32 to vector<16x64xi32>
    %select_n3A_2162 = arith.select %eq3A_2159, %iota3A_172, %broadcast_in_dim3A_2161 : vector<16x64xi1>, vector<16x64xi32>
    %reduce_min3A_2163 = arith.constant dense<2147483647> : vector<16xi32>
    %reduce_min3A_2164 = vector.multi_reduction <minsi>, %select_n3A_2162, %reduce_min3A_2163 [1] : vector<16x64xi32> to vector<16xi32>
    %broadcast_in_dim3A_2165 = vector.shape_cast %reduce_min3A_2164 : vector<16xi32> to vector<16x1xi32>
    %eq3A_2166 = vector.broadcast %broadcast_in_dim3A_2165 : vector<16x1xi32> to vector<16x64xi32>
    %eq3A_2167 = arith.cmpi eq, %iota3A_172, %eq3A_2166 : vector<16x64xi32>
    %jit3A_2168 = arith.constant 0.000000e+00 : f32
    %broadcast_in_dim3A_2169 = vector.broadcast %jit3A_2168 : f32 to vector<16x64xf32>
    %select_n3A_2170 = arith.select %eq3A_2167, %mul3A_150, %broadcast_in_dim3A_2169 : vector<16x64xi1>, vector<16x64xf32>
    %reduce_sum3A_2171 = arith.constant dense<0.000000e+00> : vector<16xf32>
    %reduce_sum3A_2172 = vector.multi_reduction <add>, %select_n3A_2170, %reduce_sum3A_2171 [1] : vector<16x64xf32> to vector<16xf32>
    %broadcast_in_dim3A_2173 = vector.shape_cast %reduce_sum3A_2172 : vector<16xf32> to vector<16x1xf32>
    %jit3A_2174 = arith.constant 0.000000e+00 : f32
    %broadcast_in_dim3A_2175 = vector.broadcast %jit3A_2174 : f32 to vector<16x64xf32>
    %select_n3A_2176 = arith.select %eq3A_2167, %mul3A_156, %broadcast_in_dim3A_2175 : vector<16x64xi1>, vector<16x64xf32>
    %reduce_sum3A_2177 = arith.constant dense<0.000000e+00> : vector<16xf32>
    %reduce_sum3A_2178 = vector.multi_reduction <add>, %select_n3A_2176, %reduce_sum3A_2177 [1] : vector<16x64xf32> to vector<16xf32>
    %broadcast_in_dim3A_2179 = vector.shape_cast %reduce_sum3A_2178 : vector<16xf32> to vector<16x1xf32>
    %jit3A_2180 = arith.constant 0.000000e+00 : f32
    %broadcast_in_dim3A_2181 = vector.broadcast %jit3A_2180 : f32 to vector<16x64xf32>
    %select_n3A_2182 = arith.select %eq3A_2167, %mul3A_162, %broadcast_in_dim3A_2181 : vector<16x64xi1>, vector<16x64xf32>
    %reduce_sum3A_2183 = arith.constant dense<0.000000e+00> : vector<16xf32>
    %reduce_sum3A_2184 = vector.multi_reduction <add>, %select_n3A_2182, %reduce_sum3A_2183 [1] : vector<16x64xf32> to vector<16xf32>
    %broadcast_in_dim3A_2185 = vector.shape_cast %reduce_sum3A_2184 : vector<16xf32> to vector<16x1xf32>
    %jit3A_2186 = arith.constant 0.000000e+00 : f32
    %broadcast_in_dim3A_2187 = vector.broadcast %jit3A_2186 : f32 to vector<16x64xf32>
    %select_n3A_2188 = arith.select %eq3A_2167, %mul3A_165, %broadcast_in_dim3A_2187 : vector<16x64xi1>, vector<16x64xf32>
    %reduce_sum3A_2189 = arith.constant dense<0.000000e+00> : vector<16xf32>
    %reduce_sum3A_2190 = vector.multi_reduction <add>, %select_n3A_2188, %reduce_sum3A_2189 [1] : vector<16x64xf32> to vector<16xf32>
    %broadcast_in_dim3A_2191 = vector.shape_cast %reduce_sum3A_2190 : vector<16xf32> to vector<16x1xf32>
    %jit3A_2192 = arith.constant 0.000000e+00 : f32
    %broadcast_in_dim3A_2193 = vector.broadcast %jit3A_2192 : f32 to vector<16x64xf32>
    %select_n3A_2194 = arith.select %eq3A_2167, %mul3A_168, %broadcast_in_dim3A_2193 : vector<16x64xi1>, vector<16x64xf32>
    %reduce_sum3A_2195 = arith.constant dense<0.000000e+00> : vector<16xf32>
    %reduce_sum3A_2196 = vector.multi_reduction <add>, %select_n3A_2194, %reduce_sum3A_2195 [1] : vector<16x64xf32> to vector<16xf32>
    %broadcast_in_dim3A_2197 = vector.shape_cast %reduce_sum3A_2196 : vector<16xf32> to vector<16x1xf32>
    %jit3A_2198 = arith.constant 0.000000e+00 : f32
    %broadcast_in_dim3A_2199 = vector.broadcast %jit3A_2198 : f32 to vector<16x64xf32>
    %select_n3A_2200 = arith.select %eq3A_2167, %mul3A_171, %broadcast_in_dim3A_2199 : vector<16x64xi1>, vector<16x64xf32>
    %reduce_sum3A_2201 = arith.constant dense<0.000000e+00> : vector<16xf32>
    %reduce_sum3A_2202 = vector.multi_reduction <add>, %select_n3A_2200, %reduce_sum3A_2201 [1] : vector<16x64xf32> to vector<16xf32>
    %broadcast_in_dim3A_2203 = vector.shape_cast %reduce_sum3A_2202 : vector<16xf32> to vector<16x1xf32>
    %mul3A_2204 = arith.constant 5.000000e-01 : f32
    %mul3A_2205 = vector.broadcast %mul3A_2204 : f32 to vector<16x1xf32>
    %mul3A_2206 = arith.mulf %broadcast_in_dim3A_2191, %mul3A_2205 : vector<16x1xf32>
    %add3A_2207 = arith.addf %broadcast_in_dim3A_2173, %mul3A_2206 : vector<16x1xf32>
    %min3A_2208 = vector.broadcast %add3A_2207 : vector<16x1xf32> to vector<16x64xf32>
    %min3A_2209 = arith.minimumf %add3A_192, %min3A_2208 : vector<16x64xf32>
    %mul3A_2210 = arith.constant 5.000000e-01 : f32
    %mul3A_2211 = vector.broadcast %mul3A_2210 : f32 to vector<16x1xf32>
    %mul3A_2212 = arith.mulf %broadcast_in_dim3A_2191, %mul3A_2211 : vector<16x1xf32>
    %sub3A_2213 = arith.subf %broadcast_in_dim3A_2173, %mul3A_2212 : vector<16x1xf32>
    %max3A_2214 = vector.broadcast %sub3A_2213 : vector<16x1xf32> to vector<16x64xf32>
    %max3A_2215 = arith.maximumf %sub3A_188, %max3A_2214 : vector<16x64xf32>
    %sub3A_2216 = arith.subf %min3A_2209, %max3A_2215 : vector<16x64xf32>
    %max3A_2217 = arith.constant 0.000000e+00 : f32
    %max3A_2218 = vector.broadcast %max3A_2217 : f32 to vector<16x64xf32>
    %max3A_2219 = arith.maximumf %sub3A_2216, %max3A_2218 : vector<16x64xf32>
    %mul3A_2220 = arith.constant 5.000000e-01 : f32
    %mul3A_2221 = vector.broadcast %mul3A_2220 : f32 to vector<16x1xf32>
    %mul3A_2222 = arith.mulf %broadcast_in_dim3A_2197, %mul3A_2221 : vector<16x1xf32>
    %add3A_2223 = arith.addf %broadcast_in_dim3A_2179, %mul3A_2222 : vector<16x1xf32>
    %min3A_2224 = vector.broadcast %add3A_2223 : vector<16x1xf32> to vector<16x64xf32>
    %min3A_2225 = arith.minimumf %add3A_200, %min3A_2224 : vector<16x64xf32>
    %mul3A_2226 = arith.constant 5.000000e-01 : f32
    %mul3A_2227 = vector.broadcast %mul3A_2226 : f32 to vector<16x1xf32>
    %mul3A_2228 = arith.mulf %broadcast_in_dim3A_2197, %mul3A_2227 : vector<16x1xf32>
    %sub3A_2229 = arith.subf %broadcast_in_dim3A_2179, %mul3A_2228 : vector<16x1xf32>
    %max3A_2230 = vector.broadcast %sub3A_2229 : vector<16x1xf32> to vector<16x64xf32>
    %max3A_2231 = arith.maximumf %sub3A_196, %max3A_2230 : vector<16x64xf32>
    %sub3A_2232 = arith.subf %min3A_2225, %max3A_2231 : vector<16x64xf32>
    %max3A_2233 = arith.constant 0.000000e+00 : f32
    %max3A_2234 = vector.broadcast %max3A_2233 : f32 to vector<16x64xf32>
    %max3A_2235 = arith.maximumf %sub3A_2232, %max3A_2234 : vector<16x64xf32>
    %mul3A_2236 = arith.constant 5.000000e-01 : f32
    %mul3A_2237 = vector.broadcast %mul3A_2236 : f32 to vector<16x1xf32>
    %mul3A_2238 = arith.mulf %broadcast_in_dim3A_2203, %mul3A_2237 : vector<16x1xf32>
    %add3A_2239 = arith.addf %broadcast_in_dim3A_2185, %mul3A_2238 : vector<16x1xf32>
    %min3A_2240 = vector.broadcast %add3A_2239 : vector<16x1xf32> to vector<16x64xf32>
    %min3A_2241 = arith.minimumf %add3A_208, %min3A_2240 : vector<16x64xf32>
    %mul3A_2242 = arith.constant 5.000000e-01 : f32
    %mul3A_2243 = vector.broadcast %mul3A_2242 : f32 to vector<16x1xf32>
    %mul3A_2244 = arith.mulf %broadcast_in_dim3A_2203, %mul3A_2243 : vector<16x1xf32>
    %sub3A_2245 = arith.subf %broadcast_in_dim3A_2185, %mul3A_2244 : vector<16x1xf32>
    %max3A_2246 = vector.broadcast %sub3A_2245 : vector<16x1xf32> to vector<16x64xf32>
    %max3A_2247 = arith.maximumf %sub3A_204, %max3A_2246 : vector<16x64xf32>
    %sub3A_2248 = arith.subf %min3A_2241, %max3A_2247 : vector<16x64xf32>
    %max3A_2249 = arith.constant 0.000000e+00 : f32
    %max3A_2250 = vector.broadcast %max3A_2249 : f32 to vector<16x64xf32>
    %max3A_2251 = arith.maximumf %sub3A_2248, %max3A_2250 : vector<16x64xf32>
    %mul3A_2252 = arith.mulf %max3A_2219, %max3A_2235 : vector<16x64xf32>
    %mul3A_2253 = arith.mulf %mul3A_2252, %max3A_2251 : vector<16x64xf32>
    %mul3A_2254 = arith.mulf %broadcast_in_dim3A_2191, %broadcast_in_dim3A_2197 : vector<16x1xf32>
    %mul3A_2255 = arith.mulf %mul3A_2254, %broadcast_in_dim3A_2203 : vector<16x1xf32>
    %add3A_2256 = vector.broadcast %mul3A_2255 : vector<16x1xf32> to vector<16x64xf32>
    %add3A_2257 = arith.addf %add3A_2256, %mul3A_210 : vector<16x64xf32>
    %sub3A_2258 = arith.subf %add3A_2257, %mul3A_2253 : vector<16x64xf32>
    %add3A_2259 = arith.constant 9.99999993E-9 : f32
    %add3A_2260 = vector.broadcast %add3A_2259 : f32 to vector<16x64xf32>
    %add3A_2261 = arith.addf %sub3A_2258, %add3A_2260 : vector<16x64xf32>
    %div3A_2262 = arith.divf %mul3A_2253, %add3A_2261 : vector<16x64xf32>
    %gt3A_2263 = arith.constant 5.000000e-02 : f32
    %gt3A_2264 = vector.broadcast %gt3A_2263 : f32 to vector<16x64xf32>
    %gt3A_2265 = arith.cmpf ogt, %div3A_2262, %gt3A_2264 : vector<16x64xf32>
    %or3A_2266 = arith.ori %gt3A_2265, %eq3A_2167 : vector<16x64xi1>
    %and3A_2267 = vector.broadcast %gt3A_2157 : vector<16x1xi1> to vector<16x64xi1>
    %and3A_2268 = arith.andi %and3A_2267, %or3A_2266 : vector<16x64xi1>
    %jit3A_2269 = arith.constant 0xFF800000 : f32
    %broadcast_in_dim3A_2270 = vector.broadcast %jit3A_2269 : f32 to vector<16x64xf32>
    %select_n3A_2271 = arith.select %and3A_2268, %broadcast_in_dim3A_2270, %select_n3A_2132 : vector<16x64xi1>, vector<16x64xf32>
    %broadcast_in_dim3A_2272 = arith.constant -1.000000e+00 : f32
    %broadcast_in_dim3A_2273 = vector.broadcast %broadcast_in_dim3A_2272 : f32 to vector<16x1xf32>
    %jit3A_2274 = arith.constant 1.000000e+00 : f32
    %broadcast_in_dim3A_2275 = vector.broadcast %jit3A_2274 : f32 to vector<16x1xf32>
    %select_n3A_2276 = arith.select %gt3A_2157, %broadcast_in_dim3A_2275, %broadcast_in_dim3A_2273 : vector<16x1xi1>, vector<16x1xf32>
    %select_n3A_2277 = arith.select %gt3A_2157, %broadcast_in_dim3A_2154, %broadcast_in_dim3A_2273 : vector<16x1xi1>, vector<16x1xf32>
    %select_n3A_2278 = arith.select %gt3A_2157, %broadcast_in_dim3A_2173, %broadcast_in_dim3A_2273 : vector<16x1xi1>, vector<16x1xf32>
    %select_n3A_2279 = arith.select %gt3A_2157, %broadcast_in_dim3A_2179, %broadcast_in_dim3A_2273 : vector<16x1xi1>, vector<16x1xf32>
    %select_n3A_2280 = arith.select %gt3A_2157, %broadcast_in_dim3A_2185, %broadcast_in_dim3A_2273 : vector<16x1xi1>, vector<16x1xf32>
    %select_n3A_2281 = arith.select %gt3A_2157, %broadcast_in_dim3A_2191, %broadcast_in_dim3A_2273 : vector<16x1xi1>, vector<16x1xf32>
    %select_n3A_2282 = arith.select %gt3A_2157, %broadcast_in_dim3A_2197, %broadcast_in_dim3A_2273 : vector<16x1xi1>, vector<16x1xf32>
    %select_n3A_2283 = arith.select %gt3A_2157, %broadcast_in_dim3A_2203, %broadcast_in_dim3A_2273 : vector<16x1xi1>, vector<16x1xf32>
    %concatenate3A_2284 = tpu.concatenate %select_n3A_2276, %select_n3A_2277, %select_n3A_2278, %select_n3A_2279, %select_n3A_2280, %select_n3A_2281, %select_n3A_2282, %select_n3A_2283 in 1 : vector<16x1xf32>, vector<16x1xf32>, vector<16x1xf32>, vector<16x1xf32>, vector<16x1xf32>, vector<16x1xf32>, vector<16x1xf32>, vector<16x1xf32> -> vector<16x8xf32>
    %swap3A_2285 = arith.constant 0 : index
    %swap3A_2286 = arith.constant 14 : index
    %swap3A_2287 = arith.constant 0 : index
    %swap3A_2288 = vector.load %arg4[%swap3A_2285, %swap3A_2286, %swap3A_2287] : memref<16x60x8xf32, #tpu.memory_space<vmem>>, vector<16x1x8xf32>
    %swap3A_2289 = vector.shape_cast %swap3A_2288 : vector<16x1x8xf32> to vector<16x8xf32>
    %swap3A_2290 = vector.shape_cast %concatenate3A_2284 : vector<16x8xf32> to vector<16x1x8xf32>
    tpu.vector_store %arg4[%swap3A_2285, %swap3A_2286, %swap3A_2287], %swap3A_2290 {strides = array<i32>} : memref<16x60x8xf32, #tpu.memory_space<vmem>>, vector<16x1x8xf32>,
    %reduce_max3A_2291 = arith.constant dense<0xFF800000> : vector<16xf32>
    %reduce_max3A_2292 = vector.multi_reduction <maximumf>, %select_n3A_2271, %reduce_max3A_2291 [1] : vector<16x64xf32> to vector<16xf32>
    %broadcast_in_dim3A_2293 = vector.shape_cast %reduce_max3A_2292 : vector<16xf32> to vector<16x1xf32>
    %gt3A_2294 = arith.constant 0xFF800000 : f32
    %gt3A_2295 = vector.broadcast %gt3A_2294 : f32 to vector<16x1xf32>
    %gt3A_2296 = arith.cmpf ogt, %broadcast_in_dim3A_2293, %gt3A_2295 : vector<16x1xf32>
    %eq3A_2297 = vector.broadcast %broadcast_in_dim3A_2293 : vector<16x1xf32> to vector<16x64xf32>
    %eq3A_2298 = arith.cmpf oeq, %select_n3A_2271, %eq3A_2297 : vector<16x64xf32>
    %jit3A_2299 = arith.constant 64 : i32
    %broadcast_in_dim3A_2300 = vector.broadcast %jit3A_2299 : i32 to vector<16x64xi32>
    %select_n3A_2301 = arith.select %eq3A_2298, %iota3A_172, %broadcast_in_dim3A_2300 : vector<16x64xi1>, vector<16x64xi32>
    %reduce_min3A_2302 = arith.constant dense<2147483647> : vector<16xi32>
    %reduce_min3A_2303 = vector.multi_reduction <minsi>, %select_n3A_2301, %reduce_min3A_2302 [1] : vector<16x64xi32> to vector<16xi32>
    %broadcast_in_dim3A_2304 = vector.shape_cast %reduce_min3A_2303 : vector<16xi32> to vector<16x1xi32>
    %eq3A_2305 = vector.broadcast %broadcast_in_dim3A_2304 : vector<16x1xi32> to vector<16x64xi32>
    %eq3A_2306 = arith.cmpi eq, %iota3A_172, %eq3A_2305 : vector<16x64xi32>
    %jit3A_2307 = arith.constant 0.000000e+00 : f32
    %broadcast_in_dim3A_2308 = vector.broadcast %jit3A_2307 : f32 to vector<16x64xf32>
    %select_n3A_2309 = arith.select %eq3A_2306, %mul3A_150, %broadcast_in_dim3A_2308 : vector<16x64xi1>, vector<16x64xf32>
    %reduce_sum3A_2310 = arith.constant dense<0.000000e+00> : vector<16xf32>
    %reduce_sum3A_2311 = vector.multi_reduction <add>, %select_n3A_2309, %reduce_sum3A_2310 [1] : vector<16x64xf32> to vector<16xf32>
    %broadcast_in_dim3A_2312 = vector.shape_cast %reduce_sum3A_2311 : vector<16xf32> to vector<16x1xf32>
    %jit3A_2313 = arith.constant 0.000000e+00 : f32
    %broadcast_in_dim3A_2314 = vector.broadcast %jit3A_2313 : f32 to vector<16x64xf32>
    %select_n3A_2315 = arith.select %eq3A_2306, %mul3A_156, %broadcast_in_dim3A_2314 : vector<16x64xi1>, vector<16x64xf32>
    %reduce_sum3A_2316 = arith.constant dense<0.000000e+00> : vector<16xf32>
    %reduce_sum3A_2317 = vector.multi_reduction <add>, %select_n3A_2315, %reduce_sum3A_2316 [1] : vector<16x64xf32> to vector<16xf32>
    %broadcast_in_dim3A_2318 = vector.shape_cast %reduce_sum3A_2317 : vector<16xf32> to vector<16x1xf32>
    %jit3A_2319 = arith.constant 0.000000e+00 : f32
    %broadcast_in_dim3A_2320 = vector.broadcast %jit3A_2319 : f32 to vector<16x64xf32>
    %select_n3A_2321 = arith.select %eq3A_2306, %mul3A_162, %broadcast_in_dim3A_2320 : vector<16x64xi1>, vector<16x64xf32>
    %reduce_sum3A_2322 = arith.constant dense<0.000000e+00> : vector<16xf32>
    %reduce_sum3A_2323 = vector.multi_reduction <add>, %select_n3A_2321, %reduce_sum3A_2322 [1] : vector<16x64xf32> to vector<16xf32>
    %broadcast_in_dim3A_2324 = vector.shape_cast %reduce_sum3A_2323 : vector<16xf32> to vector<16x1xf32>
    %jit3A_2325 = arith.constant 0.000000e+00 : f32
    %broadcast_in_dim3A_2326 = vector.broadcast %jit3A_2325 : f32 to vector<16x64xf32>
    %select_n3A_2327 = arith.select %eq3A_2306, %mul3A_165, %broadcast_in_dim3A_2326 : vector<16x64xi1>, vector<16x64xf32>
    %reduce_sum3A_2328 = arith.constant dense<0.000000e+00> : vector<16xf32>
    %reduce_sum3A_2329 = vector.multi_reduction <add>, %select_n3A_2327, %reduce_sum3A_2328 [1] : vector<16x64xf32> to vector<16xf32>
    %broadcast_in_dim3A_2330 = vector.shape_cast %reduce_sum3A_2329 : vector<16xf32> to vector<16x1xf32>
    %jit3A_2331 = arith.constant 0.000000e+00 : f32
    %broadcast_in_dim3A_2332 = vector.broadcast %jit3A_2331 : f32 to vector<16x64xf32>
    %select_n3A_2333 = arith.select %eq3A_2306, %mul3A_168, %broadcast_in_dim3A_2332 : vector<16x64xi1>, vector<16x64xf32>
    %reduce_sum3A_2334 = arith.constant dense<0.000000e+00> : vector<16xf32>
    %reduce_sum3A_2335 = vector.multi_reduction <add>, %select_n3A_2333, %reduce_sum3A_2334 [1] : vector<16x64xf32> to vector<16xf32>
    %broadcast_in_dim3A_2336 = vector.shape_cast %reduce_sum3A_2335 : vector<16xf32> to vector<16x1xf32>
    %jit3A_2337 = arith.constant 0.000000e+00 : f32
    %broadcast_in_dim3A_2338 = vector.broadcast %jit3A_2337 : f32 to vector<16x64xf32>
    %select_n3A_2339 = arith.select %eq3A_2306, %mul3A_171, %broadcast_in_dim3A_2338 : vector<16x64xi1>, vector<16x64xf32>
    %reduce_sum3A_2340 = arith.constant dense<0.000000e+00> : vector<16xf32>
    %reduce_sum3A_2341 = vector.multi_reduction <add>, %select_n3A_2339, %reduce_sum3A_2340 [1] : vector<16x64xf32> to vector<16xf32>
    %broadcast_in_dim3A_2342 = vector.shape_cast %reduce_sum3A_2341 : vector<16xf32> to vector<16x1xf32>
    %mul3A_2343 = arith.constant 5.000000e-01 : f32
    %mul3A_2344 = vector.broadcast %mul3A_2343 : f32 to vector<16x1xf32>
    %mul3A_2345 = arith.mulf %broadcast_in_dim3A_2330, %mul3A_2344 : vector<16x1xf32>
    %add3A_2346 = arith.addf %broadcast_in_dim3A_2312, %mul3A_2345 : vector<16x1xf32>
    %min3A_2347 = vector.broadcast %add3A_2346 : vector<16x1xf32> to vector<16x64xf32>
    %min3A_2348 = arith.minimumf %add3A_192, %min3A_2347 : vector<16x64xf32>
    %mul3A_2349 = arith.constant 5.000000e-01 : f32
    %mul3A_2350 = vector.broadcast %mul3A_2349 : f32 to vector<16x1xf32>
    %mul3A_2351 = arith.mulf %broadcast_in_dim3A_2330, %mul3A_2350 : vector<16x1xf32>
    %sub3A_2352 = arith.subf %broadcast_in_dim3A_2312, %mul3A_2351 : vector<16x1xf32>
    %max3A_2353 = vector.broadcast %sub3A_2352 : vector<16x1xf32> to vector<16x64xf32>
    %max3A_2354 = arith.maximumf %sub3A_188, %max3A_2353 : vector<16x64xf32>
    %sub3A_2355 = arith.subf %min3A_2348, %max3A_2354 : vector<16x64xf32>
    %max3A_2356 = arith.constant 0.000000e+00 : f32
    %max3A_2357 = vector.broadcast %max3A_2356 : f32 to vector<16x64xf32>
    %max3A_2358 = arith.maximumf %sub3A_2355, %max3A_2357 : vector<16x64xf32>
    %mul3A_2359 = arith.constant 5.000000e-01 : f32
    %mul3A_2360 = vector.broadcast %mul3A_2359 : f32 to vector<16x1xf32>
    %mul3A_2361 = arith.mulf %broadcast_in_dim3A_2336, %mul3A_2360 : vector<16x1xf32>
    %add3A_2362 = arith.addf %broadcast_in_dim3A_2318, %mul3A_2361 : vector<16x1xf32>
    %min3A_2363 = vector.broadcast %add3A_2362 : vector<16x1xf32> to vector<16x64xf32>
    %min3A_2364 = arith.minimumf %add3A_200, %min3A_2363 : vector<16x64xf32>
    %mul3A_2365 = arith.constant 5.000000e-01 : f32
    %mul3A_2366 = vector.broadcast %mul3A_2365 : f32 to vector<16x1xf32>
    %mul3A_2367 = arith.mulf %broadcast_in_dim3A_2336, %mul3A_2366 : vector<16x1xf32>
    %sub3A_2368 = arith.subf %broadcast_in_dim3A_2318, %mul3A_2367 : vector<16x1xf32>
    %max3A_2369 = vector.broadcast %sub3A_2368 : vector<16x1xf32> to vector<16x64xf32>
    %max3A_2370 = arith.maximumf %sub3A_196, %max3A_2369 : vector<16x64xf32>
    %sub3A_2371 = arith.subf %min3A_2364, %max3A_2370 : vector<16x64xf32>
    %max3A_2372 = arith.constant 0.000000e+00 : f32
    %max3A_2373 = vector.broadcast %max3A_2372 : f32 to vector<16x64xf32>
    %max3A_2374 = arith.maximumf %sub3A_2371, %max3A_2373 : vector<16x64xf32>
    %mul3A_2375 = arith.constant 5.000000e-01 : f32
    %mul3A_2376 = vector.broadcast %mul3A_2375 : f32 to vector<16x1xf32>
    %mul3A_2377 = arith.mulf %broadcast_in_dim3A_2342, %mul3A_2376 : vector<16x1xf32>
    %add3A_2378 = arith.addf %broadcast_in_dim3A_2324, %mul3A_2377 : vector<16x1xf32>
    %min3A_2379 = vector.broadcast %add3A_2378 : vector<16x1xf32> to vector<16x64xf32>
    %min3A_2380 = arith.minimumf %add3A_208, %min3A_2379 : vector<16x64xf32>
    %mul3A_2381 = arith.constant 5.000000e-01 : f32
    %mul3A_2382 = vector.broadcast %mul3A_2381 : f32 to vector<16x1xf32>
    %mul3A_2383 = arith.mulf %broadcast_in_dim3A_2342, %mul3A_2382 : vector<16x1xf32>
    %sub3A_2384 = arith.subf %broadcast_in_dim3A_2324, %mul3A_2383 : vector<16x1xf32>
    %max3A_2385 = vector.broadcast %sub3A_2384 : vector<16x1xf32> to vector<16x64xf32>
    %max3A_2386 = arith.maximumf %sub3A_204, %max3A_2385 : vector<16x64xf32>
    %sub3A_2387 = arith.subf %min3A_2380, %max3A_2386 : vector<16x64xf32>
    %max3A_2388 = arith.constant 0.000000e+00 : f32
    %max3A_2389 = vector.broadcast %max3A_2388 : f32 to vector<16x64xf32>
    %max3A_2390 = arith.maximumf %sub3A_2387, %max3A_2389 : vector<16x64xf32>
    %mul3A_2391 = arith.mulf %max3A_2358, %max3A_2374 : vector<16x64xf32>
    %mul3A_2392 = arith.mulf %mul3A_2391, %max3A_2390 : vector<16x64xf32>
    %mul3A_2393 = arith.mulf %broadcast_in_dim3A_2330, %broadcast_in_dim3A_2336 : vector<16x1xf32>
    %mul3A_2394 = arith.mulf %mul3A_2393, %broadcast_in_dim3A_2342 : vector<16x1xf32>
    %add3A_2395 = vector.broadcast %mul3A_2394 : vector<16x1xf32> to vector<16x64xf32>
    %add3A_2396 = arith.addf %add3A_2395, %mul3A_210 : vector<16x64xf32>
    %sub3A_2397 = arith.subf %add3A_2396, %mul3A_2392 : vector<16x64xf32>
    %add3A_2398 = arith.constant 9.99999993E-9 : f32
    %add3A_2399 = vector.broadcast %add3A_2398 : f32 to vector<16x64xf32>
    %add3A_2400 = arith.addf %sub3A_2397, %add3A_2399 : vector<16x64xf32>
    %div3A_2401 = arith.divf %mul3A_2392, %add3A_2400 : vector<16x64xf32>
    %gt3A_2402 = arith.constant 5.000000e-02 : f32
    %gt3A_2403 = vector.broadcast %gt3A_2402 : f32 to vector<16x64xf32>
    %gt3A_2404 = arith.cmpf ogt, %div3A_2401, %gt3A_2403 : vector<16x64xf32>
    %or3A_2405 = arith.ori %gt3A_2404, %eq3A_2306 : vector<16x64xi1>
    %and3A_2406 = vector.broadcast %gt3A_2296 : vector<16x1xi1> to vector<16x64xi1>
    %and3A_2407 = arith.andi %and3A_2406, %or3A_2405 : vector<16x64xi1>
    %jit3A_2408 = arith.constant 0xFF800000 : f32
    %broadcast_in_dim3A_2409 = vector.broadcast %jit3A_2408 : f32 to vector<16x64xf32>
    %select_n3A_2410 = arith.select %and3A_2407, %broadcast_in_dim3A_2409, %select_n3A_2271 : vector<16x64xi1>, vector<16x64xf32>
    %broadcast_in_dim3A_2411 = arith.constant -1.000000e+00 : f32
    %broadcast_in_dim3A_2412 = vector.broadcast %broadcast_in_dim3A_2411 : f32 to vector<16x1xf32>
    %jit3A_2413 = arith.constant 1.000000e+00 : f32
    %broadcast_in_dim3A_2414 = vector.broadcast %jit3A_2413 : f32 to vector<16x1xf32>
    %select_n3A_2415 = arith.select %gt3A_2296, %broadcast_in_dim3A_2414, %broadcast_in_dim3A_2412 : vector<16x1xi1>, vector<16x1xf32>
    %select_n3A_2416 = arith.select %gt3A_2296, %broadcast_in_dim3A_2293, %broadcast_in_dim3A_2412 : vector<16x1xi1>, vector<16x1xf32>
    %select_n3A_2417 = arith.select %gt3A_2296, %broadcast_in_dim3A_2312, %broadcast_in_dim3A_2412 : vector<16x1xi1>, vector<16x1xf32>
    %select_n3A_2418 = arith.select %gt3A_2296, %broadcast_in_dim3A_2318, %broadcast_in_dim3A_2412 : vector<16x1xi1>, vector<16x1xf32>
    %select_n3A_2419 = arith.select %gt3A_2296, %broadcast_in_dim3A_2324, %broadcast_in_dim3A_2412 : vector<16x1xi1>, vector<16x1xf32>
    %select_n3A_2420 = arith.select %gt3A_2296, %broadcast_in_dim3A_2330, %broadcast_in_dim3A_2412 : vector<16x1xi1>, vector<16x1xf32>
    %select_n3A_2421 = arith.select %gt3A_2296, %broadcast_in_dim3A_2336, %broadcast_in_dim3A_2412 : vector<16x1xi1>, vector<16x1xf32>
    %select_n3A_2422 = arith.select %gt3A_2296, %broadcast_in_dim3A_2342, %broadcast_in_dim3A_2412 : vector<16x1xi1>, vector<16x1xf32>
    %concatenate3A_2423 = tpu.concatenate %select_n3A_2415, %select_n3A_2416, %select_n3A_2417, %select_n3A_2418, %select_n3A_2419, %select_n3A_2420, %select_n3A_2421, %select_n3A_2422 in 1 : vector<16x1xf32>, vector<16x1xf32>, vector<16x1xf32>, vector<16x1xf32>, vector<16x1xf32>, vector<16x1xf32>, vector<16x1xf32>, vector<16x1xf32> -> vector<16x8xf32>
    %swap3A_2424 = arith.constant 0 : index
    %swap3A_2425 = arith.constant 15 : index
    %swap3A_2426 = arith.constant 0 : index
    %swap3A_2427 = vector.load %arg4[%swap3A_2424, %swap3A_2425, %swap3A_2426] : memref<16x60x8xf32, #tpu.memory_space<vmem>>, vector<16x1x8xf32>
    %swap3A_2428 = vector.shape_cast %swap3A_2427 : vector<16x1x8xf32> to vector<16x8xf32>
    %swap3A_2429 = vector.shape_cast %concatenate3A_2423 : vector<16x8xf32> to vector<16x1x8xf32>
    tpu.vector_store %arg4[%swap3A_2424, %swap3A_2425, %swap3A_2426], %swap3A_2429 {strides = array<i32>} : memref<16x60x8xf32, #tpu.memory_space<vmem>>, vector<16x1x8xf32>,
    %reduce_max3A_2430 = arith.constant dense<0xFF800000> : vector<16xf32>
    %reduce_max3A_2431 = vector.multi_reduction <maximumf>, %select_n3A_2410, %reduce_max3A_2430 [1] : vector<16x64xf32> to vector<16xf32>
    %broadcast_in_dim3A_2432 = vector.shape_cast %reduce_max3A_2431 : vector<16xf32> to vector<16x1xf32>
    %gt3A_2433 = arith.constant 0xFF800000 : f32
    %gt3A_2434 = vector.broadcast %gt3A_2433 : f32 to vector<16x1xf32>
    %gt3A_2435 = arith.cmpf ogt, %broadcast_in_dim3A_2432, %gt3A_2434 : vector<16x1xf32>
    %eq3A_2436 = vector.broadcast %broadcast_in_dim3A_2432 : vector<16x1xf32> to vector<16x64xf32>
    %eq3A_2437 = arith.cmpf oeq, %select_n3A_2410, %eq3A_2436 : vector<16x64xf32>
    %jit3A_2438 = arith.constant 64 : i32
    %broadcast_in_dim3A_2439 = vector.broadcast %jit3A_2438 : i32 to vector<16x64xi32>
    %select_n3A_2440 = arith.select %eq3A_2437, %iota3A_172, %broadcast_in_dim3A_2439 : vector<16x64xi1>, vector<16x64xi32>
    %reduce_min3A_2441 = arith.constant dense<2147483647> : vector<16xi32>
    %reduce_min3A_2442 = vector.multi_reduction <minsi>, %select_n3A_2440, %reduce_min3A_2441 [1] : vector<16x64xi32> to vector<16xi32>
    %broadcast_in_dim3A_2443 = vector.shape_cast %reduce_min3A_2442 : vector<16xi32> to vector<16x1xi32>
    %eq3A_2444 = vector.broadcast %broadcast_in_dim3A_2443 : vector<16x1xi32> to vector<16x64xi32>
    %eq3A_2445 = arith.cmpi eq, %iota3A_172, %eq3A_2444 : vector<16x64xi32>
    %jit3A_2446 = arith.constant 0.000000e+00 : f32
    %broadcast_in_dim3A_2447 = vector.broadcast %jit3A_2446 : f32 to vector<16x64xf32>
    %select_n3A_2448 = arith.select %eq3A_2445, %mul3A_150, %broadcast_in_dim3A_2447 : vector<16x64xi1>, vector<16x64xf32>
    %reduce_sum3A_2449 = arith.constant dense<0.000000e+00> : vector<16xf32>
    %reduce_sum3A_2450 = vector.multi_reduction <add>, %select_n3A_2448, %reduce_sum3A_2449 [1] : vector<16x64xf32> to vector<16xf32>
    %broadcast_in_dim3A_2451 = vector.shape_cast %reduce_sum3A_2450 : vector<16xf32> to vector<16x1xf32>
    %jit3A_2452 = arith.constant 0.000000e+00 : f32
    %broadcast_in_dim3A_2453 = vector.broadcast %jit3A_2452 : f32 to vector<16x64xf32>
    %select_n3A_2454 = arith.select %eq3A_2445, %mul3A_156, %broadcast_in_dim3A_2453 : vector<16x64xi1>, vector<16x64xf32>
    %reduce_sum3A_2455 = arith.constant dense<0.000000e+00> : vector<16xf32>
    %reduce_sum3A_2456 = vector.multi_reduction <add>, %select_n3A_2454, %reduce_sum3A_2455 [1] : vector<16x64xf32> to vector<16xf32>
    %broadcast_in_dim3A_2457 = vector.shape_cast %reduce_sum3A_2456 : vector<16xf32> to vector<16x1xf32>
    %jit3A_2458 = arith.constant 0.000000e+00 : f32
    %broadcast_in_dim3A_2459 = vector.broadcast %jit3A_2458 : f32 to vector<16x64xf32>
    %select_n3A_2460 = arith.select %eq3A_2445, %mul3A_162, %broadcast_in_dim3A_2459 : vector<16x64xi1>, vector<16x64xf32>
    %reduce_sum3A_2461 = arith.constant dense<0.000000e+00> : vector<16xf32>
    %reduce_sum3A_2462 = vector.multi_reduction <add>, %select_n3A_2460, %reduce_sum3A_2461 [1] : vector<16x64xf32> to vector<16xf32>
    %broadcast_in_dim3A_2463 = vector.shape_cast %reduce_sum3A_2462 : vector<16xf32> to vector<16x1xf32>
    %jit3A_2464 = arith.constant 0.000000e+00 : f32
    %broadcast_in_dim3A_2465 = vector.broadcast %jit3A_2464 : f32 to vector<16x64xf32>
    %select_n3A_2466 = arith.select %eq3A_2445, %mul3A_165, %broadcast_in_dim3A_2465 : vector<16x64xi1>, vector<16x64xf32>
    %reduce_sum3A_2467 = arith.constant dense<0.000000e+00> : vector<16xf32>
    %reduce_sum3A_2468 = vector.multi_reduction <add>, %select_n3A_2466, %reduce_sum3A_2467 [1] : vector<16x64xf32> to vector<16xf32>
    %broadcast_in_dim3A_2469 = vector.shape_cast %reduce_sum3A_2468 : vector<16xf32> to vector<16x1xf32>
    %jit3A_2470 = arith.constant 0.000000e+00 : f32
    %broadcast_in_dim3A_2471 = vector.broadcast %jit3A_2470 : f32 to vector<16x64xf32>
    %select_n3A_2472 = arith.select %eq3A_2445, %mul3A_168, %broadcast_in_dim3A_2471 : vector<16x64xi1>, vector<16x64xf32>
    %reduce_sum3A_2473 = arith.constant dense<0.000000e+00> : vector<16xf32>
    %reduce_sum3A_2474 = vector.multi_reduction <add>, %select_n3A_2472, %reduce_sum3A_2473 [1] : vector<16x64xf32> to vector<16xf32>
    %broadcast_in_dim3A_2475 = vector.shape_cast %reduce_sum3A_2474 : vector<16xf32> to vector<16x1xf32>
    %jit3A_2476 = arith.constant 0.000000e+00 : f32
    %broadcast_in_dim3A_2477 = vector.broadcast %jit3A_2476 : f32 to vector<16x64xf32>
    %select_n3A_2478 = arith.select %eq3A_2445, %mul3A_171, %broadcast_in_dim3A_2477 : vector<16x64xi1>, vector<16x64xf32>
    %reduce_sum3A_2479 = arith.constant dense<0.000000e+00> : vector<16xf32>
    %reduce_sum3A_2480 = vector.multi_reduction <add>, %select_n3A_2478, %reduce_sum3A_2479 [1] : vector<16x64xf32> to vector<16xf32>
    %broadcast_in_dim3A_2481 = vector.shape_cast %reduce_sum3A_2480 : vector<16xf32> to vector<16x1xf32>
    %mul3A_2482 = arith.constant 5.000000e-01 : f32
    %mul3A_2483 = vector.broadcast %mul3A_2482 : f32 to vector<16x1xf32>
    %mul3A_2484 = arith.mulf %broadcast_in_dim3A_2469, %mul3A_2483 : vector<16x1xf32>
    %add3A_2485 = arith.addf %broadcast_in_dim3A_2451, %mul3A_2484 : vector<16x1xf32>
    %min3A_2486 = vector.broadcast %add3A_2485 : vector<16x1xf32> to vector<16x64xf32>
    %min3A_2487 = arith.minimumf %add3A_192, %min3A_2486 : vector<16x64xf32>
    %mul3A_2488 = arith.constant 5.000000e-01 : f32
    %mul3A_2489 = vector.broadcast %mul3A_2488 : f32 to vector<16x1xf32>
    %mul3A_2490 = arith.mulf %broadcast_in_dim3A_2469, %mul3A_2489 : vector<16x1xf32>
    %sub3A_2491 = arith.subf %broadcast_in_dim3A_2451, %mul3A_2490 : vector<16x1xf32>
    %max3A_2492 = vector.broadcast %sub3A_2491 : vector<16x1xf32> to vector<16x64xf32>
    %max3A_2493 = arith.maximumf %sub3A_188, %max3A_2492 : vector<16x64xf32>
    %sub3A_2494 = arith.subf %min3A_2487, %max3A_2493 : vector<16x64xf32>
    %max3A_2495 = arith.constant 0.000000e+00 : f32
    %max3A_2496 = vector.broadcast %max3A_2495 : f32 to vector<16x64xf32>
    %max3A_2497 = arith.maximumf %sub3A_2494, %max3A_2496 : vector<16x64xf32>
    %mul3A_2498 = arith.constant 5.000000e-01 : f32
    %mul3A_2499 = vector.broadcast %mul3A_2498 : f32 to vector<16x1xf32>
    %mul3A_2500 = arith.mulf %broadcast_in_dim3A_2475, %mul3A_2499 : vector<16x1xf32>
    %add3A_2501 = arith.addf %broadcast_in_dim3A_2457, %mul3A_2500 : vector<16x1xf32>
    %min3A_2502 = vector.broadcast %add3A_2501 : vector<16x1xf32> to vector<16x64xf32>
    %min3A_2503 = arith.minimumf %add3A_200, %min3A_2502 : vector<16x64xf32>
    %mul3A_2504 = arith.constant 5.000000e-01 : f32
    %mul3A_2505 = vector.broadcast %mul3A_2504 : f32 to vector<16x1xf32>
    %mul3A_2506 = arith.mulf %broadcast_in_dim3A_2475, %mul3A_2505 : vector<16x1xf32>
    %sub3A_2507 = arith.subf %broadcast_in_dim3A_2457, %mul3A_2506 : vector<16x1xf32>
    %max3A_2508 = vector.broadcast %sub3A_2507 : vector<16x1xf32> to vector<16x64xf32>
    %max3A_2509 = arith.maximumf %sub3A_196, %max3A_2508 : vector<16x64xf32>
    %sub3A_2510 = arith.subf %min3A_2503, %max3A_2509 : vector<16x64xf32>
    %max3A_2511 = arith.constant 0.000000e+00 : f32
    %max3A_2512 = vector.broadcast %max3A_2511 : f32 to vector<16x64xf32>
    %max3A_2513 = arith.maximumf %sub3A_2510, %max3A_2512 : vector<16x64xf32>
    %mul3A_2514 = arith.constant 5.000000e-01 : f32
    %mul3A_2515 = vector.broadcast %mul3A_2514 : f32 to vector<16x1xf32>
    %mul3A_2516 = arith.mulf %broadcast_in_dim3A_2481, %mul3A_2515 : vector<16x1xf32>
    %add3A_2517 = arith.addf %broadcast_in_dim3A_2463, %mul3A_2516 : vector<16x1xf32>
    %min3A_2518 = vector.broadcast %add3A_2517 : vector<16x1xf32> to vector<16x64xf32>
    %min3A_2519 = arith.minimumf %add3A_208, %min3A_2518 : vector<16x64xf32>
    %mul3A_2520 = arith.constant 5.000000e-01 : f32
    %mul3A_2521 = vector.broadcast %mul3A_2520 : f32 to vector<16x1xf32>
    %mul3A_2522 = arith.mulf %broadcast_in_dim3A_2481, %mul3A_2521 : vector<16x1xf32>
    %sub3A_2523 = arith.subf %broadcast_in_dim3A_2463, %mul3A_2522 : vector<16x1xf32>
    %max3A_2524 = vector.broadcast %sub3A_2523 : vector<16x1xf32> to vector<16x64xf32>
    %max3A_2525 = arith.maximumf %sub3A_204, %max3A_2524 : vector<16x64xf32>
    %sub3A_2526 = arith.subf %min3A_2519, %max3A_2525 : vector<16x64xf32>
    %max3A_2527 = arith.constant 0.000000e+00 : f32
    %max3A_2528 = vector.broadcast %max3A_2527 : f32 to vector<16x64xf32>
    %max3A_2529 = arith.maximumf %sub3A_2526, %max3A_2528 : vector<16x64xf32>
    %mul3A_2530 = arith.mulf %max3A_2497, %max3A_2513 : vector<16x64xf32>
    %mul3A_2531 = arith.mulf %mul3A_2530, %max3A_2529 : vector<16x64xf32>
    %mul3A_2532 = arith.mulf %broadcast_in_dim3A_2469, %broadcast_in_dim3A_2475 : vector<16x1xf32>
    %mul3A_2533 = arith.mulf %mul3A_2532, %broadcast_in_dim3A_2481 : vector<16x1xf32>
    %add3A_2534 = vector.broadcast %mul3A_2533 : vector<16x1xf32> to vector<16x64xf32>
    %add3A_2535 = arith.addf %add3A_2534, %mul3A_210 : vector<16x64xf32>
    %sub3A_2536 = arith.subf %add3A_2535, %mul3A_2531 : vector<16x64xf32>
    %add3A_2537 = arith.constant 9.99999993E-9 : f32
    %add3A_2538 = vector.broadcast %add3A_2537 : f32 to vector<16x64xf32>
    %add3A_2539 = arith.addf %sub3A_2536, %add3A_2538 : vector<16x64xf32>
    %div3A_2540 = arith.divf %mul3A_2531, %add3A_2539 : vector<16x64xf32>
    %gt3A_2541 = arith.constant 5.000000e-02 : f32
    %gt3A_2542 = vector.broadcast %gt3A_2541 : f32 to vector<16x64xf32>
    %gt3A_2543 = arith.cmpf ogt, %div3A_2540, %gt3A_2542 : vector<16x64xf32>
    %or3A_2544 = arith.ori %gt3A_2543, %eq3A_2445 : vector<16x64xi1>
    %and3A_2545 = vector.broadcast %gt3A_2435 : vector<16x1xi1> to vector<16x64xi1>
    %and3A_2546 = arith.andi %and3A_2545, %or3A_2544 : vector<16x64xi1>
    %jit3A_2547 = arith.constant 0xFF800000 : f32
    %broadcast_in_dim3A_2548 = vector.broadcast %jit3A_2547 : f32 to vector<16x64xf32>
    %select_n3A_2549 = arith.select %and3A_2546, %broadcast_in_dim3A_2548, %select_n3A_2410 : vector<16x64xi1>, vector<16x64xf32>
    %broadcast_in_dim3A_2550 = arith.constant -1.000000e+00 : f32
    %broadcast_in_dim3A_2551 = vector.broadcast %broadcast_in_dim3A_2550 : f32 to vector<16x1xf32>
    %jit3A_2552 = arith.constant 1.000000e+00 : f32
    %broadcast_in_dim3A_2553 = vector.broadcast %jit3A_2552 : f32 to vector<16x1xf32>
    %select_n3A_2554 = arith.select %gt3A_2435, %broadcast_in_dim3A_2553, %broadcast_in_dim3A_2551 : vector<16x1xi1>, vector<16x1xf32>
    %select_n3A_2555 = arith.select %gt3A_2435, %broadcast_in_dim3A_2432, %broadcast_in_dim3A_2551 : vector<16x1xi1>, vector<16x1xf32>
    %select_n3A_2556 = arith.select %gt3A_2435, %broadcast_in_dim3A_2451, %broadcast_in_dim3A_2551 : vector<16x1xi1>, vector<16x1xf32>
    %select_n3A_2557 = arith.select %gt3A_2435, %broadcast_in_dim3A_2457, %broadcast_in_dim3A_2551 : vector<16x1xi1>, vector<16x1xf32>
    %select_n3A_2558 = arith.select %gt3A_2435, %broadcast_in_dim3A_2463, %broadcast_in_dim3A_2551 : vector<16x1xi1>, vector<16x1xf32>
    %select_n3A_2559 = arith.select %gt3A_2435, %broadcast_in_dim3A_2469, %broadcast_in_dim3A_2551 : vector<16x1xi1>, vector<16x1xf32>
    %select_n3A_2560 = arith.select %gt3A_2435, %broadcast_in_dim3A_2475, %broadcast_in_dim3A_2551 : vector<16x1xi1>, vector<16x1xf32>
    %select_n3A_2561 = arith.select %gt3A_2435, %broadcast_in_dim3A_2481, %broadcast_in_dim3A_2551 : vector<16x1xi1>, vector<16x1xf32>
    %concatenate3A_2562 = tpu.concatenate %select_n3A_2554, %select_n3A_2555, %select_n3A_2556, %select_n3A_2557, %select_n3A_2558, %select_n3A_2559, %select_n3A_2560, %select_n3A_2561 in 1 : vector<16x1xf32>, vector<16x1xf32>, vector<16x1xf32>, vector<16x1xf32>, vector<16x1xf32>, vector<16x1xf32>, vector<16x1xf32>, vector<16x1xf32> -> vector<16x8xf32>
    %swap3A_2563 = arith.constant 0 : index
    %swap3A_2564 = arith.constant 16 : index
    %swap3A_2565 = arith.constant 0 : index
    %swap3A_2566 = vector.load %arg4[%swap3A_2563, %swap3A_2564, %swap3A_2565] : memref<16x60x8xf32, #tpu.memory_space<vmem>>, vector<16x1x8xf32>
    %swap3A_2567 = vector.shape_cast %swap3A_2566 : vector<16x1x8xf32> to vector<16x8xf32>
    %swap3A_2568 = vector.shape_cast %concatenate3A_2562 : vector<16x8xf32> to vector<16x1x8xf32>
    tpu.vector_store %arg4[%swap3A_2563, %swap3A_2564, %swap3A_2565], %swap3A_2568 {strides = array<i32>} : memref<16x60x8xf32, #tpu.memory_space<vmem>>, vector<16x1x8xf32>,
    %reduce_max3A_2569 = arith.constant dense<0xFF800000> : vector<16xf32>
    %reduce_max3A_2570 = vector.multi_reduction <maximumf>, %select_n3A_2549, %reduce_max3A_2569 [1] : vector<16x64xf32> to vector<16xf32>
    %broadcast_in_dim3A_2571 = vector.shape_cast %reduce_max3A_2570 : vector<16xf32> to vector<16x1xf32>
    %gt3A_2572 = arith.constant 0xFF800000 : f32
    %gt3A_2573 = vector.broadcast %gt3A_2572 : f32 to vector<16x1xf32>
    %gt3A_2574 = arith.cmpf ogt, %broadcast_in_dim3A_2571, %gt3A_2573 : vector<16x1xf32>
    %eq3A_2575 = vector.broadcast %broadcast_in_dim3A_2571 : vector<16x1xf32> to vector<16x64xf32>
    %eq3A_2576 = arith.cmpf oeq, %select_n3A_2549, %eq3A_2575 : vector<16x64xf32>
    %jit3A_2577 = arith.constant 64 : i32
    %broadcast_in_dim3A_2578 = vector.broadcast %jit3A_2577 : i32 to vector<16x64xi32>
    %select_n3A_2579 = arith.select %eq3A_2576, %iota3A_172, %broadcast_in_dim3A_2578 : vector<16x64xi1>, vector<16x64xi32>
    %reduce_min3A_2580 = arith.constant dense<2147483647> : vector<16xi32>
    %reduce_min3A_2581 = vector.multi_reduction <minsi>, %select_n3A_2579, %reduce_min3A_2580 [1] : vector<16x64xi32> to vector<16xi32>
    %broadcast_in_dim3A_2582 = vector.shape_cast %reduce_min3A_2581 : vector<16xi32> to vector<16x1xi32>
    %eq3A_2583 = vector.broadcast %broadcast_in_dim3A_2582 : vector<16x1xi32> to vector<16x64xi32>
    %eq3A_2584 = arith.cmpi eq, %iota3A_172, %eq3A_2583 : vector<16x64xi32>
    %jit3A_2585 = arith.constant 0.000000e+00 : f32
    %broadcast_in_dim3A_2586 = vector.broadcast %jit3A_2585 : f32 to vector<16x64xf32>
    %select_n3A_2587 = arith.select %eq3A_2584, %mul3A_150, %broadcast_in_dim3A_2586 : vector<16x64xi1>, vector<16x64xf32>
    %reduce_sum3A_2588 = arith.constant dense<0.000000e+00> : vector<16xf32>
    %reduce_sum3A_2589 = vector.multi_reduction <add>, %select_n3A_2587, %reduce_sum3A_2588 [1] : vector<16x64xf32> to vector<16xf32>
    %broadcast_in_dim3A_2590 = vector.shape_cast %reduce_sum3A_2589 : vector<16xf32> to vector<16x1xf32>
    %jit3A_2591 = arith.constant 0.000000e+00 : f32
    %broadcast_in_dim3A_2592 = vector.broadcast %jit3A_2591 : f32 to vector<16x64xf32>
    %select_n3A_2593 = arith.select %eq3A_2584, %mul3A_156, %broadcast_in_dim3A_2592 : vector<16x64xi1>, vector<16x64xf32>
    %reduce_sum3A_2594 = arith.constant dense<0.000000e+00> : vector<16xf32>
    %reduce_sum3A_2595 = vector.multi_reduction <add>, %select_n3A_2593, %reduce_sum3A_2594 [1] : vector<16x64xf32> to vector<16xf32>
    %broadcast_in_dim3A_2596 = vector.shape_cast %reduce_sum3A_2595 : vector<16xf32> to vector<16x1xf32>
    %jit3A_2597 = arith.constant 0.000000e+00 : f32
    %broadcast_in_dim3A_2598 = vector.broadcast %jit3A_2597 : f32 to vector<16x64xf32>
    %select_n3A_2599 = arith.select %eq3A_2584, %mul3A_162, %broadcast_in_dim3A_2598 : vector<16x64xi1>, vector<16x64xf32>
    %reduce_sum3A_2600 = arith.constant dense<0.000000e+00> : vector<16xf32>
    %reduce_sum3A_2601 = vector.multi_reduction <add>, %select_n3A_2599, %reduce_sum3A_2600 [1] : vector<16x64xf32> to vector<16xf32>
    %broadcast_in_dim3A_2602 = vector.shape_cast %reduce_sum3A_2601 : vector<16xf32> to vector<16x1xf32>
    %jit3A_2603 = arith.constant 0.000000e+00 : f32
    %broadcast_in_dim3A_2604 = vector.broadcast %jit3A_2603 : f32 to vector<16x64xf32>
    %select_n3A_2605 = arith.select %eq3A_2584, %mul3A_165, %broadcast_in_dim3A_2604 : vector<16x64xi1>, vector<16x64xf32>
    %reduce_sum3A_2606 = arith.constant dense<0.000000e+00> : vector<16xf32>
    %reduce_sum3A_2607 = vector.multi_reduction <add>, %select_n3A_2605, %reduce_sum3A_2606 [1] : vector<16x64xf32> to vector<16xf32>
    %broadcast_in_dim3A_2608 = vector.shape_cast %reduce_sum3A_2607 : vector<16xf32> to vector<16x1xf32>
    %jit3A_2609 = arith.constant 0.000000e+00 : f32
    %broadcast_in_dim3A_2610 = vector.broadcast %jit3A_2609 : f32 to vector<16x64xf32>
    %select_n3A_2611 = arith.select %eq3A_2584, %mul3A_168, %broadcast_in_dim3A_2610 : vector<16x64xi1>, vector<16x64xf32>
    %reduce_sum3A_2612 = arith.constant dense<0.000000e+00> : vector<16xf32>
    %reduce_sum3A_2613 = vector.multi_reduction <add>, %select_n3A_2611, %reduce_sum3A_2612 [1] : vector<16x64xf32> to vector<16xf32>
    %broadcast_in_dim3A_2614 = vector.shape_cast %reduce_sum3A_2613 : vector<16xf32> to vector<16x1xf32>
    %jit3A_2615 = arith.constant 0.000000e+00 : f32
    %broadcast_in_dim3A_2616 = vector.broadcast %jit3A_2615 : f32 to vector<16x64xf32>
    %select_n3A_2617 = arith.select %eq3A_2584, %mul3A_171, %broadcast_in_dim3A_2616 : vector<16x64xi1>, vector<16x64xf32>
    %reduce_sum3A_2618 = arith.constant dense<0.000000e+00> : vector<16xf32>
    %reduce_sum3A_2619 = vector.multi_reduction <add>, %select_n3A_2617, %reduce_sum3A_2618 [1] : vector<16x64xf32> to vector<16xf32>
    %broadcast_in_dim3A_2620 = vector.shape_cast %reduce_sum3A_2619 : vector<16xf32> to vector<16x1xf32>
    %mul3A_2621 = arith.constant 5.000000e-01 : f32
    %mul3A_2622 = vector.broadcast %mul3A_2621 : f32 to vector<16x1xf32>
    %mul3A_2623 = arith.mulf %broadcast_in_dim3A_2608, %mul3A_2622 : vector<16x1xf32>
    %add3A_2624 = arith.addf %broadcast_in_dim3A_2590, %mul3A_2623 : vector<16x1xf32>
    %min3A_2625 = vector.broadcast %add3A_2624 : vector<16x1xf32> to vector<16x64xf32>
    %min3A_2626 = arith.minimumf %add3A_192, %min3A_2625 : vector<16x64xf32>
    %mul3A_2627 = arith.constant 5.000000e-01 : f32
    %mul3A_2628 = vector.broadcast %mul3A_2627 : f32 to vector<16x1xf32>
    %mul3A_2629 = arith.mulf %broadcast_in_dim3A_2608, %mul3A_2628 : vector<16x1xf32>
    %sub3A_2630 = arith.subf %broadcast_in_dim3A_2590, %mul3A_2629 : vector<16x1xf32>
    %max3A_2631 = vector.broadcast %sub3A_2630 : vector<16x1xf32> to vector<16x64xf32>
    %max3A_2632 = arith.maximumf %sub3A_188, %max3A_2631 : vector<16x64xf32>
    %sub3A_2633 = arith.subf %min3A_2626, %max3A_2632 : vector<16x64xf32>
    %max3A_2634 = arith.constant 0.000000e+00 : f32
    %max3A_2635 = vector.broadcast %max3A_2634 : f32 to vector<16x64xf32>
    %max3A_2636 = arith.maximumf %sub3A_2633, %max3A_2635 : vector<16x64xf32>
    %mul3A_2637 = arith.constant 5.000000e-01 : f32
    %mul3A_2638 = vector.broadcast %mul3A_2637 : f32 to vector<16x1xf32>
    %mul3A_2639 = arith.mulf %broadcast_in_dim3A_2614, %mul3A_2638 : vector<16x1xf32>
    %add3A_2640 = arith.addf %broadcast_in_dim3A_2596, %mul3A_2639 : vector<16x1xf32>
    %min3A_2641 = vector.broadcast %add3A_2640 : vector<16x1xf32> to vector<16x64xf32>
    %min3A_2642 = arith.minimumf %add3A_200, %min3A_2641 : vector<16x64xf32>
    %mul3A_2643 = arith.constant 5.000000e-01 : f32
    %mul3A_2644 = vector.broadcast %mul3A_2643 : f32 to vector<16x1xf32>
    %mul3A_2645 = arith.mulf %broadcast_in_dim3A_2614, %mul3A_2644 : vector<16x1xf32>
    %sub3A_2646 = arith.subf %broadcast_in_dim3A_2596, %mul3A_2645 : vector<16x1xf32>
    %max3A_2647 = vector.broadcast %sub3A_2646 : vector<16x1xf32> to vector<16x64xf32>
    %max3A_2648 = arith.maximumf %sub3A_196, %max3A_2647 : vector<16x64xf32>
    %sub3A_2649 = arith.subf %min3A_2642, %max3A_2648 : vector<16x64xf32>
    %max3A_2650 = arith.constant 0.000000e+00 : f32
    %max3A_2651 = vector.broadcast %max3A_2650 : f32 to vector<16x64xf32>
    %max3A_2652 = arith.maximumf %sub3A_2649, %max3A_2651 : vector<16x64xf32>
    %mul3A_2653 = arith.constant 5.000000e-01 : f32
    %mul3A_2654 = vector.broadcast %mul3A_2653 : f32 to vector<16x1xf32>
    %mul3A_2655 = arith.mulf %broadcast_in_dim3A_2620, %mul3A_2654 : vector<16x1xf32>
    %add3A_2656 = arith.addf %broadcast_in_dim3A_2602, %mul3A_2655 : vector<16x1xf32>
    %min3A_2657 = vector.broadcast %add3A_2656 : vector<16x1xf32> to vector<16x64xf32>
    %min3A_2658 = arith.minimumf %add3A_208, %min3A_2657 : vector<16x64xf32>
    %mul3A_2659 = arith.constant 5.000000e-01 : f32
    %mul3A_2660 = vector.broadcast %mul3A_2659 : f32 to vector<16x1xf32>
    %mul3A_2661 = arith.mulf %broadcast_in_dim3A_2620, %mul3A_2660 : vector<16x1xf32>
    %sub3A_2662 = arith.subf %broadcast_in_dim3A_2602, %mul3A_2661 : vector<16x1xf32>
    %max3A_2663 = vector.broadcast %sub3A_2662 : vector<16x1xf32> to vector<16x64xf32>
    %max3A_2664 = arith.maximumf %sub3A_204, %max3A_2663 : vector<16x64xf32>
    %sub3A_2665 = arith.subf %min3A_2658, %max3A_2664 : vector<16x64xf32>
    %max3A_2666 = arith.constant 0.000000e+00 : f32
    %max3A_2667 = vector.broadcast %max3A_2666 : f32 to vector<16x64xf32>
    %max3A_2668 = arith.maximumf %sub3A_2665, %max3A_2667 : vector<16x64xf32>
    %mul3A_2669 = arith.mulf %max3A_2636, %max3A_2652 : vector<16x64xf32>
    %mul3A_2670 = arith.mulf %mul3A_2669, %max3A_2668 : vector<16x64xf32>
    %mul3A_2671 = arith.mulf %broadcast_in_dim3A_2608, %broadcast_in_dim3A_2614 : vector<16x1xf32>
    %mul3A_2672 = arith.mulf %mul3A_2671, %broadcast_in_dim3A_2620 : vector<16x1xf32>
    %add3A_2673 = vector.broadcast %mul3A_2672 : vector<16x1xf32> to vector<16x64xf32>
    %add3A_2674 = arith.addf %add3A_2673, %mul3A_210 : vector<16x64xf32>
    %sub3A_2675 = arith.subf %add3A_2674, %mul3A_2670 : vector<16x64xf32>
    %add3A_2676 = arith.constant 9.99999993E-9 : f32
    %add3A_2677 = vector.broadcast %add3A_2676 : f32 to vector<16x64xf32>
    %add3A_2678 = arith.addf %sub3A_2675, %add3A_2677 : vector<16x64xf32>
    %div3A_2679 = arith.divf %mul3A_2670, %add3A_2678 : vector<16x64xf32>
    %gt3A_2680 = arith.constant 5.000000e-02 : f32
    %gt3A_2681 = vector.broadcast %gt3A_2680 : f32 to vector<16x64xf32>
    %gt3A_2682 = arith.cmpf ogt, %div3A_2679, %gt3A_2681 : vector<16x64xf32>
    %or3A_2683 = arith.ori %gt3A_2682, %eq3A_2584 : vector<16x64xi1>
    %and3A_2684 = vector.broadcast %gt3A_2574 : vector<16x1xi1> to vector<16x64xi1>
    %and3A_2685 = arith.andi %and3A_2684, %or3A_2683 : vector<16x64xi1>
    %jit3A_2686 = arith.constant 0xFF800000 : f32
    %broadcast_in_dim3A_2687 = vector.broadcast %jit3A_2686 : f32 to vector<16x64xf32>
    %select_n3A_2688 = arith.select %and3A_2685, %broadcast_in_dim3A_2687, %select_n3A_2549 : vector<16x64xi1>, vector<16x64xf32>
    %broadcast_in_dim3A_2689 = arith.constant -1.000000e+00 : f32
    %broadcast_in_dim3A_2690 = vector.broadcast %broadcast_in_dim3A_2689 : f32 to vector<16x1xf32>
    %jit3A_2691 = arith.constant 1.000000e+00 : f32
    %broadcast_in_dim3A_2692 = vector.broadcast %jit3A_2691 : f32 to vector<16x1xf32>
    %select_n3A_2693 = arith.select %gt3A_2574, %broadcast_in_dim3A_2692, %broadcast_in_dim3A_2690 : vector<16x1xi1>, vector<16x1xf32>
    %select_n3A_2694 = arith.select %gt3A_2574, %broadcast_in_dim3A_2571, %broadcast_in_dim3A_2690 : vector<16x1xi1>, vector<16x1xf32>
    %select_n3A_2695 = arith.select %gt3A_2574, %broadcast_in_dim3A_2590, %broadcast_in_dim3A_2690 : vector<16x1xi1>, vector<16x1xf32>
    %select_n3A_2696 = arith.select %gt3A_2574, %broadcast_in_dim3A_2596, %broadcast_in_dim3A_2690 : vector<16x1xi1>, vector<16x1xf32>
    %select_n3A_2697 = arith.select %gt3A_2574, %broadcast_in_dim3A_2602, %broadcast_in_dim3A_2690 : vector<16x1xi1>, vector<16x1xf32>
    %select_n3A_2698 = arith.select %gt3A_2574, %broadcast_in_dim3A_2608, %broadcast_in_dim3A_2690 : vector<16x1xi1>, vector<16x1xf32>
    %select_n3A_2699 = arith.select %gt3A_2574, %broadcast_in_dim3A_2614, %broadcast_in_dim3A_2690 : vector<16x1xi1>, vector<16x1xf32>
    %select_n3A_2700 = arith.select %gt3A_2574, %broadcast_in_dim3A_2620, %broadcast_in_dim3A_2690 : vector<16x1xi1>, vector<16x1xf32>
    %concatenate3A_2701 = tpu.concatenate %select_n3A_2693, %select_n3A_2694, %select_n3A_2695, %select_n3A_2696, %select_n3A_2697, %select_n3A_2698, %select_n3A_2699, %select_n3A_2700 in 1 : vector<16x1xf32>, vector<16x1xf32>, vector<16x1xf32>, vector<16x1xf32>, vector<16x1xf32>, vector<16x1xf32>, vector<16x1xf32>, vector<16x1xf32> -> vector<16x8xf32>
    %swap3A_2702 = arith.constant 0 : index
    %swap3A_2703 = arith.constant 17 : index
    %swap3A_2704 = arith.constant 0 : index
    %swap3A_2705 = vector.load %arg4[%swap3A_2702, %swap3A_2703, %swap3A_2704] : memref<16x60x8xf32, #tpu.memory_space<vmem>>, vector<16x1x8xf32>
    %swap3A_2706 = vector.shape_cast %swap3A_2705 : vector<16x1x8xf32> to vector<16x8xf32>
    %swap3A_2707 = vector.shape_cast %concatenate3A_2701 : vector<16x8xf32> to vector<16x1x8xf32>
    tpu.vector_store %arg4[%swap3A_2702, %swap3A_2703, %swap3A_2704], %swap3A_2707 {strides = array<i32>} : memref<16x60x8xf32, #tpu.memory_space<vmem>>, vector<16x1x8xf32>,
    %reduce_max3A_2708 = arith.constant dense<0xFF800000> : vector<16xf32>
    %reduce_max3A_2709 = vector.multi_reduction <maximumf>, %select_n3A_2688, %reduce_max3A_2708 [1] : vector<16x64xf32> to vector<16xf32>
    %broadcast_in_dim3A_2710 = vector.shape_cast %reduce_max3A_2709 : vector<16xf32> to vector<16x1xf32>
    %gt3A_2711 = arith.constant 0xFF800000 : f32
    %gt3A_2712 = vector.broadcast %gt3A_2711 : f32 to vector<16x1xf32>
    %gt3A_2713 = arith.cmpf ogt, %broadcast_in_dim3A_2710, %gt3A_2712 : vector<16x1xf32>
    %eq3A_2714 = vector.broadcast %broadcast_in_dim3A_2710 : vector<16x1xf32> to vector<16x64xf32>
    %eq3A_2715 = arith.cmpf oeq, %select_n3A_2688, %eq3A_2714 : vector<16x64xf32>
    %jit3A_2716 = arith.constant 64 : i32
    %broadcast_in_dim3A_2717 = vector.broadcast %jit3A_2716 : i32 to vector<16x64xi32>
    %select_n3A_2718 = arith.select %eq3A_2715, %iota3A_172, %broadcast_in_dim3A_2717 : vector<16x64xi1>, vector<16x64xi32>
    %reduce_min3A_2719 = arith.constant dense<2147483647> : vector<16xi32>
    %reduce_min3A_2720 = vector.multi_reduction <minsi>, %select_n3A_2718, %reduce_min3A_2719 [1] : vector<16x64xi32> to vector<16xi32>
    %broadcast_in_dim3A_2721 = vector.shape_cast %reduce_min3A_2720 : vector<16xi32> to vector<16x1xi32>
    %eq3A_2722 = vector.broadcast %broadcast_in_dim3A_2721 : vector<16x1xi32> to vector<16x64xi32>
    %eq3A_2723 = arith.cmpi eq, %iota3A_172, %eq3A_2722 : vector<16x64xi32>
    %jit3A_2724 = arith.constant 0.000000e+00 : f32
    %broadcast_in_dim3A_2725 = vector.broadcast %jit3A_2724 : f32 to vector<16x64xf32>
    %select_n3A_2726 = arith.select %eq3A_2723, %mul3A_150, %broadcast_in_dim3A_2725 : vector<16x64xi1>, vector<16x64xf32>
    %reduce_sum3A_2727 = arith.constant dense<0.000000e+00> : vector<16xf32>
    %reduce_sum3A_2728 = vector.multi_reduction <add>, %select_n3A_2726, %reduce_sum3A_2727 [1] : vector<16x64xf32> to vector<16xf32>
    %broadcast_in_dim3A_2729 = vector.shape_cast %reduce_sum3A_2728 : vector<16xf32> to vector<16x1xf32>
    %jit3A_2730 = arith.constant 0.000000e+00 : f32
    %broadcast_in_dim3A_2731 = vector.broadcast %jit3A_2730 : f32 to vector<16x64xf32>
    %select_n3A_2732 = arith.select %eq3A_2723, %mul3A_156, %broadcast_in_dim3A_2731 : vector<16x64xi1>, vector<16x64xf32>
    %reduce_sum3A_2733 = arith.constant dense<0.000000e+00> : vector<16xf32>
    %reduce_sum3A_2734 = vector.multi_reduction <add>, %select_n3A_2732, %reduce_sum3A_2733 [1] : vector<16x64xf32> to vector<16xf32>
    %broadcast_in_dim3A_2735 = vector.shape_cast %reduce_sum3A_2734 : vector<16xf32> to vector<16x1xf32>
    %jit3A_2736 = arith.constant 0.000000e+00 : f32
    %broadcast_in_dim3A_2737 = vector.broadcast %jit3A_2736 : f32 to vector<16x64xf32>
    %select_n3A_2738 = arith.select %eq3A_2723, %mul3A_162, %broadcast_in_dim3A_2737 : vector<16x64xi1>, vector<16x64xf32>
    %reduce_sum3A_2739 = arith.constant dense<0.000000e+00> : vector<16xf32>
    %reduce_sum3A_2740 = vector.multi_reduction <add>, %select_n3A_2738, %reduce_sum3A_2739 [1] : vector<16x64xf32> to vector<16xf32>
    %broadcast_in_dim3A_2741 = vector.shape_cast %reduce_sum3A_2740 : vector<16xf32> to vector<16x1xf32>
    %jit3A_2742 = arith.constant 0.000000e+00 : f32
    %broadcast_in_dim3A_2743 = vector.broadcast %jit3A_2742 : f32 to vector<16x64xf32>
    %select_n3A_2744 = arith.select %eq3A_2723, %mul3A_165, %broadcast_in_dim3A_2743 : vector<16x64xi1>, vector<16x64xf32>
    %reduce_sum3A_2745 = arith.constant dense<0.000000e+00> : vector<16xf32>
    %reduce_sum3A_2746 = vector.multi_reduction <add>, %select_n3A_2744, %reduce_sum3A_2745 [1] : vector<16x64xf32> to vector<16xf32>
    %broadcast_in_dim3A_2747 = vector.shape_cast %reduce_sum3A_2746 : vector<16xf32> to vector<16x1xf32>
    %jit3A_2748 = arith.constant 0.000000e+00 : f32
    %broadcast_in_dim3A_2749 = vector.broadcast %jit3A_2748 : f32 to vector<16x64xf32>
    %select_n3A_2750 = arith.select %eq3A_2723, %mul3A_168, %broadcast_in_dim3A_2749 : vector<16x64xi1>, vector<16x64xf32>
    %reduce_sum3A_2751 = arith.constant dense<0.000000e+00> : vector<16xf32>
    %reduce_sum3A_2752 = vector.multi_reduction <add>, %select_n3A_2750, %reduce_sum3A_2751 [1] : vector<16x64xf32> to vector<16xf32>
    %broadcast_in_dim3A_2753 = vector.shape_cast %reduce_sum3A_2752 : vector<16xf32> to vector<16x1xf32>
    %jit3A_2754 = arith.constant 0.000000e+00 : f32
    %broadcast_in_dim3A_2755 = vector.broadcast %jit3A_2754 : f32 to vector<16x64xf32>
    %select_n3A_2756 = arith.select %eq3A_2723, %mul3A_171, %broadcast_in_dim3A_2755 : vector<16x64xi1>, vector<16x64xf32>
    %reduce_sum3A_2757 = arith.constant dense<0.000000e+00> : vector<16xf32>
    %reduce_sum3A_2758 = vector.multi_reduction <add>, %select_n3A_2756, %reduce_sum3A_2757 [1] : vector<16x64xf32> to vector<16xf32>
    %broadcast_in_dim3A_2759 = vector.shape_cast %reduce_sum3A_2758 : vector<16xf32> to vector<16x1xf32>
    %mul3A_2760 = arith.constant 5.000000e-01 : f32
    %mul3A_2761 = vector.broadcast %mul3A_2760 : f32 to vector<16x1xf32>
    %mul3A_2762 = arith.mulf %broadcast_in_dim3A_2747, %mul3A_2761 : vector<16x1xf32>
    %add3A_2763 = arith.addf %broadcast_in_dim3A_2729, %mul3A_2762 : vector<16x1xf32>
    %min3A_2764 = vector.broadcast %add3A_2763 : vector<16x1xf32> to vector<16x64xf32>
    %min3A_2765 = arith.minimumf %add3A_192, %min3A_2764 : vector<16x64xf32>
    %mul3A_2766 = arith.constant 5.000000e-01 : f32
    %mul3A_2767 = vector.broadcast %mul3A_2766 : f32 to vector<16x1xf32>
    %mul3A_2768 = arith.mulf %broadcast_in_dim3A_2747, %mul3A_2767 : vector<16x1xf32>
    %sub3A_2769 = arith.subf %broadcast_in_dim3A_2729, %mul3A_2768 : vector<16x1xf32>
    %max3A_2770 = vector.broadcast %sub3A_2769 : vector<16x1xf32> to vector<16x64xf32>
    %max3A_2771 = arith.maximumf %sub3A_188, %max3A_2770 : vector<16x64xf32>
    %sub3A_2772 = arith.subf %min3A_2765, %max3A_2771 : vector<16x64xf32>
    %max3A_2773 = arith.constant 0.000000e+00 : f32
    %max3A_2774 = vector.broadcast %max3A_2773 : f32 to vector<16x64xf32>
    %max3A_2775 = arith.maximumf %sub3A_2772, %max3A_2774 : vector<16x64xf32>
    %mul3A_2776 = arith.constant 5.000000e-01 : f32
    %mul3A_2777 = vector.broadcast %mul3A_2776 : f32 to vector<16x1xf32>
    %mul3A_2778 = arith.mulf %broadcast_in_dim3A_2753, %mul3A_2777 : vector<16x1xf32>
    %add3A_2779 = arith.addf %broadcast_in_dim3A_2735, %mul3A_2778 : vector<16x1xf32>
    %min3A_2780 = vector.broadcast %add3A_2779 : vector<16x1xf32> to vector<16x64xf32>
    %min3A_2781 = arith.minimumf %add3A_200, %min3A_2780 : vector<16x64xf32>
    %mul3A_2782 = arith.constant 5.000000e-01 : f32
    %mul3A_2783 = vector.broadcast %mul3A_2782 : f32 to vector<16x1xf32>
    %mul3A_2784 = arith.mulf %broadcast_in_dim3A_2753, %mul3A_2783 : vector<16x1xf32>
    %sub3A_2785 = arith.subf %broadcast_in_dim3A_2735, %mul3A_2784 : vector<16x1xf32>
    %max3A_2786 = vector.broadcast %sub3A_2785 : vector<16x1xf32> to vector<16x64xf32>
    %max3A_2787 = arith.maximumf %sub3A_196, %max3A_2786 : vector<16x64xf32>
    %sub3A_2788 = arith.subf %min3A_2781, %max3A_2787 : vector<16x64xf32>
    %max3A_2789 = arith.constant 0.000000e+00 : f32
    %max3A_2790 = vector.broadcast %max3A_2789 : f32 to vector<16x64xf32>
    %max3A_2791 = arith.maximumf %sub3A_2788, %max3A_2790 : vector<16x64xf32>
    %mul3A_2792 = arith.constant 5.000000e-01 : f32
    %mul3A_2793 = vector.broadcast %mul3A_2792 : f32 to vector<16x1xf32>
    %mul3A_2794 = arith.mulf %broadcast_in_dim3A_2759, %mul3A_2793 : vector<16x1xf32>
    %add3A_2795 = arith.addf %broadcast_in_dim3A_2741, %mul3A_2794 : vector<16x1xf32>
    %min3A_2796 = vector.broadcast %add3A_2795 : vector<16x1xf32> to vector<16x64xf32>
    %min3A_2797 = arith.minimumf %add3A_208, %min3A_2796 : vector<16x64xf32>
    %mul3A_2798 = arith.constant 5.000000e-01 : f32
    %mul3A_2799 = vector.broadcast %mul3A_2798 : f32 to vector<16x1xf32>
    %mul3A_2800 = arith.mulf %broadcast_in_dim3A_2759, %mul3A_2799 : vector<16x1xf32>
    %sub3A_2801 = arith.subf %broadcast_in_dim3A_2741, %mul3A_2800 : vector<16x1xf32>
    %max3A_2802 = vector.broadcast %sub3A_2801 : vector<16x1xf32> to vector<16x64xf32>
    %max3A_2803 = arith.maximumf %sub3A_204, %max3A_2802 : vector<16x64xf32>
    %sub3A_2804 = arith.subf %min3A_2797, %max3A_2803 : vector<16x64xf32>
    %max3A_2805 = arith.constant 0.000000e+00 : f32
    %max3A_2806 = vector.broadcast %max3A_2805 : f32 to vector<16x64xf32>
    %max3A_2807 = arith.maximumf %sub3A_2804, %max3A_2806 : vector<16x64xf32>
    %mul3A_2808 = arith.mulf %max3A_2775, %max3A_2791 : vector<16x64xf32>
    %mul3A_2809 = arith.mulf %mul3A_2808, %max3A_2807 : vector<16x64xf32>
    %mul3A_2810 = arith.mulf %broadcast_in_dim3A_2747, %broadcast_in_dim3A_2753 : vector<16x1xf32>
    %mul3A_2811 = arith.mulf %mul3A_2810, %broadcast_in_dim3A_2759 : vector<16x1xf32>
    %add3A_2812 = vector.broadcast %mul3A_2811 : vector<16x1xf32> to vector<16x64xf32>
    %add3A_2813 = arith.addf %add3A_2812, %mul3A_210 : vector<16x64xf32>
    %sub3A_2814 = arith.subf %add3A_2813, %mul3A_2809 : vector<16x64xf32>
    %add3A_2815 = arith.constant 9.99999993E-9 : f32
    %add3A_2816 = vector.broadcast %add3A_2815 : f32 to vector<16x64xf32>
    %add3A_2817 = arith.addf %sub3A_2814, %add3A_2816 : vector<16x64xf32>
    %div3A_2818 = arith.divf %mul3A_2809, %add3A_2817 : vector<16x64xf32>
    %gt3A_2819 = arith.constant 5.000000e-02 : f32
    %gt3A_2820 = vector.broadcast %gt3A_2819 : f32 to vector<16x64xf32>
    %gt3A_2821 = arith.cmpf ogt, %div3A_2818, %gt3A_2820 : vector<16x64xf32>
    %or3A_2822 = arith.ori %gt3A_2821, %eq3A_2723 : vector<16x64xi1>
    %and3A_2823 = vector.broadcast %gt3A_2713 : vector<16x1xi1> to vector<16x64xi1>
    %and3A_2824 = arith.andi %and3A_2823, %or3A_2822 : vector<16x64xi1>
    %jit3A_2825 = arith.constant 0xFF800000 : f32
    %broadcast_in_dim3A_2826 = vector.broadcast %jit3A_2825 : f32 to vector<16x64xf32>
    %select_n3A_2827 = arith.select %and3A_2824, %broadcast_in_dim3A_2826, %select_n3A_2688 : vector<16x64xi1>, vector<16x64xf32>
    %broadcast_in_dim3A_2828 = arith.constant -1.000000e+00 : f32
    %broadcast_in_dim3A_2829 = vector.broadcast %broadcast_in_dim3A_2828 : f32 to vector<16x1xf32>
    %jit3A_2830 = arith.constant 1.000000e+00 : f32
    %broadcast_in_dim3A_2831 = vector.broadcast %jit3A_2830 : f32 to vector<16x1xf32>
    %select_n3A_2832 = arith.select %gt3A_2713, %broadcast_in_dim3A_2831, %broadcast_in_dim3A_2829 : vector<16x1xi1>, vector<16x1xf32>
    %select_n3A_2833 = arith.select %gt3A_2713, %broadcast_in_dim3A_2710, %broadcast_in_dim3A_2829 : vector<16x1xi1>, vector<16x1xf32>
    %select_n3A_2834 = arith.select %gt3A_2713, %broadcast_in_dim3A_2729, %broadcast_in_dim3A_2829 : vector<16x1xi1>, vector<16x1xf32>
    %select_n3A_2835 = arith.select %gt3A_2713, %broadcast_in_dim3A_2735, %broadcast_in_dim3A_2829 : vector<16x1xi1>, vector<16x1xf32>
    %select_n3A_2836 = arith.select %gt3A_2713, %broadcast_in_dim3A_2741, %broadcast_in_dim3A_2829 : vector<16x1xi1>, vector<16x1xf32>
    %select_n3A_2837 = arith.select %gt3A_2713, %broadcast_in_dim3A_2747, %broadcast_in_dim3A_2829 : vector<16x1xi1>, vector<16x1xf32>
    %select_n3A_2838 = arith.select %gt3A_2713, %broadcast_in_dim3A_2753, %broadcast_in_dim3A_2829 : vector<16x1xi1>, vector<16x1xf32>
    %select_n3A_2839 = arith.select %gt3A_2713, %broadcast_in_dim3A_2759, %broadcast_in_dim3A_2829 : vector<16x1xi1>, vector<16x1xf32>
    %concatenate3A_2840 = tpu.concatenate %select_n3A_2832, %select_n3A_2833, %select_n3A_2834, %select_n3A_2835, %select_n3A_2836, %select_n3A_2837, %select_n3A_2838, %select_n3A_2839 in 1 : vector<16x1xf32>, vector<16x1xf32>, vector<16x1xf32>, vector<16x1xf32>, vector<16x1xf32>, vector<16x1xf32>, vector<16x1xf32>, vector<16x1xf32> -> vector<16x8xf32>
    %swap3A_2841 = arith.constant 0 : index
    %swap3A_2842 = arith.constant 18 : index
    %swap3A_2843 = arith.constant 0 : index
    %swap3A_2844 = vector.load %arg4[%swap3A_2841, %swap3A_2842, %swap3A_2843] : memref<16x60x8xf32, #tpu.memory_space<vmem>>, vector<16x1x8xf32>
    %swap3A_2845 = vector.shape_cast %swap3A_2844 : vector<16x1x8xf32> to vector<16x8xf32>
    %swap3A_2846 = vector.shape_cast %concatenate3A_2840 : vector<16x8xf32> to vector<16x1x8xf32>
    tpu.vector_store %arg4[%swap3A_2841, %swap3A_2842, %swap3A_2843], %swap3A_2846 {strides = array<i32>} : memref<16x60x8xf32, #tpu.memory_space<vmem>>, vector<16x1x8xf32>,
    %reduce_max3A_2847 = arith.constant dense<0xFF800000> : vector<16xf32>
    %reduce_max3A_2848 = vector.multi_reduction <maximumf>, %select_n3A_2827, %reduce_max3A_2847 [1] : vector<16x64xf32> to vector<16xf32>
    %broadcast_in_dim3A_2849 = vector.shape_cast %reduce_max3A_2848 : vector<16xf32> to vector<16x1xf32>
    %gt3A_2850 = arith.constant 0xFF800000 : f32
    %gt3A_2851 = vector.broadcast %gt3A_2850 : f32 to vector<16x1xf32>
    %gt3A_2852 = arith.cmpf ogt, %broadcast_in_dim3A_2849, %gt3A_2851 : vector<16x1xf32>
    %eq3A_2853 = vector.broadcast %broadcast_in_dim3A_2849 : vector<16x1xf32> to vector<16x64xf32>
    %eq3A_2854 = arith.cmpf oeq, %select_n3A_2827, %eq3A_2853 : vector<16x64xf32>
    %jit3A_2855 = arith.constant 64 : i32
    %broadcast_in_dim3A_2856 = vector.broadcast %jit3A_2855 : i32 to vector<16x64xi32>
    %select_n3A_2857 = arith.select %eq3A_2854, %iota3A_172, %broadcast_in_dim3A_2856 : vector<16x64xi1>, vector<16x64xi32>
    %reduce_min3A_2858 = arith.constant dense<2147483647> : vector<16xi32>
    %reduce_min3A_2859 = vector.multi_reduction <minsi>, %select_n3A_2857, %reduce_min3A_2858 [1] : vector<16x64xi32> to vector<16xi32>
    %broadcast_in_dim3A_2860 = vector.shape_cast %reduce_min3A_2859 : vector<16xi32> to vector<16x1xi32>
    %eq3A_2861 = vector.broadcast %broadcast_in_dim3A_2860 : vector<16x1xi32> to vector<16x64xi32>
    %eq3A_2862 = arith.cmpi eq, %iota3A_172, %eq3A_2861 : vector<16x64xi32>
    %jit3A_2863 = arith.constant 0.000000e+00 : f32
    %broadcast_in_dim3A_2864 = vector.broadcast %jit3A_2863 : f32 to vector<16x64xf32>
    %select_n3A_2865 = arith.select %eq3A_2862, %mul3A_150, %broadcast_in_dim3A_2864 : vector<16x64xi1>, vector<16x64xf32>
    %reduce_sum3A_2866 = arith.constant dense<0.000000e+00> : vector<16xf32>
    %reduce_sum3A_2867 = vector.multi_reduction <add>, %select_n3A_2865, %reduce_sum3A_2866 [1] : vector<16x64xf32> to vector<16xf32>
    %broadcast_in_dim3A_2868 = vector.shape_cast %reduce_sum3A_2867 : vector<16xf32> to vector<16x1xf32>
    %jit3A_2869 = arith.constant 0.000000e+00 : f32
    %broadcast_in_dim3A_2870 = vector.broadcast %jit3A_2869 : f32 to vector<16x64xf32>
    %select_n3A_2871 = arith.select %eq3A_2862, %mul3A_156, %broadcast_in_dim3A_2870 : vector<16x64xi1>, vector<16x64xf32>
    %reduce_sum3A_2872 = arith.constant dense<0.000000e+00> : vector<16xf32>
    %reduce_sum3A_2873 = vector.multi_reduction <add>, %select_n3A_2871, %reduce_sum3A_2872 [1] : vector<16x64xf32> to vector<16xf32>
    %broadcast_in_dim3A_2874 = vector.shape_cast %reduce_sum3A_2873 : vector<16xf32> to vector<16x1xf32>
    %jit3A_2875 = arith.constant 0.000000e+00 : f32
    %broadcast_in_dim3A_2876 = vector.broadcast %jit3A_2875 : f32 to vector<16x64xf32>
    %select_n3A_2877 = arith.select %eq3A_2862, %mul3A_162, %broadcast_in_dim3A_2876 : vector<16x64xi1>, vector<16x64xf32>
    %reduce_sum3A_2878 = arith.constant dense<0.000000e+00> : vector<16xf32>
    %reduce_sum3A_2879 = vector.multi_reduction <add>, %select_n3A_2877, %reduce_sum3A_2878 [1] : vector<16x64xf32> to vector<16xf32>
    %broadcast_in_dim3A_2880 = vector.shape_cast %reduce_sum3A_2879 : vector<16xf32> to vector<16x1xf32>
    %jit3A_2881 = arith.constant 0.000000e+00 : f32
    %broadcast_in_dim3A_2882 = vector.broadcast %jit3A_2881 : f32 to vector<16x64xf32>
    %select_n3A_2883 = arith.select %eq3A_2862, %mul3A_165, %broadcast_in_dim3A_2882 : vector<16x64xi1>, vector<16x64xf32>
    %reduce_sum3A_2884 = arith.constant dense<0.000000e+00> : vector<16xf32>
    %reduce_sum3A_2885 = vector.multi_reduction <add>, %select_n3A_2883, %reduce_sum3A_2884 [1] : vector<16x64xf32> to vector<16xf32>
    %broadcast_in_dim3A_2886 = vector.shape_cast %reduce_sum3A_2885 : vector<16xf32> to vector<16x1xf32>
    %jit3A_2887 = arith.constant 0.000000e+00 : f32
    %broadcast_in_dim3A_2888 = vector.broadcast %jit3A_2887 : f32 to vector<16x64xf32>
    %select_n3A_2889 = arith.select %eq3A_2862, %mul3A_168, %broadcast_in_dim3A_2888 : vector<16x64xi1>, vector<16x64xf32>
    %reduce_sum3A_2890 = arith.constant dense<0.000000e+00> : vector<16xf32>
    %reduce_sum3A_2891 = vector.multi_reduction <add>, %select_n3A_2889, %reduce_sum3A_2890 [1] : vector<16x64xf32> to vector<16xf32>
    %broadcast_in_dim3A_2892 = vector.shape_cast %reduce_sum3A_2891 : vector<16xf32> to vector<16x1xf32>
    %jit3A_2893 = arith.constant 0.000000e+00 : f32
    %broadcast_in_dim3A_2894 = vector.broadcast %jit3A_2893 : f32 to vector<16x64xf32>
    %select_n3A_2895 = arith.select %eq3A_2862, %mul3A_171, %broadcast_in_dim3A_2894 : vector<16x64xi1>, vector<16x64xf32>
    %reduce_sum3A_2896 = arith.constant dense<0.000000e+00> : vector<16xf32>
    %reduce_sum3A_2897 = vector.multi_reduction <add>, %select_n3A_2895, %reduce_sum3A_2896 [1] : vector<16x64xf32> to vector<16xf32>
    %broadcast_in_dim3A_2898 = vector.shape_cast %reduce_sum3A_2897 : vector<16xf32> to vector<16x1xf32>
    %broadcast_in_dim3A_2899 = arith.constant -1.000000e+00 : f32
    %broadcast_in_dim3A_2900 = vector.broadcast %broadcast_in_dim3A_2899 : f32 to vector<16x1xf32>
    %jit3A_2901 = arith.constant 1.000000e+00 : f32
    %broadcast_in_dim3A_2902 = vector.broadcast %jit3A_2901 : f32 to vector<16x1xf32>
    %select_n3A_2903 = arith.select %gt3A_2852, %broadcast_in_dim3A_2902, %broadcast_in_dim3A_2900 : vector<16x1xi1>, vector<16x1xf32>
    %select_n3A_2904 = arith.select %gt3A_2852, %broadcast_in_dim3A_2849, %broadcast_in_dim3A_2900 : vector<16x1xi1>, vector<16x1xf32>
    %select_n3A_2905 = arith.select %gt3A_2852, %broadcast_in_dim3A_2868, %broadcast_in_dim3A_2900 : vector<16x1xi1>, vector<16x1xf32>
    %select_n3A_2906 = arith.select %gt3A_2852, %broadcast_in_dim3A_2874, %broadcast_in_dim3A_2900 : vector<16x1xi1>, vector<16x1xf32>
    %select_n3A_2907 = arith.select %gt3A_2852, %broadcast_in_dim3A_2880, %broadcast_in_dim3A_2900 : vector<16x1xi1>, vector<16x1xf32>
    %select_n3A_2908 = arith.select %gt3A_2852, %broadcast_in_dim3A_2886, %broadcast_in_dim3A_2900 : vector<16x1xi1>, vector<16x1xf32>
    %select_n3A_2909 = arith.select %gt3A_2852, %broadcast_in_dim3A_2892, %broadcast_in_dim3A_2900 : vector<16x1xi1>, vector<16x1xf32>
    %select_n3A_2910 = arith.select %gt3A_2852, %broadcast_in_dim3A_2898, %broadcast_in_dim3A_2900 : vector<16x1xi1>, vector<16x1xf32>
    %concatenate3A_2911 = tpu.concatenate %select_n3A_2903, %select_n3A_2904, %select_n3A_2905, %select_n3A_2906, %select_n3A_2907, %select_n3A_2908, %select_n3A_2909, %select_n3A_2910 in 1 : vector<16x1xf32>, vector<16x1xf32>, vector<16x1xf32>, vector<16x1xf32>, vector<16x1xf32>, vector<16x1xf32>, vector<16x1xf32>, vector<16x1xf32> -> vector<16x8xf32>
    %swap3A_2912 = arith.constant 0 : index
    %swap3A_2913 = arith.constant 19 : index
    %swap3A_2914 = arith.constant 0 : index
    %swap3A_2915 = vector.load %arg4[%swap3A_2912, %swap3A_2913, %swap3A_2914] : memref<16x60x8xf32, #tpu.memory_space<vmem>>, vector<16x1x8xf32>
    %swap3A_2916 = vector.shape_cast %swap3A_2915 : vector<16x1x8xf32> to vector<16x8xf32>
    %swap3A_2917 = vector.shape_cast %concatenate3A_2911 : vector<16x8xf32> to vector<16x1x8xf32>
    tpu.vector_store %arg4[%swap3A_2912, %swap3A_2913, %swap3A_2914], %swap3A_2917 {strides = array<i32>} : memref<16x60x8xf32, #tpu.memory_space<vmem>>, vector<16x1x8xf32>,
    return
  }
}

</mosaic_0001>

<sc_bundles>
// kernel: kernel.5.cloned.1.call-start
scs
__scs_entry_jumppad:
0x0: {  	(pc) =	sbr.rel $0x88, $3  }
0x1: {  	(tag) =	ssettag $0x0;
	lr =	simm.s32 $0x1  }
0x2: {  	[smem:$0x3F9E] =	sst lr;
	_ =	strace $0xD0000000  }
0x3: {  	_ = 	snop  }
0x4: {  	_ = 	snop  }
0x5: {  	_ = 	snop  }
0x6: {  	_ = 	snop  }
0x7: {  	_ = 	snop  }
__scs_overlays_trampoline_lowered:
0x8: {  	[smem:$0x3FAD] =	sst s0  }
0x9: {  	[smem:$0x3FAE] =	sst s1  }
0xa: {  	[smem:$0x3FAF] =	sst s2  }
0xb: {  	[smem:$0x3FB0] =	sst s3  }
0xc: {  	[smem:$0x3FB1] =	sst s4  }
0xd: {  	[smem:$0x3FB2] =	sst s5  }
0xe: {  	[smem:$0x3FB3] =	sst s6  }
0xf: {  	[smem:$0x3FB4] =	sst s7  }
0x10: {  	[smem:$0x3FB5] =	sst s8  }
0x11: {  	[smem:$0x3FB6] =	sst s9;
	s0 =	simm.s32 @!p0 $0x0  }
0x12: {  	s1 =	sld [smem:$0x3F9C];
	s0 =	simm.s32 @p0 $0x1  }
0x13: {  	[smem:$0x3FB7] =	sst s0;
	s0 =	simm.s32 @!p1 $0x0  }
0x14: {  	s2 =	sld [smem:$0x3F9B];
	s0 =	simm.s32 @p1 $0x1  }
0x15: {  	[smem:$0x3FB8] =	sst s0;
	s0 =	simm.s32 @!p2 $0x0  }
0x16: {  	s3 =	sld [smem:$0x3FDB];
	s0 =	simm.s32 @p2 $0x1  }
0x17: {  	s4 =	simm.s32 $0x1BF5;
	[smem:$0x3FBA] =	sst s0  }
0x18: {  	s0 =	sld [smem:$0x3F9D];
	_ =	swait.ge [sflag:s4], $0x0  }
0x19: {  	s7 =	sld [smem:$0x3F9E]  }
0x1a: {  	s8 =	sadd.s32 $0xFFFFE003, lr  }
0x1b: {  	s9 =	sadd.s32 $0xFFFFFEF7, lr;
	s5 =	simm.s32 $0xFFFFFFFF;
	p2 =	slt.u32 s8, $0xFFFFF086  }
0x1c: {  	p1 =	slt.u32 s9, $0xF7A;
	s5 =	simm.s32 @!p2 $0x0  }
0x1d: {  	s5 =	simm.s32 @p1 $0x1;
	p0 =	seq.s32 s7, s2  }
0x1e: {  	s7 =	smul.u32 @!p0 $0xF7A, s2;
	p2 =	seq.s32 @!p0 s5, $0x0  }
0x1f: {  	s9 =	smul.u32 $0xF7A, s1;
	s8 =	simm.s32 @!p0 $0x1BF5;
	p2 =	por !p2, p0  }
0x20: {  	[sflag:s8] =	ssyncset.s32 @!p0 $0xFFFFF086;
	s6 =	sadd.s32 @!p0 s3, s7;
	s7 =	simm.s32 @!p0 $0x108  }
0x21: {  	s3 =	sadd.s32 s3, s9;
	s6 =	sadd.s32 @!p0 $0x88, s6;
	s7 =	simm.s32 @p2 $0x1082  }
0x22: {  	[simem:s7], [sflag:s8] =	dma.local @!p0 [hbm:s6], $0xF7A  }
0x23: {  	s9 =	sor.u32 $0xD0000000, s2;
	s6 =	simm.s32 $0x108;
	_ =	swait.ge @!p0 [sflag:s8], $0x0  }
0x24: {  	s3 =	sadd.s32 $0x88, s3;
	s6 =	simm.s32 @!p1 $0x1082;
	[sflag:s4] =	ssyncset.s32 $0xFFFFF086  }
0x25: {  	[simem:s6], [sflag:s4] =	dma.local [hbm:s3], $0xF7A  }
0x26: {  	[smem:$0x3F9E] =	sst s1;
	(tag) =	ssettag s2;
	_ =	strace s9  }
0x27: {  	s1 =	sld [smem:$0x3FAE]  }
0x28: {  	s2 =	sld [smem:$0x3FAF]  }
0x29: {  	s4 =	sld [smem:$0x3FB1]  }
0x2a: {  	p0 =	seq.s32 s5, $0x0;
	s5 =	sld [smem:$0x3FB2]  }
0x2b: {  	s6 =	sld [smem:$0x3FB3]  }
0x2c: {  	s7 =	sld [smem:$0x3FB4]  }
0x2d: {  	s3 =	simm.s32 $0x108;
	s8 =	sld [smem:$0x3FB5]  }
0x2e: {  	s3 =	simm.s32 @!p0 $0x1082;
	s9 =	sld [smem:$0x3FB6]  }
0x2f: {  	lr =	sadd.s32 s0, s3;
	s0 =	sld [smem:$0x3FAD]  }
0x30: {  	s3 =	sld [smem:$0x3FB0]  }
0x31: {  	[smem:$0x3FB9] =	sst s10  }
0x32: {  	s10 =	sld [smem:$0x3FB7];
	_ =	sdelay $0x3  }
0x33: {  	p0 =	seq.s32 s10, $0x1;
	s10 =	sld [smem:$0x3FB9];
	_ =	sdelay $0x3  }
0x34: {  	[smem:$0x3FB9] =	sst s10  }
0x35: {  	s10 =	sld [smem:$0x3FB8];
	_ =	sdelay $0x3  }
0x36: {  	p1 =	seq.s32 s10, $0x1;
	s10 =	sld [smem:$0x3FB9];
	_ =	sdelay $0x3  }
0x37: {  	[smem:$0x3FB9] =	sst s10  }
0x38: {  	s10 =	sld [smem:$0x3FBA]  }
0x39: {  	_ = 	snop;
	(pc) =	sbr.ind lr, $3  }
0x3a: {  	_ = 	snop  }
0x3b: {  	_ = 	snop  }
0x3c: {  	p2 =	seq.s32 s10, $0x1;
	s10 =	sld [smem:$0x3FB9]  }
0x3d: {  	_ =	shalt  }
0x3e: {  	_ =	shalt  }
0x3f: {  	_ =	shalt  }
0x40: {  	_ =	shalt  }
0x41: {  	_ =	shalt  }
0x42: {  	_ =	shalt  }
0x43: {  	_ =	shalt  }
0x44: {  	_ =	shalt  }
0x45: {  	_ =	shalt  }
0x46: {  	_ =	shalt  }
0x47: {  	_ =	shalt  }
0x48: {  	_ =	shalt  }
0x49: {  	_ =	shalt  }
0x4a: {  	_ =	shalt  }
0x4b: {  	_ =	shalt  }
0x4c: {  	_ =	shalt  }
0x4d: {  	_ =	shalt  }
0x4e: {  	_ =	shalt  }
0x4f: {  	_ =	shalt  }
0x50: {  	_ =	shalt  }
0x51: {  	_ =	shalt  }
0x52: {  	_ =	shalt  }
0x53: {  	_ =	shalt  }
0x54: {  	_ =	shalt  }
0x55: {  	_ =	shalt  }
0x56: {  	_ =	shalt  }
0x57: {  	_ =	shalt  }
0x58: {  	_ =	shalt  }
0x59: {  	_ =	shalt  }
0x5a: {  	_ =	shalt  }
0x5b: {  	_ =	shalt  }
0x5c: {  	_ =	shalt  }
0x5d: {  	_ =	shalt  }
0x5e: {  	_ =	shalt  }
0x5f: {  	_ =	shalt  }
0x60: {  	_ =	shalt  }
0x61: {  	_ =	shalt  }
0x62: {  	_ =	shalt  }
0x63: {  	_ =	shalt  }
0x64: {  	_ =	shalt  }
0x65: {  	_ =	shalt  }
0x66: {  	_ =	shalt  }
0x67: {  	_ =	shalt  }
0x68: {  	_ =	shalt  }
0x69: {  	_ =	shalt  }
0x6a: {  	_ =	shalt  }
0x6b: {  	_ =	shalt  }
0x6c: {  	_ =	shalt  }
0x6d: {  	_ =	shalt  }
0x6e: {  	_ =	shalt  }
0x6f: {  	_ =	shalt  }
0x70: {  	_ =	shalt  }
0x71: {  	_ =	shalt  }
0x72: {  	_ =	shalt  }
0x73: {  	_ =	shalt  }
0x74: {  	_ =	shalt  }
0x75: {  	_ =	shalt  }
0x76: {  	_ =	shalt  }
0x77: {  	_ =	shalt  }
0x78: {  	_ =	shalt  }
0x79: {  	_ =	shalt  }
0x7a: {  	_ =	shalt  }
0x7b: {  	_ =	shalt  }
0x7c: {  	_ =	shalt  }
0x7d: {  	_ =	shalt  }
0x7e: {  	_ =	shalt  }
0x7f: {  	_ =	shalt  }
0x80: {  	_ =	shalt  }
0x81: {  	_ =	shalt  }
0x82: {  	_ =	shalt  }
0x83: {  	_ =	shalt  }
0x84: {  	_ =	shalt  }
0x85: {  	_ =	shalt  }
0x86: {  	_ =	shalt  }
0x87: {  	_ =	shalt  }
.Lfunc_end0:
.L_simem_size_0:
called_computation_lowered:
.L_overlay_start_0:
0x88: {  	s2 =	sld [smem:$0x3FD9]  }
0x89: {  	s3 =	sld [smem:$0x3FFE];
	_ =	sdelay $0x1  }
0x8a: {  	s1 =	srdreg.scid  }
0x8b: {  	s0 =	sand.u32 $0x1, s1  }
0x8c: {  	s17 =	sshll.u32 s0, $0xA;
	s2 =	sadd.s32 s3, s2  }
0x8d: {  	s2 =	sadd.s32 s2, s17  }
0x8e: {  	[smem:$0x3FC5] =	sst s2  }
0x8f: {  	_ = 	snop  }
0x90: {  	s2 =	sld [smem:$0x3FD0];
	(tm) =	ssettm $0x1  }
0x91: {  	s18 =	sld [smem:$0x3FFB];
	_ =	sdelay $0x3  }
0x92: {  	_ =	strace s18  }
0x93: {  	s3 =	sld [smem:$0x3FFC];
	_ =	sdelay $0x3  }
0x94: {  	_ =	strace s3  }
0x95: {  	s3 =	sld [smem:$0x3FFD];
	_ =	sdelay $0x3  }
0x96: {  	_ =	strace s3  }
0x97: {  	_ =	strace $0x8FFFFFFF  }
0x98: {  	s19 =	sld [smem:$0x3FDB];
	_ =	sdelay $0x1  }
0x99: {  	s4 =	simm.s32 $_scs_section_size  }
0x9a: {  	s5 =	simm.s32 $_size__tile_overlayer_lowered;
	s6 =	simm.s32 $_tile_overlayer_lowered  }
0x9b: {  	s22 =	simm.s32 $0x1BFF;
	s21 =	sshll.u32 s6, $0x1;
	s3 =	sadd.s32 s4, s19  }
0x9c: {  	s7 =	simm.s32 $0x0;
	s20 =	sshll.u32 s5, $0x1;
	s5 =	sadd.s32 s21, s3  }
0x9d: {  	[timem:s7], [sflag:s22] =	dma.local [hbm:s5], s20  }
0x9e: {  	_ =	swait.ge [sflag:s22], s20  }
0x9f: {  	s4 =	ssub.s32 $0x0, s20;
	[sflag:s22] =	ssyncset.done $0x0  }
0xa0: {  	[sflag:s22] =	ssyncadd.s32 s4;
	_ =	sdelay $0x1  }
0xa1: {  	s23 =	simm.s32 $0x1B8B  }
0xa2: {  	_ =	swait.ge [sflag:s23], $0x1  }
0xa3: {  	[sflag:s23] =	ssyncset.done $0x0  }
0xa4: {  	s25 =	simm.s32 $0x1B8E;
	s24 =	sld [smem:$0x3FFE];
	[sflag:s23] =	ssyncadd.s32 $0xFFFFFFFF  }
0xa5: {  	s26 =	simm.s32 $execute0_lowered;
	[smem:$0x3FD2] =	sst s25  }
0xa6: {  	s5 =	sshll.u32 s26, $0x1;
	_ =	strace $0x80000046;
	[dreg:$0x1] =	wrdreg $0xFFFFFFFF  }
0xa7: {  	s28 =	simm.s32 $_size_execute0_lowered;
	s3 =	sadd.s32 s3, s5;
	[dreg:$0x0] =	wrdreg $0x0  }
0xa8: {  	s5 =	sshll.u32 s28, $0x1;
	[dreg:$0x2] =	wrdreg s3  }
0xa9: {  	[dreg:$0x3] =	wrdreg s5  }
0xaa: {  	[dreg:$0x4] =	wrdreg $0xC0  }
0xab: {  	_ =	task [dreg:s7], $0x5FFFF  }
0xac: {  	[dreg:$0x1] =	wrdreg $0xFFFFFFFF  }
0xad: {  	[dreg:$0x0] =	wrdreg $0x60  }
0xae: {  	[dreg:$0x2] =	wrdreg s24  }
0xaf: {  	[dreg:$0x3] =	wrdreg s2  }
0xb0: {  	[dreg:$0x4] =	wrdreg $0x9  }
0xb1: {  	_ =	task.clear_ibuf [dreg:s7], $0x5FFFF;
	_ =	strace $0x90000046  }
0xb2: {  	s29 =	simm.s32 $0x9;
	_ =	strace $0x80000048  }
0xb3: {  	_ =	swait.ge [sflag:s29], $0x1  }
0xb4: {  	[sflag:s29] =	ssyncadd.s32 $0xFFFFFFFF  }
0xb5: {  	_ =	strace $0x90000048  }
0xb6: {  	_ =	sfence  }
0xb7: {  	s30 =	sld [smem:$0x0];
	_ =	sdelay $0x2  }
0xb8: {  	s31 =	sshll.u32 s1, $0xD;
	s1 =	sshrl.u32 s1, $0x2  }
0xb9: {  	s3 =	sand.u32 $0x4000, s31;
	s1 =	sadd.s32 s1, s30  }
0xba: {  	s0 =	sor.u32 s3, s0;
	s1 =	sshll.u32 s1, $0x11  }
0xbb: {  	s0 =	sor.u32 s1, s0  }
0xbc: {  	s0 =	sadd.s32 $0x8F2B, s0  }
0xbd: {  	[sflag:s0] =	ssyncadd.remote.s32 $0x1  }
0xbe: {  	_ =	sfence.sel $0xFFFF  }
0xbf: {  	[dreg:$0x0] =	wrdreg $0xFFFFFFFF;
	(pc) =	sbr.abs _section_cstart, $3  }
0xc0: {  	[dreg:$0x1] =	wrdreg $0xFFFFFFFF  }
0xc1: {  	_ =	task.clear_ibuf [dreg:s7], $0x2FFFF;
	_ =	strace $0x9FFFFFFF  }
0xc2: {  	(tm) =	ssettm $0x7FFFFFFF  }
0xc3: {  	_ =	shalt  }
tec
execute0_lowered:
.L_overlay_start_1:
0x0: {  	(tag) =	ssettag $0x1  }
0x1: {  	s0 =	srdreg.scid  }
0x2: {  	s14 =	stileid.u32;
	s1 =	rddreg [dreg:$0x0]  }
0x3: {  	s7 =	rddreg [dreg:$0x1];
	s3 =	simm.s32 $0x1;
	s29 =	simm.s32 $0x400  }
0x4: {  	s28 =	simm.s32 $0x880;
	s30 =	simm.s32 $0x1C80;
	s31 =	simm.s32 $0x900  }
0x5: {  	s16 =	simm.s32 $0x1E00;
	s17 =	simm.s32 $0xA80;
	s18 =	simm.s32 $0x1E80  }
0x6: {  	s19 =	simm.s32 $0x1000;
	s0 =	sand.u32 $0x1, s0;
	s12 =	sadd.s32 $0x1A000, s1  }
0x7: {  	s23 =	sshrl.u32 s14, $0x3;
	s2 =	sor.u32 s0, s14;
	p0 =	seq.s32 s0, $0x1  }
0x8: {  	s6 =	sshll.u32 s0, $0xC;
	s13 =	ssub.s32 $0x2, s0;
	p1 =	seq.s32 s2, $0x0  }
0x9: {  	s2 =	simm.s32 $0x0;
	s15 =	sshrl.u32 s13, $0x1;
	p1 =	por !p1, !p0  }
0xa: {  	[smem:$0x7FF] =	sst s2;
	s13 =	ssub.s32 s13, s15;
	p1 =	por !p1, !p1  }
0xb: {  	s15 =	simm.s32 $0xA00;
	_ =	strace $0x80000047;
	s3 =	simm.s32 @!p1 $0x0  }
0xc: {  	p1 =	seq.s32 s0, $0x0;
	s0 =	simm.s32 $0x980;
	s4 =	ssub.s32 s14, s3  }
0xd: {  	s3 =	simm.s32 $0x1;
	s14 =	sshll.u32 s14, $0x7;
	s5 =	sshll.u32 s4, $0xD  }
0xe: {  	s20 =	sshrl.u32 s4, $0x3;
	s9 =	sshll.u32 s4, $0x7;
	s4 =	sadd.s32 $0xF35C00, s1  }
0xf: {  	s14 =	sand.u32 $0x380, s14;
	s5 =	sor.u32 s6, s5;
	s8 =	sand.u32 $0x380, s9  }
0x10: {  	s22 =	sshll.u32 s20, $0xB;
	s6 =	smul.u32 $0xD800, s20;
	s9 =	sand.u32 $0x1FFFFF80, s9  }
0x11: {  	s20 =	simm.s32 $0x2400;
	s21 =	sshrl.u32 s5, $0x3;
	s11 =	sor.u32 s8, s22  }
0x12: {  	s5 =	sadd.s32 $0x5C00, s1;
	s9 =	sadd.s32 s7, s9;
	s7 =	simm.s32 $0x1D80  }
0x13: {  	s10 =	sadd.s32 s21, s1;
	s11 =	sshrl.u32 s11, $0x3;
	s6 =	sor.u32 s8, s6  }
0x14: {  	s1 =	sadd.s32 s11, s1;
	s11 =	smul.u32 $0xD800, s23;
	s25 =	sadd.s32 $0x8000, s6  }
0x15: {  	s21 =	simm.s32 $0x1480;
	s6 =	sadd.s32 $0x1800, s10;
	s26 =	sshrl.u32 s25, $0x3  }
.Ltmp0:
0x16: {  	s10 =	sadd.s32 $0x1D600, s1;
	s24 =	sor.u32 s14, s11;
	(pc) =	sbr.rel .LBB2_1-.Ltmp0, $4  }
0x17: {  	s25 =	simm.s32 $0x800;
	s1 =	simm.s32 $0x1D00;
	s8 =	sshrl.u32 s24, $0x3  }
0x18: {  	s11 =	smax.u32 s13, $0x1;
	s13 =	simm.s32 $0x80;
	s8 =	sadd.s32 s12, s8  }
0x19: {  	s14 =	simm.s32 $0x1400;
	s24 =	simm.s32 $0x1B80;
	[dreg:$0x3] =	wrdreg s8  }
0x1a: {  	s8 =	sadd.s32 s12, s26;
	s12 =	simm.s32 $0x2;
	s26 =	simm.s32 $0x1C00  }
.LBB2_3:
0x1b: {  	[tilespmem:s14], [sflag:$0x1] =	stream.indirect.gather [hbm4b:s4+s13], $0x1, s2, s13, $0xb8;
	[tilespmem:$0x2500] =	vst v63  }
0x1c: {  	_ = 	snop  }
0x1d: {  	[tilespmem:s21], [sflag:$0x1] =	stream.indirect.gather [hbm4b:s4+s13], $0x1, s13, s13, $0xb8;
	[tilespmem:$0x2500] =	vst v63  }
0x1e: {  	s22 =	simm.s32 $0x100;
	s23 =	simm.s32 $0x1500  }
0x1f: {  	[tilespmem:s23], [sflag:$0x1] =	stream.indirect.gather [hbm4b:s4+s13], $0x1, s22, s13, $0xb8;
	[tilespmem:$0x2500] =	vst v63  }
0x20: {  	s22 =	simm.s32 $0x180;
	s23 =	simm.s32 $0x1580  }
0x21: {  	[tilespmem:s23], [sflag:$0x1] =	stream.indirect.gather [hbm4b:s4+s13], $0x1, s22, s13, $0xb8;
	[tilespmem:$0x2500] =	vst v63  }
0x22: {  	s22 =	simm.s32 $0x200;
	s23 =	simm.s32 $0x1600  }
0x23: {  	[tilespmem:s23], [sflag:$0x1] =	stream.indirect.gather [hbm4b:s4+s13], $0x1, s22, s13, $0xb8;
	[tilespmem:$0x2500] =	vst v63  }
0x24: {  	s22 =	simm.s32 $0x280;
	s23 =	simm.s32 $0x1680  }
0x25: {  	[tilespmem:s23], [sflag:$0x1] =	stream.indirect.gather [hbm4b:s4+s13], $0x1, s22, s13, $0xb8;
	[tilespmem:$0x2500] =	vst v63  }
0x26: {  	s22 =	simm.s32 $0x300;
	s23 =	simm.s32 $0x1700  }
0x27: {  	[tilespmem:s23], [sflag:$0x1] =	stream.indirect.gather [hbm4b:s4+s13], $0x1, s22, s13, $0xb8;
	[tilespmem:$0x2500] =	vst v63  }
0x28: {  	s22 =	simm.s32 $0x380;
	s23 =	simm.s32 $0x1780  }
0x29: {  	[tilespmem:s23], [sflag:$0x1] =	stream.indirect.gather [hbm4b:s4+s13], $0x1, s22, s13, $0xb8;
	[tilespmem:$0x2500] =	vst v63  }
0x2a: {  	s23 =	simm.s32 $0x1800  }
0x2b: {  	[tilespmem:s23], [sflag:$0x1] =	stream.indirect.gather [hbm4b:s4+s13], $0x1, s29, s13, $0xb8;
	[tilespmem:$0x2500] =	vst v63  }
0x2c: {  	s22 =	simm.s32 $0x480;
	s23 =	simm.s32 $0x1880  }
0x2d: {  	[tilespmem:s23], [sflag:$0x1] =	stream.indirect.gather [hbm4b:s4+s13], $0x1, s22, s13, $0xb8;
	[tilespmem:$0x2500] =	vst v63  }
0x2e: {  	s22 =	simm.s32 $0x500;
	s23 =	simm.s32 $0x1900  }
0x2f: {  	[tilespmem:s23], [sflag:$0x1] =	stream.indirect.gather [hbm4b:s4+s13], $0x1, s22, s13, $0xb8;
	[tilespmem:$0x2500] =	vst v63  }
0x30: {  	s22 =	simm.s32 $0x580;
	s23 =	simm.s32 $0x1980  }
0x31: {  	[tilespmem:s23], [sflag:$0x1] =	stream.indirect.gather [hbm4b:s4+s13], $0x1, s22, s13, $0xb8;
	[tilespmem:$0x2500] =	vst v63  }
0x32: {  	s22 =	simm.s32 $0x600;
	s23 =	simm.s32 $0x1A00  }
0x33: {  	[tilespmem:s23], [sflag:$0x1] =	stream.indirect.gather [hbm4b:s4+s13], $0x1, s22, s13, $0xb8;
	[tilespmem:$0x2500] =	vst v63  }
0x34: {  	s22 =	simm.s32 $0x680;
	s23 =	simm.s32 $0x1A80  }
0x35: {  	[tilespmem:s23], [sflag:$0x1] =	stream.indirect.gather [hbm4b:s4+s13], $0x1, s22, s13, $0xb8;
	[tilespmem:$0x2500] =	vst v63  }
0x36: {  	s22 =	simm.s32 $0x700;
	s23 =	simm.s32 $0x1B00  }
0x37: {  	[tilespmem:s23], [sflag:$0x1] =	stream.indirect.gather [hbm4b:s4+s13], $0x1, s22, s13, $0xb8;
	[tilespmem:$0x2500] =	vst v63  }
0x38: {  	s23 =	simm.s32 $0x780  }
0x39: {  	[tilespmem:s24], [sflag:$0x1] =	stream.indirect.gather [hbm4b:s4+s13], $0x1, s23, s13, $0xb8;
	[tilespmem:$0x2500] =	vst v63  }
0x3a: {  	_ = 	snop  }
0x3b: {  	[tilespmem:s26], [sflag:$0x1] =	stream.indirect.gather [hbm4b:s4+s13], $0x1, s25, s13, $0xb8;
	[tilespmem:$0x2500] =	vst v63  }
0x3c: {  	_ = 	snop  }
0x3d: {  	[tilespmem:s30], [sflag:$0x1] =	stream.indirect.gather [hbm4b:s4+s13], $0x1, s28, s13, $0xb8;
	[tilespmem:$0x2500] =	vst v63  }
0x3e: {  	_ = 	snop  }
0x3f: {  	[tilespmem:s1], [sflag:$0x1] =	stream.indirect.gather [hbm4b:s4+s13], $0x1, s31, s13, $0xb8;
	[tilespmem:$0x2500] =	vst v63  }
0x40: {  	_ = 	snop  }
0x41: {  	[tilespmem:s7], [sflag:$0x1] =	stream.indirect.gather [hbm4b:s4+s13], $0x1, s0, s13, $0xb8;
	[tilespmem:$0x2500] =	vst v63  }
0x42: {  	_ = 	snop  }
0x43: {  	[tilespmem:s16], [sflag:$0x1] =	stream.indirect.gather [hbm4b:s4+s13], $0x1, s15, s13, $0xb8;
	[tilespmem:$0x2500] =	vst v63  }
0x44: {  	_ = 	snop  }
0x45: {  	[tilespmem:s18], [sflag:$0x1] =	stream.indirect.gather [hbm4b:s4+s13], $0x1, s17, s13, $0xb8;
	[tilespmem:$0x2500] =	vst v63  }
0x46: {  	_ =	swait.ge [sflag:s3], $0x80  }
0x47: {  	[sflag:s3] =	ssyncset.done $0x0  }
0x48: {  	[sflag:s3] =	ssyncadd.s32 $0xFFFFFF80  }
0x49: {  	_ =	swait.ge [sflag:s3], $0x80  }
0x4a: {  	[sflag:s3] =	ssyncset.done $0x0  }
0x4b: {  	[sflag:s3] =	ssyncadd.s32 $0xFFFFFF80  }
0x4c: {  	_ =	swait.ge [sflag:s3], $0x80  }
0x4d: {  	[sflag:s3] =	ssyncset.done $0x0  }
0x4e: {  	[sflag:s3] =	ssyncadd.s32 $0xFFFFFF80  }
0x4f: {  	_ =	swait.ge [sflag:s3], $0x80  }
0x50: {  	[sflag:s3] =	ssyncset.done $0x0  }
0x51: {  	[sflag:s3] =	ssyncadd.s32 $0xFFFFFF80  }
0x52: {  	_ =	swait.ge [sflag:s3], $0x80  }
0x53: {  	[sflag:s3] =	ssyncset.done $0x0  }
0x54: {  	[sflag:s3] =	ssyncadd.s32 $0xFFFFFF80  }
0x55: {  	_ =	swait.ge [sflag:s3], $0x80  }
0x56: {  	[sflag:s3] =	ssyncset.done $0x0  }
0x57: {  	[sflag:s3] =	ssyncadd.s32 $0xFFFFFF80  }
0x58: {  	_ =	swait.ge [sflag:s3], $0x80  }
0x59: {  	[sflag:s3] =	ssyncset.done $0x0  }
0x5a: {  	[sflag:s3] =	ssyncadd.s32 $0xFFFFFF80  }
0x5b: {  	_ =	swait.ge [sflag:s3], $0x80  }
0x5c: {  	[sflag:s3] =	ssyncset.done $0x0  }
0x5d: {  	[sflag:s3] =	ssyncadd.s32 $0xFFFFFF80  }
0x5e: {  	_ =	swait.ge [sflag:s3], $0x80  }
0x5f: {  	[sflag:s3] =	ssyncset.done $0x0  }
0x60: {  	[sflag:s3] =	ssyncadd.s32 $0xFFFFFF80  }
0x61: {  	_ =	swait.ge [sflag:s3], $0x80  }
0x62: {  	[sflag:s3] =	ssyncset.done $0x0  }
0x63: {  	[sflag:s3] =	ssyncadd.s32 $0xFFFFFF80  }
0x64: {  	_ =	swait.ge [sflag:s3], $0x80  }
0x65: {  	[sflag:s3] =	ssyncset.done $0x0  }
0x66: {  	[sflag:s3] =	ssyncadd.s32 $0xFFFFFF80  }
0x67: {  	_ =	swait.ge [sflag:s3], $0x80  }
0x68: {  	[sflag:s3] =	ssyncset.done $0x0  }
0x69: {  	[sflag:s3] =	ssyncadd.s32 $0xFFFFFF80  }
0x6a: {  	_ =	swait.ge [sflag:s3], $0x80  }
0x6b: {  	[sflag:s3] =	ssyncset.done $0x0  }
0x6c: {  	[sflag:s3] =	ssyncadd.s32 $0xFFFFFF80  }
0x6d: {  	_ =	swait.ge [sflag:s3], $0x80  }
0x6e: {  	[sflag:s3] =	ssyncset.done $0x0  }
0x6f: {  	[sflag:s3] =	ssyncadd.s32 $0xFFFFFF80  }
0x70: {  	_ =	swait.ge [sflag:s3], $0x80  }
0x71: {  	[sflag:s3] =	ssyncset.done $0x0  }
0x72: {  	[sflag:s3] =	ssyncadd.s32 $0xFFFFFF80  }
0x73: {  	_ =	swait.ge [sflag:s3], $0x80  }
0x74: {  	[sflag:s3] =	ssyncset.done $0x0  }
0x75: {  	[sflag:s3] =	ssyncadd.s32 $0xFFFFFF80  }
0x76: {  	_ =	swait.ge [sflag:s3], $0x80  }
0x77: {  	[sflag:s3] =	ssyncset.done $0x0  }
0x78: {  	[sflag:s3] =	ssyncadd.s32 $0xFFFFFF80  }
0x79: {  	_ =	swait.ge [sflag:s3], $0x80  }
0x7a: {  	[sflag:s3] =	ssyncset.done $0x0  }
0x7b: {  	[sflag:s3] =	ssyncadd.s32 $0xFFFFFF80  }
0x7c: {  	_ =	swait.ge [sflag:s3], $0x80  }
0x7d: {  	[sflag:s3] =	ssyncset.done $0x0  }
0x7e: {  	[sflag:s3] =	ssyncadd.s32 $0xFFFFFF80  }
0x7f: {  	_ =	swait.ge [sflag:s3], $0x80  }
0x80: {  	[sflag:s3] =	ssyncset.done $0x0  }
0x81: {  	[sflag:s3] =	ssyncadd.s32 $0xFFFFFF80  }
0x82: {  	_ =	swait.ge [sflag:s3], $0x80  }
0x83: {  	[sflag:s3] =	ssyncset.done $0x0  }
0x84: {  	[sflag:s3] =	ssyncadd.s32 $0xFFFFFF80  }
0x85: {  	_ =	swait.ge [sflag:s3], $0x80  }
0x86: {  	[sflag:s3] =	ssyncset.done $0x0  }
0x87: {  	[sflag:s3] =	ssyncadd.s32 $0xFFFFFF80  }
0x88: {  	[hbm4b:s8+s13] =	stream.strided.scatter [tilespmem:s14], [sflag:$0x2], $0xB00, s29, s13, $0x38;
	[tilespmem:$0x2500] =	vst v63  }
0x89: {  	_ =	swait.ge [sflag:s12], $0xB00  }
0x8a: {  	[sflag:s12] =	ssyncset.done $0x0  }
0x8b: {  	[sflag:s12] =	ssyncadd.s32 $0xFFFFF500  }
0x8c: {  	[tilespmem:s19], [sflag:$0x2] =	stream.linear.gather [hbm4b:s9+s2], $0x400, $0x38;
	[tilespmem:$0x2500] =	vst v63  }
0x8d: {  	_ =	swait.ge [sflag:s12], $0x400  }
0x8e: {  	[sflag:s12] =	ssyncset.done $0x0  }
0x8f: {  	[sflag:s12] =	ssyncadd.s32 $0xFFFFFC00  }
0x90: {  	[tilespmem:s20], [sflag:$0x1] =	stream.indirect.gather [hbm4b:s5+s13], $0x1, s19, s13, $0xb8;
	[tilespmem:$0x2500] =	vst v63  }
0x91: {  	s22 =	simm.s32 $0x1080;
	s23 =	simm.s32 $0x2480  }
0x92: {  	[tilespmem:s23], [sflag:$0x1] =	stream.indirect.gather [hbm4b:s5+s13], $0x1, s22, s13, $0xb8;
	[tilespmem:$0x2500] =	vst v63  }
0x93: {  	_ =	swait.ge [sflag:s3], $0x80  }
0x94: {  	[sflag:s3] =	ssyncset.done $0x0  }
0x95: {  	[sflag:s3] =	ssyncadd.s32 $0xFFFFFF80  }
0x96: {  	_ =	swait.ge [sflag:s3], $0x80  }
0x97: {  	[sflag:s3] =	ssyncset.done $0x0  }
0x98: {  	[sflag:s3] =	ssyncadd.s32 $0xFFFFFF80  }
0x99: {  	[hbm4b:s10+s13] =	stream.strided.scatter [tilespmem:s20], [sflag:$0x2], $0x100, s29, s13, $0x38;
	[tilespmem:$0x2500] =	vst v63  }
0x9a: {  	_ =	swait.ge [sflag:s12], $0x100  }
0x9b: {  	[sflag:s12] =	ssyncset.done $0x0  }
0x9c: {  	[sflag:s12] =	ssyncadd.s32 $0xFFFFFF00  }
.LBB2_4:
0x9d: {  	s11 =	sadd.s32 $0xFFFFFFFF, s11  }
0x9e: {  	p2 =	sne.s32 s11, $0x0  }
.Ltmp1:
0x9f: {  	_ = 	snop;
	(pc) =	sbr.rel @!p2 .LBB2_5-.Ltmp1, $1  }
0xa0: {  	_ =	sdelay $0x3  }
.LBB2_1:
.Ltmp2:
0xa1: {  	(pc) =	sbr.rel @p0 .LBB2_3-.Ltmp2, $4  }
0xa2: {  	[tilespmem:s2], [sflag:$0x2] =	stream.linear.gather [hbm4b:s6+s2], $0x1000, $0x38;
	[tilespmem:$0x2500] =	vst v63  }
0xa3: {  	_ =	swait.ge [sflag:s12], $0x1000  }
0xa4: {  	[sflag:s12] =	ssyncset.done $0x0  }
0xa5: {  	[sflag:s12] =	ssyncadd.s32 $0xFFFFF000  }
0xa6: {  	[tilespmem:s14], [sflag:$0x1] =	stream.indirect.gather [hbm4b:s4+s13], $0x1, s2, s13, $0xb8;
	[tilespmem:$0x2500] =	vst v63  }
0xa7: {  	_ = 	snop  }
0xa8: {  	[tilespmem:s21], [sflag:$0x1] =	stream.indirect.gather [hbm4b:s4+s13], $0x1, s13, s13, $0xb8;
	[tilespmem:$0x2500] =	vst v63  }
0xa9: {  	s23 =	simm.s32 $0x100;
	s22 =	simm.s32 $0x1500  }
0xaa: {  	[tilespmem:s22], [sflag:$0x1] =	stream.indirect.gather [hbm4b:s4+s13], $0x1, s23, s13, $0xb8;
	[tilespmem:$0x2500] =	vst v63  }
0xab: {  	s22 =	simm.s32 $0x180;
	s23 =	simm.s32 $0x1580  }
0xac: {  	[tilespmem:s23], [sflag:$0x1] =	stream.indirect.gather [hbm4b:s4+s13], $0x1, s22, s13, $0xb8;
	[tilespmem:$0x2500] =	vst v63  }
0xad: {  	s22 =	simm.s32 $0x200;
	s23 =	simm.s32 $0x1600  }
0xae: {  	[tilespmem:s23], [sflag:$0x1] =	stream.indirect.gather [hbm4b:s4+s13], $0x1, s22, s13, $0xb8;
	[tilespmem:$0x2500] =	vst v63  }
0xaf: {  	s22 =	simm.s32 $0x280;
	s23 =	simm.s32 $0x1680  }
0xb0: {  	[tilespmem:s23], [sflag:$0x1] =	stream.indirect.gather [hbm4b:s4+s13], $0x1, s22, s13, $0xb8;
	[tilespmem:$0x2500] =	vst v63  }
0xb1: {  	s22 =	simm.s32 $0x300;
	s23 =	simm.s32 $0x1700  }
0xb2: {  	[tilespmem:s23], [sflag:$0x1] =	stream.indirect.gather [hbm4b:s4+s13], $0x1, s22, s13, $0xb8;
	[tilespmem:$0x2500] =	vst v63  }
0xb3: {  	s22 =	simm.s32 $0x380;
	s23 =	simm.s32 $0x1780  }
0xb4: {  	[tilespmem:s23], [sflag:$0x1] =	stream.indirect.gather [hbm4b:s4+s13], $0x1, s22, s13, $0xb8;
	[tilespmem:$0x2500] =	vst v63  }
0xb5: {  	s23 =	simm.s32 $0x1800  }
0xb6: {  	[tilespmem:s23], [sflag:$0x1] =	stream.indirect.gather [hbm4b:s4+s13], $0x1, s29, s13, $0xb8;
	[tilespmem:$0x2500] =	vst v63  }
0xb7: {  	s22 =	simm.s32 $0x480;
	s23 =	simm.s32 $0x1880  }
0xb8: {  	[tilespmem:s23], [sflag:$0x1] =	stream.indirect.gather [hbm4b:s4+s13], $0x1, s22, s13, $0xb8;
	[tilespmem:$0x2500] =	vst v63  }
0xb9: {  	s22 =	simm.s32 $0x500;
	s23 =	simm.s32 $0x1900  }
0xba: {  	[tilespmem:s23], [sflag:$0x1] =	stream.indirect.gather [hbm4b:s4+s13], $0x1, s22, s13, $0xb8;
	[tilespmem:$0x2500] =	vst v63  }
0xbb: {  	s22 =	simm.s32 $0x580;
	s23 =	simm.s32 $0x1980  }
0xbc: {  	[tilespmem:s23], [sflag:$0x1] =	stream.indirect.gather [hbm4b:s4+s13], $0x1, s22, s13, $0xb8;
	[tilespmem:$0x2500] =	vst v63  }
0xbd: {  	s22 =	simm.s32 $0x600;
	s23 =	simm.s32 $0x1A00  }
0xbe: {  	[tilespmem:s23], [sflag:$0x1] =	stream.indirect.gather [hbm4b:s4+s13], $0x1, s22, s13, $0xb8;
	[tilespmem:$0x2500] =	vst v63  }
0xbf: {  	s22 =	simm.s32 $0x680;
	s23 =	simm.s32 $0x1A80  }
0xc0: {  	[tilespmem:s23], [sflag:$0x1] =	stream.indirect.gather [hbm4b:s4+s13], $0x1, s22, s13, $0xb8;
	[tilespmem:$0x2500] =	vst v63  }
0xc1: {  	s22 =	simm.s32 $0x700;
	s23 =	simm.s32 $0x1B00  }
0xc2: {  	[tilespmem:s23], [sflag:$0x1] =	stream.indirect.gather [hbm4b:s4+s13], $0x1, s22, s13, $0xb8;
	[tilespmem:$0x2500] =	vst v63  }
0xc3: {  	s23 =	simm.s32 $0x780  }
0xc4: {  	[tilespmem:s24], [sflag:$0x1] =	stream.indirect.gather [hbm4b:s4+s13], $0x1, s23, s13, $0xb8;
	[tilespmem:$0x2500] =	vst v63  }
0xc5: {  	_ = 	snop  }
0xc6: {  	[tilespmem:s26], [sflag:$0x1] =	stream.indirect.gather [hbm4b:s4+s13], $0x1, s25, s13, $0xb8;
	[tilespmem:$0x2500] =	vst v63  }
0xc7: {  	_ = 	snop  }
0xc8: {  	[tilespmem:s30], [sflag:$0x1] =	stream.indirect.gather [hbm4b:s4+s13], $0x1, s28, s13, $0xb8;
	[tilespmem:$0x2500] =	vst v63  }
0xc9: {  	_ = 	snop  }
0xca: {  	[tilespmem:s1], [sflag:$0x1] =	stream.indirect.gather [hbm4b:s4+s13], $0x1, s31, s13, $0xb8;
	[tilespmem:$0x2500] =	vst v63  }
0xcb: {  	_ = 	snop  }
0xcc: {  	[tilespmem:s7], [sflag:$0x1] =	stream.indirect.gather [hbm4b:s4+s13], $0x1, s0, s13, $0xb8;
	[tilespmem:$0x2500] =	vst v63  }
0xcd: {  	_ = 	snop  }
0xce: {  	[tilespmem:s16], [sflag:$0x1] =	stream.indirect.gather [hbm4b:s4+s13], $0x1, s15, s13, $0xb8;
	[tilespmem:$0x2500] =	vst v63  }
0xcf: {  	_ = 	snop  }
0xd0: {  	[tilespmem:s18], [sflag:$0x1] =	stream.indirect.gather [hbm4b:s4+s13], $0x1, s17, s13, $0xb8;
	[tilespmem:$0x2500] =	vst v63  }
0xd1: {  	s22 =	simm.s32 $0xB00;
	s23 =	simm.s32 $0x1F00  }
0xd2: {  	[tilespmem:s23], [sflag:$0x1] =	stream.indirect.gather [hbm4b:s4+s13], $0x1, s22, s13, $0xb8;
	[tilespmem:$0x2500] =	vst v63  }
0xd3: {  	s22 =	simm.s32 $0xB80;
	s23 =	simm.s32 $0x1F80  }
0xd4: {  	[tilespmem:s23], [sflag:$0x1] =	stream.indirect.gather [hbm4b:s4+s13], $0x1, s22, s13, $0xb8;
	[tilespmem:$0x2500] =	vst v63  }
0xd5: {  	s22 =	simm.s32 $0xC00;
	s23 =	simm.s32 $0x2000  }
0xd6: {  	[tilespmem:s23], [sflag:$0x1] =	stream.indirect.gather [hbm4b:s4+s13], $0x1, s22, s13, $0xb8;
	[tilespmem:$0x2500] =	vst v63  }
0xd7: {  	s22 =	simm.s32 $0xC80;
	s23 =	simm.s32 $0x2080  }
0xd8: {  	[tilespmem:s23], [sflag:$0x1] =	stream.indirect.gather [hbm4b:s4+s13], $0x1, s22, s13, $0xb8;
	[tilespmem:$0x2500] =	vst v63  }
0xd9: {  	s22 =	simm.s32 $0xD00;
	s23 =	simm.s32 $0x2100  }
0xda: {  	[tilespmem:s23], [sflag:$0x1] =	stream.indirect.gather [hbm4b:s4+s13], $0x1, s22, s13, $0xb8;
	[tilespmem:$0x2500] =	vst v63  }
0xdb: {  	s22 =	simm.s32 $0xD80;
	s23 =	simm.s32 $0x2180  }
0xdc: {  	[tilespmem:s23], [sflag:$0x1] =	stream.indirect.gather [hbm4b:s4+s13], $0x1, s22, s13, $0xb8;
	[tilespmem:$0x2500] =	vst v63  }
0xdd: {  	s22 =	simm.s32 $0xE00;
	s23 =	simm.s32 $0x2200  }
0xde: {  	[tilespmem:s23], [sflag:$0x1] =	stream.indirect.gather [hbm4b:s4+s13], $0x1, s22, s13, $0xb8;
	[tilespmem:$0x2500] =	vst v63  }
0xdf: {  	s22 =	simm.s32 $0xE80;
	s23 =	simm.s32 $0x2280  }
0xe0: {  	[tilespmem:s23], [sflag:$0x1] =	stream.indirect.gather [hbm4b:s4+s13], $0x1, s22, s13, $0xb8;
	[tilespmem:$0x2500] =	vst v63  }
0xe1: {  	s22 =	simm.s32 $0xF00;
	s23 =	simm.s32 $0x2300  }
0xe2: {  	[tilespmem:s23], [sflag:$0x1] =	stream.indirect.gather [hbm4b:s4+s13], $0x1, s22, s13, $0xb8;
	[tilespmem:$0x2500] =	vst v63  }
0xe3: {  	s22 =	simm.s32 $0xF80;
	s23 =	simm.s32 $0x2380  }
0xe4: {  	[tilespmem:s23], [sflag:$0x1] =	stream.indirect.gather [hbm4b:s4+s13], $0x1, s22, s13, $0xb8;
	[tilespmem:$0x2500] =	vst v63  }
0xe5: {  	_ =	swait.ge [sflag:s3], $0x80  }
0xe6: {  	[sflag:s3] =	ssyncset.done $0x0  }
0xe7: {  	[sflag:s3] =	ssyncadd.s32 $0xFFFFFF80  }
0xe8: {  	_ =	swait.ge [sflag:s3], $0x80  }
0xe9: {  	[sflag:s3] =	ssyncset.done $0x0  }
0xea: {  	[sflag:s3] =	ssyncadd.s32 $0xFFFFFF80  }
0xeb: {  	_ =	swait.ge [sflag:s3], $0x80  }
0xec: {  	[sflag:s3] =	ssyncset.done $0x0  }
0xed: {  	[sflag:s3] =	ssyncadd.s32 $0xFFFFFF80  }
0xee: {  	_ =	swait.ge [sflag:s3], $0x80  }
0xef: {  	[sflag:s3] =	ssyncset.done $0x0  }
0xf0: {  	[sflag:s3] =	ssyncadd.s32 $0xFFFFFF80  }
0xf1: {  	_ =	swait.ge [sflag:s3], $0x80  }
0xf2: {  	[sflag:s3] =	ssyncset.done $0x0  }
0xf3: {  	[sflag:s3] =	ssyncadd.s32 $0xFFFFFF80  }
0xf4: {  	_ =	swait.ge [sflag:s3], $0x80  }
0xf5: {  	[sflag:s3] =	ssyncset.done $0x0  }
0xf6: {  	[sflag:s3] =	ssyncadd.s32 $0xFFFFFF80  }
0xf7: {  	_ =	swait.ge [sflag:s3], $0x80  }
0xf8: {  	[sflag:s3] =	ssyncset.done $0x0  }
0xf9: {  	[sflag:s3] =	ssyncadd.s32 $0xFFFFFF80  }
0xfa: {  	_ =	swait.ge [sflag:s3], $0x80  }
0xfb: {  	[sflag:s3] =	ssyncset.done $0x0  }
0xfc: {  	[sflag:s3] =	ssyncadd.s32 $0xFFFFFF80  }
0xfd: {  	_ =	swait.ge [sflag:s3], $0x80  }
0xfe: {  	[sflag:s3] =	ssyncset.done $0x0  }
0xff: {  	[sflag:s3] =	ssyncadd.s32 $0xFFFFFF80  }
0x100: {  	_ =	swait.ge [sflag:s3], $0x80  }
0x101: {  	[sflag:s3] =	ssyncset.done $0x0  }
0x102: {  	[sflag:s3] =	ssyncadd.s32 $0xFFFFFF80  }
0x103: {  	_ =	swait.ge [sflag:s3], $0x80  }
0x104: {  	[sflag:s3] =	ssyncset.done $0x0  }
0x105: {  	[sflag:s3] =	ssyncadd.s32 $0xFFFFFF80  }
0x106: {  	_ =	swait.ge [sflag:s3], $0x80  }
0x107: {  	[sflag:s3] =	ssyncset.done $0x0  }
0x108: {  	[sflag:s3] =	ssyncadd.s32 $0xFFFFFF80  }
0x109: {  	_ =	swait.ge [sflag:s3], $0x80  }
0x10a: {  	[sflag:s3] =	ssyncset.done $0x0  }
0x10b: {  	[sflag:s3] =	ssyncadd.s32 $0xFFFFFF80  }
0x10c: {  	_ =	swait.ge [sflag:s3], $0x80  }
0x10d: {  	[sflag:s3] =	ssyncset.done $0x0  }
0x10e: {  	[sflag:s3] =	ssyncadd.s32 $0xFFFFFF80  }
0x10f: {  	_ =	swait.ge [sflag:s3], $0x80  }
0x110: {  	[sflag:s3] =	ssyncset.done $0x0  }
0x111: {  	[sflag:s3] =	ssyncadd.s32 $0xFFFFFF80  }
0x112: {  	_ =	swait.ge [sflag:s3], $0x80  }
0x113: {  	[sflag:s3] =	ssyncset.done $0x0  }
0x114: {  	[sflag:s3] =	ssyncadd.s32 $0xFFFFFF80  }
0x115: {  	_ =	swait.ge [sflag:s3], $0x80  }
0x116: {  	[sflag:s3] =	ssyncset.done $0x0  }
0x117: {  	[sflag:s3] =	ssyncadd.s32 $0xFFFFFF80  }
0x118: {  	_ =	swait.ge [sflag:s3], $0x80  }
0x119: {  	[sflag:s3] =	ssyncset.done $0x0  }
0x11a: {  	[sflag:s3] =	ssyncadd.s32 $0xFFFFFF80  }
0x11b: {  	_ =	swait.ge [sflag:s3], $0x80  }
0x11c: {  	[sflag:s3] =	ssyncset.done $0x0  }
0x11d: {  	[sflag:s3] =	ssyncadd.s32 $0xFFFFFF80  }
0x11e: {  	_ =	swait.ge [sflag:s3], $0x80  }
0x11f: {  	[sflag:s3] =	ssyncset.done $0x0  }
0x120: {  	[sflag:s3] =	ssyncadd.s32 $0xFFFFFF80  }
0x121: {  	_ =	swait.ge [sflag:s3], $0x80  }
0x122: {  	[sflag:s3] =	ssyncset.done $0x0  }
0x123: {  	[sflag:s3] =	ssyncadd.s32 $0xFFFFFF80  }
0x124: {  	_ =	swait.ge [sflag:s3], $0x80  }
0x125: {  	[sflag:s3] =	ssyncset.done $0x0  }
0x126: {  	[sflag:s3] =	ssyncadd.s32 $0xFFFFFF80  }
0x127: {  	_ =	swait.ge [sflag:s3], $0x80  }
0x128: {  	[sflag:s3] =	ssyncset.done $0x0  }
0x129: {  	[sflag:s3] =	ssyncadd.s32 $0xFFFFFF80  }
0x12a: {  	_ =	swait.ge [sflag:s3], $0x80  }
0x12b: {  	[sflag:s3] =	ssyncset.done $0x0  }
0x12c: {  	[sflag:s3] =	ssyncadd.s32 $0xFFFFFF80  }
0x12d: {  	_ =	swait.ge [sflag:s3], $0x80  }
0x12e: {  	[sflag:s3] =	ssyncset.done $0x0  }
0x12f: {  	[sflag:s3] =	ssyncadd.s32 $0xFFFFFF80  }
0x130: {  	_ =	swait.ge [sflag:s3], $0x80  }
0x131: {  	[sflag:s3] =	ssyncset.done $0x0  }
0x132: {  	[sflag:s3] =	ssyncadd.s32 $0xFFFFFF80  }
0x133: {  	_ =	swait.ge [sflag:s3], $0x80  }
0x134: {  	[sflag:s3] =	ssyncset.done $0x0  }
0x135: {  	[sflag:s3] =	ssyncadd.s32 $0xFFFFFF80  }
0x136: {  	_ =	swait.ge [sflag:s3], $0x80  }
0x137: {  	[sflag:s3] =	ssyncset.done $0x0  }
0x138: {  	[sflag:s3] =	ssyncadd.s32 $0xFFFFFF80  }
0x139: {  	_ =	swait.ge [sflag:s3], $0x80  }
0x13a: {  	[sflag:s3] =	ssyncset.done $0x0  }
0x13b: {  	[sflag:s3] =	ssyncadd.s32 $0xFFFFFF80  }
0x13c: {  	_ =	swait.ge [sflag:s3], $0x80  }
0x13d: {  	[sflag:s3] =	ssyncset.done $0x0  }
0x13e: {  	[sflag:s3] =	ssyncadd.s32 $0xFFFFFF80  }
0x13f: {  	_ =	swait.ge [sflag:s3], $0x80  }
0x140: {  	[sflag:s3] =	ssyncset.done $0x0  }
0x141: {  	[sflag:s3] =	ssyncadd.s32 $0xFFFFFF80  }
0x142: {  	_ =	swait.ge [sflag:s3], $0x80  }
0x143: {  	[sflag:s3] =	ssyncset.done $0x0  }
0x144: {  	s23 =	rddreg [dreg:$0x3];
	[sflag:s3] =	ssyncadd.s32 $0xFFFFFF80  }
0x145: {  	[hbm4b:s23+s13] =	stream.strided.scatter [tilespmem:s14], [sflag:$0x2], $0x1000, s29, s13, $0x38;
	[tilespmem:$0x2500] =	vst v63  }
.Ltmp3:
0x146: {  	_ = 	snop;
	(pc) =	sbr.rel @p1 .LBB2_4-.Ltmp3, $4  }
.Ltmp4:
0x147: {  	_ = 	snop;
	(pc) =	sbr.rel @!p1 .LBB2_3-.Ltmp4, $4  }
0x148: {  	_ =	swait.ge [sflag:s12], $0x1000  }
0x149: {  	[sflag:s12] =	ssyncset.done $0x0  }
0x14a: {  	s21 =	simm.s32 $0x1480;
	[sflag:s12] =	ssyncadd.s32 $0xFFFFF000  }
0x14b: {  	_ = 	snop  }
.LBB2_5:
0x14c: {  	_ =	sfence.sel $0x180000  }
0x14d: {  	[bflag:$0x0] =	sbarrier.arrive $0xFFFF  }
0x14e: {  	_ =	strace $0x90000047  }
0x14f: {  	s0 =	stileid.u32;
	[bflag:$0x2] =	sbarrier.arrive $0xFFFF  }
0x150: {  	p0 =	sne.s32 s0, $0x0;
	s0 =	rddreg [dreg:$0x2]  }
0x151: {  	s0 =	sadd.s32 @!p0 $0x100000, s0  }
0x152: {  	[sflag:s0] =	ssyncadd.tile.s32 @!p0 $0x1;
	_ =	shalt  }
.Lfunc_end2:
_tile_overlayer_lowered:
.L_overlay_start_2:
0x153: {  	(tag) =	ssettag $0x2  }
0x154: {  	s0 =	rddreg [dreg:$0x0];
	s2 =	stileid.u32  }
0x155: {  	s1 =	rddreg [dreg:$0x1];
	p0 =	sne.s32 s2, $0x0  }
0x156: {  	s3 =	rddreg [dreg:$0x2];
	[bflag:$0x3] =	sbarrier.arrive $0xFFFF;
	s2 =	simm.s32 @!p0 $0x1C02  }
0x157: {  	[timem:s3], [sflag:s2] =	dma.local @!p0 [hbm:s0], s1  }
0x158: {  	s0 =	simm.s32 @!p0 $0x2  }
0x159: {  	_ =	swait.ge @!p0 [sflag:s0], s1  }
0x15a: {  	s1 =	ssub.s32 @!p0 $0x0, s1;
	[sflag:s0] =	ssyncset.done @!p0 $0x0  }
0x15b: {  	[sflag:s0] =	ssyncadd.s32 @!p0 s1  }
0x15c: {  	[bflag:$0x3] =	sbarrier.arrive $0xFFFF  }
0x15d: {  	_ =	shalt  }

</sc_bundles>
